<compile_context>
chip_gen: v7x
topology: tpu7x:2x2x1
jax: 0.10.2.dev20260603
libtpu: 0.0.44.dev20260713+nightly
codegen_flags: <defaults>
</compile_context>

<pallas_src>
import functools

import jax
import jax.numpy as jnp
from jax import lax
from jax.experimental import pallas as pl
from jax.experimental.pallas import tpu as pltpu
from jax.experimental.pallas import tpu_sc as plsc

_B, _NC, _L = 16, 16, 512
_MO, _A, _NID = 1024, 128, 64
_OUT = 352
_TOK = _B * _NC * _L
_NCELL = _B * _NC
_NCORES, _NSUB = 2, 16
_NW = _NCORES * _NSUB
_CH = 128
_NROW = _TOK // _CH
_NS = 4
_RPS = _NROW // _NS
_CPS = _NCELL // _NS
_RPW = _RPS // _NW


def _tab_body(a_ref, w_ref, nid_ref, tw1_ref, tw2_ref, nl_ref, nr_ref):
    a = a_ref[0]
    w = w_ref[...]
    tw1_ref[0] = jnp.dot(a, w[:_A, :], preferred_element_type=jnp.float32,
                         precision=lax.Precision.HIGHEST)
    tw2_ref[0] = jnp.dot(a, w[_A:, :], preferred_element_type=jnp.float32,
                         precision=lax.Precision.HIGHEST)
    nid = nid_ref[0]
    z = jnp.zeros((_NC * _NID, _NID), jnp.float32)
    nl_ref[0] = jnp.concatenate([nid, z], axis=1)
    nr_ref[0] = jnp.concatenate([z, nid], axis=1)


def _make_sc_body(s):
    def _sc_body(tw1, tw2, nl, nr, i1h, i2h, j1h, j2h, outa, outn,
                 i1v, i2v, j1v, j2v, g1, g2, h1, h2, s1, s2, s3, s4):
        wid = lax.axis_index("s") * _NCORES + lax.axis_index("c")
        lrow0 = wid * _RPW
        grow0 = s * _RPS + lrow0
        b = grow0 // 64

        pltpu.sync_copy(i1h.at[pl.ds(grow0, _RPW)], i1v)
        pltpu.sync_copy(i2h.at[pl.ds(grow0, _RPW)], i2v)
        pltpu.sync_copy(j1h.at[pl.ds(grow0, _RPW)], j1v)
        pltpu.sync_copy(j2h.at[pl.ds(grow0, _RPW)], j2v)

        def bias_row(r, carry):
            cell = (grow0 + r) // 4
            aoff = b * _MO
            noff = cell * _NID
            for j in range(8):
                sl = pl.ds(j * 16, 16)
                i1v[r, sl] = i1v[r, sl] + aoff
                i2v[r, sl] = i2v[r, sl] + aoff
                j1v[r, sl] = j1v[r, sl] + noff
                j2v[r, sl] = j2v[r, sl] + noff
            return carry

        lax.fori_loop(0, _RPW, bias_row, 0)

        def chunk(c, carry):
            base = (lrow0 + c) * _CH
            cp1 = pltpu.async_copy(tw1.at[i1v.at[c]], g1, s1)
            cp2 = pltpu.async_copy(tw2.at[i2v.at[c]], g2, s2)
            cp3 = pltpu.async_copy(nl.at[j1v.at[c]], h1, s3)
            cp4 = pltpu.async_copy(nr.at[j2v.at[c]], h2, s4)
            cp1.wait()
            cp2.wait()

            def add_a(r, cc):
                for j in range(8):
                    sl = pl.ds(j * 16, 16)
                    g1[r, sl] = g1[r, sl] + g2[r, sl]
                return cc

            lax.fori_loop(0, _CH, add_a, 0)
            pltpu.sync_copy(g1, outa.at[pl.ds(base, _CH)])
            cp3.wait()
            cp4.wait()

            def add_n(r, cc):
                for j in range(8):
                    sl = pl.ds(j * 16, 16)
                    h1[r, sl] = h1[r, sl] + h2[r, sl]
                return cc

            lax.fori_loop(0, _CH, add_n, 0)
            pltpu.sync_copy(h1, outn.at[pl.ds(base, _CH)])
            return carry

        lax.fori_loop(0, _RPW, chunk, 0)

    return _sc_body


def _prep_body(wc_ref, ba_ref, bc_ref, bf_ref, ph_ref, te_ref,
               rt_ref, ft_ref, pt_ref, st_ref):
    f32 = jnp.float32
    tet = jnp.swapaxes(te_ref[...], 0, 1)
    wct = jnp.swapaxes(wc_ref[...], 0, 1)
    wcol = jnp.concatenate([
        jnp.zeros((128, 8), f32), wct, jnp.zeros((192, 8), f32)], axis=0)
    bcol = jnp.concatenate(
        [ba_ref[...], bc_ref[...], jnp.zeros((192,), f32)]).reshape(_OUT, 1)
    rt_ref[...] = jnp.concatenate([tet, wcol, bcol], axis=1)
    inv2pi = 1.0 / (2.0 * jnp.pi)
    f2 = jnp.concatenate([bf_ref[...], bf_ref[...]]).reshape(64, 1) * inv2pi
    p2 = jnp.concatenate([ph_ref[...], ph_ref[...]]).reshape(64, 1) * inv2pi
    ft_ref[...] = jnp.broadcast_to(f2, (64, _L))
    pt_ref[...] = jnp.broadcast_to(p2, (64, _L))
    lane = lax.broadcasted_iota(jnp.int32, (64, 2), 1)
    row = lax.broadcasted_iota(jnp.int32, (64, 2), 0)
    st_ref[...] = jnp.where((row < 32) == (lane == 0), 1.0, 0.0)


def _fin_common(oa_ref, on_ref, tptt_ref, tty_ref, cft_ref,
                rt_ref, ft_ref, pt_ref, st_ref, out_ref):
    ttyt = tty_ref[0]
    rows3 = lax.broadcasted_iota(jnp.int32, (3, 1), 0)
    oht = (ttyt == rows3).astype(jnp.float32)
    ones = jnp.ones((1, _L), jnp.float32)
    zt = jnp.concatenate([oht, cft_ref[0], ones], axis=0)
    yt = jnp.dot(rt_ref[...], zt,
                 preferred_element_type=jnp.float32)
    tptt = tptt_ref[0]
    maxt = jnp.max(tptt)
    tpts = jnp.dot(st_ref[...], tptt, preferred_element_type=jnp.float32,
                   precision=lax.Precision.HIGHEST)
    r = (maxt - tpts) * ft_ref[...] + pt_ref[...]
    u = r - jnp.round(r)
    z = u * u
    h = -1.7143907110886711
    for c in (7.9035363713184648, -26.426256783374388, 60.244641371876639,
              -85.456817206693714, 64.939394022668282, -19.739208802178716,
              1.0):
        h = h * z + c
    oat = jnp.swapaxes(oa_ref[0], 0, 1)
    ont = jnp.swapaxes(on_ref[0], 0, 1)
    out_ref[0, 0:128, :] = yt[0:128, :] + oat
    out_ref[0, 128:160, :] = yt[128:160, :]
    out_ref[0, 160:224, :] = yt[160:224, :] + h
    out_ref[0, 224:352, :] = yt[224:352, :] + ont


def _fin_body0(oa_ref, on_ref, tptt_ref, tty_ref, cft_ref,
               rt_ref, ft_ref, pt_ref, st_ref, out_ref):
    _fin_common(oa_ref, on_ref, tptt_ref, tty_ref, cft_ref,
                rt_ref, ft_ref, pt_ref, st_ref, out_ref)


def _fin_body1(oa_ref, on_ref, tptt_ref, tty_ref, cft_ref,
               rt_ref, ft_ref, pt_ref, st_ref, prev_ref, out_ref):
    del prev_ref
    _fin_common(oa_ref, on_ref, tptt_ref, tty_ref, cft_ref,
                rt_ref, ft_ref, pt_ref, st_ref, out_ref)


def kernel(token_pair_idx, token_pair_time, token_types, attr_feats_lookup,
           coord_feats, idx_in_lookup, n_id_lookup,
           W_attr, b_attr, W_coor, b_coor, basis_freq, phase, type_emb):
    f32 = jnp.float32
    nid3 = n_id_lookup.reshape(_B, _NC * _NID, _NID)
    tw1, tw2, nl, nr = pl.pallas_call(
        _tab_body,
        grid=(_B,),
        in_specs=[
            pl.BlockSpec((1, _MO, _A), lambda i: (i, 0, 0)),
            pl.BlockSpec((2 * _A, _A), lambda i: (0, 0)),
            pl.BlockSpec((1, _NC * _NID, _NID), lambda i: (i, 0, 0)),
        ],
        out_specs=[
            pl.BlockSpec((1, _MO, _A), lambda i: (i, 0, 0)),
            pl.BlockSpec((1, _MO, _A), lambda i: (i, 0, 0)),
            pl.BlockSpec((1, _NC * _NID, _A), lambda i: (i, 0, 0)),
            pl.BlockSpec((1, _NC * _NID, _A), lambda i: (i, 0, 0)),
        ],
        out_shape=[
            jax.ShapeDtypeStruct((_B, _MO, _A), f32),
            jax.ShapeDtypeStruct((_B, _MO, _A), f32),
            jax.ShapeDtypeStruct((_B, _NC * _NID, _A), f32),
            jax.ShapeDtypeStruct((_B, _NC * _NID, _A), f32),
        ],
    )(attr_feats_lookup, W_attr, nid3)

    i1h = token_pair_idx[..., 0].reshape(_NROW, _CH)
    i2h = token_pair_idx[..., 1].reshape(_NROW, _CH)
    j1h = idx_in_lookup[..., 0].reshape(_NROW, _CH)
    j2h = idx_in_lookup[..., 1].reshape(_NROW, _CH)
    tw1f = tw1.reshape(_B * _MO, _A)
    tw2f = tw2.reshape(_B * _MO, _A)
    nlf = nl.reshape(_NCELL * _NID, _A)
    nrf = nr.reshape(_NCELL * _NID, _A)

    mesh = plsc.VectorSubcoreMesh(core_axis_name="c", subcore_axis_name="s")
    strips = []
    for s in range(_NS):
        sc = functools.partial(
            pl.kernel,
            out_type=[
                jax.ShapeDtypeStruct((_TOK // _NS, _A), f32),
                jax.ShapeDtypeStruct((_TOK // _NS, _A), f32),
            ],
            mesh=mesh,
            compiler_params=pltpu.CompilerParams(use_tc_tiling_on_sc=True),
            scratch_types=[
                pltpu.VMEM((_RPW, _CH), jnp.int32),
                pltpu.VMEM((_RPW, _CH), jnp.int32),
                pltpu.VMEM((_RPW, _CH), jnp.int32),
                pltpu.VMEM((_RPW, _CH), jnp.int32),
                pltpu.VMEM((_CH, _A), f32),
                pltpu.VMEM((_CH, _A), f32),
                pltpu.VMEM((_CH, _A), f32),
                pltpu.VMEM((_CH, _A), f32),
                pltpu.SemaphoreType.DMA,
                pltpu.SemaphoreType.DMA,
                pltpu.SemaphoreType.DMA,
                pltpu.SemaphoreType.DMA,
            ],
        )(_make_sc_body(s))
        strips.append(sc(tw1f, tw2f, nlf, nrf, i1h, i2h, j1h, j2h))

    rt, ft, pt, st = pl.pallas_call(
        _prep_body,
        in_specs=[
            pl.BlockSpec((8, 32), lambda: (0, 0)),
            pl.BlockSpec((_A,), lambda: (0,)),
            pl.BlockSpec((32,), lambda: (0,)),
            pl.BlockSpec((32,), lambda: (0,)),
            pl.BlockSpec((32,), lambda: (0,)),
            pl.BlockSpec((3, _OUT), lambda: (0, 0)),
        ],
        out_specs=[
            pl.BlockSpec((_OUT, 12), lambda: (0, 0)),
            pl.BlockSpec((64, _L), lambda: (0, 0)),
            pl.BlockSpec((64, _L), lambda: (0, 0)),
            pl.BlockSpec((64, 2), lambda: (0, 0)),
        ],
        out_shape=[
            jax.ShapeDtypeStruct((_OUT, 12), f32),
            jax.ShapeDtypeStruct((64, _L), f32),
            jax.ShapeDtypeStruct((64, _L), f32),
            jax.ShapeDtypeStruct((64, 2), f32),
        ],
    )(W_coor, b_attr, b_coor, basis_freq, phase, type_emb)

    tptt = jnp.swapaxes(token_pair_time.reshape(_NCELL, _L, 2), 1, 2)
    ttyt = token_types.reshape(_NCELL, 1, _L)
    cft = jnp.swapaxes(coord_feats.reshape(_NCELL, _L, 8), 1, 2)

    out = None
    for s in range(_NS):
        outa, outn = strips[s]
        common_in = [
            pl.BlockSpec((1, _L, _A), lambda i: (i, 0, 0)),
            pl.BlockSpec((1, _L, _A), lambda i: (i, 0, 0)),
            pl.BlockSpec((1, 2, _L), lambda i, s=s: (i + _CPS * s, 0, 0)),
            pl.BlockSpec((1, 1, _L), lambda i, s=s: (i + _CPS * s, 0, 0)),
            pl.BlockSpec((1, 8, _L), lambda i, s=s: (i + _CPS * s, 0, 0)),
            pl.BlockSpec((_OUT, 12), lambda i: (0, 0)),
            pl.BlockSpec((64, _L), lambda i: (0, 0)),
            pl.BlockSpec((64, _L), lambda i: (0, 0)),
            pl.BlockSpec((64, 2), lambda i: (0, 0)),
        ]
        args = [outa.reshape(_CPS, _L, _A), outn.reshape(_CPS, _L, _A),
                tptt, ttyt, cft, rt, ft, pt, st]
        if s == 0:
            out = pl.pallas_call(
                _fin_body0,
                grid=(_CPS,),
                compiler_params=pltpu.CompilerParams(
                    dimension_semantics=("parallel",)),
                in_specs=common_in,
                out_specs=pl.BlockSpec((1, _OUT, _L),
                                       lambda i, s=s: (i + _CPS * s, 0, 0)),
                out_shape=jax.ShapeDtypeStruct((_NCELL, _OUT, _L), f32),
            )(*args)
        else:
            out = pl.pallas_call(
                _fin_body1,
                grid=(_CPS,),
                compiler_params=pltpu.CompilerParams(
                    dimension_semantics=("parallel",)),
                in_specs=common_in + [pl.BlockSpec(memory_space=pl.ANY)],
                out_specs=pl.BlockSpec((1, _OUT, _L),
                                       lambda i, s=s: (i + _CPS * s, 0, 0)),
                out_shape=jax.ShapeDtypeStruct((_NCELL, _OUT, _L), f32),
                input_output_aliases={9: 0},
            )(*args, out)

    return jnp.swapaxes(out, 1, 2).reshape(_B, _NC, _L, _OUT)

# --- scband reference (transcript-rebuilt; emitter-appended) ---
"""Pipeline reference for scband-cater-graph-tokenizer-29609504539320 (READ-ONLY COPY).

The authoritative reference and input builder live on the scoring server;
editing this copy changes nothing except your own understanding.
"""

import jax, jax.numpy as jnp
import numpy as np

B, NC, L = 16, 16, 512
MAX_OBJS = 1024
INP_ATTR = 128
INP_COOR = 4
OUT_ATTR = 128
OUT_COOR = 32
OUT_TIME = 64
NID = 64
OUT_DIM = 352


def setup_inputs(seed: int = 0) -> dict:
    key = jax.random.key(seed)
    ks = jax.random.split(key, 12)
    inp = {}
    inp["token_pair_idx"] = jax.random.randint(ks[0], (B, NC, L, 2), 0, MAX_OBJS, dtype=jnp.int32)
    inp["token_pair_time"] = jax.random.uniform(ks[1], (B, NC, L, 2), dtype=jnp.float32) * 100.0
    inp["token_types"] = jax.random.randint(ks[2], (B, NC, L), 0, 3, dtype=jnp.int32)
    inp["attr_feats_lookup"] = jax.random.normal(ks[3], (B, MAX_OBJS, INP_ATTR), dtype=jnp.float32)
    inp["coord_feats"] = jax.random.normal(ks[4], (B, NC, L, 2 * INP_COOR), dtype=jnp.float32)
    inp["idx_in_lookup"] = jax.random.randint(ks[5], (B, NC, L, 2), 0, NID, dtype=jnp.int32)
    inp["n_id_lookup"] = jax.random.normal(ks[6], (B, NC, NID, NID), dtype=jnp.float32)
    inp["W_attr"] = jax.random.normal(ks[7], (2 * INP_ATTR, OUT_ATTR), dtype=jnp.float32) / np.sqrt(2 * INP_ATTR)
    inp["b_attr"] = jnp.zeros((OUT_ATTR,), dtype=jnp.float32)
    inp["W_coor"] = jax.random.normal(ks[8], (2 * INP_COOR, OUT_COOR), dtype=jnp.float32) / np.sqrt(2 * INP_COOR)
    inp["b_coor"] = jnp.zeros((OUT_COOR,), dtype=jnp.float32)
    inp["basis_freq"] = jnp.asarray(1.0 / 10.0 ** np.linspace(0, 9, OUT_TIME // 2), dtype=jnp.float32)
    inp["phase"] = jnp.zeros((OUT_TIME // 2,), dtype=jnp.float32)
    inp["type_emb"] = jax.random.normal(ks[9], (3, OUT_DIM), dtype=jnp.float32)
    return inp


def reference(token_pair_idx, token_pair_time, token_types, attr_feats_lookup,
              coord_feats, idx_in_lookup, n_id_lookup,
              W_attr, b_attr, W_coor, b_coor, basis_freq, phase, type_emb):
    Bq, NCq, Lq, _ = token_pair_idx.shape
    MO = attr_feats_lookup.shape[1]
    A = attr_feats_lookup.shape[2]
    NIDq = n_id_lookup.shape[2]
    # attr gather: broadcast lookup over NC, gather token pair indices along objs axis
    idx = token_pair_idx.reshape(Bq, NCq, Lq * 2, 1).astype(jnp.int32)
    attr_lk = jnp.broadcast_to(attr_feats_lookup[:, None, :, :], (Bq, NCq, MO, A))
    attr_feats = jnp.take_along_axis(attr_lk, idx, axis=2).reshape(Bq, NCq, Lq, 2 * A)
    # time encoding (TGAT-style TimeEncode)
    tt = token_pair_time.reshape(Bq * NCq, Lq * 2)
    max_t = jnp.max(tt, axis=-1, keepdims=True)
    ph = max_t - tt
    harmonic = jnp.cos(ph[:, :, None] * basis_freq[None, None, :] + phase[None, None, :])
    time_feats = harmonic.reshape(Bq, NCq, Lq, 2 * harmonic.shape[-1])
    # node-id gather
    ii = idx_in_lookup.reshape(Bq, NCq, Lq * 2, 1).astype(jnp.int32)
    n_id_feats = jnp.take_along_axis(n_id_lookup, ii, axis=2).reshape(Bq, NCq, Lq, 2 * NIDq)
    # type embedding lookup
    t_id_feats = type_emb[token_types]
    attr_out = attr_feats.astype(jnp.float32) @ W_attr + b_attr
    coor_out = coord_feats @ W_coor + b_coor
    tokens = jnp.concatenate([attr_out, coor_out, time_feats, n_id_feats], axis=-1)
    return tokens + t_id_feats

if __name__ == "__main__":
    import jax
    _d = setup_inputs()
    print(jax.jit(kernel)(*tuple(_d.values())))

</pallas_src>

<mosaic_0001>
#map = affine_map<(d0, d1) -> (0, 0)>
module attributes {stable_mosaic.version = 14 : i64} {
  func.func @_sc_body(%arg0: i32, %arg1: i32, %arg2: memref<16384x128xf32, #tpu.memory_space<hbm>>, %arg3: memref<16384x128xf32, #tpu.memory_space<hbm>>, %arg4: memref<16384x128xf32, #tpu.memory_space<hbm>>, %arg5: memref<16384x128xf32, #tpu.memory_space<hbm>>, %arg6: memref<1024x128xi32, #tpu.memory_space<hbm>>, %arg7: memref<1024x128xi32, #tpu.memory_space<hbm>>, %arg8: memref<1024x128xi32, #tpu.memory_space<hbm>>, %arg9: memref<1024x128xi32, #tpu.memory_space<hbm>>, %arg10: memref<32768x128xf32, #tpu.memory_space<hbm>>, %arg11: memref<32768x128xf32, #tpu.memory_space<hbm>>, %arg12: memref<8x128xi32, #tpu.memory_space<vmem>>, %arg13: memref<8x128xi32, #tpu.memory_space<vmem>>, %arg14: memref<8x128xi32, #tpu.memory_space<vmem>>, %arg15: memref<8x128xi32, #tpu.memory_space<vmem>>, %arg16: memref<128x128xf32, #tpu.memory_space<vmem>>, %arg17: memref<128x128xf32, #tpu.memory_space<vmem>>, %arg18: memref<128x128xf32, #tpu.memory_space<vmem>>, %arg19: memref<128x128xf32, #tpu.memory_space<vmem>>, %arg20: memref<!tpu.dma_semaphore, #tpu.memory_space<semaphore_mem>>, %arg21: memref<!tpu.dma_semaphore, #tpu.memory_space<semaphore_mem>>, %arg22: memref<!tpu.dma_semaphore, #tpu.memory_space<semaphore_mem>>, %arg23: memref<!tpu.dma_semaphore, #tpu.memory_space<semaphore_mem>>) attributes {dimension_semantics = [#tpu.dimension_semantics<core_parallel>, #tpu.dimension_semantics<subcore_parallel>], iteration_bounds = array<i64: 2, 16>, scalar_prefetch = 0 : i64, scratch_operands = 12 : i64, tpu.core_type = #tpu.core_type<sc_vector_subcore>, window_params = [{transform_indices = #map}, {transform_indices = #map}, {transform_indices = #map}, {transform_indices = #map}, {transform_indices = #map}, {transform_indices = #map}, {transform_indices = #map}, {transform_indices = #map}, {transform_indices = #map}, {transform_indices = #map}]} {
    %mul3A = arith.constant 2 : i32
    %mul3A_0 = arith.muli %arg1, %mul3A : i32
    %add3A = arith.addi %mul3A_0, %arg0 : i32
    %mul3A_1 = arith.constant 8 : i32
    %mul3A_2 = arith.muli %add3A, %mul3A_1 : i32
    %add3A_3 = arith.constant 512 : i32
    %add3A_4 = arith.addi %add3A_3, %mul3A_2 : i32
    %jit3A = arith.constant 64 : i32
    %div3A = arith.divsi %add3A_4, %jit3A : i32
    %sign3A = arith.constant 0 : i32
    %sign3A_5 = arith.cmpi sgt, %add3A_4, %sign3A : i32
    %sign3A_6 = arith.extui %sign3A_5 : i1 to i32
    %sign3A_7 = arith.constant 0 : i32
    %sign3A_8 = arith.cmpi slt, %add3A_4, %sign3A_7 : i32
    %sign3A_9 = arith.extui %sign3A_8 : i1 to i32
    %sign3A_10 = arith.subi %sign3A_6, %sign3A_9 : i32
    %sign3A_11 = arith.constant 0 : i32
    %sign3A_12 = arith.cmpi sgt, %jit3A, %sign3A_11 : i32
    %sign3A_13 = arith.extui %sign3A_12 : i1 to i32
    %sign3A_14 = arith.constant 0 : i32
    %sign3A_15 = arith.cmpi slt, %jit3A, %sign3A_14 : i32
    %sign3A_16 = arith.extui %sign3A_15 : i1 to i32
    %sign3A_17 = arith.subi %sign3A_13, %sign3A_16 : i32
    %ne3A = arith.cmpi ne, %sign3A_10, %sign3A_17 : i32
    %rem3A = arith.remsi %add3A_4, %jit3A : i32
    %ne3A_18 = arith.constant 0 : i32
    %ne3A_19 = arith.cmpi ne, %rem3A, %ne3A_18 : i32
    %and3A = arith.andi %ne3A, %ne3A_19 : i1
    %sub3A = arith.constant 1 : i32
    %sub3A_20 = arith.subi %div3A, %sub3A : i32
    %select_n3A = arith.select %and3A, %sub3A_20, %div3A : i32
    "tpu.region"() ({
      %run_scoped3A = tpu.sem_alloc : memref<!tpu.dma_semaphore, #tpu.memory_space<semaphore_mem>>
      %dma_start3A = arith.constant 0 : i32
      %dma_start3A_32 = tpu.memref_slice %arg6[%add3A_4, %dma_start3A] : memref<1024x128xi32, #tpu.memory_space<hbm>> -> memref<8x128xi32, #tpu.memory_space<hbm>>
      %dma_start3A_33 = arith.constant 0 : i32
      %dma_start3A_34 = tpu.memref_slice %arg6[%add3A_4, %dma_start3A_33] : memref<1024x128xi32, #tpu.memory_space<hbm>> -> memref<8x128xi32, #tpu.memory_space<hbm>>
      tpu.enqueue_dma source(%dma_start3A_34 : memref<8x128xi32, #tpu.memory_space<hbm>>) target(%arg12 : memref<8x128xi32, #tpu.memory_space<vmem>>) target_semaphore(%run_scoped3A : memref<!tpu.dma_semaphore, #tpu.memory_space<semaphore_mem>>)
      %dma_wait3A = arith.constant 0 : i32
      %dma_wait3A_35 = tpu.memref_slice %arg6[%add3A_4, %dma_wait3A] : memref<1024x128xi32, #tpu.memory_space<hbm>> -> memref<8x128xi32, #tpu.memory_space<hbm>>
      %dma_wait3A_36 = arith.constant 0 : i32
      %dma_wait3A_37 = tpu.memref_slice %arg6[%add3A_4, %dma_wait3A_36] : memref<1024x128xi32, #tpu.memory_space<hbm>> -> memref<8x128xi32, #tpu.memory_space<hbm>>
      tpu.wait_dma2 semaphore(%run_scoped3A : memref<!tpu.dma_semaphore, #tpu.memory_space<semaphore_mem>>) src(%dma_wait3A_37 : memref<8x128xi32, #tpu.memory_space<hbm>>) dst(%arg12 : memref<8x128xi32, #tpu.memory_space<vmem>>)
      tpu.yield
    }) : () -> ()
    "tpu.region"() ({
      %run_scoped3A = tpu.sem_alloc : memref<!tpu.dma_semaphore, #tpu.memory_space<semaphore_mem>>
      %dma_start3A = arith.constant 0 : i32
      %dma_start3A_32 = tpu.memref_slice %arg7[%add3A_4, %dma_start3A] : memref<1024x128xi32, #tpu.memory_space<hbm>> -> memref<8x128xi32, #tpu.memory_space<hbm>>
      %dma_start3A_33 = arith.constant 0 : i32
      %dma_start3A_34 = tpu.memref_slice %arg7[%add3A_4, %dma_start3A_33] : memref<1024x128xi32, #tpu.memory_space<hbm>> -> memref<8x128xi32, #tpu.memory_space<hbm>>
      tpu.enqueue_dma source(%dma_start3A_34 : memref<8x128xi32, #tpu.memory_space<hbm>>) target(%arg13 : memref<8x128xi32, #tpu.memory_space<vmem>>) target_semaphore(%run_scoped3A : memref<!tpu.dma_semaphore, #tpu.memory_space<semaphore_mem>>)
      %dma_wait3A = arith.constant 0 : i32
      %dma_wait3A_35 = tpu.memref_slice %arg7[%add3A_4, %dma_wait3A] : memref<1024x128xi32, #tpu.memory_space<hbm>> -> memref<8x128xi32, #tpu.memory_space<hbm>>
      %dma_wait3A_36 = arith.constant 0 : i32
      %dma_wait3A_37 = tpu.memref_slice %arg7[%add3A_4, %dma_wait3A_36] : memref<1024x128xi32, #tpu.memory_space<hbm>> -> memref<8x128xi32, #tpu.memory_space<hbm>>
      tpu.wait_dma2 semaphore(%run_scoped3A : memref<!tpu.dma_semaphore, #tpu.memory_space<semaphore_mem>>) src(%dma_wait3A_37 : memref<8x128xi32, #tpu.memory_space<hbm>>) dst(%arg13 : memref<8x128xi32, #tpu.memory_space<vmem>>)
      tpu.yield
    }) : () -> ()
    "tpu.region"() ({
      %run_scoped3A = tpu.sem_alloc : memref<!tpu.dma_semaphore, #tpu.memory_space<semaphore_mem>>
      %dma_start3A = arith.constant 0 : i32
      %dma_start3A_32 = tpu.memref_slice %arg8[%add3A_4, %dma_start3A] : memref<1024x128xi32, #tpu.memory_space<hbm>> -> memref<8x128xi32, #tpu.memory_space<hbm>>
      %dma_start3A_33 = arith.constant 0 : i32
      %dma_start3A_34 = tpu.memref_slice %arg8[%add3A_4, %dma_start3A_33] : memref<1024x128xi32, #tpu.memory_space<hbm>> -> memref<8x128xi32, #tpu.memory_space<hbm>>
      tpu.enqueue_dma source(%dma_start3A_34 : memref<8x128xi32, #tpu.memory_space<hbm>>) target(%arg14 : memref<8x128xi32, #tpu.memory_space<vmem>>) target_semaphore(%run_scoped3A : memref<!tpu.dma_semaphore, #tpu.memory_space<semaphore_mem>>)
      %dma_wait3A = arith.constant 0 : i32
      %dma_wait3A_35 = tpu.memref_slice %arg8[%add3A_4, %dma_wait3A] : memref<1024x128xi32, #tpu.memory_space<hbm>> -> memref<8x128xi32, #tpu.memory_space<hbm>>
      %dma_wait3A_36 = arith.constant 0 : i32
      %dma_wait3A_37 = tpu.memref_slice %arg8[%add3A_4, %dma_wait3A_36] : memref<1024x128xi32, #tpu.memory_space<hbm>> -> memref<8x128xi32, #tpu.memory_space<hbm>>
      tpu.wait_dma2 semaphore(%run_scoped3A : memref<!tpu.dma_semaphore, #tpu.memory_space<semaphore_mem>>) src(%dma_wait3A_37 : memref<8x128xi32, #tpu.memory_space<hbm>>) dst(%arg14 : memref<8x128xi32, #tpu.memory_space<vmem>>)
      tpu.yield
    }) : () -> ()
    "tpu.region"() ({
      %run_scoped3A = tpu.sem_alloc : memref<!tpu.dma_semaphore, #tpu.memory_space<semaphore_mem>>
      %dma_start3A = arith.constant 0 : i32
      %dma_start3A_32 = tpu.memref_slice %arg9[%add3A_4, %dma_start3A] : memref<1024x128xi32, #tpu.memory_space<hbm>> -> memref<8x128xi32, #tpu.memory_space<hbm>>
      %dma_start3A_33 = arith.constant 0 : i32
      %dma_start3A_34 = tpu.memref_slice %arg9[%add3A_4, %dma_start3A_33] : memref<1024x128xi32, #tpu.memory_space<hbm>> -> memref<8x128xi32, #tpu.memory_space<hbm>>
      tpu.enqueue_dma source(%dma_start3A_34 : memref<8x128xi32, #tpu.memory_space<hbm>>) target(%arg15 : memref<8x128xi32, #tpu.memory_space<vmem>>) target_semaphore(%run_scoped3A : memref<!tpu.dma_semaphore, #tpu.memory_space<semaphore_mem>>)
      %dma_wait3A = arith.constant 0 : i32
      %dma_wait3A_35 = tpu.memref_slice %arg9[%add3A_4, %dma_wait3A] : memref<1024x128xi32, #tpu.memory_space<hbm>> -> memref<8x128xi32, #tpu.memory_space<hbm>>
      %dma_wait3A_36 = arith.constant 0 : i32
      %dma_wait3A_37 = tpu.memref_slice %arg9[%add3A_4, %dma_wait3A_36] : memref<1024x128xi32, #tpu.memory_space<hbm>> -> memref<8x128xi32, #tpu.memory_space<hbm>>
      tpu.wait_dma2 semaphore(%run_scoped3A : memref<!tpu.dma_semaphore, #tpu.memory_space<semaphore_mem>>) src(%dma_wait3A_37 : memref<8x128xi32, #tpu.memory_space<hbm>>) dst(%arg15 : memref<8x128xi32, #tpu.memory_space<vmem>>)
      tpu.yield
    }) : () -> ()
    %scan3A = arith.constant 0 : i32
    %scan3A_21 = arith.constant 0 : i32
    %scan3A_22 = arith.constant 8 : i32
    %scan3A_23 = arith.addi %scan3A_21, %scan3A_22 : i32
    %scan3A_24 = arith.constant 1 : i32
    scf.for %scan3A_32 = %scan3A_21 to %scan3A_23 step %scan3A_24  : i32 {
      %add3A_33 = arith.addi %add3A_4, %scan3A_32 : i32
      %jit3A_34 = arith.constant 4 : i32
      %div3A_35 = arith.divsi %add3A_33, %jit3A_34 : i32
      %sign3A_36 = arith.constant 0 : i32
      %sign3A_37 = arith.cmpi sgt, %add3A_33, %sign3A_36 : i32
      %sign3A_38 = arith.extui %sign3A_37 : i1 to i32
      %sign3A_39 = arith.constant 0 : i32
      %sign3A_40 = arith.cmpi slt, %add3A_33, %sign3A_39 : i32
      %sign3A_41 = arith.extui %sign3A_40 : i1 to i32
      %sign3A_42 = arith.subi %sign3A_38, %sign3A_41 : i32
      %sign3A_43 = arith.constant 0 : i32
      %sign3A_44 = arith.cmpi sgt, %jit3A_34, %sign3A_43 : i32
      %sign3A_45 = arith.extui %sign3A_44 : i1 to i32
      %sign3A_46 = arith.constant 0 : i32
      %sign3A_47 = arith.cmpi slt, %jit3A_34, %sign3A_46 : i32
      %sign3A_48 = arith.extui %sign3A_47 : i1 to i32
      %sign3A_49 = arith.subi %sign3A_45, %sign3A_48 : i32
      %ne3A_50 = arith.cmpi ne, %sign3A_42, %sign3A_49 : i32
      %rem3A_51 = arith.remsi %add3A_33, %jit3A_34 : i32
      %ne3A_52 = arith.constant 0 : i32
      %ne3A_53 = arith.cmpi ne, %rem3A_51, %ne3A_52 : i32
      %and3A_54 = arith.andi %ne3A_50, %ne3A_53 : i1
      %sub3A_55 = arith.constant 1 : i32
      %sub3A_56 = arith.subi %div3A_35, %sub3A_55 : i32
      %select_n3A_57 = arith.select %and3A_54, %sub3A_56, %div3A_35 : i32
      %mul3A_58 = arith.constant 1024 : i32
      %mul3A_59 = arith.muli %select_n3A, %mul3A_58 : i32
      %mul3A_60 = arith.constant 64 : i32
      %mul3A_61 = arith.muli %select_n3A_57, %mul3A_60 : i32
      %get3A = arith.index_cast %scan3A_32 : i32 to index
      %get3A_62 = arith.constant 0 : index
      %get3A_63 = tpu.vector_load %arg12[%get3A, %get3A_62] {strides = array<i32>} : memref<8x128xi32, #tpu.memory_space<vmem>>, vector<1x16xi32>,
      %get3A_64 = vector.shape_cast %get3A_63 : vector<1x16xi32> to vector<16xi32>
      %add3A_65 = vector.broadcast %mul3A_59 : i32 to vector<16xi32>
      %add3A_66 = arith.addi %get3A_64, %add3A_65 : vector<16xi32>
      %swap3A = arith.index_cast %scan3A_32 : i32 to index
      %swap3A_67 = arith.constant 0 : index
      %swap3A_68 = tpu.vector_load %arg12[%swap3A, %swap3A_67] {strides = array<i32>} : memref<8x128xi32, #tpu.memory_space<vmem>>, vector<1x16xi32>,
      %swap3A_69 = vector.shape_cast %swap3A_68 : vector<1x16xi32> to vector<16xi32>
      %swap3A_70 = vector.shape_cast %add3A_66 : vector<16xi32> to vector<1x16xi32>
      tpu.vector_store %arg12[%swap3A, %swap3A_67], %swap3A_70 {strides = array<i32>} : memref<8x128xi32, #tpu.memory_space<vmem>>, vector<1x16xi32>,
      %get3A_71 = arith.index_cast %scan3A_32 : i32 to index
      %get3A_72 = arith.constant 0 : index
      %get3A_73 = tpu.vector_load %arg13[%get3A_71, %get3A_72] {strides = array<i32>} : memref<8x128xi32, #tpu.memory_space<vmem>>, vector<1x16xi32>,
      %get3A_74 = vector.shape_cast %get3A_73 : vector<1x16xi32> to vector<16xi32>
      %add3A_75 = vector.broadcast %mul3A_59 : i32 to vector<16xi32>
      %add3A_76 = arith.addi %get3A_74, %add3A_75 : vector<16xi32>
      %swap3A_77 = arith.index_cast %scan3A_32 : i32 to index
      %swap3A_78 = arith.constant 0 : index
      %swap3A_79 = tpu.vector_load %arg13[%swap3A_77, %swap3A_78] {strides = array<i32>} : memref<8x128xi32, #tpu.memory_space<vmem>>, vector<1x16xi32>,
      %swap3A_80 = vector.shape_cast %swap3A_79 : vector<1x16xi32> to vector<16xi32>
      %swap3A_81 = vector.shape_cast %add3A_76 : vector<16xi32> to vector<1x16xi32>
      tpu.vector_store %arg13[%swap3A_77, %swap3A_78], %swap3A_81 {strides = array<i32>} : memref<8x128xi32, #tpu.memory_space<vmem>>, vector<1x16xi32>,
      %get3A_82 = arith.index_cast %scan3A_32 : i32 to index
      %get3A_83 = arith.constant 0 : index
      %get3A_84 = tpu.vector_load %arg14[%get3A_82, %get3A_83] {strides = array<i32>} : memref<8x128xi32, #tpu.memory_space<vmem>>, vector<1x16xi32>,
      %get3A_85 = vector.shape_cast %get3A_84 : vector<1x16xi32> to vector<16xi32>
      %add3A_86 = vector.broadcast %mul3A_61 : i32 to vector<16xi32>
      %add3A_87 = arith.addi %get3A_85, %add3A_86 : vector<16xi32>
      %swap3A_88 = arith.index_cast %scan3A_32 : i32 to index
      %swap3A_89 = arith.constant 0 : index
      %swap3A_90 = tpu.vector_load %arg14[%swap3A_88, %swap3A_89] {strides = array<i32>} : memref<8x128xi32, #tpu.memory_space<vmem>>, vector<1x16xi32>,
      %swap3A_91 = vector.shape_cast %swap3A_90 : vector<1x16xi32> to vector<16xi32>
      %swap3A_92 = vector.shape_cast %add3A_87 : vector<16xi32> to vector<1x16xi32>
      tpu.vector_store %arg14[%swap3A_88, %swap3A_89], %swap3A_92 {strides = array<i32>} : memref<8x128xi32, #tpu.memory_space<vmem>>, vector<1x16xi32>,
      %get3A_93 = arith.index_cast %scan3A_32 : i32 to index
      %get3A_94 = arith.constant 0 : index
      %get3A_95 = tpu.vector_load %arg15[%get3A_93, %get3A_94] {strides = array<i32>} : memref<8x128xi32, #tpu.memory_space<vmem>>, vector<1x16xi32>,
      %get3A_96 = vector.shape_cast %get3A_95 : vector<1x16xi32> to vector<16xi32>
      %add3A_97 = vector.broadcast %mul3A_61 : i32 to vector<16xi32>
      %add3A_98 = arith.addi %get3A_96, %add3A_97 : vector<16xi32>
      %swap3A_99 = arith.index_cast %scan3A_32 : i32 to index
      %swap3A_100 = arith.constant 0 : index
      %swap3A_101 = tpu.vector_load %arg15[%swap3A_99, %swap3A_100] {strides = array<i32>} : memref<8x128xi32, #tpu.memory_space<vmem>>, vector<1x16xi32>,
      %swap3A_102 = vector.shape_cast %swap3A_101 : vector<1x16xi32> to vector<16xi32>
      %swap3A_103 = vector.shape_cast %add3A_98 : vector<16xi32> to vector<1x16xi32>
      tpu.vector_store %arg15[%swap3A_99, %swap3A_100], %swap3A_103 {strides = array<i32>} : memref<8x128xi32, #tpu.memory_space<vmem>>, vector<1x16xi32>,
      %get3A_104 = arith.index_cast %scan3A_32 : i32 to index
      %get3A_105 = arith.constant 16 : index
      %get3A_106 = tpu.vector_load %arg12[%get3A_104, %get3A_105] {strides = array<i32>} : memref<8x128xi32, #tpu.memory_space<vmem>>, vector<1x16xi32>,
      %get3A_107 = vector.shape_cast %get3A_106 : vector<1x16xi32> to vector<16xi32>
      %add3A_108 = vector.broadcast %mul3A_59 : i32 to vector<16xi32>
      %add3A_109 = arith.addi %get3A_107, %add3A_108 : vector<16xi32>
      %swap3A_110 = arith.index_cast %scan3A_32 : i32 to index
      %swap3A_111 = arith.constant 16 : index
      %swap3A_112 = tpu.vector_load %arg12[%swap3A_110, %swap3A_111] {strides = array<i32>} : memref<8x128xi32, #tpu.memory_space<vmem>>, vector<1x16xi32>,
      %swap3A_113 = vector.shape_cast %swap3A_112 : vector<1x16xi32> to vector<16xi32>
      %swap3A_114 = vector.shape_cast %add3A_109 : vector<16xi32> to vector<1x16xi32>
      tpu.vector_store %arg12[%swap3A_110, %swap3A_111], %swap3A_114 {strides = array<i32>} : memref<8x128xi32, #tpu.memory_space<vmem>>, vector<1x16xi32>,
      %get3A_115 = arith.index_cast %scan3A_32 : i32 to index
      %get3A_116 = arith.constant 16 : index
      %get3A_117 = tpu.vector_load %arg13[%get3A_115, %get3A_116] {strides = array<i32>} : memref<8x128xi32, #tpu.memory_space<vmem>>, vector<1x16xi32>,
      %get3A_118 = vector.shape_cast %get3A_117 : vector<1x16xi32> to vector<16xi32>
      %add3A_119 = vector.broadcast %mul3A_59 : i32 to vector<16xi32>
      %add3A_120 = arith.addi %get3A_118, %add3A_119 : vector<16xi32>
      %swap3A_121 = arith.index_cast %scan3A_32 : i32 to index
      %swap3A_122 = arith.constant 16 : index
      %swap3A_123 = tpu.vector_load %arg13[%swap3A_121, %swap3A_122] {strides = array<i32>} : memref<8x128xi32, #tpu.memory_space<vmem>>, vector<1x16xi32>,
      %swap3A_124 = vector.shape_cast %swap3A_123 : vector<1x16xi32> to vector<16xi32>
      %swap3A_125 = vector.shape_cast %add3A_120 : vector<16xi32> to vector<1x16xi32>
      tpu.vector_store %arg13[%swap3A_121, %swap3A_122], %swap3A_125 {strides = array<i32>} : memref<8x128xi32, #tpu.memory_space<vmem>>, vector<1x16xi32>,
      %get3A_126 = arith.index_cast %scan3A_32 : i32 to index
      %get3A_127 = arith.constant 16 : index
      %get3A_128 = tpu.vector_load %arg14[%get3A_126, %get3A_127] {strides = array<i32>} : memref<8x128xi32, #tpu.memory_space<vmem>>, vector<1x16xi32>,
      %get3A_129 = vector.shape_cast %get3A_128 : vector<1x16xi32> to vector<16xi32>
      %add3A_130 = vector.broadcast %mul3A_61 : i32 to vector<16xi32>
      %add3A_131 = arith.addi %get3A_129, %add3A_130 : vector<16xi32>
      %swap3A_132 = arith.index_cast %scan3A_32 : i32 to index
      %swap3A_133 = arith.constant 16 : index
      %swap3A_134 = tpu.vector_load %arg14[%swap3A_132, %swap3A_133] {strides = array<i32>} : memref<8x128xi32, #tpu.memory_space<vmem>>, vector<1x16xi32>,
      %swap3A_135 = vector.shape_cast %swap3A_134 : vector<1x16xi32> to vector<16xi32>
      %swap3A_136 = vector.shape_cast %add3A_131 : vector<16xi32> to vector<1x16xi32>
      tpu.vector_store %arg14[%swap3A_132, %swap3A_133], %swap3A_136 {strides = array<i32>} : memref<8x128xi32, #tpu.memory_space<vmem>>, vector<1x16xi32>,
      %get3A_137 = arith.index_cast %scan3A_32 : i32 to index
      %get3A_138 = arith.constant 16 : index
      %get3A_139 = tpu.vector_load %arg15[%get3A_137, %get3A_138] {strides = array<i32>} : memref<8x128xi32, #tpu.memory_space<vmem>>, vector<1x16xi32>,
      %get3A_140 = vector.shape_cast %get3A_139 : vector<1x16xi32> to vector<16xi32>
      %add3A_141 = vector.broadcast %mul3A_61 : i32 to vector<16xi32>
      %add3A_142 = arith.addi %get3A_140, %add3A_141 : vector<16xi32>
      %swap3A_143 = arith.index_cast %scan3A_32 : i32 to index
      %swap3A_144 = arith.constant 16 : index
      %swap3A_145 = tpu.vector_load %arg15[%swap3A_143, %swap3A_144] {strides = array<i32>} : memref<8x128xi32, #tpu.memory_space<vmem>>, vector<1x16xi32>,
      %swap3A_146 = vector.shape_cast %swap3A_145 : vector<1x16xi32> to vector<16xi32>
      %swap3A_147 = vector.shape_cast %add3A_142 : vector<16xi32> to vector<1x16xi32>
      tpu.vector_store %arg15[%swap3A_143, %swap3A_144], %swap3A_147 {strides = array<i32>} : memref<8x128xi32, #tpu.memory_space<vmem>>, vector<1x16xi32>,
      %get3A_148 = arith.index_cast %scan3A_32 : i32 to index
      %get3A_149 = arith.constant 32 : index
      %get3A_150 = tpu.vector_load %arg12[%get3A_148, %get3A_149] {strides = array<i32>} : memref<8x128xi32, #tpu.memory_space<vmem>>, vector<1x16xi32>,
      %get3A_151 = vector.shape_cast %get3A_150 : vector<1x16xi32> to vector<16xi32>
      %add3A_152 = vector.broadcast %mul3A_59 : i32 to vector<16xi32>
      %add3A_153 = arith.addi %get3A_151, %add3A_152 : vector<16xi32>
      %swap3A_154 = arith.index_cast %scan3A_32 : i32 to index
      %swap3A_155 = arith.constant 32 : index
      %swap3A_156 = tpu.vector_load %arg12[%swap3A_154, %swap3A_155] {strides = array<i32>} : memref<8x128xi32, #tpu.memory_space<vmem>>, vector<1x16xi32>,
      %swap3A_157 = vector.shape_cast %swap3A_156 : vector<1x16xi32> to vector<16xi32>
      %swap3A_158 = vector.shape_cast %add3A_153 : vector<16xi32> to vector<1x16xi32>
      tpu.vector_store %arg12[%swap3A_154, %swap3A_155], %swap3A_158 {strides = array<i32>} : memref<8x128xi32, #tpu.memory_space<vmem>>, vector<1x16xi32>,
      %get3A_159 = arith.index_cast %scan3A_32 : i32 to index
      %get3A_160 = arith.constant 32 : index
      %get3A_161 = tpu.vector_load %arg13[%get3A_159, %get3A_160] {strides = array<i32>} : memref<8x128xi32, #tpu.memory_space<vmem>>, vector<1x16xi32>,
      %get3A_162 = vector.shape_cast %get3A_161 : vector<1x16xi32> to vector<16xi32>
      %add3A_163 = vector.broadcast %mul3A_59 : i32 to vector<16xi32>
      %add3A_164 = arith.addi %get3A_162, %add3A_163 : vector<16xi32>
      %swap3A_165 = arith.index_cast %scan3A_32 : i32 to index
      %swap3A_166 = arith.constant 32 : index
      %swap3A_167 = tpu.vector_load %arg13[%swap3A_165, %swap3A_166] {strides = array<i32>} : memref<8x128xi32, #tpu.memory_space<vmem>>, vector<1x16xi32>,
      %swap3A_168 = vector.shape_cast %swap3A_167 : vector<1x16xi32> to vector<16xi32>
      %swap3A_169 = vector.shape_cast %add3A_164 : vector<16xi32> to vector<1x16xi32>
      tpu.vector_store %arg13[%swap3A_165, %swap3A_166], %swap3A_169 {strides = array<i32>} : memref<8x128xi32, #tpu.memory_space<vmem>>, vector<1x16xi32>,
      %get3A_170 = arith.index_cast %scan3A_32 : i32 to index
      %get3A_171 = arith.constant 32 : index
      %get3A_172 = tpu.vector_load %arg14[%get3A_170, %get3A_171] {strides = array<i32>} : memref<8x128xi32, #tpu.memory_space<vmem>>, vector<1x16xi32>,
      %get3A_173 = vector.shape_cast %get3A_172 : vector<1x16xi32> to vector<16xi32>
      %add3A_174 = vector.broadcast %mul3A_61 : i32 to vector<16xi32>
      %add3A_175 = arith.addi %get3A_173, %add3A_174 : vector<16xi32>
      %swap3A_176 = arith.index_cast %scan3A_32 : i32 to index
      %swap3A_177 = arith.constant 32 : index
      %swap3A_178 = tpu.vector_load %arg14[%swap3A_176, %swap3A_177] {strides = array<i32>} : memref<8x128xi32, #tpu.memory_space<vmem>>, vector<1x16xi32>,
      %swap3A_179 = vector.shape_cast %swap3A_178 : vector<1x16xi32> to vector<16xi32>
      %swap3A_180 = vector.shape_cast %add3A_175 : vector<16xi32> to vector<1x16xi32>
      tpu.vector_store %arg14[%swap3A_176, %swap3A_177], %swap3A_180 {strides = array<i32>} : memref<8x128xi32, #tpu.memory_space<vmem>>, vector<1x16xi32>,
      %get3A_181 = arith.index_cast %scan3A_32 : i32 to index
      %get3A_182 = arith.constant 32 : index
      %get3A_183 = tpu.vector_load %arg15[%get3A_181, %get3A_182] {strides = array<i32>} : memref<8x128xi32, #tpu.memory_space<vmem>>, vector<1x16xi32>,
      %get3A_184 = vector.shape_cast %get3A_183 : vector<1x16xi32> to vector<16xi32>
      %add3A_185 = vector.broadcast %mul3A_61 : i32 to vector<16xi32>
      %add3A_186 = arith.addi %get3A_184, %add3A_185 : vector<16xi32>
      %swap3A_187 = arith.index_cast %scan3A_32 : i32 to index
      %swap3A_188 = arith.constant 32 : index
      %swap3A_189 = tpu.vector_load %arg15[%swap3A_187, %swap3A_188] {strides = array<i32>} : memref<8x128xi32, #tpu.memory_space<vmem>>, vector<1x16xi32>,
      %swap3A_190 = vector.shape_cast %swap3A_189 : vector<1x16xi32> to vector<16xi32>
      %swap3A_191 = vector.shape_cast %add3A_186 : vector<16xi32> to vector<1x16xi32>
      tpu.vector_store %arg15[%swap3A_187, %swap3A_188], %swap3A_191 {strides = array<i32>} : memref<8x128xi32, #tpu.memory_space<vmem>>, vector<1x16xi32>,
      %get3A_192 = arith.index_cast %scan3A_32 : i32 to index
      %get3A_193 = arith.constant 48 : index
      %get3A_194 = tpu.vector_load %arg12[%get3A_192, %get3A_193] {strides = array<i32>} : memref<8x128xi32, #tpu.memory_space<vmem>>, vector<1x16xi32>,
      %get3A_195 = vector.shape_cast %get3A_194 : vector<1x16xi32> to vector<16xi32>
      %add3A_196 = vector.broadcast %mul3A_59 : i32 to vector<16xi32>
      %add3A_197 = arith.addi %get3A_195, %add3A_196 : vector<16xi32>
      %swap3A_198 = arith.index_cast %scan3A_32 : i32 to index
      %swap3A_199 = arith.constant 48 : index
      %swap3A_200 = tpu.vector_load %arg12[%swap3A_198, %swap3A_199] {strides = array<i32>} : memref<8x128xi32, #tpu.memory_space<vmem>>, vector<1x16xi32>,
      %swap3A_201 = vector.shape_cast %swap3A_200 : vector<1x16xi32> to vector<16xi32>
      %swap3A_202 = vector.shape_cast %add3A_197 : vector<16xi32> to vector<1x16xi32>
      tpu.vector_store %arg12[%swap3A_198, %swap3A_199], %swap3A_202 {strides = array<i32>} : memref<8x128xi32, #tpu.memory_space<vmem>>, vector<1x16xi32>,
      %get3A_203 = arith.index_cast %scan3A_32 : i32 to index
      %get3A_204 = arith.constant 48 : index
      %get3A_205 = tpu.vector_load %arg13[%get3A_203, %get3A_204] {strides = array<i32>} : memref<8x128xi32, #tpu.memory_space<vmem>>, vector<1x16xi32>,
      %get3A_206 = vector.shape_cast %get3A_205 : vector<1x16xi32> to vector<16xi32>
      %add3A_207 = vector.broadcast %mul3A_59 : i32 to vector<16xi32>
      %add3A_208 = arith.addi %get3A_206, %add3A_207 : vector<16xi32>
      %swap3A_209 = arith.index_cast %scan3A_32 : i32 to index
      %swap3A_210 = arith.constant 48 : index
      %swap3A_211 = tpu.vector_load %arg13[%swap3A_209, %swap3A_210] {strides = array<i32>} : memref<8x128xi32, #tpu.memory_space<vmem>>, vector<1x16xi32>,
      %swap3A_212 = vector.shape_cast %swap3A_211 : vector<1x16xi32> to vector<16xi32>
      %swap3A_213 = vector.shape_cast %add3A_208 : vector<16xi32> to vector<1x16xi32>
      tpu.vector_store %arg13[%swap3A_209, %swap3A_210], %swap3A_213 {strides = array<i32>} : memref<8x128xi32, #tpu.memory_space<vmem>>, vector<1x16xi32>,
      %get3A_214 = arith.index_cast %scan3A_32 : i32 to index
      %get3A_215 = arith.constant 48 : index
      %get3A_216 = tpu.vector_load %arg14[%get3A_214, %get3A_215] {strides = array<i32>} : memref<8x128xi32, #tpu.memory_space<vmem>>, vector<1x16xi32>,
      %get3A_217 = vector.shape_cast %get3A_216 : vector<1x16xi32> to vector<16xi32>
      %add3A_218 = vector.broadcast %mul3A_61 : i32 to vector<16xi32>
      %add3A_219 = arith.addi %get3A_217, %add3A_218 : vector<16xi32>
      %swap3A_220 = arith.index_cast %scan3A_32 : i32 to index
      %swap3A_221 = arith.constant 48 : index
      %swap3A_222 = tpu.vector_load %arg14[%swap3A_220, %swap3A_221] {strides = array<i32>} : memref<8x128xi32, #tpu.memory_space<vmem>>, vector<1x16xi32>,
      %swap3A_223 = vector.shape_cast %swap3A_222 : vector<1x16xi32> to vector<16xi32>
      %swap3A_224 = vector.shape_cast %add3A_219 : vector<16xi32> to vector<1x16xi32>
      tpu.vector_store %arg14[%swap3A_220, %swap3A_221], %swap3A_224 {strides = array<i32>} : memref<8x128xi32, #tpu.memory_space<vmem>>, vector<1x16xi32>,
      %get3A_225 = arith.index_cast %scan3A_32 : i32 to index
      %get3A_226 = arith.constant 48 : index
      %get3A_227 = tpu.vector_load %arg15[%get3A_225, %get3A_226] {strides = array<i32>} : memref<8x128xi32, #tpu.memory_space<vmem>>, vector<1x16xi32>,
      %get3A_228 = vector.shape_cast %get3A_227 : vector<1x16xi32> to vector<16xi32>
      %add3A_229 = vector.broadcast %mul3A_61 : i32 to vector<16xi32>
      %add3A_230 = arith.addi %get3A_228, %add3A_229 : vector<16xi32>
      %swap3A_231 = arith.index_cast %scan3A_32 : i32 to index
      %swap3A_232 = arith.constant 48 : index
      %swap3A_233 = tpu.vector_load %arg15[%swap3A_231, %swap3A_232] {strides = array<i32>} : memref<8x128xi32, #tpu.memory_space<vmem>>, vector<1x16xi32>,
      %swap3A_234 = vector.shape_cast %swap3A_233 : vector<1x16xi32> to vector<16xi32>
      %swap3A_235 = vector.shape_cast %add3A_230 : vector<16xi32> to vector<1x16xi32>
      tpu.vector_store %arg15[%swap3A_231, %swap3A_232], %swap3A_235 {strides = array<i32>} : memref<8x128xi32, #tpu.memory_space<vmem>>, vector<1x16xi32>,
      %get3A_236 = arith.index_cast %scan3A_32 : i32 to index
      %get3A_237 = arith.constant 64 : index
      %get3A_238 = tpu.vector_load %arg12[%get3A_236, %get3A_237] {strides = array<i32>} : memref<8x128xi32, #tpu.memory_space<vmem>>, vector<1x16xi32>,
      %get3A_239 = vector.shape_cast %get3A_238 : vector<1x16xi32> to vector<16xi32>
      %add3A_240 = vector.broadcast %mul3A_59 : i32 to vector<16xi32>
      %add3A_241 = arith.addi %get3A_239, %add3A_240 : vector<16xi32>
      %swap3A_242 = arith.index_cast %scan3A_32 : i32 to index
      %swap3A_243 = arith.constant 64 : index
      %swap3A_244 = tpu.vector_load %arg12[%swap3A_242, %swap3A_243] {strides = array<i32>} : memref<8x128xi32, #tpu.memory_space<vmem>>, vector<1x16xi32>,
      %swap3A_245 = vector.shape_cast %swap3A_244 : vector<1x16xi32> to vector<16xi32>
      %swap3A_246 = vector.shape_cast %add3A_241 : vector<16xi32> to vector<1x16xi32>
      tpu.vector_store %arg12[%swap3A_242, %swap3A_243], %swap3A_246 {strides = array<i32>} : memref<8x128xi32, #tpu.memory_space<vmem>>, vector<1x16xi32>,
      %get3A_247 = arith.index_cast %scan3A_32 : i32 to index
      %get3A_248 = arith.constant 64 : index
      %get3A_249 = tpu.vector_load %arg13[%get3A_247, %get3A_248] {strides = array<i32>} : memref<8x128xi32, #tpu.memory_space<vmem>>, vector<1x16xi32>,
      %get3A_250 = vector.shape_cast %get3A_249 : vector<1x16xi32> to vector<16xi32>
      %add3A_251 = vector.broadcast %mul3A_59 : i32 to vector<16xi32>
      %add3A_252 = arith.addi %get3A_250, %add3A_251 : vector<16xi32>
      %swap3A_253 = arith.index_cast %scan3A_32 : i32 to index
      %swap3A_254 = arith.constant 64 : index
      %swap3A_255 = tpu.vector_load %arg13[%swap3A_253, %swap3A_254] {strides = array<i32>} : memref<8x128xi32, #tpu.memory_space<vmem>>, vector<1x16xi32>,
      %swap3A_256 = vector.shape_cast %swap3A_255 : vector<1x16xi32> to vector<16xi32>
      %swap3A_257 = vector.shape_cast %add3A_252 : vector<16xi32> to vector<1x16xi32>
      tpu.vector_store %arg13[%swap3A_253, %swap3A_254], %swap3A_257 {strides = array<i32>} : memref<8x128xi32, #tpu.memory_space<vmem>>, vector<1x16xi32>,
      %get3A_258 = arith.index_cast %scan3A_32 : i32 to index
      %get3A_259 = arith.constant 64 : index
      %get3A_260 = tpu.vector_load %arg14[%get3A_258, %get3A_259] {strides = array<i32>} : memref<8x128xi32, #tpu.memory_space<vmem>>, vector<1x16xi32>,
      %get3A_261 = vector.shape_cast %get3A_260 : vector<1x16xi32> to vector<16xi32>
      %add3A_262 = vector.broadcast %mul3A_61 : i32 to vector<16xi32>
      %add3A_263 = arith.addi %get3A_261, %add3A_262 : vector<16xi32>
      %swap3A_264 = arith.index_cast %scan3A_32 : i32 to index
      %swap3A_265 = arith.constant 64 : index
      %swap3A_266 = tpu.vector_load %arg14[%swap3A_264, %swap3A_265] {strides = array<i32>} : memref<8x128xi32, #tpu.memory_space<vmem>>, vector<1x16xi32>,
      %swap3A_267 = vector.shape_cast %swap3A_266 : vector<1x16xi32> to vector<16xi32>
      %swap3A_268 = vector.shape_cast %add3A_263 : vector<16xi32> to vector<1x16xi32>
      tpu.vector_store %arg14[%swap3A_264, %swap3A_265], %swap3A_268 {strides = array<i32>} : memref<8x128xi32, #tpu.memory_space<vmem>>, vector<1x16xi32>,
      %get3A_269 = arith.index_cast %scan3A_32 : i32 to index
      %get3A_270 = arith.constant 64 : index
      %get3A_271 = tpu.vector_load %arg15[%get3A_269, %get3A_270] {strides = array<i32>} : memref<8x128xi32, #tpu.memory_space<vmem>>, vector<1x16xi32>,
      %get3A_272 = vector.shape_cast %get3A_271 : vector<1x16xi32> to vector<16xi32>
      %add3A_273 = vector.broadcast %mul3A_61 : i32 to vector<16xi32>
      %add3A_274 = arith.addi %get3A_272, %add3A_273 : vector<16xi32>
      %swap3A_275 = arith.index_cast %scan3A_32 : i32 to index
      %swap3A_276 = arith.constant 64 : index
      %swap3A_277 = tpu.vector_load %arg15[%swap3A_275, %swap3A_276] {strides = array<i32>} : memref<8x128xi32, #tpu.memory_space<vmem>>, vector<1x16xi32>,
      %swap3A_278 = vector.shape_cast %swap3A_277 : vector<1x16xi32> to vector<16xi32>
      %swap3A_279 = vector.shape_cast %add3A_274 : vector<16xi32> to vector<1x16xi32>
      tpu.vector_store %arg15[%swap3A_275, %swap3A_276], %swap3A_279 {strides = array<i32>} : memref<8x128xi32, #tpu.memory_space<vmem>>, vector<1x16xi32>,
      %get3A_280 = arith.index_cast %scan3A_32 : i32 to index
      %get3A_281 = arith.constant 80 : index
      %get3A_282 = tpu.vector_load %arg12[%get3A_280, %get3A_281] {strides = array<i32>} : memref<8x128xi32, #tpu.memory_space<vmem>>, vector<1x16xi32>,
      %get3A_283 = vector.shape_cast %get3A_282 : vector<1x16xi32> to vector<16xi32>
      %add3A_284 = vector.broadcast %mul3A_59 : i32 to vector<16xi32>
      %add3A_285 = arith.addi %get3A_283, %add3A_284 : vector<16xi32>
      %swap3A_286 = arith.index_cast %scan3A_32 : i32 to index
      %swap3A_287 = arith.constant 80 : index
      %swap3A_288 = tpu.vector_load %arg12[%swap3A_286, %swap3A_287] {strides = array<i32>} : memref<8x128xi32, #tpu.memory_space<vmem>>, vector<1x16xi32>,
      %swap3A_289 = vector.shape_cast %swap3A_288 : vector<1x16xi32> to vector<16xi32>
      %swap3A_290 = vector.shape_cast %add3A_285 : vector<16xi32> to vector<1x16xi32>
      tpu.vector_store %arg12[%swap3A_286, %swap3A_287], %swap3A_290 {strides = array<i32>} : memref<8x128xi32, #tpu.memory_space<vmem>>, vector<1x16xi32>,
      %get3A_291 = arith.index_cast %scan3A_32 : i32 to index
      %get3A_292 = arith.constant 80 : index
      %get3A_293 = tpu.vector_load %arg13[%get3A_291, %get3A_292] {strides = array<i32>} : memref<8x128xi32, #tpu.memory_space<vmem>>, vector<1x16xi32>,
      %get3A_294 = vector.shape_cast %get3A_293 : vector<1x16xi32> to vector<16xi32>
      %add3A_295 = vector.broadcast %mul3A_59 : i32 to vector<16xi32>
      %add3A_296 = arith.addi %get3A_294, %add3A_295 : vector<16xi32>
      %swap3A_297 = arith.index_cast %scan3A_32 : i32 to index
      %swap3A_298 = arith.constant 80 : index
      %swap3A_299 = tpu.vector_load %arg13[%swap3A_297, %swap3A_298] {strides = array<i32>} : memref<8x128xi32, #tpu.memory_space<vmem>>, vector<1x16xi32>,
      %swap3A_300 = vector.shape_cast %swap3A_299 : vector<1x16xi32> to vector<16xi32>
      %swap3A_301 = vector.shape_cast %add3A_296 : vector<16xi32> to vector<1x16xi32>
      tpu.vector_store %arg13[%swap3A_297, %swap3A_298], %swap3A_301 {strides = array<i32>} : memref<8x128xi32, #tpu.memory_space<vmem>>, vector<1x16xi32>,
      %get3A_302 = arith.index_cast %scan3A_32 : i32 to index
      %get3A_303 = arith.constant 80 : index
      %get3A_304 = tpu.vector_load %arg14[%get3A_302, %get3A_303] {strides = array<i32>} : memref<8x128xi32, #tpu.memory_space<vmem>>, vector<1x16xi32>,
      %get3A_305 = vector.shape_cast %get3A_304 : vector<1x16xi32> to vector<16xi32>
      %add3A_306 = vector.broadcast %mul3A_61 : i32 to vector<16xi32>
      %add3A_307 = arith.addi %get3A_305, %add3A_306 : vector<16xi32>
      %swap3A_308 = arith.index_cast %scan3A_32 : i32 to index
      %swap3A_309 = arith.constant 80 : index
      %swap3A_310 = tpu.vector_load %arg14[%swap3A_308, %swap3A_309] {strides = array<i32>} : memref<8x128xi32, #tpu.memory_space<vmem>>, vector<1x16xi32>,
      %swap3A_311 = vector.shape_cast %swap3A_310 : vector<1x16xi32> to vector<16xi32>
      %swap3A_312 = vector.shape_cast %add3A_307 : vector<16xi32> to vector<1x16xi32>
      tpu.vector_store %arg14[%swap3A_308, %swap3A_309], %swap3A_312 {strides = array<i32>} : memref<8x128xi32, #tpu.memory_space<vmem>>, vector<1x16xi32>,
      %get3A_313 = arith.index_cast %scan3A_32 : i32 to index
      %get3A_314 = arith.constant 80 : index
      %get3A_315 = tpu.vector_load %arg15[%get3A_313, %get3A_314] {strides = array<i32>} : memref<8x128xi32, #tpu.memory_space<vmem>>, vector<1x16xi32>,
      %get3A_316 = vector.shape_cast %get3A_315 : vector<1x16xi32> to vector<16xi32>
      %add3A_317 = vector.broadcast %mul3A_61 : i32 to vector<16xi32>
      %add3A_318 = arith.addi %get3A_316, %add3A_317 : vector<16xi32>
      %swap3A_319 = arith.index_cast %scan3A_32 : i32 to index
      %swap3A_320 = arith.constant 80 : index
      %swap3A_321 = tpu.vector_load %arg15[%swap3A_319, %swap3A_320] {strides = array<i32>} : memref<8x128xi32, #tpu.memory_space<vmem>>, vector<1x16xi32>,
      %swap3A_322 = vector.shape_cast %swap3A_321 : vector<1x16xi32> to vector<16xi32>
      %swap3A_323 = vector.shape_cast %add3A_318 : vector<16xi32> to vector<1x16xi32>
      tpu.vector_store %arg15[%swap3A_319, %swap3A_320], %swap3A_323 {strides = array<i32>} : memref<8x128xi32, #tpu.memory_space<vmem>>, vector<1x16xi32>,
      %get3A_324 = arith.index_cast %scan3A_32 : i32 to index
      %get3A_325 = arith.constant 96 : index
      %get3A_326 = tpu.vector_load %arg12[%get3A_324, %get3A_325] {strides = array<i32>} : memref<8x128xi32, #tpu.memory_space<vmem>>, vector<1x16xi32>,
      %get3A_327 = vector.shape_cast %get3A_326 : vector<1x16xi32> to vector<16xi32>
      %add3A_328 = vector.broadcast %mul3A_59 : i32 to vector<16xi32>
      %add3A_329 = arith.addi %get3A_327, %add3A_328 : vector<16xi32>
      %swap3A_330 = arith.index_cast %scan3A_32 : i32 to index
      %swap3A_331 = arith.constant 96 : index
      %swap3A_332 = tpu.vector_load %arg12[%swap3A_330, %swap3A_331] {strides = array<i32>} : memref<8x128xi32, #tpu.memory_space<vmem>>, vector<1x16xi32>,
      %swap3A_333 = vector.shape_cast %swap3A_332 : vector<1x16xi32> to vector<16xi32>
      %swap3A_334 = vector.shape_cast %add3A_329 : vector<16xi32> to vector<1x16xi32>
      tpu.vector_store %arg12[%swap3A_330, %swap3A_331], %swap3A_334 {strides = array<i32>} : memref<8x128xi32, #tpu.memory_space<vmem>>, vector<1x16xi32>,
      %get3A_335 = arith.index_cast %scan3A_32 : i32 to index
      %get3A_336 = arith.constant 96 : index
      %get3A_337 = tpu.vector_load %arg13[%get3A_335, %get3A_336] {strides = array<i32>} : memref<8x128xi32, #tpu.memory_space<vmem>>, vector<1x16xi32>,
      %get3A_338 = vector.shape_cast %get3A_337 : vector<1x16xi32> to vector<16xi32>
      %add3A_339 = vector.broadcast %mul3A_59 : i32 to vector<16xi32>
      %add3A_340 = arith.addi %get3A_338, %add3A_339 : vector<16xi32>
      %swap3A_341 = arith.index_cast %scan3A_32 : i32 to index
      %swap3A_342 = arith.constant 96 : index
      %swap3A_343 = tpu.vector_load %arg13[%swap3A_341, %swap3A_342] {strides = array<i32>} : memref<8x128xi32, #tpu.memory_space<vmem>>, vector<1x16xi32>,
      %swap3A_344 = vector.shape_cast %swap3A_343 : vector<1x16xi32> to vector<16xi32>
      %swap3A_345 = vector.shape_cast %add3A_340 : vector<16xi32> to vector<1x16xi32>
      tpu.vector_store %arg13[%swap3A_341, %swap3A_342], %swap3A_345 {strides = array<i32>} : memref<8x128xi32, #tpu.memory_space<vmem>>, vector<1x16xi32>,
      %get3A_346 = arith.index_cast %scan3A_32 : i32 to index
      %get3A_347 = arith.constant 96 : index
      %get3A_348 = tpu.vector_load %arg14[%get3A_346, %get3A_347] {strides = array<i32>} : memref<8x128xi32, #tpu.memory_space<vmem>>, vector<1x16xi32>,
      %get3A_349 = vector.shape_cast %get3A_348 : vector<1x16xi32> to vector<16xi32>
      %add3A_350 = vector.broadcast %mul3A_61 : i32 to vector<16xi32>
      %add3A_351 = arith.addi %get3A_349, %add3A_350 : vector<16xi32>
      %swap3A_352 = arith.index_cast %scan3A_32 : i32 to index
      %swap3A_353 = arith.constant 96 : index
      %swap3A_354 = tpu.vector_load %arg14[%swap3A_352, %swap3A_353] {strides = array<i32>} : memref<8x128xi32, #tpu.memory_space<vmem>>, vector<1x16xi32>,
      %swap3A_355 = vector.shape_cast %swap3A_354 : vector<1x16xi32> to vector<16xi32>
      %swap3A_356 = vector.shape_cast %add3A_351 : vector<16xi32> to vector<1x16xi32>
      tpu.vector_store %arg14[%swap3A_352, %swap3A_353], %swap3A_356 {strides = array<i32>} : memref<8x128xi32, #tpu.memory_space<vmem>>, vector<1x16xi32>,
      %get3A_357 = arith.index_cast %scan3A_32 : i32 to index
      %get3A_358 = arith.constant 96 : index
      %get3A_359 = tpu.vector_load %arg15[%get3A_357, %get3A_358] {strides = array<i32>} : memref<8x128xi32, #tpu.memory_space<vmem>>, vector<1x16xi32>,
      %get3A_360 = vector.shape_cast %get3A_359 : vector<1x16xi32> to vector<16xi32>
      %add3A_361 = vector.broadcast %mul3A_61 : i32 to vector<16xi32>
      %add3A_362 = arith.addi %get3A_360, %add3A_361 : vector<16xi32>
      %swap3A_363 = arith.index_cast %scan3A_32 : i32 to index
      %swap3A_364 = arith.constant 96 : index
      %swap3A_365 = tpu.vector_load %arg15[%swap3A_363, %swap3A_364] {strides = array<i32>} : memref<8x128xi32, #tpu.memory_space<vmem>>, vector<1x16xi32>,
      %swap3A_366 = vector.shape_cast %swap3A_365 : vector<1x16xi32> to vector<16xi32>
      %swap3A_367 = vector.shape_cast %add3A_362 : vector<16xi32> to vector<1x16xi32>
      tpu.vector_store %arg15[%swap3A_363, %swap3A_364], %swap3A_367 {strides = array<i32>} : memref<8x128xi32, #tpu.memory_space<vmem>>, vector<1x16xi32>,
      %get3A_368 = arith.index_cast %scan3A_32 : i32 to index
      %get3A_369 = arith.constant 112 : index
      %get3A_370 = tpu.vector_load %arg12[%get3A_368, %get3A_369] {strides = array<i32>} : memref<8x128xi32, #tpu.memory_space<vmem>>, vector<1x16xi32>,
      %get3A_371 = vector.shape_cast %get3A_370 : vector<1x16xi32> to vector<16xi32>
      %add3A_372 = vector.broadcast %mul3A_59 : i32 to vector<16xi32>
      %add3A_373 = arith.addi %get3A_371, %add3A_372 : vector<16xi32>
      %swap3A_374 = arith.index_cast %scan3A_32 : i32 to index
      %swap3A_375 = arith.constant 112 : index
      %swap3A_376 = tpu.vector_load %arg12[%swap3A_374, %swap3A_375] {strides = array<i32>} : memref<8x128xi32, #tpu.memory_space<vmem>>, vector<1x16xi32>,
      %swap3A_377 = vector.shape_cast %swap3A_376 : vector<1x16xi32> to vector<16xi32>
      %swap3A_378 = vector.shape_cast %add3A_373 : vector<16xi32> to vector<1x16xi32>
      tpu.vector_store %arg12[%swap3A_374, %swap3A_375], %swap3A_378 {strides = array<i32>} : memref<8x128xi32, #tpu.memory_space<vmem>>, vector<1x16xi32>,
      %get3A_379 = arith.index_cast %scan3A_32 : i32 to index
      %get3A_380 = arith.constant 112 : index
      %get3A_381 = tpu.vector_load %arg13[%get3A_379, %get3A_380] {strides = array<i32>} : memref<8x128xi32, #tpu.memory_space<vmem>>, vector<1x16xi32>,
      %get3A_382 = vector.shape_cast %get3A_381 : vector<1x16xi32> to vector<16xi32>
      %add3A_383 = vector.broadcast %mul3A_59 : i32 to vector<16xi32>
      %add3A_384 = arith.addi %get3A_382, %add3A_383 : vector<16xi32>
      %swap3A_385 = arith.index_cast %scan3A_32 : i32 to index
      %swap3A_386 = arith.constant 112 : index
      %swap3A_387 = tpu.vector_load %arg13[%swap3A_385, %swap3A_386] {strides = array<i32>} : memref<8x128xi32, #tpu.memory_space<vmem>>, vector<1x16xi32>,
      %swap3A_388 = vector.shape_cast %swap3A_387 : vector<1x16xi32> to vector<16xi32>
      %swap3A_389 = vector.shape_cast %add3A_384 : vector<16xi32> to vector<1x16xi32>
      tpu.vector_store %arg13[%swap3A_385, %swap3A_386], %swap3A_389 {strides = array<i32>} : memref<8x128xi32, #tpu.memory_space<vmem>>, vector<1x16xi32>,
      %get3A_390 = arith.index_cast %scan3A_32 : i32 to index
      %get3A_391 = arith.constant 112 : index
      %get3A_392 = tpu.vector_load %arg14[%get3A_390, %get3A_391] {strides = array<i32>} : memref<8x128xi32, #tpu.memory_space<vmem>>, vector<1x16xi32>,
      %get3A_393 = vector.shape_cast %get3A_392 : vector<1x16xi32> to vector<16xi32>
      %add3A_394 = vector.broadcast %mul3A_61 : i32 to vector<16xi32>
      %add3A_395 = arith.addi %get3A_393, %add3A_394 : vector<16xi32>
      %swap3A_396 = arith.index_cast %scan3A_32 : i32 to index
      %swap3A_397 = arith.constant 112 : index
      %swap3A_398 = tpu.vector_load %arg14[%swap3A_396, %swap3A_397] {strides = array<i32>} : memref<8x128xi32, #tpu.memory_space<vmem>>, vector<1x16xi32>,
      %swap3A_399 = vector.shape_cast %swap3A_398 : vector<1x16xi32> to vector<16xi32>
      %swap3A_400 = vector.shape_cast %add3A_395 : vector<16xi32> to vector<1x16xi32>
      tpu.vector_store %arg14[%swap3A_396, %swap3A_397], %swap3A_400 {strides = array<i32>} : memref<8x128xi32, #tpu.memory_space<vmem>>, vector<1x16xi32>,
      %get3A_401 = arith.index_cast %scan3A_32 : i32 to index
      %get3A_402 = arith.constant 112 : index
      %get3A_403 = tpu.vector_load %arg15[%get3A_401, %get3A_402] {strides = array<i32>} : memref<8x128xi32, #tpu.memory_space<vmem>>, vector<1x16xi32>,
      %get3A_404 = vector.shape_cast %get3A_403 : vector<1x16xi32> to vector<16xi32>
      %add3A_405 = vector.broadcast %mul3A_61 : i32 to vector<16xi32>
      %add3A_406 = arith.addi %get3A_404, %add3A_405 : vector<16xi32>
      %swap3A_407 = arith.index_cast %scan3A_32 : i32 to index
      %swap3A_408 = arith.constant 112 : index
      %swap3A_409 = tpu.vector_load %arg15[%swap3A_407, %swap3A_408] {strides = array<i32>} : memref<8x128xi32, #tpu.memory_space<vmem>>, vector<1x16xi32>,
      %swap3A_410 = vector.shape_cast %swap3A_409 : vector<1x16xi32> to vector<16xi32>
      %swap3A_411 = vector.shape_cast %add3A_406 : vector<16xi32> to vector<1x16xi32>
      tpu.vector_store %arg15[%swap3A_407, %swap3A_408], %swap3A_411 {strides = array<i32>} : memref<8x128xi32, #tpu.memory_space<vmem>>, vector<1x16xi32>,
    }
    %scan3A_25 = arith.constant 8 : i32
    %scan3A_26 = arith.constant 0 : i32
    %scan3A_27 = arith.constant 0 : i32
    %scan3A_28 = arith.constant 8 : i32
    %scan3A_29 = arith.addi %scan3A_27, %scan3A_28 : i32
    %scan3A_30 = arith.constant 1 : i32
    scf.for %scan3A_32 = %scan3A_27 to %scan3A_29 step %scan3A_30  : i32 {
      %add3A_33 = arith.addi %mul3A_2, %scan3A_32 : i32
      %mul3A_34 = arith.constant 128 : i32
      %mul3A_35 = arith.muli %add3A_33, %mul3A_34 : i32
      %dma_start3A = arith.constant 0 : i32
      %dma_start3A_36 = tpu.memref_slice %arg12[%scan3A_32, %dma_start3A] : memref<8x128xi32, #tpu.memory_space<vmem>> -> memref<1x128xi32, #tpu.memory_space<vmem>>
      %dma_start3A_37 = tpu.memref_squeeze %dma_start3A_36 : memref<1x128xi32, #tpu.memory_space<vmem>> -> memref<128xi32, #tpu.memory_space<vmem>>
      %dma_start3A_38 = arith.constant 0 : i32
      %dma_start3A_39 = arith.constant 0 : i32
      %dma_start3A_40 = tpu.memref_slice %arg2[%dma_start3A_38, %dma_start3A_39] : memref<16384x128xf32, #tpu.memory_space<hbm>> -> memref<16384x128xf32, #tpu.memory_space<hbm>>
      tpu.enqueue_indirect_dma source(%dma_start3A_40 : memref<16384x128xf32, #tpu.memory_space<hbm>>) target(%arg16 : memref<128x128xf32, #tpu.memory_space<vmem>>) offsets(%dma_start3A_37 : memref<128xi32, #tpu.memory_space<vmem>>) semaphore(%arg20 : memref<!tpu.dma_semaphore, #tpu.memory_space<semaphore_mem>>)
      %dma_start3A_41 = arith.constant 0 : i32
      %dma_start3A_42 = tpu.memref_slice %arg13[%scan3A_32, %dma_start3A_41] : memref<8x128xi32, #tpu.memory_space<vmem>> -> memref<1x128xi32, #tpu.memory_space<vmem>>
      %dma_start3A_43 = tpu.memref_squeeze %dma_start3A_42 : memref<1x128xi32, #tpu.memory_space<vmem>> -> memref<128xi32, #tpu.memory_space<vmem>>
      %dma_start3A_44 = arith.constant 0 : i32
      %dma_start3A_45 = arith.constant 0 : i32
      %dma_start3A_46 = tpu.memref_slice %arg3[%dma_start3A_44, %dma_start3A_45] : memref<16384x128xf32, #tpu.memory_space<hbm>> -> memref<16384x128xf32, #tpu.memory_space<hbm>>
      tpu.enqueue_indirect_dma source(%dma_start3A_46 : memref<16384x128xf32, #tpu.memory_space<hbm>>) target(%arg17 : memref<128x128xf32, #tpu.memory_space<vmem>>) offsets(%dma_start3A_43 : memref<128xi32, #tpu.memory_space<vmem>>) semaphore(%arg21 : memref<!tpu.dma_semaphore, #tpu.memory_space<semaphore_mem>>)
      %dma_start3A_47 = arith.constant 0 : i32
      %dma_start3A_48 = tpu.memref_slice %arg14[%scan3A_32, %dma_start3A_47] : memref<8x128xi32, #tpu.memory_space<vmem>> -> memref<1x128xi32, #tpu.memory_space<vmem>>
      %dma_start3A_49 = tpu.memref_squeeze %dma_start3A_48 : memref<1x128xi32, #tpu.memory_space<vmem>> -> memref<128xi32, #tpu.memory_space<vmem>>
      %dma_start3A_50 = arith.constant 0 : i32
      %dma_start3A_51 = arith.constant 0 : i32
      %dma_start3A_52 = tpu.memref_slice %arg4[%dma_start3A_50, %dma_start3A_51] : memref<16384x128xf32, #tpu.memory_space<hbm>> -> memref<16384x128xf32, #tpu.memory_space<hbm>>
      tpu.enqueue_indirect_dma source(%dma_start3A_52 : memref<16384x128xf32, #tpu.memory_space<hbm>>) target(%arg18 : memref<128x128xf32, #tpu.memory_space<vmem>>) offsets(%dma_start3A_49 : memref<128xi32, #tpu.memory_space<vmem>>) semaphore(%arg22 : memref<!tpu.dma_semaphore, #tpu.memory_space<semaphore_mem>>)
      %dma_start3A_53 = arith.constant 0 : i32
      %dma_start3A_54 = tpu.memref_slice %arg15[%scan3A_32, %dma_start3A_53] : memref<8x128xi32, #tpu.memory_space<vmem>> -> memref<1x128xi32, #tpu.memory_space<vmem>>
      %dma_start3A_55 = tpu.memref_squeeze %dma_start3A_54 : memref<1x128xi32, #tpu.memory_space<vmem>> -> memref<128xi32, #tpu.memory_space<vmem>>
      %dma_start3A_56 = arith.constant 0 : i32
      %dma_start3A_57 = arith.constant 0 : i32
      %dma_start3A_58 = tpu.memref_slice %arg5[%dma_start3A_56, %dma_start3A_57] : memref<16384x128xf32, #tpu.memory_space<hbm>> -> memref<16384x128xf32, #tpu.memory_space<hbm>>
      tpu.enqueue_indirect_dma source(%dma_start3A_58 : memref<16384x128xf32, #tpu.memory_space<hbm>>) target(%arg19 : memref<128x128xf32, #tpu.memory_space<vmem>>) offsets(%dma_start3A_55 : memref<128xi32, #tpu.memory_space<vmem>>) semaphore(%arg23 : memref<!tpu.dma_semaphore, #tpu.memory_space<semaphore_mem>>)
      %dma_wait3A = arith.constant 0 : i32
      %dma_wait3A_59 = tpu.memref_slice %arg12[%scan3A_32, %dma_wait3A] : memref<8x128xi32, #tpu.memory_space<vmem>> -> memref<1x128xi32, #tpu.memory_space<vmem>>
      %dma_wait3A_60 = tpu.memref_squeeze %dma_wait3A_59 : memref<1x128xi32, #tpu.memory_space<vmem>> -> memref<128xi32, #tpu.memory_space<vmem>>
      %dma_wait3A_61 = arith.constant 0 : i32
      %dma_wait3A_62 = arith.constant 0 : i32
      %dma_wait3A_63 = tpu.memref_slice %arg2[%dma_wait3A_61, %dma_wait3A_62] : memref<16384x128xf32, #tpu.memory_space<hbm>> -> memref<16384x128xf32, #tpu.memory_space<hbm>>
      tpu.wait_indirect_dma semaphore(%arg20 : memref<!tpu.dma_semaphore, #tpu.memory_space<semaphore_mem>>) src(%dma_wait3A_63 : memref<16384x128xf32, #tpu.memory_space<hbm>>) dst(%arg16 : memref<128x128xf32, #tpu.memory_space<vmem>>)
      %dma_wait3A_64 = arith.constant 0 : i32
      %dma_wait3A_65 = tpu.memref_slice %arg13[%scan3A_32, %dma_wait3A_64] : memref<8x128xi32, #tpu.memory_space<vmem>> -> memref<1x128xi32, #tpu.memory_space<vmem>>
      %dma_wait3A_66 = tpu.memref_squeeze %dma_wait3A_65 : memref<1x128xi32, #tpu.memory_space<vmem>> -> memref<128xi32, #tpu.memory_space<vmem>>
      %dma_wait3A_67 = arith.constant 0 : i32
      %dma_wait3A_68 = arith.constant 0 : i32
      %dma_wait3A_69 = tpu.memref_slice %arg3[%dma_wait3A_67, %dma_wait3A_68] : memref<16384x128xf32, #tpu.memory_space<hbm>> -> memref<16384x128xf32, #tpu.memory_space<hbm>>
      tpu.wait_indirect_dma semaphore(%arg21 : memref<!tpu.dma_semaphore, #tpu.memory_space<semaphore_mem>>) src(%dma_wait3A_69 : memref<16384x128xf32, #tpu.memory_space<hbm>>) dst(%arg17 : memref<128x128xf32, #tpu.memory_space<vmem>>)
      %scan3A_70 = arith.constant 0 : i32
      %scan3A_71 = arith.constant 0 : i32
      %scan3A_72 = arith.constant 128 : i32
      %scan3A_73 = arith.addi %scan3A_71, %scan3A_72 : i32
      %scan3A_74 = arith.constant 1 : i32
      scf.for %scan3A_94 = %scan3A_71 to %scan3A_73 step %scan3A_74  : i32 {
        %get3A = arith.index_cast %scan3A_94 : i32 to index
        %get3A_95 = arith.constant 0 : index
        %get3A_96 = tpu.vector_load %arg16[%get3A, %get3A_95] {strides = array<i32>} : memref<128x128xf32, #tpu.memory_space<vmem>>, vector<1x16xf32>,
        %get3A_97 = vector.shape_cast %get3A_96 : vector<1x16xf32> to vector<16xf32>
        %get3A_98 = arith.index_cast %scan3A_94 : i32 to index
        %get3A_99 = arith.constant 0 : index
        %get3A_100 = tpu.vector_load %arg17[%get3A_98, %get3A_99] {strides = array<i32>} : memref<128x128xf32, #tpu.memory_space<vmem>>, vector<1x16xf32>,
        %get3A_101 = vector.shape_cast %get3A_100 : vector<1x16xf32> to vector<16xf32>
        %add3A_102 = arith.addf %get3A_97, %get3A_101 : vector<16xf32>
        %swap3A = arith.index_cast %scan3A_94 : i32 to index
        %swap3A_103 = arith.constant 0 : index
        %swap3A_104 = tpu.vector_load %arg16[%swap3A, %swap3A_103] {strides = array<i32>} : memref<128x128xf32, #tpu.memory_space<vmem>>, vector<1x16xf32>,
        %swap3A_105 = vector.shape_cast %swap3A_104 : vector<1x16xf32> to vector<16xf32>
        %swap3A_106 = vector.shape_cast %add3A_102 : vector<16xf32> to vector<1x16xf32>
        tpu.vector_store %arg16[%swap3A, %swap3A_103], %swap3A_106 {strides = array<i32>} : memref<128x128xf32, #tpu.memory_space<vmem>>, vector<1x16xf32>,
        %get3A_107 = arith.index_cast %scan3A_94 : i32 to index
        %get3A_108 = arith.constant 16 : index
        %get3A_109 = tpu.vector_load %arg16[%get3A_107, %get3A_108] {strides = array<i32>} : memref<128x128xf32, #tpu.memory_space<vmem>>, vector<1x16xf32>,
        %get3A_110 = vector.shape_cast %get3A_109 : vector<1x16xf32> to vector<16xf32>
        %get3A_111 = arith.index_cast %scan3A_94 : i32 to index
        %get3A_112 = arith.constant 16 : index
        %get3A_113 = tpu.vector_load %arg17[%get3A_111, %get3A_112] {strides = array<i32>} : memref<128x128xf32, #tpu.memory_space<vmem>>, vector<1x16xf32>,
        %get3A_114 = vector.shape_cast %get3A_113 : vector<1x16xf32> to vector<16xf32>
        %add3A_115 = arith.addf %get3A_110, %get3A_114 : vector<16xf32>
        %swap3A_116 = arith.index_cast %scan3A_94 : i32 to index
        %swap3A_117 = arith.constant 16 : index
        %swap3A_118 = tpu.vector_load %arg16[%swap3A_116, %swap3A_117] {strides = array<i32>} : memref<128x128xf32, #tpu.memory_space<vmem>>, vector<1x16xf32>,
        %swap3A_119 = vector.shape_cast %swap3A_118 : vector<1x16xf32> to vector<16xf32>
        %swap3A_120 = vector.shape_cast %add3A_115 : vector<16xf32> to vector<1x16xf32>
        tpu.vector_store %arg16[%swap3A_116, %swap3A_117], %swap3A_120 {strides = array<i32>} : memref<128x128xf32, #tpu.memory_space<vmem>>, vector<1x16xf32>,
        %get3A_121 = arith.index_cast %scan3A_94 : i32 to index
        %get3A_122 = arith.constant 32 : index
        %get3A_123 = tpu.vector_load %arg16[%get3A_121, %get3A_122] {strides = array<i32>} : memref<128x128xf32, #tpu.memory_space<vmem>>, vector<1x16xf32>,
        %get3A_124 = vector.shape_cast %get3A_123 : vector<1x16xf32> to vector<16xf32>
        %get3A_125 = arith.index_cast %scan3A_94 : i32 to index
        %get3A_126 = arith.constant 32 : index
        %get3A_127 = tpu.vector_load %arg17[%get3A_125, %get3A_126] {strides = array<i32>} : memref<128x128xf32, #tpu.memory_space<vmem>>, vector<1x16xf32>,
        %get3A_128 = vector.shape_cast %get3A_127 : vector<1x16xf32> to vector<16xf32>
        %add3A_129 = arith.addf %get3A_124, %get3A_128 : vector<16xf32>
        %swap3A_130 = arith.index_cast %scan3A_94 : i32 to index
        %swap3A_131 = arith.constant 32 : index
        %swap3A_132 = tpu.vector_load %arg16[%swap3A_130, %swap3A_131] {strides = array<i32>} : memref<128x128xf32, #tpu.memory_space<vmem>>, vector<1x16xf32>,
        %swap3A_133 = vector.shape_cast %swap3A_132 : vector<1x16xf32> to vector<16xf32>
        %swap3A_134 = vector.shape_cast %add3A_129 : vector<16xf32> to vector<1x16xf32>
        tpu.vector_store %arg16[%swap3A_130, %swap3A_131], %swap3A_134 {strides = array<i32>} : memref<128x128xf32, #tpu.memory_space<vmem>>, vector<1x16xf32>,
        %get3A_135 = arith.index_cast %scan3A_94 : i32 to index
        %get3A_136 = arith.constant 48 : index
        %get3A_137 = tpu.vector_load %arg16[%get3A_135, %get3A_136] {strides = array<i32>} : memref<128x128xf32, #tpu.memory_space<vmem>>, vector<1x16xf32>,
        %get3A_138 = vector.shape_cast %get3A_137 : vector<1x16xf32> to vector<16xf32>
        %get3A_139 = arith.index_cast %scan3A_94 : i32 to index
        %get3A_140 = arith.constant 48 : index
        %get3A_141 = tpu.vector_load %arg17[%get3A_139, %get3A_140] {strides = array<i32>} : memref<128x128xf32, #tpu.memory_space<vmem>>, vector<1x16xf32>,
        %get3A_142 = vector.shape_cast %get3A_141 : vector<1x16xf32> to vector<16xf32>
        %add3A_143 = arith.addf %get3A_138, %get3A_142 : vector<16xf32>
        %swap3A_144 = arith.index_cast %scan3A_94 : i32 to index
        %swap3A_145 = arith.constant 48 : index
        %swap3A_146 = tpu.vector_load %arg16[%swap3A_144, %swap3A_145] {strides = array<i32>} : memref<128x128xf32, #tpu.memory_space<vmem>>, vector<1x16xf32>,
        %swap3A_147 = vector.shape_cast %swap3A_146 : vector<1x16xf32> to vector<16xf32>
        %swap3A_148 = vector.shape_cast %add3A_143 : vector<16xf32> to vector<1x16xf32>
        tpu.vector_store %arg16[%swap3A_144, %swap3A_145], %swap3A_148 {strides = array<i32>} : memref<128x128xf32, #tpu.memory_space<vmem>>, vector<1x16xf32>,
        %get3A_149 = arith.index_cast %scan3A_94 : i32 to index
        %get3A_150 = arith.constant 64 : index
        %get3A_151 = tpu.vector_load %arg16[%get3A_149, %get3A_150] {strides = array<i32>} : memref<128x128xf32, #tpu.memory_space<vmem>>, vector<1x16xf32>,
        %get3A_152 = vector.shape_cast %get3A_151 : vector<1x16xf32> to vector<16xf32>
        %get3A_153 = arith.index_cast %scan3A_94 : i32 to index
        %get3A_154 = arith.constant 64 : index
        %get3A_155 = tpu.vector_load %arg17[%get3A_153, %get3A_154] {strides = array<i32>} : memref<128x128xf32, #tpu.memory_space<vmem>>, vector<1x16xf32>,
        %get3A_156 = vector.shape_cast %get3A_155 : vector<1x16xf32> to vector<16xf32>
        %add3A_157 = arith.addf %get3A_152, %get3A_156 : vector<16xf32>
        %swap3A_158 = arith.index_cast %scan3A_94 : i32 to index
        %swap3A_159 = arith.constant 64 : index
        %swap3A_160 = tpu.vector_load %arg16[%swap3A_158, %swap3A_159] {strides = array<i32>} : memref<128x128xf32, #tpu.memory_space<vmem>>, vector<1x16xf32>,
        %swap3A_161 = vector.shape_cast %swap3A_160 : vector<1x16xf32> to vector<16xf32>
        %swap3A_162 = vector.shape_cast %add3A_157 : vector<16xf32> to vector<1x16xf32>
        tpu.vector_store %arg16[%swap3A_158, %swap3A_159], %swap3A_162 {strides = array<i32>} : memref<128x128xf32, #tpu.memory_space<vmem>>, vector<1x16xf32>,
        %get3A_163 = arith.index_cast %scan3A_94 : i32 to index
        %get3A_164 = arith.constant 80 : index
        %get3A_165 = tpu.vector_load %arg16[%get3A_163, %get3A_164] {strides = array<i32>} : memref<128x128xf32, #tpu.memory_space<vmem>>, vector<1x16xf32>,
        %get3A_166 = vector.shape_cast %get3A_165 : vector<1x16xf32> to vector<16xf32>
        %get3A_167 = arith.index_cast %scan3A_94 : i32 to index
        %get3A_168 = arith.constant 80 : index
        %get3A_169 = tpu.vector_load %arg17[%get3A_167, %get3A_168] {strides = array<i32>} : memref<128x128xf32, #tpu.memory_space<vmem>>, vector<1x16xf32>,
        %get3A_170 = vector.shape_cast %get3A_169 : vector<1x16xf32> to vector<16xf32>
        %add3A_171 = arith.addf %get3A_166, %get3A_170 : vector<16xf32>
        %swap3A_172 = arith.index_cast %scan3A_94 : i32 to index
        %swap3A_173 = arith.constant 80 : index
        %swap3A_174 = tpu.vector_load %arg16[%swap3A_172, %swap3A_173] {strides = array<i32>} : memref<128x128xf32, #tpu.memory_space<vmem>>, vector<1x16xf32>,
        %swap3A_175 = vector.shape_cast %swap3A_174 : vector<1x16xf32> to vector<16xf32>
        %swap3A_176 = vector.shape_cast %add3A_171 : vector<16xf32> to vector<1x16xf32>
        tpu.vector_store %arg16[%swap3A_172, %swap3A_173], %swap3A_176 {strides = array<i32>} : memref<128x128xf32, #tpu.memory_space<vmem>>, vector<1x16xf32>,
        %get3A_177 = arith.index_cast %scan3A_94 : i32 to index
        %get3A_178 = arith.constant 96 : index
        %get3A_179 = tpu.vector_load %arg16[%get3A_177, %get3A_178] {strides = array<i32>} : memref<128x128xf32, #tpu.memory_space<vmem>>, vector<1x16xf32>,
        %get3A_180 = vector.shape_cast %get3A_179 : vector<1x16xf32> to vector<16xf32>
        %get3A_181 = arith.index_cast %scan3A_94 : i32 to index
        %get3A_182 = arith.constant 96 : index
        %get3A_183 = tpu.vector_load %arg17[%get3A_181, %get3A_182] {strides = array<i32>} : memref<128x128xf32, #tpu.memory_space<vmem>>, vector<1x16xf32>,
        %get3A_184 = vector.shape_cast %get3A_183 : vector<1x16xf32> to vector<16xf32>
        %add3A_185 = arith.addf %get3A_180, %get3A_184 : vector<16xf32>
        %swap3A_186 = arith.index_cast %scan3A_94 : i32 to index
        %swap3A_187 = arith.constant 96 : index
        %swap3A_188 = tpu.vector_load %arg16[%swap3A_186, %swap3A_187] {strides = array<i32>} : memref<128x128xf32, #tpu.memory_space<vmem>>, vector<1x16xf32>,
        %swap3A_189 = vector.shape_cast %swap3A_188 : vector<1x16xf32> to vector<16xf32>
        %swap3A_190 = vector.shape_cast %add3A_185 : vector<16xf32> to vector<1x16xf32>
        tpu.vector_store %arg16[%swap3A_186, %swap3A_187], %swap3A_190 {strides = array<i32>} : memref<128x128xf32, #tpu.memory_space<vmem>>, vector<1x16xf32>,
        %get3A_191 = arith.index_cast %scan3A_94 : i32 to index
        %get3A_192 = arith.constant 112 : index
        %get3A_193 = tpu.vector_load %arg16[%get3A_191, %get3A_192] {strides = array<i32>} : memref<128x128xf32, #tpu.memory_space<vmem>>, vector<1x16xf32>,
        %get3A_194 = vector.shape_cast %get3A_193 : vector<1x16xf32> to vector<16xf32>
        %get3A_195 = arith.index_cast %scan3A_94 : i32 to index
        %get3A_196 = arith.constant 112 : index
        %get3A_197 = tpu.vector_load %arg17[%get3A_195, %get3A_196] {strides = array<i32>} : memref<128x128xf32, #tpu.memory_space<vmem>>, vector<1x16xf32>,
        %get3A_198 = vector.shape_cast %get3A_197 : vector<1x16xf32> to vector<16xf32>
        %add3A_199 = arith.addf %get3A_194, %get3A_198 : vector<16xf32>
        %swap3A_200 = arith.index_cast %scan3A_94 : i32 to index
        %swap3A_201 = arith.constant 112 : index
        %swap3A_202 = tpu.vector_load %arg16[%swap3A_200, %swap3A_201] {strides = array<i32>} : memref<128x128xf32, #tpu.memory_space<vmem>>, vector<1x16xf32>,
        %swap3A_203 = vector.shape_cast %swap3A_202 : vector<1x16xf32> to vector<16xf32>
        %swap3A_204 = vector.shape_cast %add3A_199 : vector<16xf32> to vector<1x16xf32>
        tpu.vector_store %arg16[%swap3A_200, %swap3A_201], %swap3A_204 {strides = array<i32>} : memref<128x128xf32, #tpu.memory_space<vmem>>, vector<1x16xf32>,
      }
      %scan3A_75 = arith.constant 128 : i32
      "tpu.region"() ({
        %run_scoped3A = tpu.sem_alloc : memref<!tpu.dma_semaphore, #tpu.memory_space<semaphore_mem>>
        %dma_start3A_94 = arith.constant 0 : i32
        %dma_start3A_95 = tpu.memref_slice %arg10[%mul3A_35, %dma_start3A_94] : memref<32768x128xf32, #tpu.memory_space<hbm>> -> memref<128x128xf32, #tpu.memory_space<hbm>>
        %dma_start3A_96 = arith.constant 0 : i32
        %dma_start3A_97 = tpu.memref_slice %arg10[%mul3A_35, %dma_start3A_96] : memref<32768x128xf32, #tpu.memory_space<hbm>> -> memref<128x128xf32, #tpu.memory_space<hbm>>
        tpu.enqueue_dma source(%arg16 : memref<128x128xf32, #tpu.memory_space<vmem>>) target(%dma_start3A_97 : memref<128x128xf32, #tpu.memory_space<hbm>>) target_semaphore(%run_scoped3A : memref<!tpu.dma_semaphore, #tpu.memory_space<semaphore_mem>>)
        %dma_wait3A_98 = arith.constant 0 : i32
        %dma_wait3A_99 = tpu.memref_slice %arg10[%mul3A_35, %dma_wait3A_98] : memref<32768x128xf32, #tpu.memory_space<hbm>> -> memref<128x128xf32, #tpu.memory_space<hbm>>
        %dma_wait3A_100 = arith.constant 0 : i32
        %dma_wait3A_101 = tpu.memref_slice %arg10[%mul3A_35, %dma_wait3A_100] : memref<32768x128xf32, #tpu.memory_space<hbm>> -> memref<128x128xf32, #tpu.memory_space<hbm>>
        tpu.wait_dma2 semaphore(%run_scoped3A : memref<!tpu.dma_semaphore, #tpu.memory_space<semaphore_mem>>) src(%arg16 : memref<128x128xf32, #tpu.memory_space<vmem>>) dst(%dma_wait3A_101 : memref<128x128xf32, #tpu.memory_space<hbm>>)
        tpu.yield
      }) : () -> ()
      %dma_wait3A_76 = arith.constant 0 : i32
      %dma_wait3A_77 = tpu.memref_slice %arg14[%scan3A_32, %dma_wait3A_76] : memref<8x128xi32, #tpu.memory_space<vmem>> -> memref<1x128xi32, #tpu.memory_space<vmem>>
      %dma_wait3A_78 = tpu.memref_squeeze %dma_wait3A_77 : memref<1x128xi32, #tpu.memory_space<vmem>> -> memref<128xi32, #tpu.memory_space<vmem>>
      %dma_wait3A_79 = arith.constant 0 : i32
      %dma_wait3A_80 = arith.constant 0 : i32
      %dma_wait3A_81 = tpu.memref_slice %arg4[%dma_wait3A_79, %dma_wait3A_80] : memref<16384x128xf32, #tpu.memory_space<hbm>> -> memref<16384x128xf32, #tpu.memory_space<hbm>>
      tpu.wait_indirect_dma semaphore(%arg22 : memref<!tpu.dma_semaphore, #tpu.memory_space<semaphore_mem>>) src(%dma_wait3A_81 : memref<16384x128xf32, #tpu.memory_space<hbm>>) dst(%arg18 : memref<128x128xf32, #tpu.memory_space<vmem>>)
      %dma_wait3A_82 = arith.constant 0 : i32
      %dma_wait3A_83 = tpu.memref_slice %arg15[%scan3A_32, %dma_wait3A_82] : memref<8x128xi32, #tpu.memory_space<vmem>> -> memref<1x128xi32, #tpu.memory_space<vmem>>
      %dma_wait3A_84 = tpu.memref_squeeze %dma_wait3A_83 : memref<1x128xi32, #tpu.memory_space<vmem>> -> memref<128xi32, #tpu.memory_space<vmem>>
      %dma_wait3A_85 = arith.constant 0 : i32
      %dma_wait3A_86 = arith.constant 0 : i32
      %dma_wait3A_87 = tpu.memref_slice %arg5[%dma_wait3A_85, %dma_wait3A_86] : memref<16384x128xf32, #tpu.memory_space<hbm>> -> memref<16384x128xf32, #tpu.memory_space<hbm>>
      tpu.wait_indirect_dma semaphore(%arg23 : memref<!tpu.dma_semaphore, #tpu.memory_space<semaphore_mem>>) src(%dma_wait3A_87 : memref<16384x128xf32, #tpu.memory_space<hbm>>) dst(%arg19 : memref<128x128xf32, #tpu.memory_space<vmem>>)
      %scan3A_88 = arith.constant 0 : i32
      %scan3A_89 = arith.constant 0 : i32
      %scan3A_90 = arith.constant 128 : i32
      %scan3A_91 = arith.addi %scan3A_89, %scan3A_90 : i32
      %scan3A_92 = arith.constant 1 : i32
      scf.for %scan3A_94 = %scan3A_89 to %scan3A_91 step %scan3A_92  : i32 {
        %get3A = arith.index_cast %scan3A_94 : i32 to index
        %get3A_95 = arith.constant 0 : index
        %get3A_96 = tpu.vector_load %arg18[%get3A, %get3A_95] {strides = array<i32>} : memref<128x128xf32, #tpu.memory_space<vmem>>, vector<1x16xf32>,
        %get3A_97 = vector.shape_cast %get3A_96 : vector<1x16xf32> to vector<16xf32>
        %get3A_98 = arith.index_cast %scan3A_94 : i32 to index
        %get3A_99 = arith.constant 0 : index
        %get3A_100 = tpu.vector_load %arg19[%get3A_98, %get3A_99] {strides = array<i32>} : memref<128x128xf32, #tpu.memory_space<vmem>>, vector<1x16xf32>,
        %get3A_101 = vector.shape_cast %get3A_100 : vector<1x16xf32> to vector<16xf32>
        %add3A_102 = arith.addf %get3A_97, %get3A_101 : vector<16xf32>
        %swap3A = arith.index_cast %scan3A_94 : i32 to index
        %swap3A_103 = arith.constant 0 : index
        %swap3A_104 = tpu.vector_load %arg18[%swap3A, %swap3A_103] {strides = array<i32>} : memref<128x128xf32, #tpu.memory_space<vmem>>, vector<1x16xf32>,
        %swap3A_105 = vector.shape_cast %swap3A_104 : vector<1x16xf32> to vector<16xf32>
        %swap3A_106 = vector.shape_cast %add3A_102 : vector<16xf32> to vector<1x16xf32>
        tpu.vector_store %arg18[%swap3A, %swap3A_103], %swap3A_106 {strides = array<i32>} : memref<128x128xf32, #tpu.memory_space<vmem>>, vector<1x16xf32>,
        %get3A_107 = arith.index_cast %scan3A_94 : i32 to index
        %get3A_108 = arith.constant 16 : index
        %get3A_109 = tpu.vector_load %arg18[%get3A_107, %get3A_108] {strides = array<i32>} : memref<128x128xf32, #tpu.memory_space<vmem>>, vector<1x16xf32>,
        %get3A_110 = vector.shape_cast %get3A_109 : vector<1x16xf32> to vector<16xf32>
        %get3A_111 = arith.index_cast %scan3A_94 : i32 to index
        %get3A_112 = arith.constant 16 : index
        %get3A_113 = tpu.vector_load %arg19[%get3A_111, %get3A_112] {strides = array<i32>} : memref<128x128xf32, #tpu.memory_space<vmem>>, vector<1x16xf32>,
        %get3A_114 = vector.shape_cast %get3A_113 : vector<1x16xf32> to vector<16xf32>
        %add3A_115 = arith.addf %get3A_110, %get3A_114 : vector<16xf32>
        %swap3A_116 = arith.index_cast %scan3A_94 : i32 to index
        %swap3A_117 = arith.constant 16 : index
        %swap3A_118 = tpu.vector_load %arg18[%swap3A_116, %swap3A_117] {strides = array<i32>} : memref<128x128xf32, #tpu.memory_space<vmem>>, vector<1x16xf32>,
        %swap3A_119 = vector.shape_cast %swap3A_118 : vector<1x16xf32> to vector<16xf32>
        %swap3A_120 = vector.shape_cast %add3A_115 : vector<16xf32> to vector<1x16xf32>
        tpu.vector_store %arg18[%swap3A_116, %swap3A_117], %swap3A_120 {strides = array<i32>} : memref<128x128xf32, #tpu.memory_space<vmem>>, vector<1x16xf32>,
        %get3A_121 = arith.index_cast %scan3A_94 : i32 to index
        %get3A_122 = arith.constant 32 : index
        %get3A_123 = tpu.vector_load %arg18[%get3A_121, %get3A_122] {strides = array<i32>} : memref<128x128xf32, #tpu.memory_space<vmem>>, vector<1x16xf32>,
        %get3A_124 = vector.shape_cast %get3A_123 : vector<1x16xf32> to vector<16xf32>
        %get3A_125 = arith.index_cast %scan3A_94 : i32 to index
        %get3A_126 = arith.constant 32 : index
        %get3A_127 = tpu.vector_load %arg19[%get3A_125, %get3A_126] {strides = array<i32>} : memref<128x128xf32, #tpu.memory_space<vmem>>, vector<1x16xf32>,
        %get3A_128 = vector.shape_cast %get3A_127 : vector<1x16xf32> to vector<16xf32>
        %add3A_129 = arith.addf %get3A_124, %get3A_128 : vector<16xf32>
        %swap3A_130 = arith.index_cast %scan3A_94 : i32 to index
        %swap3A_131 = arith.constant 32 : index
        %swap3A_132 = tpu.vector_load %arg18[%swap3A_130, %swap3A_131] {strides = array<i32>} : memref<128x128xf32, #tpu.memory_space<vmem>>, vector<1x16xf32>,
        %swap3A_133 = vector.shape_cast %swap3A_132 : vector<1x16xf32> to vector<16xf32>
        %swap3A_134 = vector.shape_cast %add3A_129 : vector<16xf32> to vector<1x16xf32>
        tpu.vector_store %arg18[%swap3A_130, %swap3A_131], %swap3A_134 {strides = array<i32>} : memref<128x128xf32, #tpu.memory_space<vmem>>, vector<1x16xf32>,
        %get3A_135 = arith.index_cast %scan3A_94 : i32 to index
        %get3A_136 = arith.constant 48 : index
        %get3A_137 = tpu.vector_load %arg18[%get3A_135, %get3A_136] {strides = array<i32>} : memref<128x128xf32, #tpu.memory_space<vmem>>, vector<1x16xf32>,
        %get3A_138 = vector.shape_cast %get3A_137 : vector<1x16xf32> to vector<16xf32>
        %get3A_139 = arith.index_cast %scan3A_94 : i32 to index
        %get3A_140 = arith.constant 48 : index
        %get3A_141 = tpu.vector_load %arg19[%get3A_139, %get3A_140] {strides = array<i32>} : memref<128x128xf32, #tpu.memory_space<vmem>>, vector<1x16xf32>,
        %get3A_142 = vector.shape_cast %get3A_141 : vector<1x16xf32> to vector<16xf32>
        %add3A_143 = arith.addf %get3A_138, %get3A_142 : vector<16xf32>
        %swap3A_144 = arith.index_cast %scan3A_94 : i32 to index
        %swap3A_145 = arith.constant 48 : index
        %swap3A_146 = tpu.vector_load %arg18[%swap3A_144, %swap3A_145] {strides = array<i32>} : memref<128x128xf32, #tpu.memory_space<vmem>>, vector<1x16xf32>,
        %swap3A_147 = vector.shape_cast %swap3A_146 : vector<1x16xf32> to vector<16xf32>
        %swap3A_148 = vector.shape_cast %add3A_143 : vector<16xf32> to vector<1x16xf32>
        tpu.vector_store %arg18[%swap3A_144, %swap3A_145], %swap3A_148 {strides = array<i32>} : memref<128x128xf32, #tpu.memory_space<vmem>>, vector<1x16xf32>,
        %get3A_149 = arith.index_cast %scan3A_94 : i32 to index
        %get3A_150 = arith.constant 64 : index
        %get3A_151 = tpu.vector_load %arg18[%get3A_149, %get3A_150] {strides = array<i32>} : memref<128x128xf32, #tpu.memory_space<vmem>>, vector<1x16xf32>,
        %get3A_152 = vector.shape_cast %get3A_151 : vector<1x16xf32> to vector<16xf32>
        %get3A_153 = arith.index_cast %scan3A_94 : i32 to index
        %get3A_154 = arith.constant 64 : index
        %get3A_155 = tpu.vector_load %arg19[%get3A_153, %get3A_154] {strides = array<i32>} : memref<128x128xf32, #tpu.memory_space<vmem>>, vector<1x16xf32>,
        %get3A_156 = vector.shape_cast %get3A_155 : vector<1x16xf32> to vector<16xf32>
        %add3A_157 = arith.addf %get3A_152, %get3A_156 : vector<16xf32>
        %swap3A_158 = arith.index_cast %scan3A_94 : i32 to index
        %swap3A_159 = arith.constant 64 : index
        %swap3A_160 = tpu.vector_load %arg18[%swap3A_158, %swap3A_159] {strides = array<i32>} : memref<128x128xf32, #tpu.memory_space<vmem>>, vector<1x16xf32>,
        %swap3A_161 = vector.shape_cast %swap3A_160 : vector<1x16xf32> to vector<16xf32>
        %swap3A_162 = vector.shape_cast %add3A_157 : vector<16xf32> to vector<1x16xf32>
        tpu.vector_store %arg18[%swap3A_158, %swap3A_159], %swap3A_162 {strides = array<i32>} : memref<128x128xf32, #tpu.memory_space<vmem>>, vector<1x16xf32>,
        %get3A_163 = arith.index_cast %scan3A_94 : i32 to index
        %get3A_164 = arith.constant 80 : index
        %get3A_165 = tpu.vector_load %arg18[%get3A_163, %get3A_164] {strides = array<i32>} : memref<128x128xf32, #tpu.memory_space<vmem>>, vector<1x16xf32>,
        %get3A_166 = vector.shape_cast %get3A_165 : vector<1x16xf32> to vector<16xf32>
        %get3A_167 = arith.index_cast %scan3A_94 : i32 to index
        %get3A_168 = arith.constant 80 : index
        %get3A_169 = tpu.vector_load %arg19[%get3A_167, %get3A_168] {strides = array<i32>} : memref<128x128xf32, #tpu.memory_space<vmem>>, vector<1x16xf32>,
        %get3A_170 = vector.shape_cast %get3A_169 : vector<1x16xf32> to vector<16xf32>
        %add3A_171 = arith.addf %get3A_166, %get3A_170 : vector<16xf32>
        %swap3A_172 = arith.index_cast %scan3A_94 : i32 to index
        %swap3A_173 = arith.constant 80 : index
        %swap3A_174 = tpu.vector_load %arg18[%swap3A_172, %swap3A_173] {strides = array<i32>} : memref<128x128xf32, #tpu.memory_space<vmem>>, vector<1x16xf32>,
        %swap3A_175 = vector.shape_cast %swap3A_174 : vector<1x16xf32> to vector<16xf32>
        %swap3A_176 = vector.shape_cast %add3A_171 : vector<16xf32> to vector<1x16xf32>
        tpu.vector_store %arg18[%swap3A_172, %swap3A_173], %swap3A_176 {strides = array<i32>} : memref<128x128xf32, #tpu.memory_space<vmem>>, vector<1x16xf32>,
        %get3A_177 = arith.index_cast %scan3A_94 : i32 to index
        %get3A_178 = arith.constant 96 : index
        %get3A_179 = tpu.vector_load %arg18[%get3A_177, %get3A_178] {strides = array<i32>} : memref<128x128xf32, #tpu.memory_space<vmem>>, vector<1x16xf32>,
        %get3A_180 = vector.shape_cast %get3A_179 : vector<1x16xf32> to vector<16xf32>
        %get3A_181 = arith.index_cast %scan3A_94 : i32 to index
        %get3A_182 = arith.constant 96 : index
        %get3A_183 = tpu.vector_load %arg19[%get3A_181, %get3A_182] {strides = array<i32>} : memref<128x128xf32, #tpu.memory_space<vmem>>, vector<1x16xf32>,
        %get3A_184 = vector.shape_cast %get3A_183 : vector<1x16xf32> to vector<16xf32>
        %add3A_185 = arith.addf %get3A_180, %get3A_184 : vector<16xf32>
        %swap3A_186 = arith.index_cast %scan3A_94 : i32 to index
        %swap3A_187 = arith.constant 96 : index
        %swap3A_188 = tpu.vector_load %arg18[%swap3A_186, %swap3A_187] {strides = array<i32>} : memref<128x128xf32, #tpu.memory_space<vmem>>, vector<1x16xf32>,
        %swap3A_189 = vector.shape_cast %swap3A_188 : vector<1x16xf32> to vector<16xf32>
        %swap3A_190 = vector.shape_cast %add3A_185 : vector<16xf32> to vector<1x16xf32>
        tpu.vector_store %arg18[%swap3A_186, %swap3A_187], %swap3A_190 {strides = array<i32>} : memref<128x128xf32, #tpu.memory_space<vmem>>, vector<1x16xf32>,
        %get3A_191 = arith.index_cast %scan3A_94 : i32 to index
        %get3A_192 = arith.constant 112 : index
        %get3A_193 = tpu.vector_load %arg18[%get3A_191, %get3A_192] {strides = array<i32>} : memref<128x128xf32, #tpu.memory_space<vmem>>, vector<1x16xf32>,
        %get3A_194 = vector.shape_cast %get3A_193 : vector<1x16xf32> to vector<16xf32>
        %get3A_195 = arith.index_cast %scan3A_94 : i32 to index
        %get3A_196 = arith.constant 112 : index
        %get3A_197 = tpu.vector_load %arg19[%get3A_195, %get3A_196] {strides = array<i32>} : memref<128x128xf32, #tpu.memory_space<vmem>>, vector<1x16xf32>,
        %get3A_198 = vector.shape_cast %get3A_197 : vector<1x16xf32> to vector<16xf32>
        %add3A_199 = arith.addf %get3A_194, %get3A_198 : vector<16xf32>
        %swap3A_200 = arith.index_cast %scan3A_94 : i32 to index
        %swap3A_201 = arith.constant 112 : index
        %swap3A_202 = tpu.vector_load %arg18[%swap3A_200, %swap3A_201] {strides = array<i32>} : memref<128x128xf32, #tpu.memory_space<vmem>>, vector<1x16xf32>,
        %swap3A_203 = vector.shape_cast %swap3A_202 : vector<1x16xf32> to vector<16xf32>
        %swap3A_204 = vector.shape_cast %add3A_199 : vector<16xf32> to vector<1x16xf32>
        tpu.vector_store %arg18[%swap3A_200, %swap3A_201], %swap3A_204 {strides = array<i32>} : memref<128x128xf32, #tpu.memory_space<vmem>>, vector<1x16xf32>,
      }
      %scan3A_93 = arith.constant 128 : i32
      "tpu.region"() ({
        %run_scoped3A = tpu.sem_alloc : memref<!tpu.dma_semaphore, #tpu.memory_space<semaphore_mem>>
        %dma_start3A_94 = arith.constant 0 : i32
        %dma_start3A_95 = tpu.memref_slice %arg11[%mul3A_35, %dma_start3A_94] : memref<32768x128xf32, #tpu.memory_space<hbm>> -> memref<128x128xf32, #tpu.memory_space<hbm>>
        %dma_start3A_96 = arith.constant 0 : i32
        %dma_start3A_97 = tpu.memref_slice %arg11[%mul3A_35, %dma_start3A_96] : memref<32768x128xf32, #tpu.memory_space<hbm>> -> memref<128x128xf32, #tpu.memory_space<hbm>>
        tpu.enqueue_dma source(%arg18 : memref<128x128xf32, #tpu.memory_space<vmem>>) target(%dma_start3A_97 : memref<128x128xf32, #tpu.memory_space<hbm>>) target_semaphore(%run_scoped3A : memref<!tpu.dma_semaphore, #tpu.memory_space<semaphore_mem>>)
        %dma_wait3A_98 = arith.constant 0 : i32
        %dma_wait3A_99 = tpu.memref_slice %arg11[%mul3A_35, %dma_wait3A_98] : memref<32768x128xf32, #tpu.memory_space<hbm>> -> memref<128x128xf32, #tpu.memory_space<hbm>>
        %dma_wait3A_100 = arith.constant 0 : i32
        %dma_wait3A_101 = tpu.memref_slice %arg11[%mul3A_35, %dma_wait3A_100] : memref<32768x128xf32, #tpu.memory_space<hbm>> -> memref<128x128xf32, #tpu.memory_space<hbm>>
        tpu.wait_dma2 semaphore(%run_scoped3A : memref<!tpu.dma_semaphore, #tpu.memory_space<semaphore_mem>>) src(%arg18 : memref<128x128xf32, #tpu.memory_space<vmem>>) dst(%dma_wait3A_101 : memref<128x128xf32, #tpu.memory_space<hbm>>)
        tpu.yield
      }) : () -> ()
    }
    %scan3A_31 = arith.constant 8 : i32
    return
  }
}

#map = affine_map<(d0, d1) -> (0, 0)>
module attributes {stable_mosaic.version = 14 : i64} {
  func.func @_sc_body(%arg0: i32, %arg1: i32, %arg2: memref<16384x128xf32, #tpu.memory_space<hbm>>, %arg3: memref<16384x128xf32, #tpu.memory_space<hbm>>, %arg4: memref<16384x128xf32, #tpu.memory_space<hbm>>, %arg5: memref<16384x128xf32, #tpu.memory_space<hbm>>, %arg6: memref<1024x128xi32, #tpu.memory_space<hbm>>, %arg7: memref<1024x128xi32, #tpu.memory_space<hbm>>, %arg8: memref<1024x128xi32, #tpu.memory_space<hbm>>, %arg9: memref<1024x128xi32, #tpu.memory_space<hbm>>, %arg10: memref<32768x128xf32, #tpu.memory_space<hbm>>, %arg11: memref<32768x128xf32, #tpu.memory_space<hbm>>, %arg12: memref<8x128xi32, #tpu.memory_space<vmem>>, %arg13: memref<8x128xi32, #tpu.memory_space<vmem>>, %arg14: memref<8x128xi32, #tpu.memory_space<vmem>>, %arg15: memref<8x128xi32, #tpu.memory_space<vmem>>, %arg16: memref<128x128xf32, #tpu.memory_space<vmem>>, %arg17: memref<128x128xf32, #tpu.memory_space<vmem>>, %arg18: memref<128x128xf32, #tpu.memory_space<vmem>>, %arg19: memref<128x128xf32, #tpu.memory_space<vmem>>, %arg20: memref<!tpu.dma_semaphore, #tpu.memory_space<semaphore_mem>>, %arg21: memref<!tpu.dma_semaphore, #tpu.memory_space<semaphore_mem>>, %arg22: memref<!tpu.dma_semaphore, #tpu.memory_space<semaphore_mem>>, %arg23: memref<!tpu.dma_semaphore, #tpu.memory_space<semaphore_mem>>) attributes {dimension_semantics = [#tpu.dimension_semantics<core_parallel>, #tpu.dimension_semantics<subcore_parallel>], iteration_bounds = array<i64: 2, 16>, scalar_prefetch = 0 : i64, scratch_operands = 12 : i64, tpu.core_type = #tpu.core_type<sc_vector_subcore>, window_params = [{transform_indices = #map}, {transform_indices = #map}, {transform_indices = #map}, {transform_indices = #map}, {transform_indices = #map}, {transform_indices = #map}, {transform_indices = #map}, {transform_indices = #map}, {transform_indices = #map}, {transform_indices = #map}]} {
    %mul3A = arith.constant 2 : i32
    %mul3A_0 = arith.muli %arg1, %mul3A : i32
    %add3A = arith.addi %mul3A_0, %arg0 : i32
    %mul3A_1 = arith.constant 8 : i32
    %mul3A_2 = arith.muli %add3A, %mul3A_1 : i32
    %add3A_3 = arith.constant 0 : i32
    %add3A_4 = arith.addi %add3A_3, %mul3A_2 : i32
    %jit3A = arith.constant 64 : i32
    %div3A = arith.divsi %add3A_4, %jit3A : i32
    %sign3A = arith.constant 0 : i32
    %sign3A_5 = arith.cmpi sgt, %add3A_4, %sign3A : i32
    %sign3A_6 = arith.extui %sign3A_5 : i1 to i32
    %sign3A_7 = arith.constant 0 : i32
    %sign3A_8 = arith.cmpi slt, %add3A_4, %sign3A_7 : i32
    %sign3A_9 = arith.extui %sign3A_8 : i1 to i32
    %sign3A_10 = arith.subi %sign3A_6, %sign3A_9 : i32
    %sign3A_11 = arith.constant 0 : i32
    %sign3A_12 = arith.cmpi sgt, %jit3A, %sign3A_11 : i32
    %sign3A_13 = arith.extui %sign3A_12 : i1 to i32
    %sign3A_14 = arith.constant 0 : i32
    %sign3A_15 = arith.cmpi slt, %jit3A, %sign3A_14 : i32
    %sign3A_16 = arith.extui %sign3A_15 : i1 to i32
    %sign3A_17 = arith.subi %sign3A_13, %sign3A_16 : i32
    %ne3A = arith.cmpi ne, %sign3A_10, %sign3A_17 : i32
    %rem3A = arith.remsi %add3A_4, %jit3A : i32
    %ne3A_18 = arith.constant 0 : i32
    %ne3A_19 = arith.cmpi ne, %rem3A, %ne3A_18 : i32
    %and3A = arith.andi %ne3A, %ne3A_19 : i1
    %sub3A = arith.constant 1 : i32
    %sub3A_20 = arith.subi %div3A, %sub3A : i32
    %select_n3A = arith.select %and3A, %sub3A_20, %div3A : i32
    "tpu.region"() ({
      %run_scoped3A = tpu.sem_alloc : memref<!tpu.dma_semaphore, #tpu.memory_space<semaphore_mem>>
      %dma_start3A = arith.constant 0 : i32
      %dma_start3A_32 = tpu.memref_slice %arg6[%add3A_4, %dma_start3A] : memref<1024x128xi32, #tpu.memory_space<hbm>> -> memref<8x128xi32, #tpu.memory_space<hbm>>
      %dma_start3A_33 = arith.constant 0 : i32
      %dma_start3A_34 = tpu.memref_slice %arg6[%add3A_4, %dma_start3A_33] : memref<1024x128xi32, #tpu.memory_space<hbm>> -> memref<8x128xi32, #tpu.memory_space<hbm>>
      tpu.enqueue_dma source(%dma_start3A_34 : memref<8x128xi32, #tpu.memory_space<hbm>>) target(%arg12 : memref<8x128xi32, #tpu.memory_space<vmem>>) target_semaphore(%run_scoped3A : memref<!tpu.dma_semaphore, #tpu.memory_space<semaphore_mem>>)
      %dma_wait3A = arith.constant 0 : i32
      %dma_wait3A_35 = tpu.memref_slice %arg6[%add3A_4, %dma_wait3A] : memref<1024x128xi32, #tpu.memory_space<hbm>> -> memref<8x128xi32, #tpu.memory_space<hbm>>
      %dma_wait3A_36 = arith.constant 0 : i32
      %dma_wait3A_37 = tpu.memref_slice %arg6[%add3A_4, %dma_wait3A_36] : memref<1024x128xi32, #tpu.memory_space<hbm>> -> memref<8x128xi32, #tpu.memory_space<hbm>>
      tpu.wait_dma2 semaphore(%run_scoped3A : memref<!tpu.dma_semaphore, #tpu.memory_space<semaphore_mem>>) src(%dma_wait3A_37 : memref<8x128xi32, #tpu.memory_space<hbm>>) dst(%arg12 : memref<8x128xi32, #tpu.memory_space<vmem>>)
      tpu.yield
    }) : () -> ()
    "tpu.region"() ({
      %run_scoped3A = tpu.sem_alloc : memref<!tpu.dma_semaphore, #tpu.memory_space<semaphore_mem>>
      %dma_start3A = arith.constant 0 : i32
      %dma_start3A_32 = tpu.memref_slice %arg7[%add3A_4, %dma_start3A] : memref<1024x128xi32, #tpu.memory_space<hbm>> -> memref<8x128xi32, #tpu.memory_space<hbm>>
      %dma_start3A_33 = arith.constant 0 : i32
      %dma_start3A_34 = tpu.memref_slice %arg7[%add3A_4, %dma_start3A_33] : memref<1024x128xi32, #tpu.memory_space<hbm>> -> memref<8x128xi32, #tpu.memory_space<hbm>>
      tpu.enqueue_dma source(%dma_start3A_34 : memref<8x128xi32, #tpu.memory_space<hbm>>) target(%arg13 : memref<8x128xi32, #tpu.memory_space<vmem>>) target_semaphore(%run_scoped3A : memref<!tpu.dma_semaphore, #tpu.memory_space<semaphore_mem>>)
      %dma_wait3A = arith.constant 0 : i32
      %dma_wait3A_35 = tpu.memref_slice %arg7[%add3A_4, %dma_wait3A] : memref<1024x128xi32, #tpu.memory_space<hbm>> -> memref<8x128xi32, #tpu.memory_space<hbm>>
      %dma_wait3A_36 = arith.constant 0 : i32
      %dma_wait3A_37 = tpu.memref_slice %arg7[%add3A_4, %dma_wait3A_36] : memref<1024x128xi32, #tpu.memory_space<hbm>> -> memref<8x128xi32, #tpu.memory_space<hbm>>
      tpu.wait_dma2 semaphore(%run_scoped3A : memref<!tpu.dma_semaphore, #tpu.memory_space<semaphore_mem>>) src(%dma_wait3A_37 : memref<8x128xi32, #tpu.memory_space<hbm>>) dst(%arg13 : memref<8x128xi32, #tpu.memory_space<vmem>>)
      tpu.yield
    }) : () -> ()
    "tpu.region"() ({
      %run_scoped3A = tpu.sem_alloc : memref<!tpu.dma_semaphore, #tpu.memory_space<semaphore_mem>>
      %dma_start3A = arith.constant 0 : i32
      %dma_start3A_32 = tpu.memref_slice %arg8[%add3A_4, %dma_start3A] : memref<1024x128xi32, #tpu.memory_space<hbm>> -> memref<8x128xi32, #tpu.memory_space<hbm>>
      %dma_start3A_33 = arith.constant 0 : i32
      %dma_start3A_34 = tpu.memref_slice %arg8[%add3A_4, %dma_start3A_33] : memref<1024x128xi32, #tpu.memory_space<hbm>> -> memref<8x128xi32, #tpu.memory_space<hbm>>
      tpu.enqueue_dma source(%dma_start3A_34 : memref<8x128xi32, #tpu.memory_space<hbm>>) target(%arg14 : memref<8x128xi32, #tpu.memory_space<vmem>>) target_semaphore(%run_scoped3A : memref<!tpu.dma_semaphore, #tpu.memory_space<semaphore_mem>>)
      %dma_wait3A = arith.constant 0 : i32
      %dma_wait3A_35 = tpu.memref_slice %arg8[%add3A_4, %dma_wait3A] : memref<1024x128xi32, #tpu.memory_space<hbm>> -> memref<8x128xi32, #tpu.memory_space<hbm>>
      %dma_wait3A_36 = arith.constant 0 : i32
      %dma_wait3A_37 = tpu.memref_slice %arg8[%add3A_4, %dma_wait3A_36] : memref<1024x128xi32, #tpu.memory_space<hbm>> -> memref<8x128xi32, #tpu.memory_space<hbm>>
      tpu.wait_dma2 semaphore(%run_scoped3A : memref<!tpu.dma_semaphore, #tpu.memory_space<semaphore_mem>>) src(%dma_wait3A_37 : memref<8x128xi32, #tpu.memory_space<hbm>>) dst(%arg14 : memref<8x128xi32, #tpu.memory_space<vmem>>)
      tpu.yield
    }) : () -> ()
    "tpu.region"() ({
      %run_scoped3A = tpu.sem_alloc : memref<!tpu.dma_semaphore, #tpu.memory_space<semaphore_mem>>
      %dma_start3A = arith.constant 0 : i32
      %dma_start3A_32 = tpu.memref_slice %arg9[%add3A_4, %dma_start3A] : memref<1024x128xi32, #tpu.memory_space<hbm>> -> memref<8x128xi32, #tpu.memory_space<hbm>>
      %dma_start3A_33 = arith.constant 0 : i32
      %dma_start3A_34 = tpu.memref_slice %arg9[%add3A_4, %dma_start3A_33] : memref<1024x128xi32, #tpu.memory_space<hbm>> -> memref<8x128xi32, #tpu.memory_space<hbm>>
      tpu.enqueue_dma source(%dma_start3A_34 : memref<8x128xi32, #tpu.memory_space<hbm>>) target(%arg15 : memref<8x128xi32, #tpu.memory_space<vmem>>) target_semaphore(%run_scoped3A : memref<!tpu.dma_semaphore, #tpu.memory_space<semaphore_mem>>)
      %dma_wait3A = arith.constant 0 : i32
      %dma_wait3A_35 = tpu.memref_slice %arg9[%add3A_4, %dma_wait3A] : memref<1024x128xi32, #tpu.memory_space<hbm>> -> memref<8x128xi32, #tpu.memory_space<hbm>>
      %dma_wait3A_36 = arith.constant 0 : i32
      %dma_wait3A_37 = tpu.memref_slice %arg9[%add3A_4, %dma_wait3A_36] : memref<1024x128xi32, #tpu.memory_space<hbm>> -> memref<8x128xi32, #tpu.memory_space<hbm>>
      tpu.wait_dma2 semaphore(%run_scoped3A : memref<!tpu.dma_semaphore, #tpu.memory_space<semaphore_mem>>) src(%dma_wait3A_37 : memref<8x128xi32, #tpu.memory_space<hbm>>) dst(%arg15 : memref<8x128xi32, #tpu.memory_space<vmem>>)
      tpu.yield
    }) : () -> ()
    %scan3A = arith.constant 0 : i32
    %scan3A_21 = arith.constant 0 : i32
    %scan3A_22 = arith.constant 8 : i32
    %scan3A_23 = arith.addi %scan3A_21, %scan3A_22 : i32
    %scan3A_24 = arith.constant 1 : i32
    scf.for %scan3A_32 = %scan3A_21 to %scan3A_23 step %scan3A_24  : i32 {
      %add3A_33 = arith.addi %add3A_4, %scan3A_32 : i32
      %jit3A_34 = arith.constant 4 : i32
      %div3A_35 = arith.divsi %add3A_33, %jit3A_34 : i32
      %sign3A_36 = arith.constant 0 : i32
      %sign3A_37 = arith.cmpi sgt, %add3A_33, %sign3A_36 : i32
      %sign3A_38 = arith.extui %sign3A_37 : i1 to i32
      %sign3A_39 = arith.constant 0 : i32
      %sign3A_40 = arith.cmpi slt, %add3A_33, %sign3A_39 : i32
      %sign3A_41 = arith.extui %sign3A_40 : i1 to i32
      %sign3A_42 = arith.subi %sign3A_38, %sign3A_41 : i32
      %sign3A_43 = arith.constant 0 : i32
      %sign3A_44 = arith.cmpi sgt, %jit3A_34, %sign3A_43 : i32
      %sign3A_45 = arith.extui %sign3A_44 : i1 to i32
      %sign3A_46 = arith.constant 0 : i32
      %sign3A_47 = arith.cmpi slt, %jit3A_34, %sign3A_46 : i32
      %sign3A_48 = arith.extui %sign3A_47 : i1 to i32
      %sign3A_49 = arith.subi %sign3A_45, %sign3A_48 : i32
      %ne3A_50 = arith.cmpi ne, %sign3A_42, %sign3A_49 : i32
      %rem3A_51 = arith.remsi %add3A_33, %jit3A_34 : i32
      %ne3A_52 = arith.constant 0 : i32
      %ne3A_53 = arith.cmpi ne, %rem3A_51, %ne3A_52 : i32
      %and3A_54 = arith.andi %ne3A_50, %ne3A_53 : i1
      %sub3A_55 = arith.constant 1 : i32
      %sub3A_56 = arith.subi %div3A_35, %sub3A_55 : i32
      %select_n3A_57 = arith.select %and3A_54, %sub3A_56, %div3A_35 : i32
      %mul3A_58 = arith.constant 1024 : i32
      %mul3A_59 = arith.muli %select_n3A, %mul3A_58 : i32
      %mul3A_60 = arith.constant 64 : i32
      %mul3A_61 = arith.muli %select_n3A_57, %mul3A_60 : i32
      %get3A = arith.index_cast %scan3A_32 : i32 to index
      %get3A_62 = arith.constant 0 : index
      %get3A_63 = tpu.vector_load %arg12[%get3A, %get3A_62] {strides = array<i32>} : memref<8x128xi32, #tpu.memory_space<vmem>>, vector<1x16xi32>,
      %get3A_64 = vector.shape_cast %get3A_63 : vector<1x16xi32> to vector<16xi32>
      %add3A_65 = vector.broadcast %mul3A_59 : i32 to vector<16xi32>
      %add3A_66 = arith.addi %get3A_64, %add3A_65 : vector<16xi32>
      %swap3A = arith.index_cast %scan3A_32 : i32 to index
      %swap3A_67 = arith.constant 0 : index
      %swap3A_68 = tpu.vector_load %arg12[%swap3A, %swap3A_67] {strides = array<i32>} : memref<8x128xi32, #tpu.memory_space<vmem>>, vector<1x16xi32>,
      %swap3A_69 = vector.shape_cast %swap3A_68 : vector<1x16xi32> to vector<16xi32>
      %swap3A_70 = vector.shape_cast %add3A_66 : vector<16xi32> to vector<1x16xi32>
      tpu.vector_store %arg12[%swap3A, %swap3A_67], %swap3A_70 {strides = array<i32>} : memref<8x128xi32, #tpu.memory_space<vmem>>, vector<1x16xi32>,
      %get3A_71 = arith.index_cast %scan3A_32 : i32 to index
      %get3A_72 = arith.constant 0 : index
      %get3A_73 = tpu.vector_load %arg13[%get3A_71, %get3A_72] {strides = array<i32>} : memref<8x128xi32, #tpu.memory_space<vmem>>, vector<1x16xi32>,
      %get3A_74 = vector.shape_cast %get3A_73 : vector<1x16xi32> to vector<16xi32>
      %add3A_75 = vector.broadcast %mul3A_59 : i32 to vector<16xi32>
      %add3A_76 = arith.addi %get3A_74, %add3A_75 : vector<16xi32>
      %swap3A_77 = arith.index_cast %scan3A_32 : i32 to index
      %swap3A_78 = arith.constant 0 : index
      %swap3A_79 = tpu.vector_load %arg13[%swap3A_77, %swap3A_78] {strides = array<i32>} : memref<8x128xi32, #tpu.memory_space<vmem>>, vector<1x16xi32>,
      %swap3A_80 = vector.shape_cast %swap3A_79 : vector<1x16xi32> to vector<16xi32>
      %swap3A_81 = vector.shape_cast %add3A_76 : vector<16xi32> to vector<1x16xi32>
      tpu.vector_store %arg13[%swap3A_77, %swap3A_78], %swap3A_81 {strides = array<i32>} : memref<8x128xi32, #tpu.memory_space<vmem>>, vector<1x16xi32>,
      %get3A_82 = arith.index_cast %scan3A_32 : i32 to index
      %get3A_83 = arith.constant 0 : index
      %get3A_84 = tpu.vector_load %arg14[%get3A_82, %get3A_83] {strides = array<i32>} : memref<8x128xi32, #tpu.memory_space<vmem>>, vector<1x16xi32>,
      %get3A_85 = vector.shape_cast %get3A_84 : vector<1x16xi32> to vector<16xi32>
      %add3A_86 = vector.broadcast %mul3A_61 : i32 to vector<16xi32>
      %add3A_87 = arith.addi %get3A_85, %add3A_86 : vector<16xi32>
      %swap3A_88 = arith.index_cast %scan3A_32 : i32 to index
      %swap3A_89 = arith.constant 0 : index
      %swap3A_90 = tpu.vector_load %arg14[%swap3A_88, %swap3A_89] {strides = array<i32>} : memref<8x128xi32, #tpu.memory_space<vmem>>, vector<1x16xi32>,
      %swap3A_91 = vector.shape_cast %swap3A_90 : vector<1x16xi32> to vector<16xi32>
      %swap3A_92 = vector.shape_cast %add3A_87 : vector<16xi32> to vector<1x16xi32>
      tpu.vector_store %arg14[%swap3A_88, %swap3A_89], %swap3A_92 {strides = array<i32>} : memref<8x128xi32, #tpu.memory_space<vmem>>, vector<1x16xi32>,
      %get3A_93 = arith.index_cast %scan3A_32 : i32 to index
      %get3A_94 = arith.constant 0 : index
      %get3A_95 = tpu.vector_load %arg15[%get3A_93, %get3A_94] {strides = array<i32>} : memref<8x128xi32, #tpu.memory_space<vmem>>, vector<1x16xi32>,
      %get3A_96 = vector.shape_cast %get3A_95 : vector<1x16xi32> to vector<16xi32>
      %add3A_97 = vector.broadcast %mul3A_61 : i32 to vector<16xi32>
      %add3A_98 = arith.addi %get3A_96, %add3A_97 : vector<16xi32>
      %swap3A_99 = arith.index_cast %scan3A_32 : i32 to index
      %swap3A_100 = arith.constant 0 : index
      %swap3A_101 = tpu.vector_load %arg15[%swap3A_99, %swap3A_100] {strides = array<i32>} : memref<8x128xi32, #tpu.memory_space<vmem>>, vector<1x16xi32>,
      %swap3A_102 = vector.shape_cast %swap3A_101 : vector<1x16xi32> to vector<16xi32>
      %swap3A_103 = vector.shape_cast %add3A_98 : vector<16xi32> to vector<1x16xi32>
      tpu.vector_store %arg15[%swap3A_99, %swap3A_100], %swap3A_103 {strides = array<i32>} : memref<8x128xi32, #tpu.memory_space<vmem>>, vector<1x16xi32>,
      %get3A_104 = arith.index_cast %scan3A_32 : i32 to index
      %get3A_105 = arith.constant 16 : index
      %get3A_106 = tpu.vector_load %arg12[%get3A_104, %get3A_105] {strides = array<i32>} : memref<8x128xi32, #tpu.memory_space<vmem>>, vector<1x16xi32>,
      %get3A_107 = vector.shape_cast %get3A_106 : vector<1x16xi32> to vector<16xi32>
      %add3A_108 = vector.broadcast %mul3A_59 : i32 to vector<16xi32>
      %add3A_109 = arith.addi %get3A_107, %add3A_108 : vector<16xi32>
      %swap3A_110 = arith.index_cast %scan3A_32 : i32 to index
      %swap3A_111 = arith.constant 16 : index
      %swap3A_112 = tpu.vector_load %arg12[%swap3A_110, %swap3A_111] {strides = array<i32>} : memref<8x128xi32, #tpu.memory_space<vmem>>, vector<1x16xi32>,
      %swap3A_113 = vector.shape_cast %swap3A_112 : vector<1x16xi32> to vector<16xi32>
      %swap3A_114 = vector.shape_cast %add3A_109 : vector<16xi32> to vector<1x16xi32>
      tpu.vector_store %arg12[%swap3A_110, %swap3A_111], %swap3A_114 {strides = array<i32>} : memref<8x128xi32, #tpu.memory_space<vmem>>, vector<1x16xi32>,
      %get3A_115 = arith.index_cast %scan3A_32 : i32 to index
      %get3A_116 = arith.constant 16 : index
      %get3A_117 = tpu.vector_load %arg13[%get3A_115, %get3A_116] {strides = array<i32>} : memref<8x128xi32, #tpu.memory_space<vmem>>, vector<1x16xi32>,
      %get3A_118 = vector.shape_cast %get3A_117 : vector<1x16xi32> to vector<16xi32>
      %add3A_119 = vector.broadcast %mul3A_59 : i32 to vector<16xi32>
      %add3A_120 = arith.addi %get3A_118, %add3A_119 : vector<16xi32>
      %swap3A_121 = arith.index_cast %scan3A_32 : i32 to index
      %swap3A_122 = arith.constant 16 : index
      %swap3A_123 = tpu.vector_load %arg13[%swap3A_121, %swap3A_122] {strides = array<i32>} : memref<8x128xi32, #tpu.memory_space<vmem>>, vector<1x16xi32>,
      %swap3A_124 = vector.shape_cast %swap3A_123 : vector<1x16xi32> to vector<16xi32>
      %swap3A_125 = vector.shape_cast %add3A_120 : vector<16xi32> to vector<1x16xi32>
      tpu.vector_store %arg13[%swap3A_121, %swap3A_122], %swap3A_125 {strides = array<i32>} : memref<8x128xi32, #tpu.memory_space<vmem>>, vector<1x16xi32>,
      %get3A_126 = arith.index_cast %scan3A_32 : i32 to index
      %get3A_127 = arith.constant 16 : index
      %get3A_128 = tpu.vector_load %arg14[%get3A_126, %get3A_127] {strides = array<i32>} : memref<8x128xi32, #tpu.memory_space<vmem>>, vector<1x16xi32>,
      %get3A_129 = vector.shape_cast %get3A_128 : vector<1x16xi32> to vector<16xi32>
      %add3A_130 = vector.broadcast %mul3A_61 : i32 to vector<16xi32>
      %add3A_131 = arith.addi %get3A_129, %add3A_130 : vector<16xi32>
      %swap3A_132 = arith.index_cast %scan3A_32 : i32 to index
      %swap3A_133 = arith.constant 16 : index
      %swap3A_134 = tpu.vector_load %arg14[%swap3A_132, %swap3A_133] {strides = array<i32>} : memref<8x128xi32, #tpu.memory_space<vmem>>, vector<1x16xi32>,
      %swap3A_135 = vector.shape_cast %swap3A_134 : vector<1x16xi32> to vector<16xi32>
      %swap3A_136 = vector.shape_cast %add3A_131 : vector<16xi32> to vector<1x16xi32>
      tpu.vector_store %arg14[%swap3A_132, %swap3A_133], %swap3A_136 {strides = array<i32>} : memref<8x128xi32, #tpu.memory_space<vmem>>, vector<1x16xi32>,
      %get3A_137 = arith.index_cast %scan3A_32 : i32 to index
      %get3A_138 = arith.constant 16 : index
      %get3A_139 = tpu.vector_load %arg15[%get3A_137, %get3A_138] {strides = array<i32>} : memref<8x128xi32, #tpu.memory_space<vmem>>, vector<1x16xi32>,
      %get3A_140 = vector.shape_cast %get3A_139 : vector<1x16xi32> to vector<16xi32>
      %add3A_141 = vector.broadcast %mul3A_61 : i32 to vector<16xi32>
      %add3A_142 = arith.addi %get3A_140, %add3A_141 : vector<16xi32>
      %swap3A_143 = arith.index_cast %scan3A_32 : i32 to index
      %swap3A_144 = arith.constant 16 : index
      %swap3A_145 = tpu.vector_load %arg15[%swap3A_143, %swap3A_144] {strides = array<i32>} : memref<8x128xi32, #tpu.memory_space<vmem>>, vector<1x16xi32>,
      %swap3A_146 = vector.shape_cast %swap3A_145 : vector<1x16xi32> to vector<16xi32>
      %swap3A_147 = vector.shape_cast %add3A_142 : vector<16xi32> to vector<1x16xi32>
      tpu.vector_store %arg15[%swap3A_143, %swap3A_144], %swap3A_147 {strides = array<i32>} : memref<8x128xi32, #tpu.memory_space<vmem>>, vector<1x16xi32>,
      %get3A_148 = arith.index_cast %scan3A_32 : i32 to index
      %get3A_149 = arith.constant 32 : index
      %get3A_150 = tpu.vector_load %arg12[%get3A_148, %get3A_149] {strides = array<i32>} : memref<8x128xi32, #tpu.memory_space<vmem>>, vector<1x16xi32>,
      %get3A_151 = vector.shape_cast %get3A_150 : vector<1x16xi32> to vector<16xi32>
      %add3A_152 = vector.broadcast %mul3A_59 : i32 to vector<16xi32>
      %add3A_153 = arith.addi %get3A_151, %add3A_152 : vector<16xi32>
      %swap3A_154 = arith.index_cast %scan3A_32 : i32 to index
      %swap3A_155 = arith.constant 32 : index
      %swap3A_156 = tpu.vector_load %arg12[%swap3A_154, %swap3A_155] {strides = array<i32>} : memref<8x128xi32, #tpu.memory_space<vmem>>, vector<1x16xi32>,
      %swap3A_157 = vector.shape_cast %swap3A_156 : vector<1x16xi32> to vector<16xi32>
      %swap3A_158 = vector.shape_cast %add3A_153 : vector<16xi32> to vector<1x16xi32>
      tpu.vector_store %arg12[%swap3A_154, %swap3A_155], %swap3A_158 {strides = array<i32>} : memref<8x128xi32, #tpu.memory_space<vmem>>, vector<1x16xi32>,
      %get3A_159 = arith.index_cast %scan3A_32 : i32 to index
      %get3A_160 = arith.constant 32 : index
      %get3A_161 = tpu.vector_load %arg13[%get3A_159, %get3A_160] {strides = array<i32>} : memref<8x128xi32, #tpu.memory_space<vmem>>, vector<1x16xi32>,
      %get3A_162 = vector.shape_cast %get3A_161 : vector<1x16xi32> to vector<16xi32>
      %add3A_163 = vector.broadcast %mul3A_59 : i32 to vector<16xi32>
      %add3A_164 = arith.addi %get3A_162, %add3A_163 : vector<16xi32>
      %swap3A_165 = arith.index_cast %scan3A_32 : i32 to index
      %swap3A_166 = arith.constant 32 : index
      %swap3A_167 = tpu.vector_load %arg13[%swap3A_165, %swap3A_166] {strides = array<i32>} : memref<8x128xi32, #tpu.memory_space<vmem>>, vector<1x16xi32>,
      %swap3A_168 = vector.shape_cast %swap3A_167 : vector<1x16xi32> to vector<16xi32>
      %swap3A_169 = vector.shape_cast %add3A_164 : vector<16xi32> to vector<1x16xi32>
      tpu.vector_store %arg13[%swap3A_165, %swap3A_166], %swap3A_169 {strides = array<i32>} : memref<8x128xi32, #tpu.memory_space<vmem>>, vector<1x16xi32>,
      %get3A_170 = arith.index_cast %scan3A_32 : i32 to index
      %get3A_171 = arith.constant 32 : index
      %get3A_172 = tpu.vector_load %arg14[%get3A_170, %get3A_171] {strides = array<i32>} : memref<8x128xi32, #tpu.memory_space<vmem>>, vector<1x16xi32>,
      %get3A_173 = vector.shape_cast %get3A_172 : vector<1x16xi32> to vector<16xi32>
      %add3A_174 = vector.broadcast %mul3A_61 : i32 to vector<16xi32>
      %add3A_175 = arith.addi %get3A_173, %add3A_174 : vector<16xi32>
      %swap3A_176 = arith.index_cast %scan3A_32 : i32 to index
      %swap3A_177 = arith.constant 32 : index
      %swap3A_178 = tpu.vector_load %arg14[%swap3A_176, %swap3A_177] {strides = array<i32>} : memref<8x128xi32, #tpu.memory_space<vmem>>, vector<1x16xi32>,
      %swap3A_179 = vector.shape_cast %swap3A_178 : vector<1x16xi32> to vector<16xi32>
      %swap3A_180 = vector.shape_cast %add3A_175 : vector<16xi32> to vector<1x16xi32>
      tpu.vector_store %arg14[%swap3A_176, %swap3A_177], %swap3A_180 {strides = array<i32>} : memref<8x128xi32, #tpu.memory_space<vmem>>, vector<1x16xi32>,
      %get3A_181 = arith.index_cast %scan3A_32 : i32 to index
      %get3A_182 = arith.constant 32 : index
      %get3A_183 = tpu.vector_load %arg15[%get3A_181, %get3A_182] {strides = array<i32>} : memref<8x128xi32, #tpu.memory_space<vmem>>, vector<1x16xi32>,
      %get3A_184 = vector.shape_cast %get3A_183 : vector<1x16xi32> to vector<16xi32>
      %add3A_185 = vector.broadcast %mul3A_61 : i32 to vector<16xi32>
      %add3A_186 = arith.addi %get3A_184, %add3A_185 : vector<16xi32>
      %swap3A_187 = arith.index_cast %scan3A_32 : i32 to index
      %swap3A_188 = arith.constant 32 : index
      %swap3A_189 = tpu.vector_load %arg15[%swap3A_187, %swap3A_188] {strides = array<i32>} : memref<8x128xi32, #tpu.memory_space<vmem>>, vector<1x16xi32>,
      %swap3A_190 = vector.shape_cast %swap3A_189 : vector<1x16xi32> to vector<16xi32>
      %swap3A_191 = vector.shape_cast %add3A_186 : vector<16xi32> to vector<1x16xi32>
      tpu.vector_store %arg15[%swap3A_187, %swap3A_188], %swap3A_191 {strides = array<i32>} : memref<8x128xi32, #tpu.memory_space<vmem>>, vector<1x16xi32>,
      %get3A_192 = arith.index_cast %scan3A_32 : i32 to index
      %get3A_193 = arith.constant 48 : index
      %get3A_194 = tpu.vector_load %arg12[%get3A_192, %get3A_193] {strides = array<i32>} : memref<8x128xi32, #tpu.memory_space<vmem>>, vector<1x16xi32>,
      %get3A_195 = vector.shape_cast %get3A_194 : vector<1x16xi32> to vector<16xi32>
      %add3A_196 = vector.broadcast %mul3A_59 : i32 to vector<16xi32>
      %add3A_197 = arith.addi %get3A_195, %add3A_196 : vector<16xi32>
      %swap3A_198 = arith.index_cast %scan3A_32 : i32 to index
      %swap3A_199 = arith.constant 48 : index
      %swap3A_200 = tpu.vector_load %arg12[%swap3A_198, %swap3A_199] {strides = array<i32>} : memref<8x128xi32, #tpu.memory_space<vmem>>, vector<1x16xi32>,
      %swap3A_201 = vector.shape_cast %swap3A_200 : vector<1x16xi32> to vector<16xi32>
      %swap3A_202 = vector.shape_cast %add3A_197 : vector<16xi32> to vector<1x16xi32>
      tpu.vector_store %arg12[%swap3A_198, %swap3A_199], %swap3A_202 {strides = array<i32>} : memref<8x128xi32, #tpu.memory_space<vmem>>, vector<1x16xi32>,
      %get3A_203 = arith.index_cast %scan3A_32 : i32 to index
      %get3A_204 = arith.constant 48 : index
      %get3A_205 = tpu.vector_load %arg13[%get3A_203, %get3A_204] {strides = array<i32>} : memref<8x128xi32, #tpu.memory_space<vmem>>, vector<1x16xi32>,
      %get3A_206 = vector.shape_cast %get3A_205 : vector<1x16xi32> to vector<16xi32>
      %add3A_207 = vector.broadcast %mul3A_59 : i32 to vector<16xi32>
      %add3A_208 = arith.addi %get3A_206, %add3A_207 : vector<16xi32>
      %swap3A_209 = arith.index_cast %scan3A_32 : i32 to index
      %swap3A_210 = arith.constant 48 : index
      %swap3A_211 = tpu.vector_load %arg13[%swap3A_209, %swap3A_210] {strides = array<i32>} : memref<8x128xi32, #tpu.memory_space<vmem>>, vector<1x16xi32>,
      %swap3A_212 = vector.shape_cast %swap3A_211 : vector<1x16xi32> to vector<16xi32>
      %swap3A_213 = vector.shape_cast %add3A_208 : vector<16xi32> to vector<1x16xi32>
      tpu.vector_store %arg13[%swap3A_209, %swap3A_210], %swap3A_213 {strides = array<i32>} : memref<8x128xi32, #tpu.memory_space<vmem>>, vector<1x16xi32>,
      %get3A_214 = arith.index_cast %scan3A_32 : i32 to index
      %get3A_215 = arith.constant 48 : index
      %get3A_216 = tpu.vector_load %arg14[%get3A_214, %get3A_215] {strides = array<i32>} : memref<8x128xi32, #tpu.memory_space<vmem>>, vector<1x16xi32>,
      %get3A_217 = vector.shape_cast %get3A_216 : vector<1x16xi32> to vector<16xi32>
      %add3A_218 = vector.broadcast %mul3A_61 : i32 to vector<16xi32>
      %add3A_219 = arith.addi %get3A_217, %add3A_218 : vector<16xi32>
      %swap3A_220 = arith.index_cast %scan3A_32 : i32 to index
      %swap3A_221 = arith.constant 48 : index
      %swap3A_222 = tpu.vector_load %arg14[%swap3A_220, %swap3A_221] {strides = array<i32>} : memref<8x128xi32, #tpu.memory_space<vmem>>, vector<1x16xi32>,
      %swap3A_223 = vector.shape_cast %swap3A_222 : vector<1x16xi32> to vector<16xi32>
      %swap3A_224 = vector.shape_cast %add3A_219 : vector<16xi32> to vector<1x16xi32>
      tpu.vector_store %arg14[%swap3A_220, %swap3A_221], %swap3A_224 {strides = array<i32>} : memref<8x128xi32, #tpu.memory_space<vmem>>, vector<1x16xi32>,
      %get3A_225 = arith.index_cast %scan3A_32 : i32 to index
      %get3A_226 = arith.constant 48 : index
      %get3A_227 = tpu.vector_load %arg15[%get3A_225, %get3A_226] {strides = array<i32>} : memref<8x128xi32, #tpu.memory_space<vmem>>, vector<1x16xi32>,
      %get3A_228 = vector.shape_cast %get3A_227 : vector<1x16xi32> to vector<16xi32>
      %add3A_229 = vector.broadcast %mul3A_61 : i32 to vector<16xi32>
      %add3A_230 = arith.addi %get3A_228, %add3A_229 : vector<16xi32>
      %swap3A_231 = arith.index_cast %scan3A_32 : i32 to index
      %swap3A_232 = arith.constant 48 : index
      %swap3A_233 = tpu.vector_load %arg15[%swap3A_231, %swap3A_232] {strides = array<i32>} : memref<8x128xi32, #tpu.memory_space<vmem>>, vector<1x16xi32>,
      %swap3A_234 = vector.shape_cast %swap3A_233 : vector<1x16xi32> to vector<16xi32>
      %swap3A_235 = vector.shape_cast %add3A_230 : vector<16xi32> to vector<1x16xi32>
      tpu.vector_store %arg15[%swap3A_231, %swap3A_232], %swap3A_235 {strides = array<i32>} : memref<8x128xi32, #tpu.memory_space<vmem>>, vector<1x16xi32>,
      %get3A_236 = arith.index_cast %scan3A_32 : i32 to index
      %get3A_237 = arith.constant 64 : index
      %get3A_238 = tpu.vector_load %arg12[%get3A_236, %get3A_237] {strides = array<i32>} : memref<8x128xi32, #tpu.memory_space<vmem>>, vector<1x16xi32>,
      %get3A_239 = vector.shape_cast %get3A_238 : vector<1x16xi32> to vector<16xi32>
      %add3A_240 = vector.broadcast %mul3A_59 : i32 to vector<16xi32>
      %add3A_241 = arith.addi %get3A_239, %add3A_240 : vector<16xi32>
      %swap3A_242 = arith.index_cast %scan3A_32 : i32 to index
      %swap3A_243 = arith.constant 64 : index
      %swap3A_244 = tpu.vector_load %arg12[%swap3A_242, %swap3A_243] {strides = array<i32>} : memref<8x128xi32, #tpu.memory_space<vmem>>, vector<1x16xi32>,
      %swap3A_245 = vector.shape_cast %swap3A_244 : vector<1x16xi32> to vector<16xi32>
      %swap3A_246 = vector.shape_cast %add3A_241 : vector<16xi32> to vector<1x16xi32>
      tpu.vector_store %arg12[%swap3A_242, %swap3A_243], %swap3A_246 {strides = array<i32>} : memref<8x128xi32, #tpu.memory_space<vmem>>, vector<1x16xi32>,
      %get3A_247 = arith.index_cast %scan3A_32 : i32 to index
      %get3A_248 = arith.constant 64 : index
      %get3A_249 = tpu.vector_load %arg13[%get3A_247, %get3A_248] {strides = array<i32>} : memref<8x128xi32, #tpu.memory_space<vmem>>, vector<1x16xi32>,
      %get3A_250 = vector.shape_cast %get3A_249 : vector<1x16xi32> to vector<16xi32>
      %add3A_251 = vector.broadcast %mul3A_59 : i32 to vector<16xi32>
      %add3A_252 = arith.addi %get3A_250, %add3A_251 : vector<16xi32>
      %swap3A_253 = arith.index_cast %scan3A_32 : i32 to index
      %swap3A_254 = arith.constant 64 : index
      %swap3A_255 = tpu.vector_load %arg13[%swap3A_253, %swap3A_254] {strides = array<i32>} : memref<8x128xi32, #tpu.memory_space<vmem>>, vector<1x16xi32>,
      %swap3A_256 = vector.shape_cast %swap3A_255 : vector<1x16xi32> to vector<16xi32>
      %swap3A_257 = vector.shape_cast %add3A_252 : vector<16xi32> to vector<1x16xi32>
      tpu.vector_store %arg13[%swap3A_253, %swap3A_254], %swap3A_257 {strides = array<i32>} : memref<8x128xi32, #tpu.memory_space<vmem>>, vector<1x16xi32>,
      %get3A_258 = arith.index_cast %scan3A_32 : i32 to index
      %get3A_259 = arith.constant 64 : index
      %get3A_260 = tpu.vector_load %arg14[%get3A_258, %get3A_259] {strides = array<i32>} : memref<8x128xi32, #tpu.memory_space<vmem>>, vector<1x16xi32>,
      %get3A_261 = vector.shape_cast %get3A_260 : vector<1x16xi32> to vector<16xi32>
      %add3A_262 = vector.broadcast %mul3A_61 : i32 to vector<16xi32>
      %add3A_263 = arith.addi %get3A_261, %add3A_262 : vector<16xi32>
      %swap3A_264 = arith.index_cast %scan3A_32 : i32 to index
      %swap3A_265 = arith.constant 64 : index
      %swap3A_266 = tpu.vector_load %arg14[%swap3A_264, %swap3A_265] {strides = array<i32>} : memref<8x128xi32, #tpu.memory_space<vmem>>, vector<1x16xi32>,
      %swap3A_267 = vector.shape_cast %swap3A_266 : vector<1x16xi32> to vector<16xi32>
      %swap3A_268 = vector.shape_cast %add3A_263 : vector<16xi32> to vector<1x16xi32>
      tpu.vector_store %arg14[%swap3A_264, %swap3A_265], %swap3A_268 {strides = array<i32>} : memref<8x128xi32, #tpu.memory_space<vmem>>, vector<1x16xi32>,
      %get3A_269 = arith.index_cast %scan3A_32 : i32 to index
      %get3A_270 = arith.constant 64 : index
      %get3A_271 = tpu.vector_load %arg15[%get3A_269, %get3A_270] {strides = array<i32>} : memref<8x128xi32, #tpu.memory_space<vmem>>, vector<1x16xi32>,
      %get3A_272 = vector.shape_cast %get3A_271 : vector<1x16xi32> to vector<16xi32>
      %add3A_273 = vector.broadcast %mul3A_61 : i32 to vector<16xi32>
      %add3A_274 = arith.addi %get3A_272, %add3A_273 : vector<16xi32>
      %swap3A_275 = arith.index_cast %scan3A_32 : i32 to index
      %swap3A_276 = arith.constant 64 : index
      %swap3A_277 = tpu.vector_load %arg15[%swap3A_275, %swap3A_276] {strides = array<i32>} : memref<8x128xi32, #tpu.memory_space<vmem>>, vector<1x16xi32>,
      %swap3A_278 = vector.shape_cast %swap3A_277 : vector<1x16xi32> to vector<16xi32>
      %swap3A_279 = vector.shape_cast %add3A_274 : vector<16xi32> to vector<1x16xi32>
      tpu.vector_store %arg15[%swap3A_275, %swap3A_276], %swap3A_279 {strides = array<i32>} : memref<8x128xi32, #tpu.memory_space<vmem>>, vector<1x16xi32>,
      %get3A_280 = arith.index_cast %scan3A_32 : i32 to index
      %get3A_281 = arith.constant 80 : index
      %get3A_282 = tpu.vector_load %arg12[%get3A_280, %get3A_281] {strides = array<i32>} : memref<8x128xi32, #tpu.memory_space<vmem>>, vector<1x16xi32>,
      %get3A_283 = vector.shape_cast %get3A_282 : vector<1x16xi32> to vector<16xi32>
      %add3A_284 = vector.broadcast %mul3A_59 : i32 to vector<16xi32>
      %add3A_285 = arith.addi %get3A_283, %add3A_284 : vector<16xi32>
      %swap3A_286 = arith.index_cast %scan3A_32 : i32 to index
      %swap3A_287 = arith.constant 80 : index
      %swap3A_288 = tpu.vector_load %arg12[%swap3A_286, %swap3A_287] {strides = array<i32>} : memref<8x128xi32, #tpu.memory_space<vmem>>, vector<1x16xi32>,
      %swap3A_289 = vector.shape_cast %swap3A_288 : vector<1x16xi32> to vector<16xi32>
      %swap3A_290 = vector.shape_cast %add3A_285 : vector<16xi32> to vector<1x16xi32>
      tpu.vector_store %arg12[%swap3A_286, %swap3A_287], %swap3A_290 {strides = array<i32>} : memref<8x128xi32, #tpu.memory_space<vmem>>, vector<1x16xi32>,
      %get3A_291 = arith.index_cast %scan3A_32 : i32 to index
      %get3A_292 = arith.constant 80 : index
      %get3A_293 = tpu.vector_load %arg13[%get3A_291, %get3A_292] {strides = array<i32>} : memref<8x128xi32, #tpu.memory_space<vmem>>, vector<1x16xi32>,
      %get3A_294 = vector.shape_cast %get3A_293 : vector<1x16xi32> to vector<16xi32>
      %add3A_295 = vector.broadcast %mul3A_59 : i32 to vector<16xi32>
      %add3A_296 = arith.addi %get3A_294, %add3A_295 : vector<16xi32>
      %swap3A_297 = arith.index_cast %scan3A_32 : i32 to index
      %swap3A_298 = arith.constant 80 : index
      %swap3A_299 = tpu.vector_load %arg13[%swap3A_297, %swap3A_298] {strides = array<i32>} : memref<8x128xi32, #tpu.memory_space<vmem>>, vector<1x16xi32>,
      %swap3A_300 = vector.shape_cast %swap3A_299 : vector<1x16xi32> to vector<16xi32>
      %swap3A_301 = vector.shape_cast %add3A_296 : vector<16xi32> to vector<1x16xi32>
      tpu.vector_store %arg13[%swap3A_297, %swap3A_298], %swap3A_301 {strides = array<i32>} : memref<8x128xi32, #tpu.memory_space<vmem>>, vector<1x16xi32>,
      %get3A_302 = arith.index_cast %scan3A_32 : i32 to index
      %get3A_303 = arith.constant 80 : index
      %get3A_304 = tpu.vector_load %arg14[%get3A_302, %get3A_303] {strides = array<i32>} : memref<8x128xi32, #tpu.memory_space<vmem>>, vector<1x16xi32>,
      %get3A_305 = vector.shape_cast %get3A_304 : vector<1x16xi32> to vector<16xi32>
      %add3A_306 = vector.broadcast %mul3A_61 : i32 to vector<16xi32>
      %add3A_307 = arith.addi %get3A_305, %add3A_306 : vector<16xi32>
      %swap3A_308 = arith.index_cast %scan3A_32 : i32 to index
      %swap3A_309 = arith.constant 80 : index
      %swap3A_310 = tpu.vector_load %arg14[%swap3A_308, %swap3A_309] {strides = array<i32>} : memref<8x128xi32, #tpu.memory_space<vmem>>, vector<1x16xi32>,
      %swap3A_311 = vector.shape_cast %swap3A_310 : vector<1x16xi32> to vector<16xi32>
      %swap3A_312 = vector.shape_cast %add3A_307 : vector<16xi32> to vector<1x16xi32>
      tpu.vector_store %arg14[%swap3A_308, %swap3A_309], %swap3A_312 {strides = array<i32>} : memref<8x128xi32, #tpu.memory_space<vmem>>, vector<1x16xi32>,
      %get3A_313 = arith.index_cast %scan3A_32 : i32 to index
      %get3A_314 = arith.constant 80 : index
      %get3A_315 = tpu.vector_load %arg15[%get3A_313, %get3A_314] {strides = array<i32>} : memref<8x128xi32, #tpu.memory_space<vmem>>, vector<1x16xi32>,
      %get3A_316 = vector.shape_cast %get3A_315 : vector<1x16xi32> to vector<16xi32>
      %add3A_317 = vector.broadcast %mul3A_61 : i32 to vector<16xi32>
      %add3A_318 = arith.addi %get3A_316, %add3A_317 : vector<16xi32>
      %swap3A_319 = arith.index_cast %scan3A_32 : i32 to index
      %swap3A_320 = arith.constant 80 : index
      %swap3A_321 = tpu.vector_load %arg15[%swap3A_319, %swap3A_320] {strides = array<i32>} : memref<8x128xi32, #tpu.memory_space<vmem>>, vector<1x16xi32>,
      %swap3A_322 = vector.shape_cast %swap3A_321 : vector<1x16xi32> to vector<16xi32>
      %swap3A_323 = vector.shape_cast %add3A_318 : vector<16xi32> to vector<1x16xi32>
      tpu.vector_store %arg15[%swap3A_319, %swap3A_320], %swap3A_323 {strides = array<i32>} : memref<8x128xi32, #tpu.memory_space<vmem>>, vector<1x16xi32>,
      %get3A_324 = arith.index_cast %scan3A_32 : i32 to index
      %get3A_325 = arith.constant 96 : index
      %get3A_326 = tpu.vector_load %arg12[%get3A_324, %get3A_325] {strides = array<i32>} : memref<8x128xi32, #tpu.memory_space<vmem>>, vector<1x16xi32>,
      %get3A_327 = vector.shape_cast %get3A_326 : vector<1x16xi32> to vector<16xi32>
      %add3A_328 = vector.broadcast %mul3A_59 : i32 to vector<16xi32>
      %add3A_329 = arith.addi %get3A_327, %add3A_328 : vector<16xi32>
      %swap3A_330 = arith.index_cast %scan3A_32 : i32 to index
      %swap3A_331 = arith.constant 96 : index
      %swap3A_332 = tpu.vector_load %arg12[%swap3A_330, %swap3A_331] {strides = array<i32>} : memref<8x128xi32, #tpu.memory_space<vmem>>, vector<1x16xi32>,
      %swap3A_333 = vector.shape_cast %swap3A_332 : vector<1x16xi32> to vector<16xi32>
      %swap3A_334 = vector.shape_cast %add3A_329 : vector<16xi32> to vector<1x16xi32>
      tpu.vector_store %arg12[%swap3A_330, %swap3A_331], %swap3A_334 {strides = array<i32>} : memref<8x128xi32, #tpu.memory_space<vmem>>, vector<1x16xi32>,
      %get3A_335 = arith.index_cast %scan3A_32 : i32 to index
      %get3A_336 = arith.constant 96 : index
      %get3A_337 = tpu.vector_load %arg13[%get3A_335, %get3A_336] {strides = array<i32>} : memref<8x128xi32, #tpu.memory_space<vmem>>, vector<1x16xi32>,
      %get3A_338 = vector.shape_cast %get3A_337 : vector<1x16xi32> to vector<16xi32>
      %add3A_339 = vector.broadcast %mul3A_59 : i32 to vector<16xi32>
      %add3A_340 = arith.addi %get3A_338, %add3A_339 : vector<16xi32>
      %swap3A_341 = arith.index_cast %scan3A_32 : i32 to index
      %swap3A_342 = arith.constant 96 : index
      %swap3A_343 = tpu.vector_load %arg13[%swap3A_341, %swap3A_342] {strides = array<i32>} : memref<8x128xi32, #tpu.memory_space<vmem>>, vector<1x16xi32>,
      %swap3A_344 = vector.shape_cast %swap3A_343 : vector<1x16xi32> to vector<16xi32>
      %swap3A_345 = vector.shape_cast %add3A_340 : vector<16xi32> to vector<1x16xi32>
      tpu.vector_store %arg13[%swap3A_341, %swap3A_342], %swap3A_345 {strides = array<i32>} : memref<8x128xi32, #tpu.memory_space<vmem>>, vector<1x16xi32>,
      %get3A_346 = arith.index_cast %scan3A_32 : i32 to index
      %get3A_347 = arith.constant 96 : index
      %get3A_348 = tpu.vector_load %arg14[%get3A_346, %get3A_347] {strides = array<i32>} : memref<8x128xi32, #tpu.memory_space<vmem>>, vector<1x16xi32>,
      %get3A_349 = vector.shape_cast %get3A_348 : vector<1x16xi32> to vector<16xi32>
      %add3A_350 = vector.broadcast %mul3A_61 : i32 to vector<16xi32>
      %add3A_351 = arith.addi %get3A_349, %add3A_350 : vector<16xi32>
      %swap3A_352 = arith.index_cast %scan3A_32 : i32 to index
      %swap3A_353 = arith.constant 96 : index
      %swap3A_354 = tpu.vector_load %arg14[%swap3A_352, %swap3A_353] {strides = array<i32>} : memref<8x128xi32, #tpu.memory_space<vmem>>, vector<1x16xi32>,
      %swap3A_355 = vector.shape_cast %swap3A_354 : vector<1x16xi32> to vector<16xi32>
      %swap3A_356 = vector.shape_cast %add3A_351 : vector<16xi32> to vector<1x16xi32>
      tpu.vector_store %arg14[%swap3A_352, %swap3A_353], %swap3A_356 {strides = array<i32>} : memref<8x128xi32, #tpu.memory_space<vmem>>, vector<1x16xi32>,
      %get3A_357 = arith.index_cast %scan3A_32 : i32 to index
      %get3A_358 = arith.constant 96 : index
      %get3A_359 = tpu.vector_load %arg15[%get3A_357, %get3A_358] {strides = array<i32>} : memref<8x128xi32, #tpu.memory_space<vmem>>, vector<1x16xi32>,
      %get3A_360 = vector.shape_cast %get3A_359 : vector<1x16xi32> to vector<16xi32>
      %add3A_361 = vector.broadcast %mul3A_61 : i32 to vector<16xi32>
      %add3A_362 = arith.addi %get3A_360, %add3A_361 : vector<16xi32>
      %swap3A_363 = arith.index_cast %scan3A_32 : i32 to index
      %swap3A_364 = arith.constant 96 : index
      %swap3A_365 = tpu.vector_load %arg15[%swap3A_363, %swap3A_364] {strides = array<i32>} : memref<8x128xi32, #tpu.memory_space<vmem>>, vector<1x16xi32>,
      %swap3A_366 = vector.shape_cast %swap3A_365 : vector<1x16xi32> to vector<16xi32>
      %swap3A_367 = vector.shape_cast %add3A_362 : vector<16xi32> to vector<1x16xi32>
      tpu.vector_store %arg15[%swap3A_363, %swap3A_364], %swap3A_367 {strides = array<i32>} : memref<8x128xi32, #tpu.memory_space<vmem>>, vector<1x16xi32>,
      %get3A_368 = arith.index_cast %scan3A_32 : i32 to index
      %get3A_369 = arith.constant 112 : index
      %get3A_370 = tpu.vector_load %arg12[%get3A_368, %get3A_369] {strides = array<i32>} : memref<8x128xi32, #tpu.memory_space<vmem>>, vector<1x16xi32>,
      %get3A_371 = vector.shape_cast %get3A_370 : vector<1x16xi32> to vector<16xi32>
      %add3A_372 = vector.broadcast %mul3A_59 : i32 to vector<16xi32>
      %add3A_373 = arith.addi %get3A_371, %add3A_372 : vector<16xi32>
      %swap3A_374 = arith.index_cast %scan3A_32 : i32 to index
      %swap3A_375 = arith.constant 112 : index
      %swap3A_376 = tpu.vector_load %arg12[%swap3A_374, %swap3A_375] {strides = array<i32>} : memref<8x128xi32, #tpu.memory_space<vmem>>, vector<1x16xi32>,
      %swap3A_377 = vector.shape_cast %swap3A_376 : vector<1x16xi32> to vector<16xi32>
      %swap3A_378 = vector.shape_cast %add3A_373 : vector<16xi32> to vector<1x16xi32>
      tpu.vector_store %arg12[%swap3A_374, %swap3A_375], %swap3A_378 {strides = array<i32>} : memref<8x128xi32, #tpu.memory_space<vmem>>, vector<1x16xi32>,
      %get3A_379 = arith.index_cast %scan3A_32 : i32 to index
      %get3A_380 = arith.constant 112 : index
      %get3A_381 = tpu.vector_load %arg13[%get3A_379, %get3A_380] {strides = array<i32>} : memref<8x128xi32, #tpu.memory_space<vmem>>, vector<1x16xi32>,
      %get3A_382 = vector.shape_cast %get3A_381 : vector<1x16xi32> to vector<16xi32>
      %add3A_383 = vector.broadcast %mul3A_59 : i32 to vector<16xi32>
      %add3A_384 = arith.addi %get3A_382, %add3A_383 : vector<16xi32>
      %swap3A_385 = arith.index_cast %scan3A_32 : i32 to index
      %swap3A_386 = arith.constant 112 : index
      %swap3A_387 = tpu.vector_load %arg13[%swap3A_385, %swap3A_386] {strides = array<i32>} : memref<8x128xi32, #tpu.memory_space<vmem>>, vector<1x16xi32>,
      %swap3A_388 = vector.shape_cast %swap3A_387 : vector<1x16xi32> to vector<16xi32>
      %swap3A_389 = vector.shape_cast %add3A_384 : vector<16xi32> to vector<1x16xi32>
      tpu.vector_store %arg13[%swap3A_385, %swap3A_386], %swap3A_389 {strides = array<i32>} : memref<8x128xi32, #tpu.memory_space<vmem>>, vector<1x16xi32>,
      %get3A_390 = arith.index_cast %scan3A_32 : i32 to index
      %get3A_391 = arith.constant 112 : index
      %get3A_392 = tpu.vector_load %arg14[%get3A_390, %get3A_391] {strides = array<i32>} : memref<8x128xi32, #tpu.memory_space<vmem>>, vector<1x16xi32>,
      %get3A_393 = vector.shape_cast %get3A_392 : vector<1x16xi32> to vector<16xi32>
      %add3A_394 = vector.broadcast %mul3A_61 : i32 to vector<16xi32>
      %add3A_395 = arith.addi %get3A_393, %add3A_394 : vector<16xi32>
      %swap3A_396 = arith.index_cast %scan3A_32 : i32 to index
      %swap3A_397 = arith.constant 112 : index
      %swap3A_398 = tpu.vector_load %arg14[%swap3A_396, %swap3A_397] {strides = array<i32>} : memref<8x128xi32, #tpu.memory_space<vmem>>, vector<1x16xi32>,
      %swap3A_399 = vector.shape_cast %swap3A_398 : vector<1x16xi32> to vector<16xi32>
      %swap3A_400 = vector.shape_cast %add3A_395 : vector<16xi32> to vector<1x16xi32>
      tpu.vector_store %arg14[%swap3A_396, %swap3A_397], %swap3A_400 {strides = array<i32>} : memref<8x128xi32, #tpu.memory_space<vmem>>, vector<1x16xi32>,
      %get3A_401 = arith.index_cast %scan3A_32 : i32 to index
      %get3A_402 = arith.constant 112 : index
      %get3A_403 = tpu.vector_load %arg15[%get3A_401, %get3A_402] {strides = array<i32>} : memref<8x128xi32, #tpu.memory_space<vmem>>, vector<1x16xi32>,
      %get3A_404 = vector.shape_cast %get3A_403 : vector<1x16xi32> to vector<16xi32>
      %add3A_405 = vector.broadcast %mul3A_61 : i32 to vector<16xi32>
      %add3A_406 = arith.addi %get3A_404, %add3A_405 : vector<16xi32>
      %swap3A_407 = arith.index_cast %scan3A_32 : i32 to index
      %swap3A_408 = arith.constant 112 : index
      %swap3A_409 = tpu.vector_load %arg15[%swap3A_407, %swap3A_408] {strides = array<i32>} : memref<8x128xi32, #tpu.memory_space<vmem>>, vector<1x16xi32>,
      %swap3A_410 = vector.shape_cast %swap3A_409 : vector<1x16xi32> to vector<16xi32>
      %swap3A_411 = vector.shape_cast %add3A_406 : vector<16xi32> to vector<1x16xi32>
      tpu.vector_store %arg15[%swap3A_407, %swap3A_408], %swap3A_411 {strides = array<i32>} : memref<8x128xi32, #tpu.memory_space<vmem>>, vector<1x16xi32>,
    }
    %scan3A_25 = arith.constant 8 : i32
    %scan3A_26 = arith.constant 0 : i32
    %scan3A_27 = arith.constant 0 : i32
    %scan3A_28 = arith.constant 8 : i32
    %scan3A_29 = arith.addi %scan3A_27, %scan3A_28 : i32
    %scan3A_30 = arith.constant 1 : i32
    scf.for %scan3A_32 = %scan3A_27 to %scan3A_29 step %scan3A_30  : i32 {
      %add3A_33 = arith.addi %mul3A_2, %scan3A_32 : i32
      %mul3A_34 = arith.constant 128 : i32
      %mul3A_35 = arith.muli %add3A_33, %mul3A_34 : i32
      %dma_start3A = arith.constant 0 : i32
      %dma_start3A_36 = tpu.memref_slice %arg12[%scan3A_32, %dma_start3A] : memref<8x128xi32, #tpu.memory_space<vmem>> -> memref<1x128xi32, #tpu.memory_space<vmem>>
      %dma_start3A_37 = tpu.memref_squeeze %dma_start3A_36 : memref<1x128xi32, #tpu.memory_space<vmem>> -> memref<128xi32, #tpu.memory_space<vmem>>
      %dma_start3A_38 = arith.constant 0 : i32
      %dma_start3A_39 = arith.constant 0 : i32
      %dma_start3A_40 = tpu.memref_slice %arg2[%dma_start3A_38, %dma_start3A_39] : memref<16384x128xf32, #tpu.memory_space<hbm>> -> memref<16384x128xf32, #tpu.memory_space<hbm>>
      tpu.enqueue_indirect_dma source(%dma_start3A_40 : memref<16384x128xf32, #tpu.memory_space<hbm>>) target(%arg16 : memref<128x128xf32, #tpu.memory_space<vmem>>) offsets(%dma_start3A_37 : memref<128xi32, #tpu.memory_space<vmem>>) semaphore(%arg20 : memref<!tpu.dma_semaphore, #tpu.memory_space<semaphore_mem>>)
      %dma_start3A_41 = arith.constant 0 : i32
      %dma_start3A_42 = tpu.memref_slice %arg13[%scan3A_32, %dma_start3A_41] : memref<8x128xi32, #tpu.memory_space<vmem>> -> memref<1x128xi32, #tpu.memory_space<vmem>>
      %dma_start3A_43 = tpu.memref_squeeze %dma_start3A_42 : memref<1x128xi32, #tpu.memory_space<vmem>> -> memref<128xi32, #tpu.memory_space<vmem>>
      %dma_start3A_44 = arith.constant 0 : i32
      %dma_start3A_45 = arith.constant 0 : i32
      %dma_start3A_46 = tpu.memref_slice %arg3[%dma_start3A_44, %dma_start3A_45] : memref<16384x128xf32, #tpu.memory_space<hbm>> -> memref<16384x128xf32, #tpu.memory_space<hbm>>
      tpu.enqueue_indirect_dma source(%dma_start3A_46 : memref<16384x128xf32, #tpu.memory_space<hbm>>) target(%arg17 : memref<128x128xf32, #tpu.memory_space<vmem>>) offsets(%dma_start3A_43 : memref<128xi32, #tpu.memory_space<vmem>>) semaphore(%arg21 : memref<!tpu.dma_semaphore, #tpu.memory_space<semaphore_mem>>)
      %dma_start3A_47 = arith.constant 0 : i32
      %dma_start3A_48 = tpu.memref_slice %arg14[%scan3A_32, %dma_start3A_47] : memref<8x128xi32, #tpu.memory_space<vmem>> -> memref<1x128xi32, #tpu.memory_space<vmem>>
      %dma_start3A_49 = tpu.memref_squeeze %dma_start3A_48 : memref<1x128xi32, #tpu.memory_space<vmem>> -> memref<128xi32, #tpu.memory_space<vmem>>
      %dma_start3A_50 = arith.constant 0 : i32
      %dma_start3A_51 = arith.constant 0 : i32
      %dma_start3A_52 = tpu.memref_slice %arg4[%dma_start3A_50, %dma_start3A_51] : memref<16384x128xf32, #tpu.memory_space<hbm>> -> memref<16384x128xf32, #tpu.memory_space<hbm>>
      tpu.enqueue_indirect_dma source(%dma_start3A_52 : memref<16384x128xf32, #tpu.memory_space<hbm>>) target(%arg18 : memref<128x128xf32, #tpu.memory_space<vmem>>) offsets(%dma_start3A_49 : memref<128xi32, #tpu.memory_space<vmem>>) semaphore(%arg22 : memref<!tpu.dma_semaphore, #tpu.memory_space<semaphore_mem>>)
      %dma_start3A_53 = arith.constant 0 : i32
      %dma_start3A_54 = tpu.memref_slice %arg15[%scan3A_32, %dma_start3A_53] : memref<8x128xi32, #tpu.memory_space<vmem>> -> memref<1x128xi32, #tpu.memory_space<vmem>>
      %dma_start3A_55 = tpu.memref_squeeze %dma_start3A_54 : memref<1x128xi32, #tpu.memory_space<vmem>> -> memref<128xi32, #tpu.memory_space<vmem>>
      %dma_start3A_56 = arith.constant 0 : i32
      %dma_start3A_57 = arith.constant 0 : i32
      %dma_start3A_58 = tpu.memref_slice %arg5[%dma_start3A_56, %dma_start3A_57] : memref<16384x128xf32, #tpu.memory_space<hbm>> -> memref<16384x128xf32, #tpu.memory_space<hbm>>
      tpu.enqueue_indirect_dma source(%dma_start3A_58 : memref<16384x128xf32, #tpu.memory_space<hbm>>) target(%arg19 : memref<128x128xf32, #tpu.memory_space<vmem>>) offsets(%dma_start3A_55 : memref<128xi32, #tpu.memory_space<vmem>>) semaphore(%arg23 : memref<!tpu.dma_semaphore, #tpu.memory_space<semaphore_mem>>)
      %dma_wait3A = arith.constant 0 : i32
      %dma_wait3A_59 = tpu.memref_slice %arg12[%scan3A_32, %dma_wait3A] : memref<8x128xi32, #tpu.memory_space<vmem>> -> memref<1x128xi32, #tpu.memory_space<vmem>>
      %dma_wait3A_60 = tpu.memref_squeeze %dma_wait3A_59 : memref<1x128xi32, #tpu.memory_space<vmem>> -> memref<128xi32, #tpu.memory_space<vmem>>
      %dma_wait3A_61 = arith.constant 0 : i32
      %dma_wait3A_62 = arith.constant 0 : i32
      %dma_wait3A_63 = tpu.memref_slice %arg2[%dma_wait3A_61, %dma_wait3A_62] : memref<16384x128xf32, #tpu.memory_space<hbm>> -> memref<16384x128xf32, #tpu.memory_space<hbm>>
      tpu.wait_indirect_dma semaphore(%arg20 : memref<!tpu.dma_semaphore, #tpu.memory_space<semaphore_mem>>) src(%dma_wait3A_63 : memref<16384x128xf32, #tpu.memory_space<hbm>>) dst(%arg16 : memref<128x128xf32, #tpu.memory_space<vmem>>)
      %dma_wait3A_64 = arith.constant 0 : i32
      %dma_wait3A_65 = tpu.memref_slice %arg13[%scan3A_32, %dma_wait3A_64] : memref<8x128xi32, #tpu.memory_space<vmem>> -> memref<1x128xi32, #tpu.memory_space<vmem>>
      %dma_wait3A_66 = tpu.memref_squeeze %dma_wait3A_65 : memref<1x128xi32, #tpu.memory_space<vmem>> -> memref<128xi32, #tpu.memory_space<vmem>>
      %dma_wait3A_67 = arith.constant 0 : i32
      %dma_wait3A_68 = arith.constant 0 : i32
      %dma_wait3A_69 = tpu.memref_slice %arg3[%dma_wait3A_67, %dma_wait3A_68] : memref<16384x128xf32, #tpu.memory_space<hbm>> -> memref<16384x128xf32, #tpu.memory_space<hbm>>
      tpu.wait_indirect_dma semaphore(%arg21 : memref<!tpu.dma_semaphore, #tpu.memory_space<semaphore_mem>>) src(%dma_wait3A_69 : memref<16384x128xf32, #tpu.memory_space<hbm>>) dst(%arg17 : memref<128x128xf32, #tpu.memory_space<vmem>>)
      %scan3A_70 = arith.constant 0 : i32
      %scan3A_71 = arith.constant 0 : i32
      %scan3A_72 = arith.constant 128 : i32
      %scan3A_73 = arith.addi %scan3A_71, %scan3A_72 : i32
      %scan3A_74 = arith.constant 1 : i32
      scf.for %scan3A_94 = %scan3A_71 to %scan3A_73 step %scan3A_74  : i32 {
        %get3A = arith.index_cast %scan3A_94 : i32 to index
        %get3A_95 = arith.constant 0 : index
        %get3A_96 = tpu.vector_load %arg16[%get3A, %get3A_95] {strides = array<i32>} : memref<128x128xf32, #tpu.memory_space<vmem>>, vector<1x16xf32>,
        %get3A_97 = vector.shape_cast %get3A_96 : vector<1x16xf32> to vector<16xf32>
        %get3A_98 = arith.index_cast %scan3A_94 : i32 to index
        %get3A_99 = arith.constant 0 : index
        %get3A_100 = tpu.vector_load %arg17[%get3A_98, %get3A_99] {strides = array<i32>} : memref<128x128xf32, #tpu.memory_space<vmem>>, vector<1x16xf32>,
        %get3A_101 = vector.shape_cast %get3A_100 : vector<1x16xf32> to vector<16xf32>
        %add3A_102 = arith.addf %get3A_97, %get3A_101 : vector<16xf32>
        %swap3A = arith.index_cast %scan3A_94 : i32 to index
        %swap3A_103 = arith.constant 0 : index
        %swap3A_104 = tpu.vector_load %arg16[%swap3A, %swap3A_103] {strides = array<i32>} : memref<128x128xf32, #tpu.memory_space<vmem>>, vector<1x16xf32>,
        %swap3A_105 = vector.shape_cast %swap3A_104 : vector<1x16xf32> to vector<16xf32>
        %swap3A_106 = vector.shape_cast %add3A_102 : vector<16xf32> to vector<1x16xf32>
        tpu.vector_store %arg16[%swap3A, %swap3A_103], %swap3A_106 {strides = array<i32>} : memref<128x128xf32, #tpu.memory_space<vmem>>, vector<1x16xf32>,
        %get3A_107 = arith.index_cast %scan3A_94 : i32 to index
        %get3A_108 = arith.constant 16 : index
        %get3A_109 = tpu.vector_load %arg16[%get3A_107, %get3A_108] {strides = array<i32>} : memref<128x128xf32, #tpu.memory_space<vmem>>, vector<1x16xf32>,
        %get3A_110 = vector.shape_cast %get3A_109 : vector<1x16xf32> to vector<16xf32>
        %get3A_111 = arith.index_cast %scan3A_94 : i32 to index
        %get3A_112 = arith.constant 16 : index
        %get3A_113 = tpu.vector_load %arg17[%get3A_111, %get3A_112] {strides = array<i32>} : memref<128x128xf32, #tpu.memory_space<vmem>>, vector<1x16xf32>,
        %get3A_114 = vector.shape_cast %get3A_113 : vector<1x16xf32> to vector<16xf32>
        %add3A_115 = arith.addf %get3A_110, %get3A_114 : vector<16xf32>
        %swap3A_116 = arith.index_cast %scan3A_94 : i32 to index
        %swap3A_117 = arith.constant 16 : index
        %swap3A_118 = tpu.vector_load %arg16[%swap3A_116, %swap3A_117] {strides = array<i32>} : memref<128x128xf32, #tpu.memory_space<vmem>>, vector<1x16xf32>,
        %swap3A_119 = vector.shape_cast %swap3A_118 : vector<1x16xf32> to vector<16xf32>
        %swap3A_120 = vector.shape_cast %add3A_115 : vector<16xf32> to vector<1x16xf32>
        tpu.vector_store %arg16[%swap3A_116, %swap3A_117], %swap3A_120 {strides = array<i32>} : memref<128x128xf32, #tpu.memory_space<vmem>>, vector<1x16xf32>,
        %get3A_121 = arith.index_cast %scan3A_94 : i32 to index
        %get3A_122 = arith.constant 32 : index
        %get3A_123 = tpu.vector_load %arg16[%get3A_121, %get3A_122] {strides = array<i32>} : memref<128x128xf32, #tpu.memory_space<vmem>>, vector<1x16xf32>,
        %get3A_124 = vector.shape_cast %get3A_123 : vector<1x16xf32> to vector<16xf32>
        %get3A_125 = arith.index_cast %scan3A_94 : i32 to index
        %get3A_126 = arith.constant 32 : index
        %get3A_127 = tpu.vector_load %arg17[%get3A_125, %get3A_126] {strides = array<i32>} : memref<128x128xf32, #tpu.memory_space<vmem>>, vector<1x16xf32>,
        %get3A_128 = vector.shape_cast %get3A_127 : vector<1x16xf32> to vector<16xf32>
        %add3A_129 = arith.addf %get3A_124, %get3A_128 : vector<16xf32>
        %swap3A_130 = arith.index_cast %scan3A_94 : i32 to index
        %swap3A_131 = arith.constant 32 : index
        %swap3A_132 = tpu.vector_load %arg16[%swap3A_130, %swap3A_131] {strides = array<i32>} : memref<128x128xf32, #tpu.memory_space<vmem>>, vector<1x16xf32>,
        %swap3A_133 = vector.shape_cast %swap3A_132 : vector<1x16xf32> to vector<16xf32>
        %swap3A_134 = vector.shape_cast %add3A_129 : vector<16xf32> to vector<1x16xf32>
        tpu.vector_store %arg16[%swap3A_130, %swap3A_131], %swap3A_134 {strides = array<i32>} : memref<128x128xf32, #tpu.memory_space<vmem>>, vector<1x16xf32>,
        %get3A_135 = arith.index_cast %scan3A_94 : i32 to index
        %get3A_136 = arith.constant 48 : index
        %get3A_137 = tpu.vector_load %arg16[%get3A_135, %get3A_136] {strides = array<i32>} : memref<128x128xf32, #tpu.memory_space<vmem>>, vector<1x16xf32>,
        %get3A_138 = vector.shape_cast %get3A_137 : vector<1x16xf32> to vector<16xf32>
        %get3A_139 = arith.index_cast %scan3A_94 : i32 to index
        %get3A_140 = arith.constant 48 : index
        %get3A_141 = tpu.vector_load %arg17[%get3A_139, %get3A_140] {strides = array<i32>} : memref<128x128xf32, #tpu.memory_space<vmem>>, vector<1x16xf32>,
        %get3A_142 = vector.shape_cast %get3A_141 : vector<1x16xf32> to vector<16xf32>
        %add3A_143 = arith.addf %get3A_138, %get3A_142 : vector<16xf32>
        %swap3A_144 = arith.index_cast %scan3A_94 : i32 to index
        %swap3A_145 = arith.constant 48 : index
        %swap3A_146 = tpu.vector_load %arg16[%swap3A_144, %swap3A_145] {strides = array<i32>} : memref<128x128xf32, #tpu.memory_space<vmem>>, vector<1x16xf32>,
        %swap3A_147 = vector.shape_cast %swap3A_146 : vector<1x16xf32> to vector<16xf32>
        %swap3A_148 = vector.shape_cast %add3A_143 : vector<16xf32> to vector<1x16xf32>
        tpu.vector_store %arg16[%swap3A_144, %swap3A_145], %swap3A_148 {strides = array<i32>} : memref<128x128xf32, #tpu.memory_space<vmem>>, vector<1x16xf32>,
        %get3A_149 = arith.index_cast %scan3A_94 : i32 to index
        %get3A_150 = arith.constant 64 : index
        %get3A_151 = tpu.vector_load %arg16[%get3A_149, %get3A_150] {strides = array<i32>} : memref<128x128xf32, #tpu.memory_space<vmem>>, vector<1x16xf32>,
        %get3A_152 = vector.shape_cast %get3A_151 : vector<1x16xf32> to vector<16xf32>
        %get3A_153 = arith.index_cast %scan3A_94 : i32 to index
        %get3A_154 = arith.constant 64 : index
        %get3A_155 = tpu.vector_load %arg17[%get3A_153, %get3A_154] {strides = array<i32>} : memref<128x128xf32, #tpu.memory_space<vmem>>, vector<1x16xf32>,
        %get3A_156 = vector.shape_cast %get3A_155 : vector<1x16xf32> to vector<16xf32>
        %add3A_157 = arith.addf %get3A_152, %get3A_156 : vector<16xf32>
        %swap3A_158 = arith.index_cast %scan3A_94 : i32 to index
        %swap3A_159 = arith.constant 64 : index
        %swap3A_160 = tpu.vector_load %arg16[%swap3A_158, %swap3A_159] {strides = array<i32>} : memref<128x128xf32, #tpu.memory_space<vmem>>, vector<1x16xf32>,
        %swap3A_161 = vector.shape_cast %swap3A_160 : vector<1x16xf32> to vector<16xf32>
        %swap3A_162 = vector.shape_cast %add3A_157 : vector<16xf32> to vector<1x16xf32>
        tpu.vector_store %arg16[%swap3A_158, %swap3A_159], %swap3A_162 {strides = array<i32>} : memref<128x128xf32, #tpu.memory_space<vmem>>, vector<1x16xf32>,
        %get3A_163 = arith.index_cast %scan3A_94 : i32 to index
        %get3A_164 = arith.constant 80 : index
        %get3A_165 = tpu.vector_load %arg16[%get3A_163, %get3A_164] {strides = array<i32>} : memref<128x128xf32, #tpu.memory_space<vmem>>, vector<1x16xf32>,
        %get3A_166 = vector.shape_cast %get3A_165 : vector<1x16xf32> to vector<16xf32>
        %get3A_167 = arith.index_cast %scan3A_94 : i32 to index
        %get3A_168 = arith.constant 80 : index
        %get3A_169 = tpu.vector_load %arg17[%get3A_167, %get3A_168] {strides = array<i32>} : memref<128x128xf32, #tpu.memory_space<vmem>>, vector<1x16xf32>,
        %get3A_170 = vector.shape_cast %get3A_169 : vector<1x16xf32> to vector<16xf32>
        %add3A_171 = arith.addf %get3A_166, %get3A_170 : vector<16xf32>
        %swap3A_172 = arith.index_cast %scan3A_94 : i32 to index
        %swap3A_173 = arith.constant 80 : index
        %swap3A_174 = tpu.vector_load %arg16[%swap3A_172, %swap3A_173] {strides = array<i32>} : memref<128x128xf32, #tpu.memory_space<vmem>>, vector<1x16xf32>,
        %swap3A_175 = vector.shape_cast %swap3A_174 : vector<1x16xf32> to vector<16xf32>
        %swap3A_176 = vector.shape_cast %add3A_171 : vector<16xf32> to vector<1x16xf32>
        tpu.vector_store %arg16[%swap3A_172, %swap3A_173], %swap3A_176 {strides = array<i32>} : memref<128x128xf32, #tpu.memory_space<vmem>>, vector<1x16xf32>,
        %get3A_177 = arith.index_cast %scan3A_94 : i32 to index
        %get3A_178 = arith.constant 96 : index
        %get3A_179 = tpu.vector_load %arg16[%get3A_177, %get3A_178] {strides = array<i32>} : memref<128x128xf32, #tpu.memory_space<vmem>>, vector<1x16xf32>,
        %get3A_180 = vector.shape_cast %get3A_179 : vector<1x16xf32> to vector<16xf32>
        %get3A_181 = arith.index_cast %scan3A_94 : i32 to index
        %get3A_182 = arith.constant 96 : index
        %get3A_183 = tpu.vector_load %arg17[%get3A_181, %get3A_182] {strides = array<i32>} : memref<128x128xf32, #tpu.memory_space<vmem>>, vector<1x16xf32>,
        %get3A_184 = vector.shape_cast %get3A_183 : vector<1x16xf32> to vector<16xf32>
        %add3A_185 = arith.addf %get3A_180, %get3A_184 : vector<16xf32>
        %swap3A_186 = arith.index_cast %scan3A_94 : i32 to index
        %swap3A_187 = arith.constant 96 : index
        %swap3A_188 = tpu.vector_load %arg16[%swap3A_186, %swap3A_187] {strides = array<i32>} : memref<128x128xf32, #tpu.memory_space<vmem>>, vector<1x16xf32>,
        %swap3A_189 = vector.shape_cast %swap3A_188 : vector<1x16xf32> to vector<16xf32>
        %swap3A_190 = vector.shape_cast %add3A_185 : vector<16xf32> to vector<1x16xf32>
        tpu.vector_store %arg16[%swap3A_186, %swap3A_187], %swap3A_190 {strides = array<i32>} : memref<128x128xf32, #tpu.memory_space<vmem>>, vector<1x16xf32>,
        %get3A_191 = arith.index_cast %scan3A_94 : i32 to index
        %get3A_192 = arith.constant 112 : index
        %get3A_193 = tpu.vector_load %arg16[%get3A_191, %get3A_192] {strides = array<i32>} : memref<128x128xf32, #tpu.memory_space<vmem>>, vector<1x16xf32>,
        %get3A_194 = vector.shape_cast %get3A_193 : vector<1x16xf32> to vector<16xf32>
        %get3A_195 = arith.index_cast %scan3A_94 : i32 to index
        %get3A_196 = arith.constant 112 : index
        %get3A_197 = tpu.vector_load %arg17[%get3A_195, %get3A_196] {strides = array<i32>} : memref<128x128xf32, #tpu.memory_space<vmem>>, vector<1x16xf32>,
        %get3A_198 = vector.shape_cast %get3A_197 : vector<1x16xf32> to vector<16xf32>
        %add3A_199 = arith.addf %get3A_194, %get3A_198 : vector<16xf32>
        %swap3A_200 = arith.index_cast %scan3A_94 : i32 to index
        %swap3A_201 = arith.constant 112 : index
        %swap3A_202 = tpu.vector_load %arg16[%swap3A_200, %swap3A_201] {strides = array<i32>} : memref<128x128xf32, #tpu.memory_space<vmem>>, vector<1x16xf32>,
        %swap3A_203 = vector.shape_cast %swap3A_202 : vector<1x16xf32> to vector<16xf32>
        %swap3A_204 = vector.shape_cast %add3A_199 : vector<16xf32> to vector<1x16xf32>
        tpu.vector_store %arg16[%swap3A_200, %swap3A_201], %swap3A_204 {strides = array<i32>} : memref<128x128xf32, #tpu.memory_space<vmem>>, vector<1x16xf32>,
      }
      %scan3A_75 = arith.constant 128 : i32
      "tpu.region"() ({
        %run_scoped3A = tpu.sem_alloc : memref<!tpu.dma_semaphore, #tpu.memory_space<semaphore_mem>>
        %dma_start3A_94 = arith.constant 0 : i32
        %dma_start3A_95 = tpu.memref_slice %arg10[%mul3A_35, %dma_start3A_94] : memref<32768x128xf32, #tpu.memory_space<hbm>> -> memref<128x128xf32, #tpu.memory_space<hbm>>
        %dma_start3A_96 = arith.constant 0 : i32
        %dma_start3A_97 = tpu.memref_slice %arg10[%mul3A_35, %dma_start3A_96] : memref<32768x128xf32, #tpu.memory_space<hbm>> -> memref<128x128xf32, #tpu.memory_space<hbm>>
        tpu.enqueue_dma source(%arg16 : memref<128x128xf32, #tpu.memory_space<vmem>>) target(%dma_start3A_97 : memref<128x128xf32, #tpu.memory_space<hbm>>) target_semaphore(%run_scoped3A : memref<!tpu.dma_semaphore, #tpu.memory_space<semaphore_mem>>)
        %dma_wait3A_98 = arith.constant 0 : i32
        %dma_wait3A_99 = tpu.memref_slice %arg10[%mul3A_35, %dma_wait3A_98] : memref<32768x128xf32, #tpu.memory_space<hbm>> -> memref<128x128xf32, #tpu.memory_space<hbm>>
        %dma_wait3A_100 = arith.constant 0 : i32
        %dma_wait3A_101 = tpu.memref_slice %arg10[%mul3A_35, %dma_wait3A_100] : memref<32768x128xf32, #tpu.memory_space<hbm>> -> memref<128x128xf32, #tpu.memory_space<hbm>>
        tpu.wait_dma2 semaphore(%run_scoped3A : memref<!tpu.dma_semaphore, #tpu.memory_space<semaphore_mem>>) src(%arg16 : memref<128x128xf32, #tpu.memory_space<vmem>>) dst(%dma_wait3A_101 : memref<128x128xf32, #tpu.memory_space<hbm>>)
        tpu.yield
      }) : () -> ()
      %dma_wait3A_76 = arith.constant 0 : i32
      %dma_wait3A_77 = tpu.memref_slice %arg14[%scan3A_32, %dma_wait3A_76] : memref<8x128xi32, #tpu.memory_space<vmem>> -> memref<1x128xi32, #tpu.memory_space<vmem>>
      %dma_wait3A_78 = tpu.memref_squeeze %dma_wait3A_77 : memref<1x128xi32, #tpu.memory_space<vmem>> -> memref<128xi32, #tpu.memory_space<vmem>>
      %dma_wait3A_79 = arith.constant 0 : i32
      %dma_wait3A_80 = arith.constant 0 : i32
      %dma_wait3A_81 = tpu.memref_slice %arg4[%dma_wait3A_79, %dma_wait3A_80] : memref<16384x128xf32, #tpu.memory_space<hbm>> -> memref<16384x128xf32, #tpu.memory_space<hbm>>
      tpu.wait_indirect_dma semaphore(%arg22 : memref<!tpu.dma_semaphore, #tpu.memory_space<semaphore_mem>>) src(%dma_wait3A_81 : memref<16384x128xf32, #tpu.memory_space<hbm>>) dst(%arg18 : memref<128x128xf32, #tpu.memory_space<vmem>>)
      %dma_wait3A_82 = arith.constant 0 : i32
      %dma_wait3A_83 = tpu.memref_slice %arg15[%scan3A_32, %dma_wait3A_82] : memref<8x128xi32, #tpu.memory_space<vmem>> -> memref<1x128xi32, #tpu.memory_space<vmem>>
      %dma_wait3A_84 = tpu.memref_squeeze %dma_wait3A_83 : memref<1x128xi32, #tpu.memory_space<vmem>> -> memref<128xi32, #tpu.memory_space<vmem>>
      %dma_wait3A_85 = arith.constant 0 : i32
      %dma_wait3A_86 = arith.constant 0 : i32
      %dma_wait3A_87 = tpu.memref_slice %arg5[%dma_wait3A_85, %dma_wait3A_86] : memref<16384x128xf32, #tpu.memory_space<hbm>> -> memref<16384x128xf32, #tpu.memory_space<hbm>>
      tpu.wait_indirect_dma semaphore(%arg23 : memref<!tpu.dma_semaphore, #tpu.memory_space<semaphore_mem>>) src(%dma_wait3A_87 : memref<16384x128xf32, #tpu.memory_space<hbm>>) dst(%arg19 : memref<128x128xf32, #tpu.memory_space<vmem>>)
      %scan3A_88 = arith.constant 0 : i32
      %scan3A_89 = arith.constant 0 : i32
      %scan3A_90 = arith.constant 128 : i32
      %scan3A_91 = arith.addi %scan3A_89, %scan3A_90 : i32
      %scan3A_92 = arith.constant 1 : i32
      scf.for %scan3A_94 = %scan3A_89 to %scan3A_91 step %scan3A_92  : i32 {
        %get3A = arith.index_cast %scan3A_94 : i32 to index
        %get3A_95 = arith.constant 0 : index
        %get3A_96 = tpu.vector_load %arg18[%get3A, %get3A_95] {strides = array<i32>} : memref<128x128xf32, #tpu.memory_space<vmem>>, vector<1x16xf32>,
        %get3A_97 = vector.shape_cast %get3A_96 : vector<1x16xf32> to vector<16xf32>
        %get3A_98 = arith.index_cast %scan3A_94 : i32 to index
        %get3A_99 = arith.constant 0 : index
        %get3A_100 = tpu.vector_load %arg19[%get3A_98, %get3A_99] {strides = array<i32>} : memref<128x128xf32, #tpu.memory_space<vmem>>, vector<1x16xf32>,
        %get3A_101 = vector.shape_cast %get3A_100 : vector<1x16xf32> to vector<16xf32>
        %add3A_102 = arith.addf %get3A_97, %get3A_101 : vector<16xf32>
        %swap3A = arith.index_cast %scan3A_94 : i32 to index
        %swap3A_103 = arith.constant 0 : index
        %swap3A_104 = tpu.vector_load %arg18[%swap3A, %swap3A_103] {strides = array<i32>} : memref<128x128xf32, #tpu.memory_space<vmem>>, vector<1x16xf32>,
        %swap3A_105 = vector.shape_cast %swap3A_104 : vector<1x16xf32> to vector<16xf32>
        %swap3A_106 = vector.shape_cast %add3A_102 : vector<16xf32> to vector<1x16xf32>
        tpu.vector_store %arg18[%swap3A, %swap3A_103], %swap3A_106 {strides = array<i32>} : memref<128x128xf32, #tpu.memory_space<vmem>>, vector<1x16xf32>,
        %get3A_107 = arith.index_cast %scan3A_94 : i32 to index
        %get3A_108 = arith.constant 16 : index
        %get3A_109 = tpu.vector_load %arg18[%get3A_107, %get3A_108] {strides = array<i32>} : memref<128x128xf32, #tpu.memory_space<vmem>>, vector<1x16xf32>,
        %get3A_110 = vector.shape_cast %get3A_109 : vector<1x16xf32> to vector<16xf32>
        %get3A_111 = arith.index_cast %scan3A_94 : i32 to index
        %get3A_112 = arith.constant 16 : index
        %get3A_113 = tpu.vector_load %arg19[%get3A_111, %get3A_112] {strides = array<i32>} : memref<128x128xf32, #tpu.memory_space<vmem>>, vector<1x16xf32>,
        %get3A_114 = vector.shape_cast %get3A_113 : vector<1x16xf32> to vector<16xf32>
        %add3A_115 = arith.addf %get3A_110, %get3A_114 : vector<16xf32>
        %swap3A_116 = arith.index_cast %scan3A_94 : i32 to index
        %swap3A_117 = arith.constant 16 : index
        %swap3A_118 = tpu.vector_load %arg18[%swap3A_116, %swap3A_117] {strides = array<i32>} : memref<128x128xf32, #tpu.memory_space<vmem>>, vector<1x16xf32>,
        %swap3A_119 = vector.shape_cast %swap3A_118 : vector<1x16xf32> to vector<16xf32>
        %swap3A_120 = vector.shape_cast %add3A_115 : vector<16xf32> to vector<1x16xf32>
        tpu.vector_store %arg18[%swap3A_116, %swap3A_117], %swap3A_120 {strides = array<i32>} : memref<128x128xf32, #tpu.memory_space<vmem>>, vector<1x16xf32>,
        %get3A_121 = arith.index_cast %scan3A_94 : i32 to index
        %get3A_122 = arith.constant 32 : index
        %get3A_123 = tpu.vector_load %arg18[%get3A_121, %get3A_122] {strides = array<i32>} : memref<128x128xf32, #tpu.memory_space<vmem>>, vector<1x16xf32>,
        %get3A_124 = vector.shape_cast %get3A_123 : vector<1x16xf32> to vector<16xf32>
        %get3A_125 = arith.index_cast %scan3A_94 : i32 to index
        %get3A_126 = arith.constant 32 : index
        %get3A_127 = tpu.vector_load %arg19[%get3A_125, %get3A_126] {strides = array<i32>} : memref<128x128xf32, #tpu.memory_space<vmem>>, vector<1x16xf32>,
        %get3A_128 = vector.shape_cast %get3A_127 : vector<1x16xf32> to vector<16xf32>
        %add3A_129 = arith.addf %get3A_124, %get3A_128 : vector<16xf32>
        %swap3A_130 = arith.index_cast %scan3A_94 : i32 to index
        %swap3A_131 = arith.constant 32 : index
        %swap3A_132 = tpu.vector_load %arg18[%swap3A_130, %swap3A_131] {strides = array<i32>} : memref<128x128xf32, #tpu.memory_space<vmem>>, vector<1x16xf32>,
        %swap3A_133 = vector.shape_cast %swap3A_132 : vector<1x16xf32> to vector<16xf32>
        %swap3A_134 = vector.shape_cast %add3A_129 : vector<16xf32> to vector<1x16xf32>
        tpu.vector_store %arg18[%swap3A_130, %swap3A_131], %swap3A_134 {strides = array<i32>} : memref<128x128xf32, #tpu.memory_space<vmem>>, vector<1x16xf32>,
        %get3A_135 = arith.index_cast %scan3A_94 : i32 to index
        %get3A_136 = arith.constant 48 : index
        %get3A_137 = tpu.vector_load %arg18[%get3A_135, %get3A_136] {strides = array<i32>} : memref<128x128xf32, #tpu.memory_space<vmem>>, vector<1x16xf32>,
        %get3A_138 = vector.shape_cast %get3A_137 : vector<1x16xf32> to vector<16xf32>
        %get3A_139 = arith.index_cast %scan3A_94 : i32 to index
        %get3A_140 = arith.constant 48 : index
        %get3A_141 = tpu.vector_load %arg19[%get3A_139, %get3A_140] {strides = array<i32>} : memref<128x128xf32, #tpu.memory_space<vmem>>, vector<1x16xf32>,
        %get3A_142 = vector.shape_cast %get3A_141 : vector<1x16xf32> to vector<16xf32>
        %add3A_143 = arith.addf %get3A_138, %get3A_142 : vector<16xf32>
        %swap3A_144 = arith.index_cast %scan3A_94 : i32 to index
        %swap3A_145 = arith.constant 48 : index
        %swap3A_146 = tpu.vector_load %arg18[%swap3A_144, %swap3A_145] {strides = array<i32>} : memref<128x128xf32, #tpu.memory_space<vmem>>, vector<1x16xf32>,
        %swap3A_147 = vector.shape_cast %swap3A_146 : vector<1x16xf32> to vector<16xf32>
        %swap3A_148 = vector.shape_cast %add3A_143 : vector<16xf32> to vector<1x16xf32>
        tpu.vector_store %arg18[%swap3A_144, %swap3A_145], %swap3A_148 {strides = array<i32>} : memref<128x128xf32, #tpu.memory_space<vmem>>, vector<1x16xf32>,
        %get3A_149 = arith.index_cast %scan3A_94 : i32 to index
        %get3A_150 = arith.constant 64 : index
        %get3A_151 = tpu.vector_load %arg18[%get3A_149, %get3A_150] {strides = array<i32>} : memref<128x128xf32, #tpu.memory_space<vmem>>, vector<1x16xf32>,
        %get3A_152 = vector.shape_cast %get3A_151 : vector<1x16xf32> to vector<16xf32>
        %get3A_153 = arith.index_cast %scan3A_94 : i32 to index
        %get3A_154 = arith.constant 64 : index
        %get3A_155 = tpu.vector_load %arg19[%get3A_153, %get3A_154] {strides = array<i32>} : memref<128x128xf32, #tpu.memory_space<vmem>>, vector<1x16xf32>,
        %get3A_156 = vector.shape_cast %get3A_155 : vector<1x16xf32> to vector<16xf32>
        %add3A_157 = arith.addf %get3A_152, %get3A_156 : vector<16xf32>
        %swap3A_158 = arith.index_cast %scan3A_94 : i32 to index
        %swap3A_159 = arith.constant 64 : index
        %swap3A_160 = tpu.vector_load %arg18[%swap3A_158, %swap3A_159] {strides = array<i32>} : memref<128x128xf32, #tpu.memory_space<vmem>>, vector<1x16xf32>,
        %swap3A_161 = vector.shape_cast %swap3A_160 : vector<1x16xf32> to vector<16xf32>
        %swap3A_162 = vector.shape_cast %add3A_157 : vector<16xf32> to vector<1x16xf32>
        tpu.vector_store %arg18[%swap3A_158, %swap3A_159], %swap3A_162 {strides = array<i32>} : memref<128x128xf32, #tpu.memory_space<vmem>>, vector<1x16xf32>,
        %get3A_163 = arith.index_cast %scan3A_94 : i32 to index
        %get3A_164 = arith.constant 80 : index
        %get3A_165 = tpu.vector_load %arg18[%get3A_163, %get3A_164] {strides = array<i32>} : memref<128x128xf32, #tpu.memory_space<vmem>>, vector<1x16xf32>,
        %get3A_166 = vector.shape_cast %get3A_165 : vector<1x16xf32> to vector<16xf32>
        %get3A_167 = arith.index_cast %scan3A_94 : i32 to index
        %get3A_168 = arith.constant 80 : index
        %get3A_169 = tpu.vector_load %arg19[%get3A_167, %get3A_168] {strides = array<i32>} : memref<128x128xf32, #tpu.memory_space<vmem>>, vector<1x16xf32>,
        %get3A_170 = vector.shape_cast %get3A_169 : vector<1x16xf32> to vector<16xf32>
        %add3A_171 = arith.addf %get3A_166, %get3A_170 : vector<16xf32>
        %swap3A_172 = arith.index_cast %scan3A_94 : i32 to index
        %swap3A_173 = arith.constant 80 : index
        %swap3A_174 = tpu.vector_load %arg18[%swap3A_172, %swap3A_173] {strides = array<i32>} : memref<128x128xf32, #tpu.memory_space<vmem>>, vector<1x16xf32>,
        %swap3A_175 = vector.shape_cast %swap3A_174 : vector<1x16xf32> to vector<16xf32>
        %swap3A_176 = vector.shape_cast %add3A_171 : vector<16xf32> to vector<1x16xf32>
        tpu.vector_store %arg18[%swap3A_172, %swap3A_173], %swap3A_176 {strides = array<i32>} : memref<128x128xf32, #tpu.memory_space<vmem>>, vector<1x16xf32>,
        %get3A_177 = arith.index_cast %scan3A_94 : i32 to index
        %get3A_178 = arith.constant 96 : index
        %get3A_179 = tpu.vector_load %arg18[%get3A_177, %get3A_178] {strides = array<i32>} : memref<128x128xf32, #tpu.memory_space<vmem>>, vector<1x16xf32>,
        %get3A_180 = vector.shape_cast %get3A_179 : vector<1x16xf32> to vector<16xf32>
        %get3A_181 = arith.index_cast %scan3A_94 : i32 to index
        %get3A_182 = arith.constant 96 : index
        %get3A_183 = tpu.vector_load %arg19[%get3A_181, %get3A_182] {strides = array<i32>} : memref<128x128xf32, #tpu.memory_space<vmem>>, vector<1x16xf32>,
        %get3A_184 = vector.shape_cast %get3A_183 : vector<1x16xf32> to vector<16xf32>
        %add3A_185 = arith.addf %get3A_180, %get3A_184 : vector<16xf32>
        %swap3A_186 = arith.index_cast %scan3A_94 : i32 to index
        %swap3A_187 = arith.constant 96 : index
        %swap3A_188 = tpu.vector_load %arg18[%swap3A_186, %swap3A_187] {strides = array<i32>} : memref<128x128xf32, #tpu.memory_space<vmem>>, vector<1x16xf32>,
        %swap3A_189 = vector.shape_cast %swap3A_188 : vector<1x16xf32> to vector<16xf32>
        %swap3A_190 = vector.shape_cast %add3A_185 : vector<16xf32> to vector<1x16xf32>
        tpu.vector_store %arg18[%swap3A_186, %swap3A_187], %swap3A_190 {strides = array<i32>} : memref<128x128xf32, #tpu.memory_space<vmem>>, vector<1x16xf32>,
        %get3A_191 = arith.index_cast %scan3A_94 : i32 to index
        %get3A_192 = arith.constant 112 : index
        %get3A_193 = tpu.vector_load %arg18[%get3A_191, %get3A_192] {strides = array<i32>} : memref<128x128xf32, #tpu.memory_space<vmem>>, vector<1x16xf32>,
        %get3A_194 = vector.shape_cast %get3A_193 : vector<1x16xf32> to vector<16xf32>
        %get3A_195 = arith.index_cast %scan3A_94 : i32 to index
        %get3A_196 = arith.constant 112 : index
        %get3A_197 = tpu.vector_load %arg19[%get3A_195, %get3A_196] {strides = array<i32>} : memref<128x128xf32, #tpu.memory_space<vmem>>, vector<1x16xf32>,
        %get3A_198 = vector.shape_cast %get3A_197 : vector<1x16xf32> to vector<16xf32>
        %add3A_199 = arith.addf %get3A_194, %get3A_198 : vector<16xf32>
        %swap3A_200 = arith.index_cast %scan3A_94 : i32 to index
        %swap3A_201 = arith.constant 112 : index
        %swap3A_202 = tpu.vector_load %arg18[%swap3A_200, %swap3A_201] {strides = array<i32>} : memref<128x128xf32, #tpu.memory_space<vmem>>, vector<1x16xf32>,
        %swap3A_203 = vector.shape_cast %swap3A_202 : vector<1x16xf32> to vector<16xf32>
        %swap3A_204 = vector.shape_cast %add3A_199 : vector<16xf32> to vector<1x16xf32>
        tpu.vector_store %arg18[%swap3A_200, %swap3A_201], %swap3A_204 {strides = array<i32>} : memref<128x128xf32, #tpu.memory_space<vmem>>, vector<1x16xf32>,
      }
      %scan3A_93 = arith.constant 128 : i32
      "tpu.region"() ({
        %run_scoped3A = tpu.sem_alloc : memref<!tpu.dma_semaphore, #tpu.memory_space<semaphore_mem>>
        %dma_start3A_94 = arith.constant 0 : i32
        %dma_start3A_95 = tpu.memref_slice %arg11[%mul3A_35, %dma_start3A_94] : memref<32768x128xf32, #tpu.memory_space<hbm>> -> memref<128x128xf32, #tpu.memory_space<hbm>>
        %dma_start3A_96 = arith.constant 0 : i32
        %dma_start3A_97 = tpu.memref_slice %arg11[%mul3A_35, %dma_start3A_96] : memref<32768x128xf32, #tpu.memory_space<hbm>> -> memref<128x128xf32, #tpu.memory_space<hbm>>
        tpu.enqueue_dma source(%arg18 : memref<128x128xf32, #tpu.memory_space<vmem>>) target(%dma_start3A_97 : memref<128x128xf32, #tpu.memory_space<hbm>>) target_semaphore(%run_scoped3A : memref<!tpu.dma_semaphore, #tpu.memory_space<semaphore_mem>>)
        %dma_wait3A_98 = arith.constant 0 : i32
        %dma_wait3A_99 = tpu.memref_slice %arg11[%mul3A_35, %dma_wait3A_98] : memref<32768x128xf32, #tpu.memory_space<hbm>> -> memref<128x128xf32, #tpu.memory_space<hbm>>
        %dma_wait3A_100 = arith.constant 0 : i32
        %dma_wait3A_101 = tpu.memref_slice %arg11[%mul3A_35, %dma_wait3A_100] : memref<32768x128xf32, #tpu.memory_space<hbm>> -> memref<128x128xf32, #tpu.memory_space<hbm>>
        tpu.wait_dma2 semaphore(%run_scoped3A : memref<!tpu.dma_semaphore, #tpu.memory_space<semaphore_mem>>) src(%arg18 : memref<128x128xf32, #tpu.memory_space<vmem>>) dst(%dma_wait3A_101 : memref<128x128xf32, #tpu.memory_space<hbm>>)
        tpu.yield
      }) : () -> ()
    }
    %scan3A_31 = arith.constant 8 : i32
    return
  }
}

#map = affine_map<(d0, d1) -> (0, 0)>
module attributes {stable_mosaic.version = 14 : i64} {
  func.func @_sc_body(%arg0: i32, %arg1: i32, %arg2: memref<16384x128xf32, #tpu.memory_space<hbm>>, %arg3: memref<16384x128xf32, #tpu.memory_space<hbm>>, %arg4: memref<16384x128xf32, #tpu.memory_space<hbm>>, %arg5: memref<16384x128xf32, #tpu.memory_space<hbm>>, %arg6: memref<1024x128xi32, #tpu.memory_space<hbm>>, %arg7: memref<1024x128xi32, #tpu.memory_space<hbm>>, %arg8: memref<1024x128xi32, #tpu.memory_space<hbm>>, %arg9: memref<1024x128xi32, #tpu.memory_space<hbm>>, %arg10: memref<32768x128xf32, #tpu.memory_space<hbm>>, %arg11: memref<32768x128xf32, #tpu.memory_space<hbm>>, %arg12: memref<8x128xi32, #tpu.memory_space<vmem>>, %arg13: memref<8x128xi32, #tpu.memory_space<vmem>>, %arg14: memref<8x128xi32, #tpu.memory_space<vmem>>, %arg15: memref<8x128xi32, #tpu.memory_space<vmem>>, %arg16: memref<128x128xf32, #tpu.memory_space<vmem>>, %arg17: memref<128x128xf32, #tpu.memory_space<vmem>>, %arg18: memref<128x128xf32, #tpu.memory_space<vmem>>, %arg19: memref<128x128xf32, #tpu.memory_space<vmem>>, %arg20: memref<!tpu.dma_semaphore, #tpu.memory_space<semaphore_mem>>, %arg21: memref<!tpu.dma_semaphore, #tpu.memory_space<semaphore_mem>>, %arg22: memref<!tpu.dma_semaphore, #tpu.memory_space<semaphore_mem>>, %arg23: memref<!tpu.dma_semaphore, #tpu.memory_space<semaphore_mem>>) attributes {dimension_semantics = [#tpu.dimension_semantics<core_parallel>, #tpu.dimension_semantics<subcore_parallel>], iteration_bounds = array<i64: 2, 16>, scalar_prefetch = 0 : i64, scratch_operands = 12 : i64, tpu.core_type = #tpu.core_type<sc_vector_subcore>, window_params = [{transform_indices = #map}, {transform_indices = #map}, {transform_indices = #map}, {transform_indices = #map}, {transform_indices = #map}, {transform_indices = #map}, {transform_indices = #map}, {transform_indices = #map}, {transform_indices = #map}, {transform_indices = #map}]} {
    %mul3A = arith.constant 2 : i32
    %mul3A_0 = arith.muli %arg1, %mul3A : i32
    %add3A = arith.addi %mul3A_0, %arg0 : i32
    %mul3A_1 = arith.constant 8 : i32
    %mul3A_2 = arith.muli %add3A, %mul3A_1 : i32
    %add3A_3 = arith.constant 768 : i32
    %add3A_4 = arith.addi %add3A_3, %mul3A_2 : i32
    %jit3A = arith.constant 64 : i32
    %div3A = arith.divsi %add3A_4, %jit3A : i32
    %sign3A = arith.constant 0 : i32
    %sign3A_5 = arith.cmpi sgt, %add3A_4, %sign3A : i32
    %sign3A_6 = arith.extui %sign3A_5 : i1 to i32
    %sign3A_7 = arith.constant 0 : i32
    %sign3A_8 = arith.cmpi slt, %add3A_4, %sign3A_7 : i32
    %sign3A_9 = arith.extui %sign3A_8 : i1 to i32
    %sign3A_10 = arith.subi %sign3A_6, %sign3A_9 : i32
    %sign3A_11 = arith.constant 0 : i32
    %sign3A_12 = arith.cmpi sgt, %jit3A, %sign3A_11 : i32
    %sign3A_13 = arith.extui %sign3A_12 : i1 to i32
    %sign3A_14 = arith.constant 0 : i32
    %sign3A_15 = arith.cmpi slt, %jit3A, %sign3A_14 : i32
    %sign3A_16 = arith.extui %sign3A_15 : i1 to i32
    %sign3A_17 = arith.subi %sign3A_13, %sign3A_16 : i32
    %ne3A = arith.cmpi ne, %sign3A_10, %sign3A_17 : i32
    %rem3A = arith.remsi %add3A_4, %jit3A : i32
    %ne3A_18 = arith.constant 0 : i32
    %ne3A_19 = arith.cmpi ne, %rem3A, %ne3A_18 : i32
    %and3A = arith.andi %ne3A, %ne3A_19 : i1
    %sub3A = arith.constant 1 : i32
    %sub3A_20 = arith.subi %div3A, %sub3A : i32
    %select_n3A = arith.select %and3A, %sub3A_20, %div3A : i32
    "tpu.region"() ({
      %run_scoped3A = tpu.sem_alloc : memref<!tpu.dma_semaphore, #tpu.memory_space<semaphore_mem>>
      %dma_start3A = arith.constant 0 : i32
      %dma_start3A_32 = tpu.memref_slice %arg6[%add3A_4, %dma_start3A] : memref<1024x128xi32, #tpu.memory_space<hbm>> -> memref<8x128xi32, #tpu.memory_space<hbm>>
      %dma_start3A_33 = arith.constant 0 : i32
      %dma_start3A_34 = tpu.memref_slice %arg6[%add3A_4, %dma_start3A_33] : memref<1024x128xi32, #tpu.memory_space<hbm>> -> memref<8x128xi32, #tpu.memory_space<hbm>>
      tpu.enqueue_dma source(%dma_start3A_34 : memref<8x128xi32, #tpu.memory_space<hbm>>) target(%arg12 : memref<8x128xi32, #tpu.memory_space<vmem>>) target_semaphore(%run_scoped3A : memref<!tpu.dma_semaphore, #tpu.memory_space<semaphore_mem>>)
      %dma_wait3A = arith.constant 0 : i32
      %dma_wait3A_35 = tpu.memref_slice %arg6[%add3A_4, %dma_wait3A] : memref<1024x128xi32, #tpu.memory_space<hbm>> -> memref<8x128xi32, #tpu.memory_space<hbm>>
      %dma_wait3A_36 = arith.constant 0 : i32
      %dma_wait3A_37 = tpu.memref_slice %arg6[%add3A_4, %dma_wait3A_36] : memref<1024x128xi32, #tpu.memory_space<hbm>> -> memref<8x128xi32, #tpu.memory_space<hbm>>
      tpu.wait_dma2 semaphore(%run_scoped3A : memref<!tpu.dma_semaphore, #tpu.memory_space<semaphore_mem>>) src(%dma_wait3A_37 : memref<8x128xi32, #tpu.memory_space<hbm>>) dst(%arg12 : memref<8x128xi32, #tpu.memory_space<vmem>>)
      tpu.yield
    }) : () -> ()
    "tpu.region"() ({
      %run_scoped3A = tpu.sem_alloc : memref<!tpu.dma_semaphore, #tpu.memory_space<semaphore_mem>>
      %dma_start3A = arith.constant 0 : i32
      %dma_start3A_32 = tpu.memref_slice %arg7[%add3A_4, %dma_start3A] : memref<1024x128xi32, #tpu.memory_space<hbm>> -> memref<8x128xi32, #tpu.memory_space<hbm>>
      %dma_start3A_33 = arith.constant 0 : i32
      %dma_start3A_34 = tpu.memref_slice %arg7[%add3A_4, %dma_start3A_33] : memref<1024x128xi32, #tpu.memory_space<hbm>> -> memref<8x128xi32, #tpu.memory_space<hbm>>
      tpu.enqueue_dma source(%dma_start3A_34 : memref<8x128xi32, #tpu.memory_space<hbm>>) target(%arg13 : memref<8x128xi32, #tpu.memory_space<vmem>>) target_semaphore(%run_scoped3A : memref<!tpu.dma_semaphore, #tpu.memory_space<semaphore_mem>>)
      %dma_wait3A = arith.constant 0 : i32
      %dma_wait3A_35 = tpu.memref_slice %arg7[%add3A_4, %dma_wait3A] : memref<1024x128xi32, #tpu.memory_space<hbm>> -> memref<8x128xi32, #tpu.memory_space<hbm>>
      %dma_wait3A_36 = arith.constant 0 : i32
      %dma_wait3A_37 = tpu.memref_slice %arg7[%add3A_4, %dma_wait3A_36] : memref<1024x128xi32, #tpu.memory_space<hbm>> -> memref<8x128xi32, #tpu.memory_space<hbm>>
      tpu.wait_dma2 semaphore(%run_scoped3A : memref<!tpu.dma_semaphore, #tpu.memory_space<semaphore_mem>>) src(%dma_wait3A_37 : memref<8x128xi32, #tpu.memory_space<hbm>>) dst(%arg13 : memref<8x128xi32, #tpu.memory_space<vmem>>)
      tpu.yield
    }) : () -> ()
    "tpu.region"() ({
      %run_scoped3A = tpu.sem_alloc : memref<!tpu.dma_semaphore, #tpu.memory_space<semaphore_mem>>
      %dma_start3A = arith.constant 0 : i32
      %dma_start3A_32 = tpu.memref_slice %arg8[%add3A_4, %dma_start3A] : memref<1024x128xi32, #tpu.memory_space<hbm>> -> memref<8x128xi32, #tpu.memory_space<hbm>>
      %dma_start3A_33 = arith.constant 0 : i32
      %dma_start3A_34 = tpu.memref_slice %arg8[%add3A_4, %dma_start3A_33] : memref<1024x128xi32, #tpu.memory_space<hbm>> -> memref<8x128xi32, #tpu.memory_space<hbm>>
      tpu.enqueue_dma source(%dma_start3A_34 : memref<8x128xi32, #tpu.memory_space<hbm>>) target(%arg14 : memref<8x128xi32, #tpu.memory_space<vmem>>) target_semaphore(%run_scoped3A : memref<!tpu.dma_semaphore, #tpu.memory_space<semaphore_mem>>)
      %dma_wait3A = arith.constant 0 : i32
      %dma_wait3A_35 = tpu.memref_slice %arg8[%add3A_4, %dma_wait3A] : memref<1024x128xi32, #tpu.memory_space<hbm>> -> memref<8x128xi32, #tpu.memory_space<hbm>>
      %dma_wait3A_36 = arith.constant 0 : i32
      %dma_wait3A_37 = tpu.memref_slice %arg8[%add3A_4, %dma_wait3A_36] : memref<1024x128xi32, #tpu.memory_space<hbm>> -> memref<8x128xi32, #tpu.memory_space<hbm>>
      tpu.wait_dma2 semaphore(%run_scoped3A : memref<!tpu.dma_semaphore, #tpu.memory_space<semaphore_mem>>) src(%dma_wait3A_37 : memref<8x128xi32, #tpu.memory_space<hbm>>) dst(%arg14 : memref<8x128xi32, #tpu.memory_space<vmem>>)
      tpu.yield
    }) : () -> ()
    "tpu.region"() ({
      %run_scoped3A = tpu.sem_alloc : memref<!tpu.dma_semaphore, #tpu.memory_space<semaphore_mem>>
      %dma_start3A = arith.constant 0 : i32
      %dma_start3A_32 = tpu.memref_slice %arg9[%add3A_4, %dma_start3A] : memref<1024x128xi32, #tpu.memory_space<hbm>> -> memref<8x128xi32, #tpu.memory_space<hbm>>
      %dma_start3A_33 = arith.constant 0 : i32
      %dma_start3A_34 = tpu.memref_slice %arg9[%add3A_4, %dma_start3A_33] : memref<1024x128xi32, #tpu.memory_space<hbm>> -> memref<8x128xi32, #tpu.memory_space<hbm>>
      tpu.enqueue_dma source(%dma_start3A_34 : memref<8x128xi32, #tpu.memory_space<hbm>>) target(%arg15 : memref<8x128xi32, #tpu.memory_space<vmem>>) target_semaphore(%run_scoped3A : memref<!tpu.dma_semaphore, #tpu.memory_space<semaphore_mem>>)
      %dma_wait3A = arith.constant 0 : i32
      %dma_wait3A_35 = tpu.memref_slice %arg9[%add3A_4, %dma_wait3A] : memref<1024x128xi32, #tpu.memory_space<hbm>> -> memref<8x128xi32, #tpu.memory_space<hbm>>
      %dma_wait3A_36 = arith.constant 0 : i32
      %dma_wait3A_37 = tpu.memref_slice %arg9[%add3A_4, %dma_wait3A_36] : memref<1024x128xi32, #tpu.memory_space<hbm>> -> memref<8x128xi32, #tpu.memory_space<hbm>>
      tpu.wait_dma2 semaphore(%run_scoped3A : memref<!tpu.dma_semaphore, #tpu.memory_space<semaphore_mem>>) src(%dma_wait3A_37 : memref<8x128xi32, #tpu.memory_space<hbm>>) dst(%arg15 : memref<8x128xi32, #tpu.memory_space<vmem>>)
      tpu.yield
    }) : () -> ()
    %scan3A = arith.constant 0 : i32
    %scan3A_21 = arith.constant 0 : i32
    %scan3A_22 = arith.constant 8 : i32
    %scan3A_23 = arith.addi %scan3A_21, %scan3A_22 : i32
    %scan3A_24 = arith.constant 1 : i32
    scf.for %scan3A_32 = %scan3A_21 to %scan3A_23 step %scan3A_24  : i32 {
      %add3A_33 = arith.addi %add3A_4, %scan3A_32 : i32
      %jit3A_34 = arith.constant 4 : i32
      %div3A_35 = arith.divsi %add3A_33, %jit3A_34 : i32
      %sign3A_36 = arith.constant 0 : i32
      %sign3A_37 = arith.cmpi sgt, %add3A_33, %sign3A_36 : i32
      %sign3A_38 = arith.extui %sign3A_37 : i1 to i32
      %sign3A_39 = arith.constant 0 : i32
      %sign3A_40 = arith.cmpi slt, %add3A_33, %sign3A_39 : i32
      %sign3A_41 = arith.extui %sign3A_40 : i1 to i32
      %sign3A_42 = arith.subi %sign3A_38, %sign3A_41 : i32
      %sign3A_43 = arith.constant 0 : i32
      %sign3A_44 = arith.cmpi sgt, %jit3A_34, %sign3A_43 : i32
      %sign3A_45 = arith.extui %sign3A_44 : i1 to i32
      %sign3A_46 = arith.constant 0 : i32
      %sign3A_47 = arith.cmpi slt, %jit3A_34, %sign3A_46 : i32
      %sign3A_48 = arith.extui %sign3A_47 : i1 to i32
      %sign3A_49 = arith.subi %sign3A_45, %sign3A_48 : i32
      %ne3A_50 = arith.cmpi ne, %sign3A_42, %sign3A_49 : i32
      %rem3A_51 = arith.remsi %add3A_33, %jit3A_34 : i32
      %ne3A_52 = arith.constant 0 : i32
      %ne3A_53 = arith.cmpi ne, %rem3A_51, %ne3A_52 : i32
      %and3A_54 = arith.andi %ne3A_50, %ne3A_53 : i1
      %sub3A_55 = arith.constant 1 : i32
      %sub3A_56 = arith.subi %div3A_35, %sub3A_55 : i32
      %select_n3A_57 = arith.select %and3A_54, %sub3A_56, %div3A_35 : i32
      %mul3A_58 = arith.constant 1024 : i32
      %mul3A_59 = arith.muli %select_n3A, %mul3A_58 : i32
      %mul3A_60 = arith.constant 64 : i32
      %mul3A_61 = arith.muli %select_n3A_57, %mul3A_60 : i32
      %get3A = arith.index_cast %scan3A_32 : i32 to index
      %get3A_62 = arith.constant 0 : index
      %get3A_63 = tpu.vector_load %arg12[%get3A, %get3A_62] {strides = array<i32>} : memref<8x128xi32, #tpu.memory_space<vmem>>, vector<1x16xi32>,
      %get3A_64 = vector.shape_cast %get3A_63 : vector<1x16xi32> to vector<16xi32>
      %add3A_65 = vector.broadcast %mul3A_59 : i32 to vector<16xi32>
      %add3A_66 = arith.addi %get3A_64, %add3A_65 : vector<16xi32>
      %swap3A = arith.index_cast %scan3A_32 : i32 to index
      %swap3A_67 = arith.constant 0 : index
      %swap3A_68 = tpu.vector_load %arg12[%swap3A, %swap3A_67] {strides = array<i32>} : memref<8x128xi32, #tpu.memory_space<vmem>>, vector<1x16xi32>,
      %swap3A_69 = vector.shape_cast %swap3A_68 : vector<1x16xi32> to vector<16xi32>
      %swap3A_70 = vector.shape_cast %add3A_66 : vector<16xi32> to vector<1x16xi32>
      tpu.vector_store %arg12[%swap3A, %swap3A_67], %swap3A_70 {strides = array<i32>} : memref<8x128xi32, #tpu.memory_space<vmem>>, vector<1x16xi32>,
      %get3A_71 = arith.index_cast %scan3A_32 : i32 to index
      %get3A_72 = arith.constant 0 : index
      %get3A_73 = tpu.vector_load %arg13[%get3A_71, %get3A_72] {strides = array<i32>} : memref<8x128xi32, #tpu.memory_space<vmem>>, vector<1x16xi32>,
      %get3A_74 = vector.shape_cast %get3A_73 : vector<1x16xi32> to vector<16xi32>
      %add3A_75 = vector.broadcast %mul3A_59 : i32 to vector<16xi32>
      %add3A_76 = arith.addi %get3A_74, %add3A_75 : vector<16xi32>
      %swap3A_77 = arith.index_cast %scan3A_32 : i32 to index
      %swap3A_78 = arith.constant 0 : index
      %swap3A_79 = tpu.vector_load %arg13[%swap3A_77, %swap3A_78] {strides = array<i32>} : memref<8x128xi32, #tpu.memory_space<vmem>>, vector<1x16xi32>,
      %swap3A_80 = vector.shape_cast %swap3A_79 : vector<1x16xi32> to vector<16xi32>
      %swap3A_81 = vector.shape_cast %add3A_76 : vector<16xi32> to vector<1x16xi32>
      tpu.vector_store %arg13[%swap3A_77, %swap3A_78], %swap3A_81 {strides = array<i32>} : memref<8x128xi32, #tpu.memory_space<vmem>>, vector<1x16xi32>,
      %get3A_82 = arith.index_cast %scan3A_32 : i32 to index
      %get3A_83 = arith.constant 0 : index
      %get3A_84 = tpu.vector_load %arg14[%get3A_82, %get3A_83] {strides = array<i32>} : memref<8x128xi32, #tpu.memory_space<vmem>>, vector<1x16xi32>,
      %get3A_85 = vector.shape_cast %get3A_84 : vector<1x16xi32> to vector<16xi32>
      %add3A_86 = vector.broadcast %mul3A_61 : i32 to vector<16xi32>
      %add3A_87 = arith.addi %get3A_85, %add3A_86 : vector<16xi32>
      %swap3A_88 = arith.index_cast %scan3A_32 : i32 to index
      %swap3A_89 = arith.constant 0 : index
      %swap3A_90 = tpu.vector_load %arg14[%swap3A_88, %swap3A_89] {strides = array<i32>} : memref<8x128xi32, #tpu.memory_space<vmem>>, vector<1x16xi32>,
      %swap3A_91 = vector.shape_cast %swap3A_90 : vector<1x16xi32> to vector<16xi32>
      %swap3A_92 = vector.shape_cast %add3A_87 : vector<16xi32> to vector<1x16xi32>
      tpu.vector_store %arg14[%swap3A_88, %swap3A_89], %swap3A_92 {strides = array<i32>} : memref<8x128xi32, #tpu.memory_space<vmem>>, vector<1x16xi32>,
      %get3A_93 = arith.index_cast %scan3A_32 : i32 to index
      %get3A_94 = arith.constant 0 : index
      %get3A_95 = tpu.vector_load %arg15[%get3A_93, %get3A_94] {strides = array<i32>} : memref<8x128xi32, #tpu.memory_space<vmem>>, vector<1x16xi32>,
      %get3A_96 = vector.shape_cast %get3A_95 : vector<1x16xi32> to vector<16xi32>
      %add3A_97 = vector.broadcast %mul3A_61 : i32 to vector<16xi32>
      %add3A_98 = arith.addi %get3A_96, %add3A_97 : vector<16xi32>
      %swap3A_99 = arith.index_cast %scan3A_32 : i32 to index
      %swap3A_100 = arith.constant 0 : index
      %swap3A_101 = tpu.vector_load %arg15[%swap3A_99, %swap3A_100] {strides = array<i32>} : memref<8x128xi32, #tpu.memory_space<vmem>>, vector<1x16xi32>,
      %swap3A_102 = vector.shape_cast %swap3A_101 : vector<1x16xi32> to vector<16xi32>
      %swap3A_103 = vector.shape_cast %add3A_98 : vector<16xi32> to vector<1x16xi32>
      tpu.vector_store %arg15[%swap3A_99, %swap3A_100], %swap3A_103 {strides = array<i32>} : memref<8x128xi32, #tpu.memory_space<vmem>>, vector<1x16xi32>,
      %get3A_104 = arith.index_cast %scan3A_32 : i32 to index
      %get3A_105 = arith.constant 16 : index
      %get3A_106 = tpu.vector_load %arg12[%get3A_104, %get3A_105] {strides = array<i32>} : memref<8x128xi32, #tpu.memory_space<vmem>>, vector<1x16xi32>,
      %get3A_107 = vector.shape_cast %get3A_106 : vector<1x16xi32> to vector<16xi32>
      %add3A_108 = vector.broadcast %mul3A_59 : i32 to vector<16xi32>
      %add3A_109 = arith.addi %get3A_107, %add3A_108 : vector<16xi32>
      %swap3A_110 = arith.index_cast %scan3A_32 : i32 to index
      %swap3A_111 = arith.constant 16 : index
      %swap3A_112 = tpu.vector_load %arg12[%swap3A_110, %swap3A_111] {strides = array<i32>} : memref<8x128xi32, #tpu.memory_space<vmem>>, vector<1x16xi32>,
      %swap3A_113 = vector.shape_cast %swap3A_112 : vector<1x16xi32> to vector<16xi32>
      %swap3A_114 = vector.shape_cast %add3A_109 : vector<16xi32> to vector<1x16xi32>
      tpu.vector_store %arg12[%swap3A_110, %swap3A_111], %swap3A_114 {strides = array<i32>} : memref<8x128xi32, #tpu.memory_space<vmem>>, vector<1x16xi32>,
      %get3A_115 = arith.index_cast %scan3A_32 : i32 to index
      %get3A_116 = arith.constant 16 : index
      %get3A_117 = tpu.vector_load %arg13[%get3A_115, %get3A_116] {strides = array<i32>} : memref<8x128xi32, #tpu.memory_space<vmem>>, vector<1x16xi32>,
      %get3A_118 = vector.shape_cast %get3A_117 : vector<1x16xi32> to vector<16xi32>
      %add3A_119 = vector.broadcast %mul3A_59 : i32 to vector<16xi32>
      %add3A_120 = arith.addi %get3A_118, %add3A_119 : vector<16xi32>
      %swap3A_121 = arith.index_cast %scan3A_32 : i32 to index
      %swap3A_122 = arith.constant 16 : index
      %swap3A_123 = tpu.vector_load %arg13[%swap3A_121, %swap3A_122] {strides = array<i32>} : memref<8x128xi32, #tpu.memory_space<vmem>>, vector<1x16xi32>,
      %swap3A_124 = vector.shape_cast %swap3A_123 : vector<1x16xi32> to vector<16xi32>
      %swap3A_125 = vector.shape_cast %add3A_120 : vector<16xi32> to vector<1x16xi32>
      tpu.vector_store %arg13[%swap3A_121, %swap3A_122], %swap3A_125 {strides = array<i32>} : memref<8x128xi32, #tpu.memory_space<vmem>>, vector<1x16xi32>,
      %get3A_126 = arith.index_cast %scan3A_32 : i32 to index
      %get3A_127 = arith.constant 16 : index
      %get3A_128 = tpu.vector_load %arg14[%get3A_126, %get3A_127] {strides = array<i32>} : memref<8x128xi32, #tpu.memory_space<vmem>>, vector<1x16xi32>,
      %get3A_129 = vector.shape_cast %get3A_128 : vector<1x16xi32> to vector<16xi32>
      %add3A_130 = vector.broadcast %mul3A_61 : i32 to vector<16xi32>
      %add3A_131 = arith.addi %get3A_129, %add3A_130 : vector<16xi32>
      %swap3A_132 = arith.index_cast %scan3A_32 : i32 to index
      %swap3A_133 = arith.constant 16 : index
      %swap3A_134 = tpu.vector_load %arg14[%swap3A_132, %swap3A_133] {strides = array<i32>} : memref<8x128xi32, #tpu.memory_space<vmem>>, vector<1x16xi32>,
      %swap3A_135 = vector.shape_cast %swap3A_134 : vector<1x16xi32> to vector<16xi32>
      %swap3A_136 = vector.shape_cast %add3A_131 : vector<16xi32> to vector<1x16xi32>
      tpu.vector_store %arg14[%swap3A_132, %swap3A_133], %swap3A_136 {strides = array<i32>} : memref<8x128xi32, #tpu.memory_space<vmem>>, vector<1x16xi32>,
      %get3A_137 = arith.index_cast %scan3A_32 : i32 to index
      %get3A_138 = arith.constant 16 : index
      %get3A_139 = tpu.vector_load %arg15[%get3A_137, %get3A_138] {strides = array<i32>} : memref<8x128xi32, #tpu.memory_space<vmem>>, vector<1x16xi32>,
      %get3A_140 = vector.shape_cast %get3A_139 : vector<1x16xi32> to vector<16xi32>
      %add3A_141 = vector.broadcast %mul3A_61 : i32 to vector<16xi32>
      %add3A_142 = arith.addi %get3A_140, %add3A_141 : vector<16xi32>
      %swap3A_143 = arith.index_cast %scan3A_32 : i32 to index
      %swap3A_144 = arith.constant 16 : index
      %swap3A_145 = tpu.vector_load %arg15[%swap3A_143, %swap3A_144] {strides = array<i32>} : memref<8x128xi32, #tpu.memory_space<vmem>>, vector<1x16xi32>,
      %swap3A_146 = vector.shape_cast %swap3A_145 : vector<1x16xi32> to vector<16xi32>
      %swap3A_147 = vector.shape_cast %add3A_142 : vector<16xi32> to vector<1x16xi32>
      tpu.vector_store %arg15[%swap3A_143, %swap3A_144], %swap3A_147 {strides = array<i32>} : memref<8x128xi32, #tpu.memory_space<vmem>>, vector<1x16xi32>,
      %get3A_148 = arith.index_cast %scan3A_32 : i32 to index
      %get3A_149 = arith.constant 32 : index
      %get3A_150 = tpu.vector_load %arg12[%get3A_148, %get3A_149] {strides = array<i32>} : memref<8x128xi32, #tpu.memory_space<vmem>>, vector<1x16xi32>,
      %get3A_151 = vector.shape_cast %get3A_150 : vector<1x16xi32> to vector<16xi32>
      %add3A_152 = vector.broadcast %mul3A_59 : i32 to vector<16xi32>
      %add3A_153 = arith.addi %get3A_151, %add3A_152 : vector<16xi32>
      %swap3A_154 = arith.index_cast %scan3A_32 : i32 to index
      %swap3A_155 = arith.constant 32 : index
      %swap3A_156 = tpu.vector_load %arg12[%swap3A_154, %swap3A_155] {strides = array<i32>} : memref<8x128xi32, #tpu.memory_space<vmem>>, vector<1x16xi32>,
      %swap3A_157 = vector.shape_cast %swap3A_156 : vector<1x16xi32> to vector<16xi32>
      %swap3A_158 = vector.shape_cast %add3A_153 : vector<16xi32> to vector<1x16xi32>
      tpu.vector_store %arg12[%swap3A_154, %swap3A_155], %swap3A_158 {strides = array<i32>} : memref<8x128xi32, #tpu.memory_space<vmem>>, vector<1x16xi32>,
      %get3A_159 = arith.index_cast %scan3A_32 : i32 to index
      %get3A_160 = arith.constant 32 : index
      %get3A_161 = tpu.vector_load %arg13[%get3A_159, %get3A_160] {strides = array<i32>} : memref<8x128xi32, #tpu.memory_space<vmem>>, vector<1x16xi32>,
      %get3A_162 = vector.shape_cast %get3A_161 : vector<1x16xi32> to vector<16xi32>
      %add3A_163 = vector.broadcast %mul3A_59 : i32 to vector<16xi32>
      %add3A_164 = arith.addi %get3A_162, %add3A_163 : vector<16xi32>
      %swap3A_165 = arith.index_cast %scan3A_32 : i32 to index
      %swap3A_166 = arith.constant 32 : index
      %swap3A_167 = tpu.vector_load %arg13[%swap3A_165, %swap3A_166] {strides = array<i32>} : memref<8x128xi32, #tpu.memory_space<vmem>>, vector<1x16xi32>,
      %swap3A_168 = vector.shape_cast %swap3A_167 : vector<1x16xi32> to vector<16xi32>
      %swap3A_169 = vector.shape_cast %add3A_164 : vector<16xi32> to vector<1x16xi32>
      tpu.vector_store %arg13[%swap3A_165, %swap3A_166], %swap3A_169 {strides = array<i32>} : memref<8x128xi32, #tpu.memory_space<vmem>>, vector<1x16xi32>,
      %get3A_170 = arith.index_cast %scan3A_32 : i32 to index
      %get3A_171 = arith.constant 32 : index
      %get3A_172 = tpu.vector_load %arg14[%get3A_170, %get3A_171] {strides = array<i32>} : memref<8x128xi32, #tpu.memory_space<vmem>>, vector<1x16xi32>,
      %get3A_173 = vector.shape_cast %get3A_172 : vector<1x16xi32> to vector<16xi32>
      %add3A_174 = vector.broadcast %mul3A_61 : i32 to vector<16xi32>
      %add3A_175 = arith.addi %get3A_173, %add3A_174 : vector<16xi32>
      %swap3A_176 = arith.index_cast %scan3A_32 : i32 to index
      %swap3A_177 = arith.constant 32 : index
      %swap3A_178 = tpu.vector_load %arg14[%swap3A_176, %swap3A_177] {strides = array<i32>} : memref<8x128xi32, #tpu.memory_space<vmem>>, vector<1x16xi32>,
      %swap3A_179 = vector.shape_cast %swap3A_178 : vector<1x16xi32> to vector<16xi32>
      %swap3A_180 = vector.shape_cast %add3A_175 : vector<16xi32> to vector<1x16xi32>
      tpu.vector_store %arg14[%swap3A_176, %swap3A_177], %swap3A_180 {strides = array<i32>} : memref<8x128xi32, #tpu.memory_space<vmem>>, vector<1x16xi32>,
      %get3A_181 = arith.index_cast %scan3A_32 : i32 to index
      %get3A_182 = arith.constant 32 : index
      %get3A_183 = tpu.vector_load %arg15[%get3A_181, %get3A_182] {strides = array<i32>} : memref<8x128xi32, #tpu.memory_space<vmem>>, vector<1x16xi32>,
      %get3A_184 = vector.shape_cast %get3A_183 : vector<1x16xi32> to vector<16xi32>
      %add3A_185 = vector.broadcast %mul3A_61 : i32 to vector<16xi32>
      %add3A_186 = arith.addi %get3A_184, %add3A_185 : vector<16xi32>
      %swap3A_187 = arith.index_cast %scan3A_32 : i32 to index
      %swap3A_188 = arith.constant 32 : index
      %swap3A_189 = tpu.vector_load %arg15[%swap3A_187, %swap3A_188] {strides = array<i32>} : memref<8x128xi32, #tpu.memory_space<vmem>>, vector<1x16xi32>,
      %swap3A_190 = vector.shape_cast %swap3A_189 : vector<1x16xi32> to vector<16xi32>
      %swap3A_191 = vector.shape_cast %add3A_186 : vector<16xi32> to vector<1x16xi32>
      tpu.vector_store %arg15[%swap3A_187, %swap3A_188], %swap3A_191 {strides = array<i32>} : memref<8x128xi32, #tpu.memory_space<vmem>>, vector<1x16xi32>,
      %get3A_192 = arith.index_cast %scan3A_32 : i32 to index
      %get3A_193 = arith.constant 48 : index
      %get3A_194 = tpu.vector_load %arg12[%get3A_192, %get3A_193] {strides = array<i32>} : memref<8x128xi32, #tpu.memory_space<vmem>>, vector<1x16xi32>,
      %get3A_195 = vector.shape_cast %get3A_194 : vector<1x16xi32> to vector<16xi32>
      %add3A_196 = vector.broadcast %mul3A_59 : i32 to vector<16xi32>
      %add3A_197 = arith.addi %get3A_195, %add3A_196 : vector<16xi32>
      %swap3A_198 = arith.index_cast %scan3A_32 : i32 to index
      %swap3A_199 = arith.constant 48 : index
      %swap3A_200 = tpu.vector_load %arg12[%swap3A_198, %swap3A_199] {strides = array<i32>} : memref<8x128xi32, #tpu.memory_space<vmem>>, vector<1x16xi32>,
      %swap3A_201 = vector.shape_cast %swap3A_200 : vector<1x16xi32> to vector<16xi32>
      %swap3A_202 = vector.shape_cast %add3A_197 : vector<16xi32> to vector<1x16xi32>
      tpu.vector_store %arg12[%swap3A_198, %swap3A_199], %swap3A_202 {strides = array<i32>} : memref<8x128xi32, #tpu.memory_space<vmem>>, vector<1x16xi32>,
      %get3A_203 = arith.index_cast %scan3A_32 : i32 to index
      %get3A_204 = arith.constant 48 : index
      %get3A_205 = tpu.vector_load %arg13[%get3A_203, %get3A_204] {strides = array<i32>} : memref<8x128xi32, #tpu.memory_space<vmem>>, vector<1x16xi32>,
      %get3A_206 = vector.shape_cast %get3A_205 : vector<1x16xi32> to vector<16xi32>
      %add3A_207 = vector.broadcast %mul3A_59 : i32 to vector<16xi32>
      %add3A_208 = arith.addi %get3A_206, %add3A_207 : vector<16xi32>
      %swap3A_209 = arith.index_cast %scan3A_32 : i32 to index
      %swap3A_210 = arith.constant 48 : index
      %swap3A_211 = tpu.vector_load %arg13[%swap3A_209, %swap3A_210] {strides = array<i32>} : memref<8x128xi32, #tpu.memory_space<vmem>>, vector<1x16xi32>,
      %swap3A_212 = vector.shape_cast %swap3A_211 : vector<1x16xi32> to vector<16xi32>
      %swap3A_213 = vector.shape_cast %add3A_208 : vector<16xi32> to vector<1x16xi32>
      tpu.vector_store %arg13[%swap3A_209, %swap3A_210], %swap3A_213 {strides = array<i32>} : memref<8x128xi32, #tpu.memory_space<vmem>>, vector<1x16xi32>,
      %get3A_214 = arith.index_cast %scan3A_32 : i32 to index
      %get3A_215 = arith.constant 48 : index
      %get3A_216 = tpu.vector_load %arg14[%get3A_214, %get3A_215] {strides = array<i32>} : memref<8x128xi32, #tpu.memory_space<vmem>>, vector<1x16xi32>,
      %get3A_217 = vector.shape_cast %get3A_216 : vector<1x16xi32> to vector<16xi32>
      %add3A_218 = vector.broadcast %mul3A_61 : i32 to vector<16xi32>
      %add3A_219 = arith.addi %get3A_217, %add3A_218 : vector<16xi32>
      %swap3A_220 = arith.index_cast %scan3A_32 : i32 to index
      %swap3A_221 = arith.constant 48 : index
      %swap3A_222 = tpu.vector_load %arg14[%swap3A_220, %swap3A_221] {strides = array<i32>} : memref<8x128xi32, #tpu.memory_space<vmem>>, vector<1x16xi32>,
      %swap3A_223 = vector.shape_cast %swap3A_222 : vector<1x16xi32> to vector<16xi32>
      %swap3A_224 = vector.shape_cast %add3A_219 : vector<16xi32> to vector<1x16xi32>
      tpu.vector_store %arg14[%swap3A_220, %swap3A_221], %swap3A_224 {strides = array<i32>} : memref<8x128xi32, #tpu.memory_space<vmem>>, vector<1x16xi32>,
      %get3A_225 = arith.index_cast %scan3A_32 : i32 to index
      %get3A_226 = arith.constant 48 : index
      %get3A_227 = tpu.vector_load %arg15[%get3A_225, %get3A_226] {strides = array<i32>} : memref<8x128xi32, #tpu.memory_space<vmem>>, vector<1x16xi32>,
      %get3A_228 = vector.shape_cast %get3A_227 : vector<1x16xi32> to vector<16xi32>
      %add3A_229 = vector.broadcast %mul3A_61 : i32 to vector<16xi32>
      %add3A_230 = arith.addi %get3A_228, %add3A_229 : vector<16xi32>
      %swap3A_231 = arith.index_cast %scan3A_32 : i32 to index
      %swap3A_232 = arith.constant 48 : index
      %swap3A_233 = tpu.vector_load %arg15[%swap3A_231, %swap3A_232] {strides = array<i32>} : memref<8x128xi32, #tpu.memory_space<vmem>>, vector<1x16xi32>,
      %swap3A_234 = vector.shape_cast %swap3A_233 : vector<1x16xi32> to vector<16xi32>
      %swap3A_235 = vector.shape_cast %add3A_230 : vector<16xi32> to vector<1x16xi32>
      tpu.vector_store %arg15[%swap3A_231, %swap3A_232], %swap3A_235 {strides = array<i32>} : memref<8x128xi32, #tpu.memory_space<vmem>>, vector<1x16xi32>,
      %get3A_236 = arith.index_cast %scan3A_32 : i32 to index
      %get3A_237 = arith.constant 64 : index
      %get3A_238 = tpu.vector_load %arg12[%get3A_236, %get3A_237] {strides = array<i32>} : memref<8x128xi32, #tpu.memory_space<vmem>>, vector<1x16xi32>,
      %get3A_239 = vector.shape_cast %get3A_238 : vector<1x16xi32> to vector<16xi32>
      %add3A_240 = vector.broadcast %mul3A_59 : i32 to vector<16xi32>
      %add3A_241 = arith.addi %get3A_239, %add3A_240 : vector<16xi32>
      %swap3A_242 = arith.index_cast %scan3A_32 : i32 to index
      %swap3A_243 = arith.constant 64 : index
      %swap3A_244 = tpu.vector_load %arg12[%swap3A_242, %swap3A_243] {strides = array<i32>} : memref<8x128xi32, #tpu.memory_space<vmem>>, vector<1x16xi32>,
      %swap3A_245 = vector.shape_cast %swap3A_244 : vector<1x16xi32> to vector<16xi32>
      %swap3A_246 = vector.shape_cast %add3A_241 : vector<16xi32> to vector<1x16xi32>
      tpu.vector_store %arg12[%swap3A_242, %swap3A_243], %swap3A_246 {strides = array<i32>} : memref<8x128xi32, #tpu.memory_space<vmem>>, vector<1x16xi32>,
      %get3A_247 = arith.index_cast %scan3A_32 : i32 to index
      %get3A_248 = arith.constant 64 : index
      %get3A_249 = tpu.vector_load %arg13[%get3A_247, %get3A_248] {strides = array<i32>} : memref<8x128xi32, #tpu.memory_space<vmem>>, vector<1x16xi32>,
      %get3A_250 = vector.shape_cast %get3A_249 : vector<1x16xi32> to vector<16xi32>
      %add3A_251 = vector.broadcast %mul3A_59 : i32 to vector<16xi32>
      %add3A_252 = arith.addi %get3A_250, %add3A_251 : vector<16xi32>
      %swap3A_253 = arith.index_cast %scan3A_32 : i32 to index
      %swap3A_254 = arith.constant 64 : index
      %swap3A_255 = tpu.vector_load %arg13[%swap3A_253, %swap3A_254] {strides = array<i32>} : memref<8x128xi32, #tpu.memory_space<vmem>>, vector<1x16xi32>,
      %swap3A_256 = vector.shape_cast %swap3A_255 : vector<1x16xi32> to vector<16xi32>
      %swap3A_257 = vector.shape_cast %add3A_252 : vector<16xi32> to vector<1x16xi32>
      tpu.vector_store %arg13[%swap3A_253, %swap3A_254], %swap3A_257 {strides = array<i32>} : memref<8x128xi32, #tpu.memory_space<vmem>>, vector<1x16xi32>,
      %get3A_258 = arith.index_cast %scan3A_32 : i32 to index
      %get3A_259 = arith.constant 64 : index
      %get3A_260 = tpu.vector_load %arg14[%get3A_258, %get3A_259] {strides = array<i32>} : memref<8x128xi32, #tpu.memory_space<vmem>>, vector<1x16xi32>,
      %get3A_261 = vector.shape_cast %get3A_260 : vector<1x16xi32> to vector<16xi32>
      %add3A_262 = vector.broadcast %mul3A_61 : i32 to vector<16xi32>
      %add3A_263 = arith.addi %get3A_261, %add3A_262 : vector<16xi32>
      %swap3A_264 = arith.index_cast %scan3A_32 : i32 to index
      %swap3A_265 = arith.constant 64 : index
      %swap3A_266 = tpu.vector_load %arg14[%swap3A_264, %swap3A_265] {strides = array<i32>} : memref<8x128xi32, #tpu.memory_space<vmem>>, vector<1x16xi32>,
      %swap3A_267 = vector.shape_cast %swap3A_266 : vector<1x16xi32> to vector<16xi32>
      %swap3A_268 = vector.shape_cast %add3A_263 : vector<16xi32> to vector<1x16xi32>
      tpu.vector_store %arg14[%swap3A_264, %swap3A_265], %swap3A_268 {strides = array<i32>} : memref<8x128xi32, #tpu.memory_space<vmem>>, vector<1x16xi32>,
      %get3A_269 = arith.index_cast %scan3A_32 : i32 to index
      %get3A_270 = arith.constant 64 : index
      %get3A_271 = tpu.vector_load %arg15[%get3A_269, %get3A_270] {strides = array<i32>} : memref<8x128xi32, #tpu.memory_space<vmem>>, vector<1x16xi32>,
      %get3A_272 = vector.shape_cast %get3A_271 : vector<1x16xi32> to vector<16xi32>
      %add3A_273 = vector.broadcast %mul3A_61 : i32 to vector<16xi32>
      %add3A_274 = arith.addi %get3A_272, %add3A_273 : vector<16xi32>
      %swap3A_275 = arith.index_cast %scan3A_32 : i32 to index
      %swap3A_276 = arith.constant 64 : index
      %swap3A_277 = tpu.vector_load %arg15[%swap3A_275, %swap3A_276] {strides = array<i32>} : memref<8x128xi32, #tpu.memory_space<vmem>>, vector<1x16xi32>,
      %swap3A_278 = vector.shape_cast %swap3A_277 : vector<1x16xi32> to vector<16xi32>
      %swap3A_279 = vector.shape_cast %add3A_274 : vector<16xi32> to vector<1x16xi32>
      tpu.vector_store %arg15[%swap3A_275, %swap3A_276], %swap3A_279 {strides = array<i32>} : memref<8x128xi32, #tpu.memory_space<vmem>>, vector<1x16xi32>,
      %get3A_280 = arith.index_cast %scan3A_32 : i32 to index
      %get3A_281 = arith.constant 80 : index
      %get3A_282 = tpu.vector_load %arg12[%get3A_280, %get3A_281] {strides = array<i32>} : memref<8x128xi32, #tpu.memory_space<vmem>>, vector<1x16xi32>,
      %get3A_283 = vector.shape_cast %get3A_282 : vector<1x16xi32> to vector<16xi32>
      %add3A_284 = vector.broadcast %mul3A_59 : i32 to vector<16xi32>
      %add3A_285 = arith.addi %get3A_283, %add3A_284 : vector<16xi32>
      %swap3A_286 = arith.index_cast %scan3A_32 : i32 to index
      %swap3A_287 = arith.constant 80 : index
      %swap3A_288 = tpu.vector_load %arg12[%swap3A_286, %swap3A_287] {strides = array<i32>} : memref<8x128xi32, #tpu.memory_space<vmem>>, vector<1x16xi32>,
      %swap3A_289 = vector.shape_cast %swap3A_288 : vector<1x16xi32> to vector<16xi32>
      %swap3A_290 = vector.shape_cast %add3A_285 : vector<16xi32> to vector<1x16xi32>
      tpu.vector_store %arg12[%swap3A_286, %swap3A_287], %swap3A_290 {strides = array<i32>} : memref<8x128xi32, #tpu.memory_space<vmem>>, vector<1x16xi32>,
      %get3A_291 = arith.index_cast %scan3A_32 : i32 to index
      %get3A_292 = arith.constant 80 : index
      %get3A_293 = tpu.vector_load %arg13[%get3A_291, %get3A_292] {strides = array<i32>} : memref<8x128xi32, #tpu.memory_space<vmem>>, vector<1x16xi32>,
      %get3A_294 = vector.shape_cast %get3A_293 : vector<1x16xi32> to vector<16xi32>
      %add3A_295 = vector.broadcast %mul3A_59 : i32 to vector<16xi32>
      %add3A_296 = arith.addi %get3A_294, %add3A_295 : vector<16xi32>
      %swap3A_297 = arith.index_cast %scan3A_32 : i32 to index
      %swap3A_298 = arith.constant 80 : index
      %swap3A_299 = tpu.vector_load %arg13[%swap3A_297, %swap3A_298] {strides = array<i32>} : memref<8x128xi32, #tpu.memory_space<vmem>>, vector<1x16xi32>,
      %swap3A_300 = vector.shape_cast %swap3A_299 : vector<1x16xi32> to vector<16xi32>
      %swap3A_301 = vector.shape_cast %add3A_296 : vector<16xi32> to vector<1x16xi32>
      tpu.vector_store %arg13[%swap3A_297, %swap3A_298], %swap3A_301 {strides = array<i32>} : memref<8x128xi32, #tpu.memory_space<vmem>>, vector<1x16xi32>,
      %get3A_302 = arith.index_cast %scan3A_32 : i32 to index
      %get3A_303 = arith.constant 80 : index
      %get3A_304 = tpu.vector_load %arg14[%get3A_302, %get3A_303] {strides = array<i32>} : memref<8x128xi32, #tpu.memory_space<vmem>>, vector<1x16xi32>,
      %get3A_305 = vector.shape_cast %get3A_304 : vector<1x16xi32> to vector<16xi32>
      %add3A_306 = vector.broadcast %mul3A_61 : i32 to vector<16xi32>
      %add3A_307 = arith.addi %get3A_305, %add3A_306 : vector<16xi32>
      %swap3A_308 = arith.index_cast %scan3A_32 : i32 to index
      %swap3A_309 = arith.constant 80 : index
      %swap3A_310 = tpu.vector_load %arg14[%swap3A_308, %swap3A_309] {strides = array<i32>} : memref<8x128xi32, #tpu.memory_space<vmem>>, vector<1x16xi32>,
      %swap3A_311 = vector.shape_cast %swap3A_310 : vector<1x16xi32> to vector<16xi32>
      %swap3A_312 = vector.shape_cast %add3A_307 : vector<16xi32> to vector<1x16xi32>
      tpu.vector_store %arg14[%swap3A_308, %swap3A_309], %swap3A_312 {strides = array<i32>} : memref<8x128xi32, #tpu.memory_space<vmem>>, vector<1x16xi32>,
      %get3A_313 = arith.index_cast %scan3A_32 : i32 to index
      %get3A_314 = arith.constant 80 : index
      %get3A_315 = tpu.vector_load %arg15[%get3A_313, %get3A_314] {strides = array<i32>} : memref<8x128xi32, #tpu.memory_space<vmem>>, vector<1x16xi32>,
      %get3A_316 = vector.shape_cast %get3A_315 : vector<1x16xi32> to vector<16xi32>
      %add3A_317 = vector.broadcast %mul3A_61 : i32 to vector<16xi32>
      %add3A_318 = arith.addi %get3A_316, %add3A_317 : vector<16xi32>
      %swap3A_319 = arith.index_cast %scan3A_32 : i32 to index
      %swap3A_320 = arith.constant 80 : index
      %swap3A_321 = tpu.vector_load %arg15[%swap3A_319, %swap3A_320] {strides = array<i32>} : memref<8x128xi32, #tpu.memory_space<vmem>>, vector<1x16xi32>,
      %swap3A_322 = vector.shape_cast %swap3A_321 : vector<1x16xi32> to vector<16xi32>
      %swap3A_323 = vector.shape_cast %add3A_318 : vector<16xi32> to vector<1x16xi32>
      tpu.vector_store %arg15[%swap3A_319, %swap3A_320], %swap3A_323 {strides = array<i32>} : memref<8x128xi32, #tpu.memory_space<vmem>>, vector<1x16xi32>,
      %get3A_324 = arith.index_cast %scan3A_32 : i32 to index
      %get3A_325 = arith.constant 96 : index
      %get3A_326 = tpu.vector_load %arg12[%get3A_324, %get3A_325] {strides = array<i32>} : memref<8x128xi32, #tpu.memory_space<vmem>>, vector<1x16xi32>,
      %get3A_327 = vector.shape_cast %get3A_326 : vector<1x16xi32> to vector<16xi32>
      %add3A_328 = vector.broadcast %mul3A_59 : i32 to vector<16xi32>
      %add3A_329 = arith.addi %get3A_327, %add3A_328 : vector<16xi32>
      %swap3A_330 = arith.index_cast %scan3A_32 : i32 to index
      %swap3A_331 = arith.constant 96 : index
      %swap3A_332 = tpu.vector_load %arg12[%swap3A_330, %swap3A_331] {strides = array<i32>} : memref<8x128xi32, #tpu.memory_space<vmem>>, vector<1x16xi32>,
      %swap3A_333 = vector.shape_cast %swap3A_332 : vector<1x16xi32> to vector<16xi32>
      %swap3A_334 = vector.shape_cast %add3A_329 : vector<16xi32> to vector<1x16xi32>
      tpu.vector_store %arg12[%swap3A_330, %swap3A_331], %swap3A_334 {strides = array<i32>} : memref<8x128xi32, #tpu.memory_space<vmem>>, vector<1x16xi32>,
      %get3A_335 = arith.index_cast %scan3A_32 : i32 to index
      %get3A_336 = arith.constant 96 : index
      %get3A_337 = tpu.vector_load %arg13[%get3A_335, %get3A_336] {strides = array<i32>} : memref<8x128xi32, #tpu.memory_space<vmem>>, vector<1x16xi32>,
      %get3A_338 = vector.shape_cast %get3A_337 : vector<1x16xi32> to vector<16xi32>
      %add3A_339 = vector.broadcast %mul3A_59 : i32 to vector<16xi32>
      %add3A_340 = arith.addi %get3A_338, %add3A_339 : vector<16xi32>
      %swap3A_341 = arith.index_cast %scan3A_32 : i32 to index
      %swap3A_342 = arith.constant 96 : index
      %swap3A_343 = tpu.vector_load %arg13[%swap3A_341, %swap3A_342] {strides = array<i32>} : memref<8x128xi32, #tpu.memory_space<vmem>>, vector<1x16xi32>,
      %swap3A_344 = vector.shape_cast %swap3A_343 : vector<1x16xi32> to vector<16xi32>
      %swap3A_345 = vector.shape_cast %add3A_340 : vector<16xi32> to vector<1x16xi32>
      tpu.vector_store %arg13[%swap3A_341, %swap3A_342], %swap3A_345 {strides = array<i32>} : memref<8x128xi32, #tpu.memory_space<vmem>>, vector<1x16xi32>,
      %get3A_346 = arith.index_cast %scan3A_32 : i32 to index
      %get3A_347 = arith.constant 96 : index
      %get3A_348 = tpu.vector_load %arg14[%get3A_346, %get3A_347] {strides = array<i32>} : memref<8x128xi32, #tpu.memory_space<vmem>>, vector<1x16xi32>,
      %get3A_349 = vector.shape_cast %get3A_348 : vector<1x16xi32> to vector<16xi32>
      %add3A_350 = vector.broadcast %mul3A_61 : i32 to vector<16xi32>
      %add3A_351 = arith.addi %get3A_349, %add3A_350 : vector<16xi32>
      %swap3A_352 = arith.index_cast %scan3A_32 : i32 to index
      %swap3A_353 = arith.constant 96 : index
      %swap3A_354 = tpu.vector_load %arg14[%swap3A_352, %swap3A_353] {strides = array<i32>} : memref<8x128xi32, #tpu.memory_space<vmem>>, vector<1x16xi32>,
      %swap3A_355 = vector.shape_cast %swap3A_354 : vector<1x16xi32> to vector<16xi32>
      %swap3A_356 = vector.shape_cast %add3A_351 : vector<16xi32> to vector<1x16xi32>
      tpu.vector_store %arg14[%swap3A_352, %swap3A_353], %swap3A_356 {strides = array<i32>} : memref<8x128xi32, #tpu.memory_space<vmem>>, vector<1x16xi32>,
      %get3A_357 = arith.index_cast %scan3A_32 : i32 to index
      %get3A_358 = arith.constant 96 : index
      %get3A_359 = tpu.vector_load %arg15[%get3A_357, %get3A_358] {strides = array<i32>} : memref<8x128xi32, #tpu.memory_space<vmem>>, vector<1x16xi32>,
      %get3A_360 = vector.shape_cast %get3A_359 : vector<1x16xi32> to vector<16xi32>
      %add3A_361 = vector.broadcast %mul3A_61 : i32 to vector<16xi32>
      %add3A_362 = arith.addi %get3A_360, %add3A_361 : vector<16xi32>
      %swap3A_363 = arith.index_cast %scan3A_32 : i32 to index
      %swap3A_364 = arith.constant 96 : index
      %swap3A_365 = tpu.vector_load %arg15[%swap3A_363, %swap3A_364] {strides = array<i32>} : memref<8x128xi32, #tpu.memory_space<vmem>>, vector<1x16xi32>,
      %swap3A_366 = vector.shape_cast %swap3A_365 : vector<1x16xi32> to vector<16xi32>
      %swap3A_367 = vector.shape_cast %add3A_362 : vector<16xi32> to vector<1x16xi32>
      tpu.vector_store %arg15[%swap3A_363, %swap3A_364], %swap3A_367 {strides = array<i32>} : memref<8x128xi32, #tpu.memory_space<vmem>>, vector<1x16xi32>,
      %get3A_368 = arith.index_cast %scan3A_32 : i32 to index
      %get3A_369 = arith.constant 112 : index
      %get3A_370 = tpu.vector_load %arg12[%get3A_368, %get3A_369] {strides = array<i32>} : memref<8x128xi32, #tpu.memory_space<vmem>>, vector<1x16xi32>,
      %get3A_371 = vector.shape_cast %get3A_370 : vector<1x16xi32> to vector<16xi32>
      %add3A_372 = vector.broadcast %mul3A_59 : i32 to vector<16xi32>
      %add3A_373 = arith.addi %get3A_371, %add3A_372 : vector<16xi32>
      %swap3A_374 = arith.index_cast %scan3A_32 : i32 to index
      %swap3A_375 = arith.constant 112 : index
      %swap3A_376 = tpu.vector_load %arg12[%swap3A_374, %swap3A_375] {strides = array<i32>} : memref<8x128xi32, #tpu.memory_space<vmem>>, vector<1x16xi32>,
      %swap3A_377 = vector.shape_cast %swap3A_376 : vector<1x16xi32> to vector<16xi32>
      %swap3A_378 = vector.shape_cast %add3A_373 : vector<16xi32> to vector<1x16xi32>
      tpu.vector_store %arg12[%swap3A_374, %swap3A_375], %swap3A_378 {strides = array<i32>} : memref<8x128xi32, #tpu.memory_space<vmem>>, vector<1x16xi32>,
      %get3A_379 = arith.index_cast %scan3A_32 : i32 to index
      %get3A_380 = arith.constant 112 : index
      %get3A_381 = tpu.vector_load %arg13[%get3A_379, %get3A_380] {strides = array<i32>} : memref<8x128xi32, #tpu.memory_space<vmem>>, vector<1x16xi32>,
      %get3A_382 = vector.shape_cast %get3A_381 : vector<1x16xi32> to vector<16xi32>
      %add3A_383 = vector.broadcast %mul3A_59 : i32 to vector<16xi32>
      %add3A_384 = arith.addi %get3A_382, %add3A_383 : vector<16xi32>
      %swap3A_385 = arith.index_cast %scan3A_32 : i32 to index
      %swap3A_386 = arith.constant 112 : index
      %swap3A_387 = tpu.vector_load %arg13[%swap3A_385, %swap3A_386] {strides = array<i32>} : memref<8x128xi32, #tpu.memory_space<vmem>>, vector<1x16xi32>,
      %swap3A_388 = vector.shape_cast %swap3A_387 : vector<1x16xi32> to vector<16xi32>
      %swap3A_389 = vector.shape_cast %add3A_384 : vector<16xi32> to vector<1x16xi32>
      tpu.vector_store %arg13[%swap3A_385, %swap3A_386], %swap3A_389 {strides = array<i32>} : memref<8x128xi32, #tpu.memory_space<vmem>>, vector<1x16xi32>,
      %get3A_390 = arith.index_cast %scan3A_32 : i32 to index
      %get3A_391 = arith.constant 112 : index
      %get3A_392 = tpu.vector_load %arg14[%get3A_390, %get3A_391] {strides = array<i32>} : memref<8x128xi32, #tpu.memory_space<vmem>>, vector<1x16xi32>,
      %get3A_393 = vector.shape_cast %get3A_392 : vector<1x16xi32> to vector<16xi32>
      %add3A_394 = vector.broadcast %mul3A_61 : i32 to vector<16xi32>
      %add3A_395 = arith.addi %get3A_393, %add3A_394 : vector<16xi32>
      %swap3A_396 = arith.index_cast %scan3A_32 : i32 to index
      %swap3A_397 = arith.constant 112 : index
      %swap3A_398 = tpu.vector_load %arg14[%swap3A_396, %swap3A_397] {strides = array<i32>} : memref<8x128xi32, #tpu.memory_space<vmem>>, vector<1x16xi32>,
      %swap3A_399 = vector.shape_cast %swap3A_398 : vector<1x16xi32> to vector<16xi32>
      %swap3A_400 = vector.shape_cast %add3A_395 : vector<16xi32> to vector<1x16xi32>
      tpu.vector_store %arg14[%swap3A_396, %swap3A_397], %swap3A_400 {strides = array<i32>} : memref<8x128xi32, #tpu.memory_space<vmem>>, vector<1x16xi32>,
      %get3A_401 = arith.index_cast %scan3A_32 : i32 to index
      %get3A_402 = arith.constant 112 : index
      %get3A_403 = tpu.vector_load %arg15[%get3A_401, %get3A_402] {strides = array<i32>} : memref<8x128xi32, #tpu.memory_space<vmem>>, vector<1x16xi32>,
      %get3A_404 = vector.shape_cast %get3A_403 : vector<1x16xi32> to vector<16xi32>
      %add3A_405 = vector.broadcast %mul3A_61 : i32 to vector<16xi32>
      %add3A_406 = arith.addi %get3A_404, %add3A_405 : vector<16xi32>
      %swap3A_407 = arith.index_cast %scan3A_32 : i32 to index
      %swap3A_408 = arith.constant 112 : index
      %swap3A_409 = tpu.vector_load %arg15[%swap3A_407, %swap3A_408] {strides = array<i32>} : memref<8x128xi32, #tpu.memory_space<vmem>>, vector<1x16xi32>,
      %swap3A_410 = vector.shape_cast %swap3A_409 : vector<1x16xi32> to vector<16xi32>
      %swap3A_411 = vector.shape_cast %add3A_406 : vector<16xi32> to vector<1x16xi32>
      tpu.vector_store %arg15[%swap3A_407, %swap3A_408], %swap3A_411 {strides = array<i32>} : memref<8x128xi32, #tpu.memory_space<vmem>>, vector<1x16xi32>,
    }
    %scan3A_25 = arith.constant 8 : i32
    %scan3A_26 = arith.constant 0 : i32
    %scan3A_27 = arith.constant 0 : i32
    %scan3A_28 = arith.constant 8 : i32
    %scan3A_29 = arith.addi %scan3A_27, %scan3A_28 : i32
    %scan3A_30 = arith.constant 1 : i32
    scf.for %scan3A_32 = %scan3A_27 to %scan3A_29 step %scan3A_30  : i32 {
      %add3A_33 = arith.addi %mul3A_2, %scan3A_32 : i32
      %mul3A_34 = arith.constant 128 : i32
      %mul3A_35 = arith.muli %add3A_33, %mul3A_34 : i32
      %dma_start3A = arith.constant 0 : i32
      %dma_start3A_36 = tpu.memref_slice %arg12[%scan3A_32, %dma_start3A] : memref<8x128xi32, #tpu.memory_space<vmem>> -> memref<1x128xi32, #tpu.memory_space<vmem>>
      %dma_start3A_37 = tpu.memref_squeeze %dma_start3A_36 : memref<1x128xi32, #tpu.memory_space<vmem>> -> memref<128xi32, #tpu.memory_space<vmem>>
      %dma_start3A_38 = arith.constant 0 : i32
      %dma_start3A_39 = arith.constant 0 : i32
      %dma_start3A_40 = tpu.memref_slice %arg2[%dma_start3A_38, %dma_start3A_39] : memref<16384x128xf32, #tpu.memory_space<hbm>> -> memref<16384x128xf32, #tpu.memory_space<hbm>>
      tpu.enqueue_indirect_dma source(%dma_start3A_40 : memref<16384x128xf32, #tpu.memory_space<hbm>>) target(%arg16 : memref<128x128xf32, #tpu.memory_space<vmem>>) offsets(%dma_start3A_37 : memref<128xi32, #tpu.memory_space<vmem>>) semaphore(%arg20 : memref<!tpu.dma_semaphore, #tpu.memory_space<semaphore_mem>>)
      %dma_start3A_41 = arith.constant 0 : i32
      %dma_start3A_42 = tpu.memref_slice %arg13[%scan3A_32, %dma_start3A_41] : memref<8x128xi32, #tpu.memory_space<vmem>> -> memref<1x128xi32, #tpu.memory_space<vmem>>
      %dma_start3A_43 = tpu.memref_squeeze %dma_start3A_42 : memref<1x128xi32, #tpu.memory_space<vmem>> -> memref<128xi32, #tpu.memory_space<vmem>>
      %dma_start3A_44 = arith.constant 0 : i32
      %dma_start3A_45 = arith.constant 0 : i32
      %dma_start3A_46 = tpu.memref_slice %arg3[%dma_start3A_44, %dma_start3A_45] : memref<16384x128xf32, #tpu.memory_space<hbm>> -> memref<16384x128xf32, #tpu.memory_space<hbm>>
      tpu.enqueue_indirect_dma source(%dma_start3A_46 : memref<16384x128xf32, #tpu.memory_space<hbm>>) target(%arg17 : memref<128x128xf32, #tpu.memory_space<vmem>>) offsets(%dma_start3A_43 : memref<128xi32, #tpu.memory_space<vmem>>) semaphore(%arg21 : memref<!tpu.dma_semaphore, #tpu.memory_space<semaphore_mem>>)
      %dma_start3A_47 = arith.constant 0 : i32
      %dma_start3A_48 = tpu.memref_slice %arg14[%scan3A_32, %dma_start3A_47] : memref<8x128xi32, #tpu.memory_space<vmem>> -> memref<1x128xi32, #tpu.memory_space<vmem>>
      %dma_start3A_49 = tpu.memref_squeeze %dma_start3A_48 : memref<1x128xi32, #tpu.memory_space<vmem>> -> memref<128xi32, #tpu.memory_space<vmem>>
      %dma_start3A_50 = arith.constant 0 : i32
      %dma_start3A_51 = arith.constant 0 : i32
      %dma_start3A_52 = tpu.memref_slice %arg4[%dma_start3A_50, %dma_start3A_51] : memref<16384x128xf32, #tpu.memory_space<hbm>> -> memref<16384x128xf32, #tpu.memory_space<hbm>>
      tpu.enqueue_indirect_dma source(%dma_start3A_52 : memref<16384x128xf32, #tpu.memory_space<hbm>>) target(%arg18 : memref<128x128xf32, #tpu.memory_space<vmem>>) offsets(%dma_start3A_49 : memref<128xi32, #tpu.memory_space<vmem>>) semaphore(%arg22 : memref<!tpu.dma_semaphore, #tpu.memory_space<semaphore_mem>>)
      %dma_start3A_53 = arith.constant 0 : i32
      %dma_start3A_54 = tpu.memref_slice %arg15[%scan3A_32, %dma_start3A_53] : memref<8x128xi32, #tpu.memory_space<vmem>> -> memref<1x128xi32, #tpu.memory_space<vmem>>
      %dma_start3A_55 = tpu.memref_squeeze %dma_start3A_54 : memref<1x128xi32, #tpu.memory_space<vmem>> -> memref<128xi32, #tpu.memory_space<vmem>>
      %dma_start3A_56 = arith.constant 0 : i32
      %dma_start3A_57 = arith.constant 0 : i32
      %dma_start3A_58 = tpu.memref_slice %arg5[%dma_start3A_56, %dma_start3A_57] : memref<16384x128xf32, #tpu.memory_space<hbm>> -> memref<16384x128xf32, #tpu.memory_space<hbm>>
      tpu.enqueue_indirect_dma source(%dma_start3A_58 : memref<16384x128xf32, #tpu.memory_space<hbm>>) target(%arg19 : memref<128x128xf32, #tpu.memory_space<vmem>>) offsets(%dma_start3A_55 : memref<128xi32, #tpu.memory_space<vmem>>) semaphore(%arg23 : memref<!tpu.dma_semaphore, #tpu.memory_space<semaphore_mem>>)
      %dma_wait3A = arith.constant 0 : i32
      %dma_wait3A_59 = tpu.memref_slice %arg12[%scan3A_32, %dma_wait3A] : memref<8x128xi32, #tpu.memory_space<vmem>> -> memref<1x128xi32, #tpu.memory_space<vmem>>
      %dma_wait3A_60 = tpu.memref_squeeze %dma_wait3A_59 : memref<1x128xi32, #tpu.memory_space<vmem>> -> memref<128xi32, #tpu.memory_space<vmem>>
      %dma_wait3A_61 = arith.constant 0 : i32
      %dma_wait3A_62 = arith.constant 0 : i32
      %dma_wait3A_63 = tpu.memref_slice %arg2[%dma_wait3A_61, %dma_wait3A_62] : memref<16384x128xf32, #tpu.memory_space<hbm>> -> memref<16384x128xf32, #tpu.memory_space<hbm>>
      tpu.wait_indirect_dma semaphore(%arg20 : memref<!tpu.dma_semaphore, #tpu.memory_space<semaphore_mem>>) src(%dma_wait3A_63 : memref<16384x128xf32, #tpu.memory_space<hbm>>) dst(%arg16 : memref<128x128xf32, #tpu.memory_space<vmem>>)
      %dma_wait3A_64 = arith.constant 0 : i32
      %dma_wait3A_65 = tpu.memref_slice %arg13[%scan3A_32, %dma_wait3A_64] : memref<8x128xi32, #tpu.memory_space<vmem>> -> memref<1x128xi32, #tpu.memory_space<vmem>>
      %dma_wait3A_66 = tpu.memref_squeeze %dma_wait3A_65 : memref<1x128xi32, #tpu.memory_space<vmem>> -> memref<128xi32, #tpu.memory_space<vmem>>
      %dma_wait3A_67 = arith.constant 0 : i32
      %dma_wait3A_68 = arith.constant 0 : i32
      %dma_wait3A_69 = tpu.memref_slice %arg3[%dma_wait3A_67, %dma_wait3A_68] : memref<16384x128xf32, #tpu.memory_space<hbm>> -> memref<16384x128xf32, #tpu.memory_space<hbm>>
      tpu.wait_indirect_dma semaphore(%arg21 : memref<!tpu.dma_semaphore, #tpu.memory_space<semaphore_mem>>) src(%dma_wait3A_69 : memref<16384x128xf32, #tpu.memory_space<hbm>>) dst(%arg17 : memref<128x128xf32, #tpu.memory_space<vmem>>)
      %scan3A_70 = arith.constant 0 : i32
      %scan3A_71 = arith.constant 0 : i32
      %scan3A_72 = arith.constant 128 : i32
      %scan3A_73 = arith.addi %scan3A_71, %scan3A_72 : i32
      %scan3A_74 = arith.constant 1 : i32
      scf.for %scan3A_94 = %scan3A_71 to %scan3A_73 step %scan3A_74  : i32 {
        %get3A = arith.index_cast %scan3A_94 : i32 to index
        %get3A_95 = arith.constant 0 : index
        %get3A_96 = tpu.vector_load %arg16[%get3A, %get3A_95] {strides = array<i32>} : memref<128x128xf32, #tpu.memory_space<vmem>>, vector<1x16xf32>,
        %get3A_97 = vector.shape_cast %get3A_96 : vector<1x16xf32> to vector<16xf32>
        %get3A_98 = arith.index_cast %scan3A_94 : i32 to index
        %get3A_99 = arith.constant 0 : index
        %get3A_100 = tpu.vector_load %arg17[%get3A_98, %get3A_99] {strides = array<i32>} : memref<128x128xf32, #tpu.memory_space<vmem>>, vector<1x16xf32>,
        %get3A_101 = vector.shape_cast %get3A_100 : vector<1x16xf32> to vector<16xf32>
        %add3A_102 = arith.addf %get3A_97, %get3A_101 : vector<16xf32>
        %swap3A = arith.index_cast %scan3A_94 : i32 to index
        %swap3A_103 = arith.constant 0 : index
        %swap3A_104 = tpu.vector_load %arg16[%swap3A, %swap3A_103] {strides = array<i32>} : memref<128x128xf32, #tpu.memory_space<vmem>>, vector<1x16xf32>,
        %swap3A_105 = vector.shape_cast %swap3A_104 : vector<1x16xf32> to vector<16xf32>
        %swap3A_106 = vector.shape_cast %add3A_102 : vector<16xf32> to vector<1x16xf32>
        tpu.vector_store %arg16[%swap3A, %swap3A_103], %swap3A_106 {strides = array<i32>} : memref<128x128xf32, #tpu.memory_space<vmem>>, vector<1x16xf32>,
        %get3A_107 = arith.index_cast %scan3A_94 : i32 to index
        %get3A_108 = arith.constant 16 : index
        %get3A_109 = tpu.vector_load %arg16[%get3A_107, %get3A_108] {strides = array<i32>} : memref<128x128xf32, #tpu.memory_space<vmem>>, vector<1x16xf32>,
        %get3A_110 = vector.shape_cast %get3A_109 : vector<1x16xf32> to vector<16xf32>
        %get3A_111 = arith.index_cast %scan3A_94 : i32 to index
        %get3A_112 = arith.constant 16 : index
        %get3A_113 = tpu.vector_load %arg17[%get3A_111, %get3A_112] {strides = array<i32>} : memref<128x128xf32, #tpu.memory_space<vmem>>, vector<1x16xf32>,
        %get3A_114 = vector.shape_cast %get3A_113 : vector<1x16xf32> to vector<16xf32>
        %add3A_115 = arith.addf %get3A_110, %get3A_114 : vector<16xf32>
        %swap3A_116 = arith.index_cast %scan3A_94 : i32 to index
        %swap3A_117 = arith.constant 16 : index
        %swap3A_118 = tpu.vector_load %arg16[%swap3A_116, %swap3A_117] {strides = array<i32>} : memref<128x128xf32, #tpu.memory_space<vmem>>, vector<1x16xf32>,
        %swap3A_119 = vector.shape_cast %swap3A_118 : vector<1x16xf32> to vector<16xf32>
        %swap3A_120 = vector.shape_cast %add3A_115 : vector<16xf32> to vector<1x16xf32>
        tpu.vector_store %arg16[%swap3A_116, %swap3A_117], %swap3A_120 {strides = array<i32>} : memref<128x128xf32, #tpu.memory_space<vmem>>, vector<1x16xf32>,
        %get3A_121 = arith.index_cast %scan3A_94 : i32 to index
        %get3A_122 = arith.constant 32 : index
        %get3A_123 = tpu.vector_load %arg16[%get3A_121, %get3A_122] {strides = array<i32>} : memref<128x128xf32, #tpu.memory_space<vmem>>, vector<1x16xf32>,
        %get3A_124 = vector.shape_cast %get3A_123 : vector<1x16xf32> to vector<16xf32>
        %get3A_125 = arith.index_cast %scan3A_94 : i32 to index
        %get3A_126 = arith.constant 32 : index
        %get3A_127 = tpu.vector_load %arg17[%get3A_125, %get3A_126] {strides = array<i32>} : memref<128x128xf32, #tpu.memory_space<vmem>>, vector<1x16xf32>,
        %get3A_128 = vector.shape_cast %get3A_127 : vector<1x16xf32> to vector<16xf32>
        %add3A_129 = arith.addf %get3A_124, %get3A_128 : vector<16xf32>
        %swap3A_130 = arith.index_cast %scan3A_94 : i32 to index
        %swap3A_131 = arith.constant 32 : index
        %swap3A_132 = tpu.vector_load %arg16[%swap3A_130, %swap3A_131] {strides = array<i32>} : memref<128x128xf32, #tpu.memory_space<vmem>>, vector<1x16xf32>,
        %swap3A_133 = vector.shape_cast %swap3A_132 : vector<1x16xf32> to vector<16xf32>
        %swap3A_134 = vector.shape_cast %add3A_129 : vector<16xf32> to vector<1x16xf32>
        tpu.vector_store %arg16[%swap3A_130, %swap3A_131], %swap3A_134 {strides = array<i32>} : memref<128x128xf32, #tpu.memory_space<vmem>>, vector<1x16xf32>,
        %get3A_135 = arith.index_cast %scan3A_94 : i32 to index
        %get3A_136 = arith.constant 48 : index
        %get3A_137 = tpu.vector_load %arg16[%get3A_135, %get3A_136] {strides = array<i32>} : memref<128x128xf32, #tpu.memory_space<vmem>>, vector<1x16xf32>,
        %get3A_138 = vector.shape_cast %get3A_137 : vector<1x16xf32> to vector<16xf32>
        %get3A_139 = arith.index_cast %scan3A_94 : i32 to index
        %get3A_140 = arith.constant 48 : index
        %get3A_141 = tpu.vector_load %arg17[%get3A_139, %get3A_140] {strides = array<i32>} : memref<128x128xf32, #tpu.memory_space<vmem>>, vector<1x16xf32>,
        %get3A_142 = vector.shape_cast %get3A_141 : vector<1x16xf32> to vector<16xf32>
        %add3A_143 = arith.addf %get3A_138, %get3A_142 : vector<16xf32>
        %swap3A_144 = arith.index_cast %scan3A_94 : i32 to index
        %swap3A_145 = arith.constant 48 : index
        %swap3A_146 = tpu.vector_load %arg16[%swap3A_144, %swap3A_145] {strides = array<i32>} : memref<128x128xf32, #tpu.memory_space<vmem>>, vector<1x16xf32>,
        %swap3A_147 = vector.shape_cast %swap3A_146 : vector<1x16xf32> to vector<16xf32>
        %swap3A_148 = vector.shape_cast %add3A_143 : vector<16xf32> to vector<1x16xf32>
        tpu.vector_store %arg16[%swap3A_144, %swap3A_145], %swap3A_148 {strides = array<i32>} : memref<128x128xf32, #tpu.memory_space<vmem>>, vector<1x16xf32>,
        %get3A_149 = arith.index_cast %scan3A_94 : i32 to index
        %get3A_150 = arith.constant 64 : index
        %get3A_151 = tpu.vector_load %arg16[%get3A_149, %get3A_150] {strides = array<i32>} : memref<128x128xf32, #tpu.memory_space<vmem>>, vector<1x16xf32>,
        %get3A_152 = vector.shape_cast %get3A_151 : vector<1x16xf32> to vector<16xf32>
        %get3A_153 = arith.index_cast %scan3A_94 : i32 to index
        %get3A_154 = arith.constant 64 : index
        %get3A_155 = tpu.vector_load %arg17[%get3A_153, %get3A_154] {strides = array<i32>} : memref<128x128xf32, #tpu.memory_space<vmem>>, vector<1x16xf32>,
        %get3A_156 = vector.shape_cast %get3A_155 : vector<1x16xf32> to vector<16xf32>
        %add3A_157 = arith.addf %get3A_152, %get3A_156 : vector<16xf32>
        %swap3A_158 = arith.index_cast %scan3A_94 : i32 to index
        %swap3A_159 = arith.constant 64 : index
        %swap3A_160 = tpu.vector_load %arg16[%swap3A_158, %swap3A_159] {strides = array<i32>} : memref<128x128xf32, #tpu.memory_space<vmem>>, vector<1x16xf32>,
        %swap3A_161 = vector.shape_cast %swap3A_160 : vector<1x16xf32> to vector<16xf32>
        %swap3A_162 = vector.shape_cast %add3A_157 : vector<16xf32> to vector<1x16xf32>
        tpu.vector_store %arg16[%swap3A_158, %swap3A_159], %swap3A_162 {strides = array<i32>} : memref<128x128xf32, #tpu.memory_space<vmem>>, vector<1x16xf32>,
        %get3A_163 = arith.index_cast %scan3A_94 : i32 to index
        %get3A_164 = arith.constant 80 : index
        %get3A_165 = tpu.vector_load %arg16[%get3A_163, %get3A_164] {strides = array<i32>} : memref<128x128xf32, #tpu.memory_space<vmem>>, vector<1x16xf32>,
        %get3A_166 = vector.shape_cast %get3A_165 : vector<1x16xf32> to vector<16xf32>
        %get3A_167 = arith.index_cast %scan3A_94 : i32 to index
        %get3A_168 = arith.constant 80 : index
        %get3A_169 = tpu.vector_load %arg17[%get3A_167, %get3A_168] {strides = array<i32>} : memref<128x128xf32, #tpu.memory_space<vmem>>, vector<1x16xf32>,
        %get3A_170 = vector.shape_cast %get3A_169 : vector<1x16xf32> to vector<16xf32>
        %add3A_171 = arith.addf %get3A_166, %get3A_170 : vector<16xf32>
        %swap3A_172 = arith.index_cast %scan3A_94 : i32 to index
        %swap3A_173 = arith.constant 80 : index
        %swap3A_174 = tpu.vector_load %arg16[%swap3A_172, %swap3A_173] {strides = array<i32>} : memref<128x128xf32, #tpu.memory_space<vmem>>, vector<1x16xf32>,
        %swap3A_175 = vector.shape_cast %swap3A_174 : vector<1x16xf32> to vector<16xf32>
        %swap3A_176 = vector.shape_cast %add3A_171 : vector<16xf32> to vector<1x16xf32>
        tpu.vector_store %arg16[%swap3A_172, %swap3A_173], %swap3A_176 {strides = array<i32>} : memref<128x128xf32, #tpu.memory_space<vmem>>, vector<1x16xf32>,
        %get3A_177 = arith.index_cast %scan3A_94 : i32 to index
        %get3A_178 = arith.constant 96 : index
        %get3A_179 = tpu.vector_load %arg16[%get3A_177, %get3A_178] {strides = array<i32>} : memref<128x128xf32, #tpu.memory_space<vmem>>, vector<1x16xf32>,
        %get3A_180 = vector.shape_cast %get3A_179 : vector<1x16xf32> to vector<16xf32>
        %get3A_181 = arith.index_cast %scan3A_94 : i32 to index
        %get3A_182 = arith.constant 96 : index
        %get3A_183 = tpu.vector_load %arg17[%get3A_181, %get3A_182] {strides = array<i32>} : memref<128x128xf32, #tpu.memory_space<vmem>>, vector<1x16xf32>,
        %get3A_184 = vector.shape_cast %get3A_183 : vector<1x16xf32> to vector<16xf32>
        %add3A_185 = arith.addf %get3A_180, %get3A_184 : vector<16xf32>
        %swap3A_186 = arith.index_cast %scan3A_94 : i32 to index
        %swap3A_187 = arith.constant 96 : index
        %swap3A_188 = tpu.vector_load %arg16[%swap3A_186, %swap3A_187] {strides = array<i32>} : memref<128x128xf32, #tpu.memory_space<vmem>>, vector<1x16xf32>,
        %swap3A_189 = vector.shape_cast %swap3A_188 : vector<1x16xf32> to vector<16xf32>
        %swap3A_190 = vector.shape_cast %add3A_185 : vector<16xf32> to vector<1x16xf32>
        tpu.vector_store %arg16[%swap3A_186, %swap3A_187], %swap3A_190 {strides = array<i32>} : memref<128x128xf32, #tpu.memory_space<vmem>>, vector<1x16xf32>,
        %get3A_191 = arith.index_cast %scan3A_94 : i32 to index
        %get3A_192 = arith.constant 112 : index
        %get3A_193 = tpu.vector_load %arg16[%get3A_191, %get3A_192] {strides = array<i32>} : memref<128x128xf32, #tpu.memory_space<vmem>>, vector<1x16xf32>,
        %get3A_194 = vector.shape_cast %get3A_193 : vector<1x16xf32> to vector<16xf32>
        %get3A_195 = arith.index_cast %scan3A_94 : i32 to index
        %get3A_196 = arith.constant 112 : index
        %get3A_197 = tpu.vector_load %arg17[%get3A_195, %get3A_196] {strides = array<i32>} : memref<128x128xf32, #tpu.memory_space<vmem>>, vector<1x16xf32>,
        %get3A_198 = vector.shape_cast %get3A_197 : vector<1x16xf32> to vector<16xf32>
        %add3A_199 = arith.addf %get3A_194, %get3A_198 : vector<16xf32>
        %swap3A_200 = arith.index_cast %scan3A_94 : i32 to index
        %swap3A_201 = arith.constant 112 : index
        %swap3A_202 = tpu.vector_load %arg16[%swap3A_200, %swap3A_201] {strides = array<i32>} : memref<128x128xf32, #tpu.memory_space<vmem>>, vector<1x16xf32>,
        %swap3A_203 = vector.shape_cast %swap3A_202 : vector<1x16xf32> to vector<16xf32>
        %swap3A_204 = vector.shape_cast %add3A_199 : vector<16xf32> to vector<1x16xf32>
        tpu.vector_store %arg16[%swap3A_200, %swap3A_201], %swap3A_204 {strides = array<i32>} : memref<128x128xf32, #tpu.memory_space<vmem>>, vector<1x16xf32>,
      }
      %scan3A_75 = arith.constant 128 : i32
      "tpu.region"() ({
        %run_scoped3A = tpu.sem_alloc : memref<!tpu.dma_semaphore, #tpu.memory_space<semaphore_mem>>
        %dma_start3A_94 = arith.constant 0 : i32
        %dma_start3A_95 = tpu.memref_slice %arg10[%mul3A_35, %dma_start3A_94] : memref<32768x128xf32, #tpu.memory_space<hbm>> -> memref<128x128xf32, #tpu.memory_space<hbm>>
        %dma_start3A_96 = arith.constant 0 : i32
        %dma_start3A_97 = tpu.memref_slice %arg10[%mul3A_35, %dma_start3A_96] : memref<32768x128xf32, #tpu.memory_space<hbm>> -> memref<128x128xf32, #tpu.memory_space<hbm>>
        tpu.enqueue_dma source(%arg16 : memref<128x128xf32, #tpu.memory_space<vmem>>) target(%dma_start3A_97 : memref<128x128xf32, #tpu.memory_space<hbm>>) target_semaphore(%run_scoped3A : memref<!tpu.dma_semaphore, #tpu.memory_space<semaphore_mem>>)
        %dma_wait3A_98 = arith.constant 0 : i32
        %dma_wait3A_99 = tpu.memref_slice %arg10[%mul3A_35, %dma_wait3A_98] : memref<32768x128xf32, #tpu.memory_space<hbm>> -> memref<128x128xf32, #tpu.memory_space<hbm>>
        %dma_wait3A_100 = arith.constant 0 : i32
        %dma_wait3A_101 = tpu.memref_slice %arg10[%mul3A_35, %dma_wait3A_100] : memref<32768x128xf32, #tpu.memory_space<hbm>> -> memref<128x128xf32, #tpu.memory_space<hbm>>
        tpu.wait_dma2 semaphore(%run_scoped3A : memref<!tpu.dma_semaphore, #tpu.memory_space<semaphore_mem>>) src(%arg16 : memref<128x128xf32, #tpu.memory_space<vmem>>) dst(%dma_wait3A_101 : memref<128x128xf32, #tpu.memory_space<hbm>>)
        tpu.yield
      }) : () -> ()
      %dma_wait3A_76 = arith.constant 0 : i32
      %dma_wait3A_77 = tpu.memref_slice %arg14[%scan3A_32, %dma_wait3A_76] : memref<8x128xi32, #tpu.memory_space<vmem>> -> memref<1x128xi32, #tpu.memory_space<vmem>>
      %dma_wait3A_78 = tpu.memref_squeeze %dma_wait3A_77 : memref<1x128xi32, #tpu.memory_space<vmem>> -> memref<128xi32, #tpu.memory_space<vmem>>
      %dma_wait3A_79 = arith.constant 0 : i32
      %dma_wait3A_80 = arith.constant 0 : i32
      %dma_wait3A_81 = tpu.memref_slice %arg4[%dma_wait3A_79, %dma_wait3A_80] : memref<16384x128xf32, #tpu.memory_space<hbm>> -> memref<16384x128xf32, #tpu.memory_space<hbm>>
      tpu.wait_indirect_dma semaphore(%arg22 : memref<!tpu.dma_semaphore, #tpu.memory_space<semaphore_mem>>) src(%dma_wait3A_81 : memref<16384x128xf32, #tpu.memory_space<hbm>>) dst(%arg18 : memref<128x128xf32, #tpu.memory_space<vmem>>)
      %dma_wait3A_82 = arith.constant 0 : i32
      %dma_wait3A_83 = tpu.memref_slice %arg15[%scan3A_32, %dma_wait3A_82] : memref<8x128xi32, #tpu.memory_space<vmem>> -> memref<1x128xi32, #tpu.memory_space<vmem>>
      %dma_wait3A_84 = tpu.memref_squeeze %dma_wait3A_83 : memref<1x128xi32, #tpu.memory_space<vmem>> -> memref<128xi32, #tpu.memory_space<vmem>>
      %dma_wait3A_85 = arith.constant 0 : i32
      %dma_wait3A_86 = arith.constant 0 : i32
      %dma_wait3A_87 = tpu.memref_slice %arg5[%dma_wait3A_85, %dma_wait3A_86] : memref<16384x128xf32, #tpu.memory_space<hbm>> -> memref<16384x128xf32, #tpu.memory_space<hbm>>
      tpu.wait_indirect_dma semaphore(%arg23 : memref<!tpu.dma_semaphore, #tpu.memory_space<semaphore_mem>>) src(%dma_wait3A_87 : memref<16384x128xf32, #tpu.memory_space<hbm>>) dst(%arg19 : memref<128x128xf32, #tpu.memory_space<vmem>>)
      %scan3A_88 = arith.constant 0 : i32
      %scan3A_89 = arith.constant 0 : i32
      %scan3A_90 = arith.constant 128 : i32
      %scan3A_91 = arith.addi %scan3A_89, %scan3A_90 : i32
      %scan3A_92 = arith.constant 1 : i32
      scf.for %scan3A_94 = %scan3A_89 to %scan3A_91 step %scan3A_92  : i32 {
        %get3A = arith.index_cast %scan3A_94 : i32 to index
        %get3A_95 = arith.constant 0 : index
        %get3A_96 = tpu.vector_load %arg18[%get3A, %get3A_95] {strides = array<i32>} : memref<128x128xf32, #tpu.memory_space<vmem>>, vector<1x16xf32>,
        %get3A_97 = vector.shape_cast %get3A_96 : vector<1x16xf32> to vector<16xf32>
        %get3A_98 = arith.index_cast %scan3A_94 : i32 to index
        %get3A_99 = arith.constant 0 : index
        %get3A_100 = tpu.vector_load %arg19[%get3A_98, %get3A_99] {strides = array<i32>} : memref<128x128xf32, #tpu.memory_space<vmem>>, vector<1x16xf32>,
        %get3A_101 = vector.shape_cast %get3A_100 : vector<1x16xf32> to vector<16xf32>
        %add3A_102 = arith.addf %get3A_97, %get3A_101 : vector<16xf32>
        %swap3A = arith.index_cast %scan3A_94 : i32 to index
        %swap3A_103 = arith.constant 0 : index
        %swap3A_104 = tpu.vector_load %arg18[%swap3A, %swap3A_103] {strides = array<i32>} : memref<128x128xf32, #tpu.memory_space<vmem>>, vector<1x16xf32>,
        %swap3A_105 = vector.shape_cast %swap3A_104 : vector<1x16xf32> to vector<16xf32>
        %swap3A_106 = vector.shape_cast %add3A_102 : vector<16xf32> to vector<1x16xf32>
        tpu.vector_store %arg18[%swap3A, %swap3A_103], %swap3A_106 {strides = array<i32>} : memref<128x128xf32, #tpu.memory_space<vmem>>, vector<1x16xf32>,
        %get3A_107 = arith.index_cast %scan3A_94 : i32 to index
        %get3A_108 = arith.constant 16 : index
        %get3A_109 = tpu.vector_load %arg18[%get3A_107, %get3A_108] {strides = array<i32>} : memref<128x128xf32, #tpu.memory_space<vmem>>, vector<1x16xf32>,
        %get3A_110 = vector.shape_cast %get3A_109 : vector<1x16xf32> to vector<16xf32>
        %get3A_111 = arith.index_cast %scan3A_94 : i32 to index
        %get3A_112 = arith.constant 16 : index
        %get3A_113 = tpu.vector_load %arg19[%get3A_111, %get3A_112] {strides = array<i32>} : memref<128x128xf32, #tpu.memory_space<vmem>>, vector<1x16xf32>,
        %get3A_114 = vector.shape_cast %get3A_113 : vector<1x16xf32> to vector<16xf32>
        %add3A_115 = arith.addf %get3A_110, %get3A_114 : vector<16xf32>
        %swap3A_116 = arith.index_cast %scan3A_94 : i32 to index
        %swap3A_117 = arith.constant 16 : index
        %swap3A_118 = tpu.vector_load %arg18[%swap3A_116, %swap3A_117] {strides = array<i32>} : memref<128x128xf32, #tpu.memory_space<vmem>>, vector<1x16xf32>,
        %swap3A_119 = vector.shape_cast %swap3A_118 : vector<1x16xf32> to vector<16xf32>
        %swap3A_120 = vector.shape_cast %add3A_115 : vector<16xf32> to vector<1x16xf32>
        tpu.vector_store %arg18[%swap3A_116, %swap3A_117], %swap3A_120 {strides = array<i32>} : memref<128x128xf32, #tpu.memory_space<vmem>>, vector<1x16xf32>,
        %get3A_121 = arith.index_cast %scan3A_94 : i32 to index
        %get3A_122 = arith.constant 32 : index
        %get3A_123 = tpu.vector_load %arg18[%get3A_121, %get3A_122] {strides = array<i32>} : memref<128x128xf32, #tpu.memory_space<vmem>>, vector<1x16xf32>,
        %get3A_124 = vector.shape_cast %get3A_123 : vector<1x16xf32> to vector<16xf32>
        %get3A_125 = arith.index_cast %scan3A_94 : i32 to index
        %get3A_126 = arith.constant 32 : index
        %get3A_127 = tpu.vector_load %arg19[%get3A_125, %get3A_126] {strides = array<i32>} : memref<128x128xf32, #tpu.memory_space<vmem>>, vector<1x16xf32>,
        %get3A_128 = vector.shape_cast %get3A_127 : vector<1x16xf32> to vector<16xf32>
        %add3A_129 = arith.addf %get3A_124, %get3A_128 : vector<16xf32>
        %swap3A_130 = arith.index_cast %scan3A_94 : i32 to index
        %swap3A_131 = arith.constant 32 : index
        %swap3A_132 = tpu.vector_load %arg18[%swap3A_130, %swap3A_131] {strides = array<i32>} : memref<128x128xf32, #tpu.memory_space<vmem>>, vector<1x16xf32>,
        %swap3A_133 = vector.shape_cast %swap3A_132 : vector<1x16xf32> to vector<16xf32>
        %swap3A_134 = vector.shape_cast %add3A_129 : vector<16xf32> to vector<1x16xf32>
        tpu.vector_store %arg18[%swap3A_130, %swap3A_131], %swap3A_134 {strides = array<i32>} : memref<128x128xf32, #tpu.memory_space<vmem>>, vector<1x16xf32>,
        %get3A_135 = arith.index_cast %scan3A_94 : i32 to index
        %get3A_136 = arith.constant 48 : index
        %get3A_137 = tpu.vector_load %arg18[%get3A_135, %get3A_136] {strides = array<i32>} : memref<128x128xf32, #tpu.memory_space<vmem>>, vector<1x16xf32>,
        %get3A_138 = vector.shape_cast %get3A_137 : vector<1x16xf32> to vector<16xf32>
        %get3A_139 = arith.index_cast %scan3A_94 : i32 to index
        %get3A_140 = arith.constant 48 : index
        %get3A_141 = tpu.vector_load %arg19[%get3A_139, %get3A_140] {strides = array<i32>} : memref<128x128xf32, #tpu.memory_space<vmem>>, vector<1x16xf32>,
        %get3A_142 = vector.shape_cast %get3A_141 : vector<1x16xf32> to vector<16xf32>
        %add3A_143 = arith.addf %get3A_138, %get3A_142 : vector<16xf32>
        %swap3A_144 = arith.index_cast %scan3A_94 : i32 to index
        %swap3A_145 = arith.constant 48 : index
        %swap3A_146 = tpu.vector_load %arg18[%swap3A_144, %swap3A_145] {strides = array<i32>} : memref<128x128xf32, #tpu.memory_space<vmem>>, vector<1x16xf32>,
        %swap3A_147 = vector.shape_cast %swap3A_146 : vector<1x16xf32> to vector<16xf32>
        %swap3A_148 = vector.shape_cast %add3A_143 : vector<16xf32> to vector<1x16xf32>
        tpu.vector_store %arg18[%swap3A_144, %swap3A_145], %swap3A_148 {strides = array<i32>} : memref<128x128xf32, #tpu.memory_space<vmem>>, vector<1x16xf32>,
        %get3A_149 = arith.index_cast %scan3A_94 : i32 to index
        %get3A_150 = arith.constant 64 : index
        %get3A_151 = tpu.vector_load %arg18[%get3A_149, %get3A_150] {strides = array<i32>} : memref<128x128xf32, #tpu.memory_space<vmem>>, vector<1x16xf32>,
        %get3A_152 = vector.shape_cast %get3A_151 : vector<1x16xf32> to vector<16xf32>
        %get3A_153 = arith.index_cast %scan3A_94 : i32 to index
        %get3A_154 = arith.constant 64 : index
        %get3A_155 = tpu.vector_load %arg19[%get3A_153, %get3A_154] {strides = array<i32>} : memref<128x128xf32, #tpu.memory_space<vmem>>, vector<1x16xf32>,
        %get3A_156 = vector.shape_cast %get3A_155 : vector<1x16xf32> to vector<16xf32>
        %add3A_157 = arith.addf %get3A_152, %get3A_156 : vector<16xf32>
        %swap3A_158 = arith.index_cast %scan3A_94 : i32 to index
        %swap3A_159 = arith.constant 64 : index
        %swap3A_160 = tpu.vector_load %arg18[%swap3A_158, %swap3A_159] {strides = array<i32>} : memref<128x128xf32, #tpu.memory_space<vmem>>, vector<1x16xf32>,
        %swap3A_161 = vector.shape_cast %swap3A_160 : vector<1x16xf32> to vector<16xf32>
        %swap3A_162 = vector.shape_cast %add3A_157 : vector<16xf32> to vector<1x16xf32>
        tpu.vector_store %arg18[%swap3A_158, %swap3A_159], %swap3A_162 {strides = array<i32>} : memref<128x128xf32, #tpu.memory_space<vmem>>, vector<1x16xf32>,
        %get3A_163 = arith.index_cast %scan3A_94 : i32 to index
        %get3A_164 = arith.constant 80 : index
        %get3A_165 = tpu.vector_load %arg18[%get3A_163, %get3A_164] {strides = array<i32>} : memref<128x128xf32, #tpu.memory_space<vmem>>, vector<1x16xf32>,
        %get3A_166 = vector.shape_cast %get3A_165 : vector<1x16xf32> to vector<16xf32>
        %get3A_167 = arith.index_cast %scan3A_94 : i32 to index
        %get3A_168 = arith.constant 80 : index
        %get3A_169 = tpu.vector_load %arg19[%get3A_167, %get3A_168] {strides = array<i32>} : memref<128x128xf32, #tpu.memory_space<vmem>>, vector<1x16xf32>,
        %get3A_170 = vector.shape_cast %get3A_169 : vector<1x16xf32> to vector<16xf32>
        %add3A_171 = arith.addf %get3A_166, %get3A_170 : vector<16xf32>
        %swap3A_172 = arith.index_cast %scan3A_94 : i32 to index
        %swap3A_173 = arith.constant 80 : index
        %swap3A_174 = tpu.vector_load %arg18[%swap3A_172, %swap3A_173] {strides = array<i32>} : memref<128x128xf32, #tpu.memory_space<vmem>>, vector<1x16xf32>,
        %swap3A_175 = vector.shape_cast %swap3A_174 : vector<1x16xf32> to vector<16xf32>
        %swap3A_176 = vector.shape_cast %add3A_171 : vector<16xf32> to vector<1x16xf32>
        tpu.vector_store %arg18[%swap3A_172, %swap3A_173], %swap3A_176 {strides = array<i32>} : memref<128x128xf32, #tpu.memory_space<vmem>>, vector<1x16xf32>,
        %get3A_177 = arith.index_cast %scan3A_94 : i32 to index
        %get3A_178 = arith.constant 96 : index
        %get3A_179 = tpu.vector_load %arg18[%get3A_177, %get3A_178] {strides = array<i32>} : memref<128x128xf32, #tpu.memory_space<vmem>>, vector<1x16xf32>,
        %get3A_180 = vector.shape_cast %get3A_179 : vector<1x16xf32> to vector<16xf32>
        %get3A_181 = arith.index_cast %scan3A_94 : i32 to index
        %get3A_182 = arith.constant 96 : index
        %get3A_183 = tpu.vector_load %arg19[%get3A_181, %get3A_182] {strides = array<i32>} : memref<128x128xf32, #tpu.memory_space<vmem>>, vector<1x16xf32>,
        %get3A_184 = vector.shape_cast %get3A_183 : vector<1x16xf32> to vector<16xf32>
        %add3A_185 = arith.addf %get3A_180, %get3A_184 : vector<16xf32>
        %swap3A_186 = arith.index_cast %scan3A_94 : i32 to index
        %swap3A_187 = arith.constant 96 : index
        %swap3A_188 = tpu.vector_load %arg18[%swap3A_186, %swap3A_187] {strides = array<i32>} : memref<128x128xf32, #tpu.memory_space<vmem>>, vector<1x16xf32>,
        %swap3A_189 = vector.shape_cast %swap3A_188 : vector<1x16xf32> to vector<16xf32>
        %swap3A_190 = vector.shape_cast %add3A_185 : vector<16xf32> to vector<1x16xf32>
        tpu.vector_store %arg18[%swap3A_186, %swap3A_187], %swap3A_190 {strides = array<i32>} : memref<128x128xf32, #tpu.memory_space<vmem>>, vector<1x16xf32>,
        %get3A_191 = arith.index_cast %scan3A_94 : i32 to index
        %get3A_192 = arith.constant 112 : index
        %get3A_193 = tpu.vector_load %arg18[%get3A_191, %get3A_192] {strides = array<i32>} : memref<128x128xf32, #tpu.memory_space<vmem>>, vector<1x16xf32>,
        %get3A_194 = vector.shape_cast %get3A_193 : vector<1x16xf32> to vector<16xf32>
        %get3A_195 = arith.index_cast %scan3A_94 : i32 to index
        %get3A_196 = arith.constant 112 : index
        %get3A_197 = tpu.vector_load %arg19[%get3A_195, %get3A_196] {strides = array<i32>} : memref<128x128xf32, #tpu.memory_space<vmem>>, vector<1x16xf32>,
        %get3A_198 = vector.shape_cast %get3A_197 : vector<1x16xf32> to vector<16xf32>
        %add3A_199 = arith.addf %get3A_194, %get3A_198 : vector<16xf32>
        %swap3A_200 = arith.index_cast %scan3A_94 : i32 to index
        %swap3A_201 = arith.constant 112 : index
        %swap3A_202 = tpu.vector_load %arg18[%swap3A_200, %swap3A_201] {strides = array<i32>} : memref<128x128xf32, #tpu.memory_space<vmem>>, vector<1x16xf32>,
        %swap3A_203 = vector.shape_cast %swap3A_202 : vector<1x16xf32> to vector<16xf32>
        %swap3A_204 = vector.shape_cast %add3A_199 : vector<16xf32> to vector<1x16xf32>
        tpu.vector_store %arg18[%swap3A_200, %swap3A_201], %swap3A_204 {strides = array<i32>} : memref<128x128xf32, #tpu.memory_space<vmem>>, vector<1x16xf32>,
      }
      %scan3A_93 = arith.constant 128 : i32
      "tpu.region"() ({
        %run_scoped3A = tpu.sem_alloc : memref<!tpu.dma_semaphore, #tpu.memory_space<semaphore_mem>>
        %dma_start3A_94 = arith.constant 0 : i32
        %dma_start3A_95 = tpu.memref_slice %arg11[%mul3A_35, %dma_start3A_94] : memref<32768x128xf32, #tpu.memory_space<hbm>> -> memref<128x128xf32, #tpu.memory_space<hbm>>
        %dma_start3A_96 = arith.constant 0 : i32
        %dma_start3A_97 = tpu.memref_slice %arg11[%mul3A_35, %dma_start3A_96] : memref<32768x128xf32, #tpu.memory_space<hbm>> -> memref<128x128xf32, #tpu.memory_space<hbm>>
        tpu.enqueue_dma source(%arg18 : memref<128x128xf32, #tpu.memory_space<vmem>>) target(%dma_start3A_97 : memref<128x128xf32, #tpu.memory_space<hbm>>) target_semaphore(%run_scoped3A : memref<!tpu.dma_semaphore, #tpu.memory_space<semaphore_mem>>)
        %dma_wait3A_98 = arith.constant 0 : i32
        %dma_wait3A_99 = tpu.memref_slice %arg11[%mul3A_35, %dma_wait3A_98] : memref<32768x128xf32, #tpu.memory_space<hbm>> -> memref<128x128xf32, #tpu.memory_space<hbm>>
        %dma_wait3A_100 = arith.constant 0 : i32
        %dma_wait3A_101 = tpu.memref_slice %arg11[%mul3A_35, %dma_wait3A_100] : memref<32768x128xf32, #tpu.memory_space<hbm>> -> memref<128x128xf32, #tpu.memory_space<hbm>>
        tpu.wait_dma2 semaphore(%run_scoped3A : memref<!tpu.dma_semaphore, #tpu.memory_space<semaphore_mem>>) src(%arg18 : memref<128x128xf32, #tpu.memory_space<vmem>>) dst(%dma_wait3A_101 : memref<128x128xf32, #tpu.memory_space<hbm>>)
        tpu.yield
      }) : () -> ()
    }
    %scan3A_31 = arith.constant 8 : i32
    return
  }
}

#map = affine_map<(d0, d1) -> (0, 0)>
module attributes {stable_mosaic.version = 14 : i64} {
  func.func @_sc_body(%arg0: i32, %arg1: i32, %arg2: memref<16384x128xf32, #tpu.memory_space<hbm>>, %arg3: memref<16384x128xf32, #tpu.memory_space<hbm>>, %arg4: memref<16384x128xf32, #tpu.memory_space<hbm>>, %arg5: memref<16384x128xf32, #tpu.memory_space<hbm>>, %arg6: memref<1024x128xi32, #tpu.memory_space<hbm>>, %arg7: memref<1024x128xi32, #tpu.memory_space<hbm>>, %arg8: memref<1024x128xi32, #tpu.memory_space<hbm>>, %arg9: memref<1024x128xi32, #tpu.memory_space<hbm>>, %arg10: memref<32768x128xf32, #tpu.memory_space<hbm>>, %arg11: memref<32768x128xf32, #tpu.memory_space<hbm>>, %arg12: memref<8x128xi32, #tpu.memory_space<vmem>>, %arg13: memref<8x128xi32, #tpu.memory_space<vmem>>, %arg14: memref<8x128xi32, #tpu.memory_space<vmem>>, %arg15: memref<8x128xi32, #tpu.memory_space<vmem>>, %arg16: memref<128x128xf32, #tpu.memory_space<vmem>>, %arg17: memref<128x128xf32, #tpu.memory_space<vmem>>, %arg18: memref<128x128xf32, #tpu.memory_space<vmem>>, %arg19: memref<128x128xf32, #tpu.memory_space<vmem>>, %arg20: memref<!tpu.dma_semaphore, #tpu.memory_space<semaphore_mem>>, %arg21: memref<!tpu.dma_semaphore, #tpu.memory_space<semaphore_mem>>, %arg22: memref<!tpu.dma_semaphore, #tpu.memory_space<semaphore_mem>>, %arg23: memref<!tpu.dma_semaphore, #tpu.memory_space<semaphore_mem>>) attributes {dimension_semantics = [#tpu.dimension_semantics<core_parallel>, #tpu.dimension_semantics<subcore_parallel>], iteration_bounds = array<i64: 2, 16>, scalar_prefetch = 0 : i64, scratch_operands = 12 : i64, tpu.core_type = #tpu.core_type<sc_vector_subcore>, window_params = [{transform_indices = #map}, {transform_indices = #map}, {transform_indices = #map}, {transform_indices = #map}, {transform_indices = #map}, {transform_indices = #map}, {transform_indices = #map}, {transform_indices = #map}, {transform_indices = #map}, {transform_indices = #map}]} {
    %mul3A = arith.constant 2 : i32
    %mul3A_0 = arith.muli %arg1, %mul3A : i32
    %add3A = arith.addi %mul3A_0, %arg0 : i32
    %mul3A_1 = arith.constant 8 : i32
    %mul3A_2 = arith.muli %add3A, %mul3A_1 : i32
    %add3A_3 = arith.constant 256 : i32
    %add3A_4 = arith.addi %add3A_3, %mul3A_2 : i32
    %jit3A = arith.constant 64 : i32
    %div3A = arith.divsi %add3A_4, %jit3A : i32
    %sign3A = arith.constant 0 : i32
    %sign3A_5 = arith.cmpi sgt, %add3A_4, %sign3A : i32
    %sign3A_6 = arith.extui %sign3A_5 : i1 to i32
    %sign3A_7 = arith.constant 0 : i32
    %sign3A_8 = arith.cmpi slt, %add3A_4, %sign3A_7 : i32
    %sign3A_9 = arith.extui %sign3A_8 : i1 to i32
    %sign3A_10 = arith.subi %sign3A_6, %sign3A_9 : i32
    %sign3A_11 = arith.constant 0 : i32
    %sign3A_12 = arith.cmpi sgt, %jit3A, %sign3A_11 : i32
    %sign3A_13 = arith.extui %sign3A_12 : i1 to i32
    %sign3A_14 = arith.constant 0 : i32
    %sign3A_15 = arith.cmpi slt, %jit3A, %sign3A_14 : i32
    %sign3A_16 = arith.extui %sign3A_15 : i1 to i32
    %sign3A_17 = arith.subi %sign3A_13, %sign3A_16 : i32
    %ne3A = arith.cmpi ne, %sign3A_10, %sign3A_17 : i32
    %rem3A = arith.remsi %add3A_4, %jit3A : i32
    %ne3A_18 = arith.constant 0 : i32
    %ne3A_19 = arith.cmpi ne, %rem3A, %ne3A_18 : i32
    %and3A = arith.andi %ne3A, %ne3A_19 : i1
    %sub3A = arith.constant 1 : i32
    %sub3A_20 = arith.subi %div3A, %sub3A : i32
    %select_n3A = arith.select %and3A, %sub3A_20, %div3A : i32
    "tpu.region"() ({
      %run_scoped3A = tpu.sem_alloc : memref<!tpu.dma_semaphore, #tpu.memory_space<semaphore_mem>>
      %dma_start3A = arith.constant 0 : i32
      %dma_start3A_32 = tpu.memref_slice %arg6[%add3A_4, %dma_start3A] : memref<1024x128xi32, #tpu.memory_space<hbm>> -> memref<8x128xi32, #tpu.memory_space<hbm>>
      %dma_start3A_33 = arith.constant 0 : i32
      %dma_start3A_34 = tpu.memref_slice %arg6[%add3A_4, %dma_start3A_33] : memref<1024x128xi32, #tpu.memory_space<hbm>> -> memref<8x128xi32, #tpu.memory_space<hbm>>
      tpu.enqueue_dma source(%dma_start3A_34 : memref<8x128xi32, #tpu.memory_space<hbm>>) target(%arg12 : memref<8x128xi32, #tpu.memory_space<vmem>>) target_semaphore(%run_scoped3A : memref<!tpu.dma_semaphore, #tpu.memory_space<semaphore_mem>>)
      %dma_wait3A = arith.constant 0 : i32
      %dma_wait3A_35 = tpu.memref_slice %arg6[%add3A_4, %dma_wait3A] : memref<1024x128xi32, #tpu.memory_space<hbm>> -> memref<8x128xi32, #tpu.memory_space<hbm>>
      %dma_wait3A_36 = arith.constant 0 : i32
      %dma_wait3A_37 = tpu.memref_slice %arg6[%add3A_4, %dma_wait3A_36] : memref<1024x128xi32, #tpu.memory_space<hbm>> -> memref<8x128xi32, #tpu.memory_space<hbm>>
      tpu.wait_dma2 semaphore(%run_scoped3A : memref<!tpu.dma_semaphore, #tpu.memory_space<semaphore_mem>>) src(%dma_wait3A_37 : memref<8x128xi32, #tpu.memory_space<hbm>>) dst(%arg12 : memref<8x128xi32, #tpu.memory_space<vmem>>)
      tpu.yield
    }) : () -> ()
    "tpu.region"() ({
      %run_scoped3A = tpu.sem_alloc : memref<!tpu.dma_semaphore, #tpu.memory_space<semaphore_mem>>
      %dma_start3A = arith.constant 0 : i32
      %dma_start3A_32 = tpu.memref_slice %arg7[%add3A_4, %dma_start3A] : memref<1024x128xi32, #tpu.memory_space<hbm>> -> memref<8x128xi32, #tpu.memory_space<hbm>>
      %dma_start3A_33 = arith.constant 0 : i32
      %dma_start3A_34 = tpu.memref_slice %arg7[%add3A_4, %dma_start3A_33] : memref<1024x128xi32, #tpu.memory_space<hbm>> -> memref<8x128xi32, #tpu.memory_space<hbm>>
      tpu.enqueue_dma source(%dma_start3A_34 : memref<8x128xi32, #tpu.memory_space<hbm>>) target(%arg13 : memref<8x128xi32, #tpu.memory_space<vmem>>) target_semaphore(%run_scoped3A : memref<!tpu.dma_semaphore, #tpu.memory_space<semaphore_mem>>)
      %dma_wait3A = arith.constant 0 : i32
      %dma_wait3A_35 = tpu.memref_slice %arg7[%add3A_4, %dma_wait3A] : memref<1024x128xi32, #tpu.memory_space<hbm>> -> memref<8x128xi32, #tpu.memory_space<hbm>>
      %dma_wait3A_36 = arith.constant 0 : i32
      %dma_wait3A_37 = tpu.memref_slice %arg7[%add3A_4, %dma_wait3A_36] : memref<1024x128xi32, #tpu.memory_space<hbm>> -> memref<8x128xi32, #tpu.memory_space<hbm>>
      tpu.wait_dma2 semaphore(%run_scoped3A : memref<!tpu.dma_semaphore, #tpu.memory_space<semaphore_mem>>) src(%dma_wait3A_37 : memref<8x128xi32, #tpu.memory_space<hbm>>) dst(%arg13 : memref<8x128xi32, #tpu.memory_space<vmem>>)
      tpu.yield
    }) : () -> ()
    "tpu.region"() ({
      %run_scoped3A = tpu.sem_alloc : memref<!tpu.dma_semaphore, #tpu.memory_space<semaphore_mem>>
      %dma_start3A = arith.constant 0 : i32
      %dma_start3A_32 = tpu.memref_slice %arg8[%add3A_4, %dma_start3A] : memref<1024x128xi32, #tpu.memory_space<hbm>> -> memref<8x128xi32, #tpu.memory_space<hbm>>
      %dma_start3A_33 = arith.constant 0 : i32
      %dma_start3A_34 = tpu.memref_slice %arg8[%add3A_4, %dma_start3A_33] : memref<1024x128xi32, #tpu.memory_space<hbm>> -> memref<8x128xi32, #tpu.memory_space<hbm>>
      tpu.enqueue_dma source(%dma_start3A_34 : memref<8x128xi32, #tpu.memory_space<hbm>>) target(%arg14 : memref<8x128xi32, #tpu.memory_space<vmem>>) target_semaphore(%run_scoped3A : memref<!tpu.dma_semaphore, #tpu.memory_space<semaphore_mem>>)
      %dma_wait3A = arith.constant 0 : i32
      %dma_wait3A_35 = tpu.memref_slice %arg8[%add3A_4, %dma_wait3A] : memref<1024x128xi32, #tpu.memory_space<hbm>> -> memref<8x128xi32, #tpu.memory_space<hbm>>
      %dma_wait3A_36 = arith.constant 0 : i32
      %dma_wait3A_37 = tpu.memref_slice %arg8[%add3A_4, %dma_wait3A_36] : memref<1024x128xi32, #tpu.memory_space<hbm>> -> memref<8x128xi32, #tpu.memory_space<hbm>>
      tpu.wait_dma2 semaphore(%run_scoped3A : memref<!tpu.dma_semaphore, #tpu.memory_space<semaphore_mem>>) src(%dma_wait3A_37 : memref<8x128xi32, #tpu.memory_space<hbm>>) dst(%arg14 : memref<8x128xi32, #tpu.memory_space<vmem>>)
      tpu.yield
    }) : () -> ()
    "tpu.region"() ({
      %run_scoped3A = tpu.sem_alloc : memref<!tpu.dma_semaphore, #tpu.memory_space<semaphore_mem>>
      %dma_start3A = arith.constant 0 : i32
      %dma_start3A_32 = tpu.memref_slice %arg9[%add3A_4, %dma_start3A] : memref<1024x128xi32, #tpu.memory_space<hbm>> -> memref<8x128xi32, #tpu.memory_space<hbm>>
      %dma_start3A_33 = arith.constant 0 : i32
      %dma_start3A_34 = tpu.memref_slice %arg9[%add3A_4, %dma_start3A_33] : memref<1024x128xi32, #tpu.memory_space<hbm>> -> memref<8x128xi32, #tpu.memory_space<hbm>>
      tpu.enqueue_dma source(%dma_start3A_34 : memref<8x128xi32, #tpu.memory_space<hbm>>) target(%arg15 : memref<8x128xi32, #tpu.memory_space<vmem>>) target_semaphore(%run_scoped3A : memref<!tpu.dma_semaphore, #tpu.memory_space<semaphore_mem>>)
      %dma_wait3A = arith.constant 0 : i32
      %dma_wait3A_35 = tpu.memref_slice %arg9[%add3A_4, %dma_wait3A] : memref<1024x128xi32, #tpu.memory_space<hbm>> -> memref<8x128xi32, #tpu.memory_space<hbm>>
      %dma_wait3A_36 = arith.constant 0 : i32
      %dma_wait3A_37 = tpu.memref_slice %arg9[%add3A_4, %dma_wait3A_36] : memref<1024x128xi32, #tpu.memory_space<hbm>> -> memref<8x128xi32, #tpu.memory_space<hbm>>
      tpu.wait_dma2 semaphore(%run_scoped3A : memref<!tpu.dma_semaphore, #tpu.memory_space<semaphore_mem>>) src(%dma_wait3A_37 : memref<8x128xi32, #tpu.memory_space<hbm>>) dst(%arg15 : memref<8x128xi32, #tpu.memory_space<vmem>>)
      tpu.yield
    }) : () -> ()
    %scan3A = arith.constant 0 : i32
    %scan3A_21 = arith.constant 0 : i32
    %scan3A_22 = arith.constant 8 : i32
    %scan3A_23 = arith.addi %scan3A_21, %scan3A_22 : i32
    %scan3A_24 = arith.constant 1 : i32
    scf.for %scan3A_32 = %scan3A_21 to %scan3A_23 step %scan3A_24  : i32 {
      %add3A_33 = arith.addi %add3A_4, %scan3A_32 : i32
      %jit3A_34 = arith.constant 4 : i32
      %div3A_35 = arith.divsi %add3A_33, %jit3A_34 : i32
      %sign3A_36 = arith.constant 0 : i32
      %sign3A_37 = arith.cmpi sgt, %add3A_33, %sign3A_36 : i32
      %sign3A_38 = arith.extui %sign3A_37 : i1 to i32
      %sign3A_39 = arith.constant 0 : i32
      %sign3A_40 = arith.cmpi slt, %add3A_33, %sign3A_39 : i32
      %sign3A_41 = arith.extui %sign3A_40 : i1 to i32
      %sign3A_42 = arith.subi %sign3A_38, %sign3A_41 : i32
      %sign3A_43 = arith.constant 0 : i32
      %sign3A_44 = arith.cmpi sgt, %jit3A_34, %sign3A_43 : i32
      %sign3A_45 = arith.extui %sign3A_44 : i1 to i32
      %sign3A_46 = arith.constant 0 : i32
      %sign3A_47 = arith.cmpi slt, %jit3A_34, %sign3A_46 : i32
      %sign3A_48 = arith.extui %sign3A_47 : i1 to i32
      %sign3A_49 = arith.subi %sign3A_45, %sign3A_48 : i32
      %ne3A_50 = arith.cmpi ne, %sign3A_42, %sign3A_49 : i32
      %rem3A_51 = arith.remsi %add3A_33, %jit3A_34 : i32
      %ne3A_52 = arith.constant 0 : i32
      %ne3A_53 = arith.cmpi ne, %rem3A_51, %ne3A_52 : i32
      %and3A_54 = arith.andi %ne3A_50, %ne3A_53 : i1
      %sub3A_55 = arith.constant 1 : i32
      %sub3A_56 = arith.subi %div3A_35, %sub3A_55 : i32
      %select_n3A_57 = arith.select %and3A_54, %sub3A_56, %div3A_35 : i32
      %mul3A_58 = arith.constant 1024 : i32
      %mul3A_59 = arith.muli %select_n3A, %mul3A_58 : i32
      %mul3A_60 = arith.constant 64 : i32
      %mul3A_61 = arith.muli %select_n3A_57, %mul3A_60 : i32
      %get3A = arith.index_cast %scan3A_32 : i32 to index
      %get3A_62 = arith.constant 0 : index
      %get3A_63 = tpu.vector_load %arg12[%get3A, %get3A_62] {strides = array<i32>} : memref<8x128xi32, #tpu.memory_space<vmem>>, vector<1x16xi32>,
      %get3A_64 = vector.shape_cast %get3A_63 : vector<1x16xi32> to vector<16xi32>
      %add3A_65 = vector.broadcast %mul3A_59 : i32 to vector<16xi32>
      %add3A_66 = arith.addi %get3A_64, %add3A_65 : vector<16xi32>
      %swap3A = arith.index_cast %scan3A_32 : i32 to index
      %swap3A_67 = arith.constant 0 : index
      %swap3A_68 = tpu.vector_load %arg12[%swap3A, %swap3A_67] {strides = array<i32>} : memref<8x128xi32, #tpu.memory_space<vmem>>, vector<1x16xi32>,
      %swap3A_69 = vector.shape_cast %swap3A_68 : vector<1x16xi32> to vector<16xi32>
      %swap3A_70 = vector.shape_cast %add3A_66 : vector<16xi32> to vector<1x16xi32>
      tpu.vector_store %arg12[%swap3A, %swap3A_67], %swap3A_70 {strides = array<i32>} : memref<8x128xi32, #tpu.memory_space<vmem>>, vector<1x16xi32>,
      %get3A_71 = arith.index_cast %scan3A_32 : i32 to index
      %get3A_72 = arith.constant 0 : index
      %get3A_73 = tpu.vector_load %arg13[%get3A_71, %get3A_72] {strides = array<i32>} : memref<8x128xi32, #tpu.memory_space<vmem>>, vector<1x16xi32>,
      %get3A_74 = vector.shape_cast %get3A_73 : vector<1x16xi32> to vector<16xi32>
      %add3A_75 = vector.broadcast %mul3A_59 : i32 to vector<16xi32>
      %add3A_76 = arith.addi %get3A_74, %add3A_75 : vector<16xi32>
      %swap3A_77 = arith.index_cast %scan3A_32 : i32 to index
      %swap3A_78 = arith.constant 0 : index
      %swap3A_79 = tpu.vector_load %arg13[%swap3A_77, %swap3A_78] {strides = array<i32>} : memref<8x128xi32, #tpu.memory_space<vmem>>, vector<1x16xi32>,
      %swap3A_80 = vector.shape_cast %swap3A_79 : vector<1x16xi32> to vector<16xi32>
      %swap3A_81 = vector.shape_cast %add3A_76 : vector<16xi32> to vector<1x16xi32>
      tpu.vector_store %arg13[%swap3A_77, %swap3A_78], %swap3A_81 {strides = array<i32>} : memref<8x128xi32, #tpu.memory_space<vmem>>, vector<1x16xi32>,
      %get3A_82 = arith.index_cast %scan3A_32 : i32 to index
      %get3A_83 = arith.constant 0 : index
      %get3A_84 = tpu.vector_load %arg14[%get3A_82, %get3A_83] {strides = array<i32>} : memref<8x128xi32, #tpu.memory_space<vmem>>, vector<1x16xi32>,
      %get3A_85 = vector.shape_cast %get3A_84 : vector<1x16xi32> to vector<16xi32>
      %add3A_86 = vector.broadcast %mul3A_61 : i32 to vector<16xi32>
      %add3A_87 = arith.addi %get3A_85, %add3A_86 : vector<16xi32>
      %swap3A_88 = arith.index_cast %scan3A_32 : i32 to index
      %swap3A_89 = arith.constant 0 : index
      %swap3A_90 = tpu.vector_load %arg14[%swap3A_88, %swap3A_89] {strides = array<i32>} : memref<8x128xi32, #tpu.memory_space<vmem>>, vector<1x16xi32>,
      %swap3A_91 = vector.shape_cast %swap3A_90 : vector<1x16xi32> to vector<16xi32>
      %swap3A_92 = vector.shape_cast %add3A_87 : vector<16xi32> to vector<1x16xi32>
      tpu.vector_store %arg14[%swap3A_88, %swap3A_89], %swap3A_92 {strides = array<i32>} : memref<8x128xi32, #tpu.memory_space<vmem>>, vector<1x16xi32>,
      %get3A_93 = arith.index_cast %scan3A_32 : i32 to index
      %get3A_94 = arith.constant 0 : index
      %get3A_95 = tpu.vector_load %arg15[%get3A_93, %get3A_94] {strides = array<i32>} : memref<8x128xi32, #tpu.memory_space<vmem>>, vector<1x16xi32>,
      %get3A_96 = vector.shape_cast %get3A_95 : vector<1x16xi32> to vector<16xi32>
      %add3A_97 = vector.broadcast %mul3A_61 : i32 to vector<16xi32>
      %add3A_98 = arith.addi %get3A_96, %add3A_97 : vector<16xi32>
      %swap3A_99 = arith.index_cast %scan3A_32 : i32 to index
      %swap3A_100 = arith.constant 0 : index
      %swap3A_101 = tpu.vector_load %arg15[%swap3A_99, %swap3A_100] {strides = array<i32>} : memref<8x128xi32, #tpu.memory_space<vmem>>, vector<1x16xi32>,
      %swap3A_102 = vector.shape_cast %swap3A_101 : vector<1x16xi32> to vector<16xi32>
      %swap3A_103 = vector.shape_cast %add3A_98 : vector<16xi32> to vector<1x16xi32>
      tpu.vector_store %arg15[%swap3A_99, %swap3A_100], %swap3A_103 {strides = array<i32>} : memref<8x128xi32, #tpu.memory_space<vmem>>, vector<1x16xi32>,
      %get3A_104 = arith.index_cast %scan3A_32 : i32 to index
      %get3A_105 = arith.constant 16 : index
      %get3A_106 = tpu.vector_load %arg12[%get3A_104, %get3A_105] {strides = array<i32>} : memref<8x128xi32, #tpu.memory_space<vmem>>, vector<1x16xi32>,
      %get3A_107 = vector.shape_cast %get3A_106 : vector<1x16xi32> to vector<16xi32>
      %add3A_108 = vector.broadcast %mul3A_59 : i32 to vector<16xi32>
      %add3A_109 = arith.addi %get3A_107, %add3A_108 : vector<16xi32>
      %swap3A_110 = arith.index_cast %scan3A_32 : i32 to index
      %swap3A_111 = arith.constant 16 : index
      %swap3A_112 = tpu.vector_load %arg12[%swap3A_110, %swap3A_111] {strides = array<i32>} : memref<8x128xi32, #tpu.memory_space<vmem>>, vector<1x16xi32>,
      %swap3A_113 = vector.shape_cast %swap3A_112 : vector<1x16xi32> to vector<16xi32>
      %swap3A_114 = vector.shape_cast %add3A_109 : vector<16xi32> to vector<1x16xi32>
      tpu.vector_store %arg12[%swap3A_110, %swap3A_111], %swap3A_114 {strides = array<i32>} : memref<8x128xi32, #tpu.memory_space<vmem>>, vector<1x16xi32>,
      %get3A_115 = arith.index_cast %scan3A_32 : i32 to index
      %get3A_116 = arith.constant 16 : index
      %get3A_117 = tpu.vector_load %arg13[%get3A_115, %get3A_116] {strides = array<i32>} : memref<8x128xi32, #tpu.memory_space<vmem>>, vector<1x16xi32>,
      %get3A_118 = vector.shape_cast %get3A_117 : vector<1x16xi32> to vector<16xi32>
      %add3A_119 = vector.broadcast %mul3A_59 : i32 to vector<16xi32>
      %add3A_120 = arith.addi %get3A_118, %add3A_119 : vector<16xi32>
      %swap3A_121 = arith.index_cast %scan3A_32 : i32 to index
      %swap3A_122 = arith.constant 16 : index
      %swap3A_123 = tpu.vector_load %arg13[%swap3A_121, %swap3A_122] {strides = array<i32>} : memref<8x128xi32, #tpu.memory_space<vmem>>, vector<1x16xi32>,
      %swap3A_124 = vector.shape_cast %swap3A_123 : vector<1x16xi32> to vector<16xi32>
      %swap3A_125 = vector.shape_cast %add3A_120 : vector<16xi32> to vector<1x16xi32>
      tpu.vector_store %arg13[%swap3A_121, %swap3A_122], %swap3A_125 {strides = array<i32>} : memref<8x128xi32, #tpu.memory_space<vmem>>, vector<1x16xi32>,
      %get3A_126 = arith.index_cast %scan3A_32 : i32 to index
      %get3A_127 = arith.constant 16 : index
      %get3A_128 = tpu.vector_load %arg14[%get3A_126, %get3A_127] {strides = array<i32>} : memref<8x128xi32, #tpu.memory_space<vmem>>, vector<1x16xi32>,
      %get3A_129 = vector.shape_cast %get3A_128 : vector<1x16xi32> to vector<16xi32>
      %add3A_130 = vector.broadcast %mul3A_61 : i32 to vector<16xi32>
      %add3A_131 = arith.addi %get3A_129, %add3A_130 : vector<16xi32>
      %swap3A_132 = arith.index_cast %scan3A_32 : i32 to index
      %swap3A_133 = arith.constant 16 : index
      %swap3A_134 = tpu.vector_load %arg14[%swap3A_132, %swap3A_133] {strides = array<i32>} : memref<8x128xi32, #tpu.memory_space<vmem>>, vector<1x16xi32>,
      %swap3A_135 = vector.shape_cast %swap3A_134 : vector<1x16xi32> to vector<16xi32>
      %swap3A_136 = vector.shape_cast %add3A_131 : vector<16xi32> to vector<1x16xi32>
      tpu.vector_store %arg14[%swap3A_132, %swap3A_133], %swap3A_136 {strides = array<i32>} : memref<8x128xi32, #tpu.memory_space<vmem>>, vector<1x16xi32>,
      %get3A_137 = arith.index_cast %scan3A_32 : i32 to index
      %get3A_138 = arith.constant 16 : index
      %get3A_139 = tpu.vector_load %arg15[%get3A_137, %get3A_138] {strides = array<i32>} : memref<8x128xi32, #tpu.memory_space<vmem>>, vector<1x16xi32>,
      %get3A_140 = vector.shape_cast %get3A_139 : vector<1x16xi32> to vector<16xi32>
      %add3A_141 = vector.broadcast %mul3A_61 : i32 to vector<16xi32>
      %add3A_142 = arith.addi %get3A_140, %add3A_141 : vector<16xi32>
      %swap3A_143 = arith.index_cast %scan3A_32 : i32 to index
      %swap3A_144 = arith.constant 16 : index
      %swap3A_145 = tpu.vector_load %arg15[%swap3A_143, %swap3A_144] {strides = array<i32>} : memref<8x128xi32, #tpu.memory_space<vmem>>, vector<1x16xi32>,
      %swap3A_146 = vector.shape_cast %swap3A_145 : vector<1x16xi32> to vector<16xi32>
      %swap3A_147 = vector.shape_cast %add3A_142 : vector<16xi32> to vector<1x16xi32>
      tpu.vector_store %arg15[%swap3A_143, %swap3A_144], %swap3A_147 {strides = array<i32>} : memref<8x128xi32, #tpu.memory_space<vmem>>, vector<1x16xi32>,
      %get3A_148 = arith.index_cast %scan3A_32 : i32 to index
      %get3A_149 = arith.constant 32 : index
      %get3A_150 = tpu.vector_load %arg12[%get3A_148, %get3A_149] {strides = array<i32>} : memref<8x128xi32, #tpu.memory_space<vmem>>, vector<1x16xi32>,
      %get3A_151 = vector.shape_cast %get3A_150 : vector<1x16xi32> to vector<16xi32>
      %add3A_152 = vector.broadcast %mul3A_59 : i32 to vector<16xi32>
      %add3A_153 = arith.addi %get3A_151, %add3A_152 : vector<16xi32>
      %swap3A_154 = arith.index_cast %scan3A_32 : i32 to index
      %swap3A_155 = arith.constant 32 : index
      %swap3A_156 = tpu.vector_load %arg12[%swap3A_154, %swap3A_155] {strides = array<i32>} : memref<8x128xi32, #tpu.memory_space<vmem>>, vector<1x16xi32>,
      %swap3A_157 = vector.shape_cast %swap3A_156 : vector<1x16xi32> to vector<16xi32>
      %swap3A_158 = vector.shape_cast %add3A_153 : vector<16xi32> to vector<1x16xi32>
      tpu.vector_store %arg12[%swap3A_154, %swap3A_155], %swap3A_158 {strides = array<i32>} : memref<8x128xi32, #tpu.memory_space<vmem>>, vector<1x16xi32>,
      %get3A_159 = arith.index_cast %scan3A_32 : i32 to index
      %get3A_160 = arith.constant 32 : index
      %get3A_161 = tpu.vector_load %arg13[%get3A_159, %get3A_160] {strides = array<i32>} : memref<8x128xi32, #tpu.memory_space<vmem>>, vector<1x16xi32>,
      %get3A_162 = vector.shape_cast %get3A_161 : vector<1x16xi32> to vector<16xi32>
      %add3A_163 = vector.broadcast %mul3A_59 : i32 to vector<16xi32>
      %add3A_164 = arith.addi %get3A_162, %add3A_163 : vector<16xi32>
      %swap3A_165 = arith.index_cast %scan3A_32 : i32 to index
      %swap3A_166 = arith.constant 32 : index
      %swap3A_167 = tpu.vector_load %arg13[%swap3A_165, %swap3A_166] {strides = array<i32>} : memref<8x128xi32, #tpu.memory_space<vmem>>, vector<1x16xi32>,
      %swap3A_168 = vector.shape_cast %swap3A_167 : vector<1x16xi32> to vector<16xi32>
      %swap3A_169 = vector.shape_cast %add3A_164 : vector<16xi32> to vector<1x16xi32>
      tpu.vector_store %arg13[%swap3A_165, %swap3A_166], %swap3A_169 {strides = array<i32>} : memref<8x128xi32, #tpu.memory_space<vmem>>, vector<1x16xi32>,
      %get3A_170 = arith.index_cast %scan3A_32 : i32 to index
      %get3A_171 = arith.constant 32 : index
      %get3A_172 = tpu.vector_load %arg14[%get3A_170, %get3A_171] {strides = array<i32>} : memref<8x128xi32, #tpu.memory_space<vmem>>, vector<1x16xi32>,
      %get3A_173 = vector.shape_cast %get3A_172 : vector<1x16xi32> to vector<16xi32>
      %add3A_174 = vector.broadcast %mul3A_61 : i32 to vector<16xi32>
      %add3A_175 = arith.addi %get3A_173, %add3A_174 : vector<16xi32>
      %swap3A_176 = arith.index_cast %scan3A_32 : i32 to index
      %swap3A_177 = arith.constant 32 : index
      %swap3A_178 = tpu.vector_load %arg14[%swap3A_176, %swap3A_177] {strides = array<i32>} : memref<8x128xi32, #tpu.memory_space<vmem>>, vector<1x16xi32>,
      %swap3A_179 = vector.shape_cast %swap3A_178 : vector<1x16xi32> to vector<16xi32>
      %swap3A_180 = vector.shape_cast %add3A_175 : vector<16xi32> to vector<1x16xi32>
      tpu.vector_store %arg14[%swap3A_176, %swap3A_177], %swap3A_180 {strides = array<i32>} : memref<8x128xi32, #tpu.memory_space<vmem>>, vector<1x16xi32>,
      %get3A_181 = arith.index_cast %scan3A_32 : i32 to index
      %get3A_182 = arith.constant 32 : index
      %get3A_183 = tpu.vector_load %arg15[%get3A_181, %get3A_182] {strides = array<i32>} : memref<8x128xi32, #tpu.memory_space<vmem>>, vector<1x16xi32>,
      %get3A_184 = vector.shape_cast %get3A_183 : vector<1x16xi32> to vector<16xi32>
      %add3A_185 = vector.broadcast %mul3A_61 : i32 to vector<16xi32>
      %add3A_186 = arith.addi %get3A_184, %add3A_185 : vector<16xi32>
      %swap3A_187 = arith.index_cast %scan3A_32 : i32 to index
      %swap3A_188 = arith.constant 32 : index
      %swap3A_189 = tpu.vector_load %arg15[%swap3A_187, %swap3A_188] {strides = array<i32>} : memref<8x128xi32, #tpu.memory_space<vmem>>, vector<1x16xi32>,
      %swap3A_190 = vector.shape_cast %swap3A_189 : vector<1x16xi32> to vector<16xi32>
      %swap3A_191 = vector.shape_cast %add3A_186 : vector<16xi32> to vector<1x16xi32>
      tpu.vector_store %arg15[%swap3A_187, %swap3A_188], %swap3A_191 {strides = array<i32>} : memref<8x128xi32, #tpu.memory_space<vmem>>, vector<1x16xi32>,
      %get3A_192 = arith.index_cast %scan3A_32 : i32 to index
      %get3A_193 = arith.constant 48 : index
      %get3A_194 = tpu.vector_load %arg12[%get3A_192, %get3A_193] {strides = array<i32>} : memref<8x128xi32, #tpu.memory_space<vmem>>, vector<1x16xi32>,
      %get3A_195 = vector.shape_cast %get3A_194 : vector<1x16xi32> to vector<16xi32>
      %add3A_196 = vector.broadcast %mul3A_59 : i32 to vector<16xi32>
      %add3A_197 = arith.addi %get3A_195, %add3A_196 : vector<16xi32>
      %swap3A_198 = arith.index_cast %scan3A_32 : i32 to index
      %swap3A_199 = arith.constant 48 : index
      %swap3A_200 = tpu.vector_load %arg12[%swap3A_198, %swap3A_199] {strides = array<i32>} : memref<8x128xi32, #tpu.memory_space<vmem>>, vector<1x16xi32>,
      %swap3A_201 = vector.shape_cast %swap3A_200 : vector<1x16xi32> to vector<16xi32>
      %swap3A_202 = vector.shape_cast %add3A_197 : vector<16xi32> to vector<1x16xi32>
      tpu.vector_store %arg12[%swap3A_198, %swap3A_199], %swap3A_202 {strides = array<i32>} : memref<8x128xi32, #tpu.memory_space<vmem>>, vector<1x16xi32>,
      %get3A_203 = arith.index_cast %scan3A_32 : i32 to index
      %get3A_204 = arith.constant 48 : index
      %get3A_205 = tpu.vector_load %arg13[%get3A_203, %get3A_204] {strides = array<i32>} : memref<8x128xi32, #tpu.memory_space<vmem>>, vector<1x16xi32>,
      %get3A_206 = vector.shape_cast %get3A_205 : vector<1x16xi32> to vector<16xi32>
      %add3A_207 = vector.broadcast %mul3A_59 : i32 to vector<16xi32>
      %add3A_208 = arith.addi %get3A_206, %add3A_207 : vector<16xi32>
      %swap3A_209 = arith.index_cast %scan3A_32 : i32 to index
      %swap3A_210 = arith.constant 48 : index
      %swap3A_211 = tpu.vector_load %arg13[%swap3A_209, %swap3A_210] {strides = array<i32>} : memref<8x128xi32, #tpu.memory_space<vmem>>, vector<1x16xi32>,
      %swap3A_212 = vector.shape_cast %swap3A_211 : vector<1x16xi32> to vector<16xi32>
      %swap3A_213 = vector.shape_cast %add3A_208 : vector<16xi32> to vector<1x16xi32>
      tpu.vector_store %arg13[%swap3A_209, %swap3A_210], %swap3A_213 {strides = array<i32>} : memref<8x128xi32, #tpu.memory_space<vmem>>, vector<1x16xi32>,
      %get3A_214 = arith.index_cast %scan3A_32 : i32 to index
      %get3A_215 = arith.constant 48 : index
      %get3A_216 = tpu.vector_load %arg14[%get3A_214, %get3A_215] {strides = array<i32>} : memref<8x128xi32, #tpu.memory_space<vmem>>, vector<1x16xi32>,
      %get3A_217 = vector.shape_cast %get3A_216 : vector<1x16xi32> to vector<16xi32>
      %add3A_218 = vector.broadcast %mul3A_61 : i32 to vector<16xi32>
      %add3A_219 = arith.addi %get3A_217, %add3A_218 : vector<16xi32>
      %swap3A_220 = arith.index_cast %scan3A_32 : i32 to index
      %swap3A_221 = arith.constant 48 : index
      %swap3A_222 = tpu.vector_load %arg14[%swap3A_220, %swap3A_221] {strides = array<i32>} : memref<8x128xi32, #tpu.memory_space<vmem>>, vector<1x16xi32>,
      %swap3A_223 = vector.shape_cast %swap3A_222 : vector<1x16xi32> to vector<16xi32>
      %swap3A_224 = vector.shape_cast %add3A_219 : vector<16xi32> to vector<1x16xi32>
      tpu.vector_store %arg14[%swap3A_220, %swap3A_221], %swap3A_224 {strides = array<i32>} : memref<8x128xi32, #tpu.memory_space<vmem>>, vector<1x16xi32>,
      %get3A_225 = arith.index_cast %scan3A_32 : i32 to index
      %get3A_226 = arith.constant 48 : index
      %get3A_227 = tpu.vector_load %arg15[%get3A_225, %get3A_226] {strides = array<i32>} : memref<8x128xi32, #tpu.memory_space<vmem>>, vector<1x16xi32>,
      %get3A_228 = vector.shape_cast %get3A_227 : vector<1x16xi32> to vector<16xi32>
      %add3A_229 = vector.broadcast %mul3A_61 : i32 to vector<16xi32>
      %add3A_230 = arith.addi %get3A_228, %add3A_229 : vector<16xi32>
      %swap3A_231 = arith.index_cast %scan3A_32 : i32 to index
      %swap3A_232 = arith.constant 48 : index
      %swap3A_233 = tpu.vector_load %arg15[%swap3A_231, %swap3A_232] {strides = array<i32>} : memref<8x128xi32, #tpu.memory_space<vmem>>, vector<1x16xi32>,
      %swap3A_234 = vector.shape_cast %swap3A_233 : vector<1x16xi32> to vector<16xi32>
      %swap3A_235 = vector.shape_cast %add3A_230 : vector<16xi32> to vector<1x16xi32>
      tpu.vector_store %arg15[%swap3A_231, %swap3A_232], %swap3A_235 {strides = array<i32>} : memref<8x128xi32, #tpu.memory_space<vmem>>, vector<1x16xi32>,
      %get3A_236 = arith.index_cast %scan3A_32 : i32 to index
      %get3A_237 = arith.constant 64 : index
      %get3A_238 = tpu.vector_load %arg12[%get3A_236, %get3A_237] {strides = array<i32>} : memref<8x128xi32, #tpu.memory_space<vmem>>, vector<1x16xi32>,
      %get3A_239 = vector.shape_cast %get3A_238 : vector<1x16xi32> to vector<16xi32>
      %add3A_240 = vector.broadcast %mul3A_59 : i32 to vector<16xi32>
      %add3A_241 = arith.addi %get3A_239, %add3A_240 : vector<16xi32>
      %swap3A_242 = arith.index_cast %scan3A_32 : i32 to index
      %swap3A_243 = arith.constant 64 : index
      %swap3A_244 = tpu.vector_load %arg12[%swap3A_242, %swap3A_243] {strides = array<i32>} : memref<8x128xi32, #tpu.memory_space<vmem>>, vector<1x16xi32>,
      %swap3A_245 = vector.shape_cast %swap3A_244 : vector<1x16xi32> to vector<16xi32>
      %swap3A_246 = vector.shape_cast %add3A_241 : vector<16xi32> to vector<1x16xi32>
      tpu.vector_store %arg12[%swap3A_242, %swap3A_243], %swap3A_246 {strides = array<i32>} : memref<8x128xi32, #tpu.memory_space<vmem>>, vector<1x16xi32>,
      %get3A_247 = arith.index_cast %scan3A_32 : i32 to index
      %get3A_248 = arith.constant 64 : index
      %get3A_249 = tpu.vector_load %arg13[%get3A_247, %get3A_248] {strides = array<i32>} : memref<8x128xi32, #tpu.memory_space<vmem>>, vector<1x16xi32>,
      %get3A_250 = vector.shape_cast %get3A_249 : vector<1x16xi32> to vector<16xi32>
      %add3A_251 = vector.broadcast %mul3A_59 : i32 to vector<16xi32>
      %add3A_252 = arith.addi %get3A_250, %add3A_251 : vector<16xi32>
      %swap3A_253 = arith.index_cast %scan3A_32 : i32 to index
      %swap3A_254 = arith.constant 64 : index
      %swap3A_255 = tpu.vector_load %arg13[%swap3A_253, %swap3A_254] {strides = array<i32>} : memref<8x128xi32, #tpu.memory_space<vmem>>, vector<1x16xi32>,
      %swap3A_256 = vector.shape_cast %swap3A_255 : vector<1x16xi32> to vector<16xi32>
      %swap3A_257 = vector.shape_cast %add3A_252 : vector<16xi32> to vector<1x16xi32>
      tpu.vector_store %arg13[%swap3A_253, %swap3A_254], %swap3A_257 {strides = array<i32>} : memref<8x128xi32, #tpu.memory_space<vmem>>, vector<1x16xi32>,
      %get3A_258 = arith.index_cast %scan3A_32 : i32 to index
      %get3A_259 = arith.constant 64 : index
      %get3A_260 = tpu.vector_load %arg14[%get3A_258, %get3A_259] {strides = array<i32>} : memref<8x128xi32, #tpu.memory_space<vmem>>, vector<1x16xi32>,
      %get3A_261 = vector.shape_cast %get3A_260 : vector<1x16xi32> to vector<16xi32>
      %add3A_262 = vector.broadcast %mul3A_61 : i32 to vector<16xi32>
      %add3A_263 = arith.addi %get3A_261, %add3A_262 : vector<16xi32>
      %swap3A_264 = arith.index_cast %scan3A_32 : i32 to index
      %swap3A_265 = arith.constant 64 : index
      %swap3A_266 = tpu.vector_load %arg14[%swap3A_264, %swap3A_265] {strides = array<i32>} : memref<8x128xi32, #tpu.memory_space<vmem>>, vector<1x16xi32>,
      %swap3A_267 = vector.shape_cast %swap3A_266 : vector<1x16xi32> to vector<16xi32>
      %swap3A_268 = vector.shape_cast %add3A_263 : vector<16xi32> to vector<1x16xi32>
      tpu.vector_store %arg14[%swap3A_264, %swap3A_265], %swap3A_268 {strides = array<i32>} : memref<8x128xi32, #tpu.memory_space<vmem>>, vector<1x16xi32>,
      %get3A_269 = arith.index_cast %scan3A_32 : i32 to index
      %get3A_270 = arith.constant 64 : index
      %get3A_271 = tpu.vector_load %arg15[%get3A_269, %get3A_270] {strides = array<i32>} : memref<8x128xi32, #tpu.memory_space<vmem>>, vector<1x16xi32>,
      %get3A_272 = vector.shape_cast %get3A_271 : vector<1x16xi32> to vector<16xi32>
      %add3A_273 = vector.broadcast %mul3A_61 : i32 to vector<16xi32>
      %add3A_274 = arith.addi %get3A_272, %add3A_273 : vector<16xi32>
      %swap3A_275 = arith.index_cast %scan3A_32 : i32 to index
      %swap3A_276 = arith.constant 64 : index
      %swap3A_277 = tpu.vector_load %arg15[%swap3A_275, %swap3A_276] {strides = array<i32>} : memref<8x128xi32, #tpu.memory_space<vmem>>, vector<1x16xi32>,
      %swap3A_278 = vector.shape_cast %swap3A_277 : vector<1x16xi32> to vector<16xi32>
      %swap3A_279 = vector.shape_cast %add3A_274 : vector<16xi32> to vector<1x16xi32>
      tpu.vector_store %arg15[%swap3A_275, %swap3A_276], %swap3A_279 {strides = array<i32>} : memref<8x128xi32, #tpu.memory_space<vmem>>, vector<1x16xi32>,
      %get3A_280 = arith.index_cast %scan3A_32 : i32 to index
      %get3A_281 = arith.constant 80 : index
      %get3A_282 = tpu.vector_load %arg12[%get3A_280, %get3A_281] {strides = array<i32>} : memref<8x128xi32, #tpu.memory_space<vmem>>, vector<1x16xi32>,
      %get3A_283 = vector.shape_cast %get3A_282 : vector<1x16xi32> to vector<16xi32>
      %add3A_284 = vector.broadcast %mul3A_59 : i32 to vector<16xi32>
      %add3A_285 = arith.addi %get3A_283, %add3A_284 : vector<16xi32>
      %swap3A_286 = arith.index_cast %scan3A_32 : i32 to index
      %swap3A_287 = arith.constant 80 : index
      %swap3A_288 = tpu.vector_load %arg12[%swap3A_286, %swap3A_287] {strides = array<i32>} : memref<8x128xi32, #tpu.memory_space<vmem>>, vector<1x16xi32>,
      %swap3A_289 = vector.shape_cast %swap3A_288 : vector<1x16xi32> to vector<16xi32>
      %swap3A_290 = vector.shape_cast %add3A_285 : vector<16xi32> to vector<1x16xi32>
      tpu.vector_store %arg12[%swap3A_286, %swap3A_287], %swap3A_290 {strides = array<i32>} : memref<8x128xi32, #tpu.memory_space<vmem>>, vector<1x16xi32>,
      %get3A_291 = arith.index_cast %scan3A_32 : i32 to index
      %get3A_292 = arith.constant 80 : index
      %get3A_293 = tpu.vector_load %arg13[%get3A_291, %get3A_292] {strides = array<i32>} : memref<8x128xi32, #tpu.memory_space<vmem>>, vector<1x16xi32>,
      %get3A_294 = vector.shape_cast %get3A_293 : vector<1x16xi32> to vector<16xi32>
      %add3A_295 = vector.broadcast %mul3A_59 : i32 to vector<16xi32>
      %add3A_296 = arith.addi %get3A_294, %add3A_295 : vector<16xi32>
      %swap3A_297 = arith.index_cast %scan3A_32 : i32 to index
      %swap3A_298 = arith.constant 80 : index
      %swap3A_299 = tpu.vector_load %arg13[%swap3A_297, %swap3A_298] {strides = array<i32>} : memref<8x128xi32, #tpu.memory_space<vmem>>, vector<1x16xi32>,
      %swap3A_300 = vector.shape_cast %swap3A_299 : vector<1x16xi32> to vector<16xi32>
      %swap3A_301 = vector.shape_cast %add3A_296 : vector<16xi32> to vector<1x16xi32>
      tpu.vector_store %arg13[%swap3A_297, %swap3A_298], %swap3A_301 {strides = array<i32>} : memref<8x128xi32, #tpu.memory_space<vmem>>, vector<1x16xi32>,
      %get3A_302 = arith.index_cast %scan3A_32 : i32 to index
      %get3A_303 = arith.constant 80 : index
      %get3A_304 = tpu.vector_load %arg14[%get3A_302, %get3A_303] {strides = array<i32>} : memref<8x128xi32, #tpu.memory_space<vmem>>, vector<1x16xi32>,
      %get3A_305 = vector.shape_cast %get3A_304 : vector<1x16xi32> to vector<16xi32>
      %add3A_306 = vector.broadcast %mul3A_61 : i32 to vector<16xi32>
      %add3A_307 = arith.addi %get3A_305, %add3A_306 : vector<16xi32>
      %swap3A_308 = arith.index_cast %scan3A_32 : i32 to index
      %swap3A_309 = arith.constant 80 : index
      %swap3A_310 = tpu.vector_load %arg14[%swap3A_308, %swap3A_309] {strides = array<i32>} : memref<8x128xi32, #tpu.memory_space<vmem>>, vector<1x16xi32>,
      %swap3A_311 = vector.shape_cast %swap3A_310 : vector<1x16xi32> to vector<16xi32>
      %swap3A_312 = vector.shape_cast %add3A_307 : vector<16xi32> to vector<1x16xi32>
      tpu.vector_store %arg14[%swap3A_308, %swap3A_309], %swap3A_312 {strides = array<i32>} : memref<8x128xi32, #tpu.memory_space<vmem>>, vector<1x16xi32>,
      %get3A_313 = arith.index_cast %scan3A_32 : i32 to index
      %get3A_314 = arith.constant 80 : index
      %get3A_315 = tpu.vector_load %arg15[%get3A_313, %get3A_314] {strides = array<i32>} : memref<8x128xi32, #tpu.memory_space<vmem>>, vector<1x16xi32>,
      %get3A_316 = vector.shape_cast %get3A_315 : vector<1x16xi32> to vector<16xi32>
      %add3A_317 = vector.broadcast %mul3A_61 : i32 to vector<16xi32>
      %add3A_318 = arith.addi %get3A_316, %add3A_317 : vector<16xi32>
      %swap3A_319 = arith.index_cast %scan3A_32 : i32 to index
      %swap3A_320 = arith.constant 80 : index
      %swap3A_321 = tpu.vector_load %arg15[%swap3A_319, %swap3A_320] {strides = array<i32>} : memref<8x128xi32, #tpu.memory_space<vmem>>, vector<1x16xi32>,
      %swap3A_322 = vector.shape_cast %swap3A_321 : vector<1x16xi32> to vector<16xi32>
      %swap3A_323 = vector.shape_cast %add3A_318 : vector<16xi32> to vector<1x16xi32>
      tpu.vector_store %arg15[%swap3A_319, %swap3A_320], %swap3A_323 {strides = array<i32>} : memref<8x128xi32, #tpu.memory_space<vmem>>, vector<1x16xi32>,
      %get3A_324 = arith.index_cast %scan3A_32 : i32 to index
      %get3A_325 = arith.constant 96 : index
      %get3A_326 = tpu.vector_load %arg12[%get3A_324, %get3A_325] {strides = array<i32>} : memref<8x128xi32, #tpu.memory_space<vmem>>, vector<1x16xi32>,
      %get3A_327 = vector.shape_cast %get3A_326 : vector<1x16xi32> to vector<16xi32>
      %add3A_328 = vector.broadcast %mul3A_59 : i32 to vector<16xi32>
      %add3A_329 = arith.addi %get3A_327, %add3A_328 : vector<16xi32>
      %swap3A_330 = arith.index_cast %scan3A_32 : i32 to index
      %swap3A_331 = arith.constant 96 : index
      %swap3A_332 = tpu.vector_load %arg12[%swap3A_330, %swap3A_331] {strides = array<i32>} : memref<8x128xi32, #tpu.memory_space<vmem>>, vector<1x16xi32>,
      %swap3A_333 = vector.shape_cast %swap3A_332 : vector<1x16xi32> to vector<16xi32>
      %swap3A_334 = vector.shape_cast %add3A_329 : vector<16xi32> to vector<1x16xi32>
      tpu.vector_store %arg12[%swap3A_330, %swap3A_331], %swap3A_334 {strides = array<i32>} : memref<8x128xi32, #tpu.memory_space<vmem>>, vector<1x16xi32>,
      %get3A_335 = arith.index_cast %scan3A_32 : i32 to index
      %get3A_336 = arith.constant 96 : index
      %get3A_337 = tpu.vector_load %arg13[%get3A_335, %get3A_336] {strides = array<i32>} : memref<8x128xi32, #tpu.memory_space<vmem>>, vector<1x16xi32>,
      %get3A_338 = vector.shape_cast %get3A_337 : vector<1x16xi32> to vector<16xi32>
      %add3A_339 = vector.broadcast %mul3A_59 : i32 to vector<16xi32>
      %add3A_340 = arith.addi %get3A_338, %add3A_339 : vector<16xi32>
      %swap3A_341 = arith.index_cast %scan3A_32 : i32 to index
      %swap3A_342 = arith.constant 96 : index
      %swap3A_343 = tpu.vector_load %arg13[%swap3A_341, %swap3A_342] {strides = array<i32>} : memref<8x128xi32, #tpu.memory_space<vmem>>, vector<1x16xi32>,
      %swap3A_344 = vector.shape_cast %swap3A_343 : vector<1x16xi32> to vector<16xi32>
      %swap3A_345 = vector.shape_cast %add3A_340 : vector<16xi32> to vector<1x16xi32>
      tpu.vector_store %arg13[%swap3A_341, %swap3A_342], %swap3A_345 {strides = array<i32>} : memref<8x128xi32, #tpu.memory_space<vmem>>, vector<1x16xi32>,
      %get3A_346 = arith.index_cast %scan3A_32 : i32 to index
      %get3A_347 = arith.constant 96 : index
      %get3A_348 = tpu.vector_load %arg14[%get3A_346, %get3A_347] {strides = array<i32>} : memref<8x128xi32, #tpu.memory_space<vmem>>, vector<1x16xi32>,
      %get3A_349 = vector.shape_cast %get3A_348 : vector<1x16xi32> to vector<16xi32>
      %add3A_350 = vector.broadcast %mul3A_61 : i32 to vector<16xi32>
      %add3A_351 = arith.addi %get3A_349, %add3A_350 : vector<16xi32>
      %swap3A_352 = arith.index_cast %scan3A_32 : i32 to index
      %swap3A_353 = arith.constant 96 : index
      %swap3A_354 = tpu.vector_load %arg14[%swap3A_352, %swap3A_353] {strides = array<i32>} : memref<8x128xi32, #tpu.memory_space<vmem>>, vector<1x16xi32>,
      %swap3A_355 = vector.shape_cast %swap3A_354 : vector<1x16xi32> to vector<16xi32>
      %swap3A_356 = vector.shape_cast %add3A_351 : vector<16xi32> to vector<1x16xi32>
      tpu.vector_store %arg14[%swap3A_352, %swap3A_353], %swap3A_356 {strides = array<i32>} : memref<8x128xi32, #tpu.memory_space<vmem>>, vector<1x16xi32>,
      %get3A_357 = arith.index_cast %scan3A_32 : i32 to index
      %get3A_358 = arith.constant 96 : index
      %get3A_359 = tpu.vector_load %arg15[%get3A_357, %get3A_358] {strides = array<i32>} : memref<8x128xi32, #tpu.memory_space<vmem>>, vector<1x16xi32>,
      %get3A_360 = vector.shape_cast %get3A_359 : vector<1x16xi32> to vector<16xi32>
      %add3A_361 = vector.broadcast %mul3A_61 : i32 to vector<16xi32>
      %add3A_362 = arith.addi %get3A_360, %add3A_361 : vector<16xi32>
      %swap3A_363 = arith.index_cast %scan3A_32 : i32 to index
      %swap3A_364 = arith.constant 96 : index
      %swap3A_365 = tpu.vector_load %arg15[%swap3A_363, %swap3A_364] {strides = array<i32>} : memref<8x128xi32, #tpu.memory_space<vmem>>, vector<1x16xi32>,
      %swap3A_366 = vector.shape_cast %swap3A_365 : vector<1x16xi32> to vector<16xi32>
      %swap3A_367 = vector.shape_cast %add3A_362 : vector<16xi32> to vector<1x16xi32>
      tpu.vector_store %arg15[%swap3A_363, %swap3A_364], %swap3A_367 {strides = array<i32>} : memref<8x128xi32, #tpu.memory_space<vmem>>, vector<1x16xi32>,
      %get3A_368 = arith.index_cast %scan3A_32 : i32 to index
      %get3A_369 = arith.constant 112 : index
      %get3A_370 = tpu.vector_load %arg12[%get3A_368, %get3A_369] {strides = array<i32>} : memref<8x128xi32, #tpu.memory_space<vmem>>, vector<1x16xi32>,
      %get3A_371 = vector.shape_cast %get3A_370 : vector<1x16xi32> to vector<16xi32>
      %add3A_372 = vector.broadcast %mul3A_59 : i32 to vector<16xi32>
      %add3A_373 = arith.addi %get3A_371, %add3A_372 : vector<16xi32>
      %swap3A_374 = arith.index_cast %scan3A_32 : i32 to index
      %swap3A_375 = arith.constant 112 : index
      %swap3A_376 = tpu.vector_load %arg12[%swap3A_374, %swap3A_375] {strides = array<i32>} : memref<8x128xi32, #tpu.memory_space<vmem>>, vector<1x16xi32>,
      %swap3A_377 = vector.shape_cast %swap3A_376 : vector<1x16xi32> to vector<16xi32>
      %swap3A_378 = vector.shape_cast %add3A_373 : vector<16xi32> to vector<1x16xi32>
      tpu.vector_store %arg12[%swap3A_374, %swap3A_375], %swap3A_378 {strides = array<i32>} : memref<8x128xi32, #tpu.memory_space<vmem>>, vector<1x16xi32>,
      %get3A_379 = arith.index_cast %scan3A_32 : i32 to index
      %get3A_380 = arith.constant 112 : index
      %get3A_381 = tpu.vector_load %arg13[%get3A_379, %get3A_380] {strides = array<i32>} : memref<8x128xi32, #tpu.memory_space<vmem>>, vector<1x16xi32>,
      %get3A_382 = vector.shape_cast %get3A_381 : vector<1x16xi32> to vector<16xi32>
      %add3A_383 = vector.broadcast %mul3A_59 : i32 to vector<16xi32>
      %add3A_384 = arith.addi %get3A_382, %add3A_383 : vector<16xi32>
      %swap3A_385 = arith.index_cast %scan3A_32 : i32 to index
      %swap3A_386 = arith.constant 112 : index
      %swap3A_387 = tpu.vector_load %arg13[%swap3A_385, %swap3A_386] {strides = array<i32>} : memref<8x128xi32, #tpu.memory_space<vmem>>, vector<1x16xi32>,
      %swap3A_388 = vector.shape_cast %swap3A_387 : vector<1x16xi32> to vector<16xi32>
      %swap3A_389 = vector.shape_cast %add3A_384 : vector<16xi32> to vector<1x16xi32>
      tpu.vector_store %arg13[%swap3A_385, %swap3A_386], %swap3A_389 {strides = array<i32>} : memref<8x128xi32, #tpu.memory_space<vmem>>, vector<1x16xi32>,
      %get3A_390 = arith.index_cast %scan3A_32 : i32 to index
      %get3A_391 = arith.constant 112 : index
      %get3A_392 = tpu.vector_load %arg14[%get3A_390, %get3A_391] {strides = array<i32>} : memref<8x128xi32, #tpu.memory_space<vmem>>, vector<1x16xi32>,
      %get3A_393 = vector.shape_cast %get3A_392 : vector<1x16xi32> to vector<16xi32>
      %add3A_394 = vector.broadcast %mul3A_61 : i32 to vector<16xi32>
      %add3A_395 = arith.addi %get3A_393, %add3A_394 : vector<16xi32>
      %swap3A_396 = arith.index_cast %scan3A_32 : i32 to index
      %swap3A_397 = arith.constant 112 : index
      %swap3A_398 = tpu.vector_load %arg14[%swap3A_396, %swap3A_397] {strides = array<i32>} : memref<8x128xi32, #tpu.memory_space<vmem>>, vector<1x16xi32>,
      %swap3A_399 = vector.shape_cast %swap3A_398 : vector<1x16xi32> to vector<16xi32>
      %swap3A_400 = vector.shape_cast %add3A_395 : vector<16xi32> to vector<1x16xi32>
      tpu.vector_store %arg14[%swap3A_396, %swap3A_397], %swap3A_400 {strides = array<i32>} : memref<8x128xi32, #tpu.memory_space<vmem>>, vector<1x16xi32>,
      %get3A_401 = arith.index_cast %scan3A_32 : i32 to index
      %get3A_402 = arith.constant 112 : index
      %get3A_403 = tpu.vector_load %arg15[%get3A_401, %get3A_402] {strides = array<i32>} : memref<8x128xi32, #tpu.memory_space<vmem>>, vector<1x16xi32>,
      %get3A_404 = vector.shape_cast %get3A_403 : vector<1x16xi32> to vector<16xi32>
      %add3A_405 = vector.broadcast %mul3A_61 : i32 to vector<16xi32>
      %add3A_406 = arith.addi %get3A_404, %add3A_405 : vector<16xi32>
      %swap3A_407 = arith.index_cast %scan3A_32 : i32 to index
      %swap3A_408 = arith.constant 112 : index
      %swap3A_409 = tpu.vector_load %arg15[%swap3A_407, %swap3A_408] {strides = array<i32>} : memref<8x128xi32, #tpu.memory_space<vmem>>, vector<1x16xi32>,
      %swap3A_410 = vector.shape_cast %swap3A_409 : vector<1x16xi32> to vector<16xi32>
      %swap3A_411 = vector.shape_cast %add3A_406 : vector<16xi32> to vector<1x16xi32>
      tpu.vector_store %arg15[%swap3A_407, %swap3A_408], %swap3A_411 {strides = array<i32>} : memref<8x128xi32, #tpu.memory_space<vmem>>, vector<1x16xi32>,
    }
    %scan3A_25 = arith.constant 8 : i32
    %scan3A_26 = arith.constant 0 : i32
    %scan3A_27 = arith.constant 0 : i32
    %scan3A_28 = arith.constant 8 : i32
    %scan3A_29 = arith.addi %scan3A_27, %scan3A_28 : i32
    %scan3A_30 = arith.constant 1 : i32
    scf.for %scan3A_32 = %scan3A_27 to %scan3A_29 step %scan3A_30  : i32 {
      %add3A_33 = arith.addi %mul3A_2, %scan3A_32 : i32
      %mul3A_34 = arith.constant 128 : i32
      %mul3A_35 = arith.muli %add3A_33, %mul3A_34 : i32
      %dma_start3A = arith.constant 0 : i32
      %dma_start3A_36 = tpu.memref_slice %arg12[%scan3A_32, %dma_start3A] : memref<8x128xi32, #tpu.memory_space<vmem>> -> memref<1x128xi32, #tpu.memory_space<vmem>>
      %dma_start3A_37 = tpu.memref_squeeze %dma_start3A_36 : memref<1x128xi32, #tpu.memory_space<vmem>> -> memref<128xi32, #tpu.memory_space<vmem>>
      %dma_start3A_38 = arith.constant 0 : i32
      %dma_start3A_39 = arith.constant 0 : i32
      %dma_start3A_40 = tpu.memref_slice %arg2[%dma_start3A_38, %dma_start3A_39] : memref<16384x128xf32, #tpu.memory_space<hbm>> -> memref<16384x128xf32, #tpu.memory_space<hbm>>
      tpu.enqueue_indirect_dma source(%dma_start3A_40 : memref<16384x128xf32, #tpu.memory_space<hbm>>) target(%arg16 : memref<128x128xf32, #tpu.memory_space<vmem>>) offsets(%dma_start3A_37 : memref<128xi32, #tpu.memory_space<vmem>>) semaphore(%arg20 : memref<!tpu.dma_semaphore, #tpu.memory_space<semaphore_mem>>)
      %dma_start3A_41 = arith.constant 0 : i32
      %dma_start3A_42 = tpu.memref_slice %arg13[%scan3A_32, %dma_start3A_41] : memref<8x128xi32, #tpu.memory_space<vmem>> -> memref<1x128xi32, #tpu.memory_space<vmem>>
      %dma_start3A_43 = tpu.memref_squeeze %dma_start3A_42 : memref<1x128xi32, #tpu.memory_space<vmem>> -> memref<128xi32, #tpu.memory_space<vmem>>
      %dma_start3A_44 = arith.constant 0 : i32
      %dma_start3A_45 = arith.constant 0 : i32
      %dma_start3A_46 = tpu.memref_slice %arg3[%dma_start3A_44, %dma_start3A_45] : memref<16384x128xf32, #tpu.memory_space<hbm>> -> memref<16384x128xf32, #tpu.memory_space<hbm>>
      tpu.enqueue_indirect_dma source(%dma_start3A_46 : memref<16384x128xf32, #tpu.memory_space<hbm>>) target(%arg17 : memref<128x128xf32, #tpu.memory_space<vmem>>) offsets(%dma_start3A_43 : memref<128xi32, #tpu.memory_space<vmem>>) semaphore(%arg21 : memref<!tpu.dma_semaphore, #tpu.memory_space<semaphore_mem>>)
      %dma_start3A_47 = arith.constant 0 : i32
      %dma_start3A_48 = tpu.memref_slice %arg14[%scan3A_32, %dma_start3A_47] : memref<8x128xi32, #tpu.memory_space<vmem>> -> memref<1x128xi32, #tpu.memory_space<vmem>>
      %dma_start3A_49 = tpu.memref_squeeze %dma_start3A_48 : memref<1x128xi32, #tpu.memory_space<vmem>> -> memref<128xi32, #tpu.memory_space<vmem>>
      %dma_start3A_50 = arith.constant 0 : i32
      %dma_start3A_51 = arith.constant 0 : i32
      %dma_start3A_52 = tpu.memref_slice %arg4[%dma_start3A_50, %dma_start3A_51] : memref<16384x128xf32, #tpu.memory_space<hbm>> -> memref<16384x128xf32, #tpu.memory_space<hbm>>
      tpu.enqueue_indirect_dma source(%dma_start3A_52 : memref<16384x128xf32, #tpu.memory_space<hbm>>) target(%arg18 : memref<128x128xf32, #tpu.memory_space<vmem>>) offsets(%dma_start3A_49 : memref<128xi32, #tpu.memory_space<vmem>>) semaphore(%arg22 : memref<!tpu.dma_semaphore, #tpu.memory_space<semaphore_mem>>)
      %dma_start3A_53 = arith.constant 0 : i32
      %dma_start3A_54 = tpu.memref_slice %arg15[%scan3A_32, %dma_start3A_53] : memref<8x128xi32, #tpu.memory_space<vmem>> -> memref<1x128xi32, #tpu.memory_space<vmem>>
      %dma_start3A_55 = tpu.memref_squeeze %dma_start3A_54 : memref<1x128xi32, #tpu.memory_space<vmem>> -> memref<128xi32, #tpu.memory_space<vmem>>
      %dma_start3A_56 = arith.constant 0 : i32
      %dma_start3A_57 = arith.constant 0 : i32
      %dma_start3A_58 = tpu.memref_slice %arg5[%dma_start3A_56, %dma_start3A_57] : memref<16384x128xf32, #tpu.memory_space<hbm>> -> memref<16384x128xf32, #tpu.memory_space<hbm>>
      tpu.enqueue_indirect_dma source(%dma_start3A_58 : memref<16384x128xf32, #tpu.memory_space<hbm>>) target(%arg19 : memref<128x128xf32, #tpu.memory_space<vmem>>) offsets(%dma_start3A_55 : memref<128xi32, #tpu.memory_space<vmem>>) semaphore(%arg23 : memref<!tpu.dma_semaphore, #tpu.memory_space<semaphore_mem>>)
      %dma_wait3A = arith.constant 0 : i32
      %dma_wait3A_59 = tpu.memref_slice %arg12[%scan3A_32, %dma_wait3A] : memref<8x128xi32, #tpu.memory_space<vmem>> -> memref<1x128xi32, #tpu.memory_space<vmem>>
      %dma_wait3A_60 = tpu.memref_squeeze %dma_wait3A_59 : memref<1x128xi32, #tpu.memory_space<vmem>> -> memref<128xi32, #tpu.memory_space<vmem>>
      %dma_wait3A_61 = arith.constant 0 : i32
      %dma_wait3A_62 = arith.constant 0 : i32
      %dma_wait3A_63 = tpu.memref_slice %arg2[%dma_wait3A_61, %dma_wait3A_62] : memref<16384x128xf32, #tpu.memory_space<hbm>> -> memref<16384x128xf32, #tpu.memory_space<hbm>>
      tpu.wait_indirect_dma semaphore(%arg20 : memref<!tpu.dma_semaphore, #tpu.memory_space<semaphore_mem>>) src(%dma_wait3A_63 : memref<16384x128xf32, #tpu.memory_space<hbm>>) dst(%arg16 : memref<128x128xf32, #tpu.memory_space<vmem>>)
      %dma_wait3A_64 = arith.constant 0 : i32
      %dma_wait3A_65 = tpu.memref_slice %arg13[%scan3A_32, %dma_wait3A_64] : memref<8x128xi32, #tpu.memory_space<vmem>> -> memref<1x128xi32, #tpu.memory_space<vmem>>
      %dma_wait3A_66 = tpu.memref_squeeze %dma_wait3A_65 : memref<1x128xi32, #tpu.memory_space<vmem>> -> memref<128xi32, #tpu.memory_space<vmem>>
      %dma_wait3A_67 = arith.constant 0 : i32
      %dma_wait3A_68 = arith.constant 0 : i32
      %dma_wait3A_69 = tpu.memref_slice %arg3[%dma_wait3A_67, %dma_wait3A_68] : memref<16384x128xf32, #tpu.memory_space<hbm>> -> memref<16384x128xf32, #tpu.memory_space<hbm>>
      tpu.wait_indirect_dma semaphore(%arg21 : memref<!tpu.dma_semaphore, #tpu.memory_space<semaphore_mem>>) src(%dma_wait3A_69 : memref<16384x128xf32, #tpu.memory_space<hbm>>) dst(%arg17 : memref<128x128xf32, #tpu.memory_space<vmem>>)
      %scan3A_70 = arith.constant 0 : i32
      %scan3A_71 = arith.constant 0 : i32
      %scan3A_72 = arith.constant 128 : i32
      %scan3A_73 = arith.addi %scan3A_71, %scan3A_72 : i32
      %scan3A_74 = arith.constant 1 : i32
      scf.for %scan3A_94 = %scan3A_71 to %scan3A_73 step %scan3A_74  : i32 {
        %get3A = arith.index_cast %scan3A_94 : i32 to index
        %get3A_95 = arith.constant 0 : index
        %get3A_96 = tpu.vector_load %arg16[%get3A, %get3A_95] {strides = array<i32>} : memref<128x128xf32, #tpu.memory_space<vmem>>, vector<1x16xf32>,
        %get3A_97 = vector.shape_cast %get3A_96 : vector<1x16xf32> to vector<16xf32>
        %get3A_98 = arith.index_cast %scan3A_94 : i32 to index
        %get3A_99 = arith.constant 0 : index
        %get3A_100 = tpu.vector_load %arg17[%get3A_98, %get3A_99] {strides = array<i32>} : memref<128x128xf32, #tpu.memory_space<vmem>>, vector<1x16xf32>,
        %get3A_101 = vector.shape_cast %get3A_100 : vector<1x16xf32> to vector<16xf32>
        %add3A_102 = arith.addf %get3A_97, %get3A_101 : vector<16xf32>
        %swap3A = arith.index_cast %scan3A_94 : i32 to index
        %swap3A_103 = arith.constant 0 : index
        %swap3A_104 = tpu.vector_load %arg16[%swap3A, %swap3A_103] {strides = array<i32>} : memref<128x128xf32, #tpu.memory_space<vmem>>, vector<1x16xf32>,
        %swap3A_105 = vector.shape_cast %swap3A_104 : vector<1x16xf32> to vector<16xf32>
        %swap3A_106 = vector.shape_cast %add3A_102 : vector<16xf32> to vector<1x16xf32>
        tpu.vector_store %arg16[%swap3A, %swap3A_103], %swap3A_106 {strides = array<i32>} : memref<128x128xf32, #tpu.memory_space<vmem>>, vector<1x16xf32>,
        %get3A_107 = arith.index_cast %scan3A_94 : i32 to index
        %get3A_108 = arith.constant 16 : index
        %get3A_109 = tpu.vector_load %arg16[%get3A_107, %get3A_108] {strides = array<i32>} : memref<128x128xf32, #tpu.memory_space<vmem>>, vector<1x16xf32>,
        %get3A_110 = vector.shape_cast %get3A_109 : vector<1x16xf32> to vector<16xf32>
        %get3A_111 = arith.index_cast %scan3A_94 : i32 to index
        %get3A_112 = arith.constant 16 : index
        %get3A_113 = tpu.vector_load %arg17[%get3A_111, %get3A_112] {strides = array<i32>} : memref<128x128xf32, #tpu.memory_space<vmem>>, vector<1x16xf32>,
        %get3A_114 = vector.shape_cast %get3A_113 : vector<1x16xf32> to vector<16xf32>
        %add3A_115 = arith.addf %get3A_110, %get3A_114 : vector<16xf32>
        %swap3A_116 = arith.index_cast %scan3A_94 : i32 to index
        %swap3A_117 = arith.constant 16 : index
        %swap3A_118 = tpu.vector_load %arg16[%swap3A_116, %swap3A_117] {strides = array<i32>} : memref<128x128xf32, #tpu.memory_space<vmem>>, vector<1x16xf32>,
        %swap3A_119 = vector.shape_cast %swap3A_118 : vector<1x16xf32> to vector<16xf32>
        %swap3A_120 = vector.shape_cast %add3A_115 : vector<16xf32> to vector<1x16xf32>
        tpu.vector_store %arg16[%swap3A_116, %swap3A_117], %swap3A_120 {strides = array<i32>} : memref<128x128xf32, #tpu.memory_space<vmem>>, vector<1x16xf32>,
        %get3A_121 = arith.index_cast %scan3A_94 : i32 to index
        %get3A_122 = arith.constant 32 : index
        %get3A_123 = tpu.vector_load %arg16[%get3A_121, %get3A_122] {strides = array<i32>} : memref<128x128xf32, #tpu.memory_space<vmem>>, vector<1x16xf32>,
        %get3A_124 = vector.shape_cast %get3A_123 : vector<1x16xf32> to vector<16xf32>
        %get3A_125 = arith.index_cast %scan3A_94 : i32 to index
        %get3A_126 = arith.constant 32 : index
        %get3A_127 = tpu.vector_load %arg17[%get3A_125, %get3A_126] {strides = array<i32>} : memref<128x128xf32, #tpu.memory_space<vmem>>, vector<1x16xf32>,
        %get3A_128 = vector.shape_cast %get3A_127 : vector<1x16xf32> to vector<16xf32>
        %add3A_129 = arith.addf %get3A_124, %get3A_128 : vector<16xf32>
        %swap3A_130 = arith.index_cast %scan3A_94 : i32 to index
        %swap3A_131 = arith.constant 32 : index
        %swap3A_132 = tpu.vector_load %arg16[%swap3A_130, %swap3A_131] {strides = array<i32>} : memref<128x128xf32, #tpu.memory_space<vmem>>, vector<1x16xf32>,
        %swap3A_133 = vector.shape_cast %swap3A_132 : vector<1x16xf32> to vector<16xf32>
        %swap3A_134 = vector.shape_cast %add3A_129 : vector<16xf32> to vector<1x16xf32>
        tpu.vector_store %arg16[%swap3A_130, %swap3A_131], %swap3A_134 {strides = array<i32>} : memref<128x128xf32, #tpu.memory_space<vmem>>, vector<1x16xf32>,
        %get3A_135 = arith.index_cast %scan3A_94 : i32 to index
        %get3A_136 = arith.constant 48 : index
        %get3A_137 = tpu.vector_load %arg16[%get3A_135, %get3A_136] {strides = array<i32>} : memref<128x128xf32, #tpu.memory_space<vmem>>, vector<1x16xf32>,
        %get3A_138 = vector.shape_cast %get3A_137 : vector<1x16xf32> to vector<16xf32>
        %get3A_139 = arith.index_cast %scan3A_94 : i32 to index
        %get3A_140 = arith.constant 48 : index
        %get3A_141 = tpu.vector_load %arg17[%get3A_139, %get3A_140] {strides = array<i32>} : memref<128x128xf32, #tpu.memory_space<vmem>>, vector<1x16xf32>,
        %get3A_142 = vector.shape_cast %get3A_141 : vector<1x16xf32> to vector<16xf32>
        %add3A_143 = arith.addf %get3A_138, %get3A_142 : vector<16xf32>
        %swap3A_144 = arith.index_cast %scan3A_94 : i32 to index
        %swap3A_145 = arith.constant 48 : index
        %swap3A_146 = tpu.vector_load %arg16[%swap3A_144, %swap3A_145] {strides = array<i32>} : memref<128x128xf32, #tpu.memory_space<vmem>>, vector<1x16xf32>,
        %swap3A_147 = vector.shape_cast %swap3A_146 : vector<1x16xf32> to vector<16xf32>
        %swap3A_148 = vector.shape_cast %add3A_143 : vector<16xf32> to vector<1x16xf32>
        tpu.vector_store %arg16[%swap3A_144, %swap3A_145], %swap3A_148 {strides = array<i32>} : memref<128x128xf32, #tpu.memory_space<vmem>>, vector<1x16xf32>,
        %get3A_149 = arith.index_cast %scan3A_94 : i32 to index
        %get3A_150 = arith.constant 64 : index
        %get3A_151 = tpu.vector_load %arg16[%get3A_149, %get3A_150] {strides = array<i32>} : memref<128x128xf32, #tpu.memory_space<vmem>>, vector<1x16xf32>,
        %get3A_152 = vector.shape_cast %get3A_151 : vector<1x16xf32> to vector<16xf32>
        %get3A_153 = arith.index_cast %scan3A_94 : i32 to index
        %get3A_154 = arith.constant 64 : index
        %get3A_155 = tpu.vector_load %arg17[%get3A_153, %get3A_154] {strides = array<i32>} : memref<128x128xf32, #tpu.memory_space<vmem>>, vector<1x16xf32>,
        %get3A_156 = vector.shape_cast %get3A_155 : vector<1x16xf32> to vector<16xf32>
        %add3A_157 = arith.addf %get3A_152, %get3A_156 : vector<16xf32>
        %swap3A_158 = arith.index_cast %scan3A_94 : i32 to index
        %swap3A_159 = arith.constant 64 : index
        %swap3A_160 = tpu.vector_load %arg16[%swap3A_158, %swap3A_159] {strides = array<i32>} : memref<128x128xf32, #tpu.memory_space<vmem>>, vector<1x16xf32>,
        %swap3A_161 = vector.shape_cast %swap3A_160 : vector<1x16xf32> to vector<16xf32>
        %swap3A_162 = vector.shape_cast %add3A_157 : vector<16xf32> to vector<1x16xf32>
        tpu.vector_store %arg16[%swap3A_158, %swap3A_159], %swap3A_162 {strides = array<i32>} : memref<128x128xf32, #tpu.memory_space<vmem>>, vector<1x16xf32>,
        %get3A_163 = arith.index_cast %scan3A_94 : i32 to index
        %get3A_164 = arith.constant 80 : index
        %get3A_165 = tpu.vector_load %arg16[%get3A_163, %get3A_164] {strides = array<i32>} : memref<128x128xf32, #tpu.memory_space<vmem>>, vector<1x16xf32>,
        %get3A_166 = vector.shape_cast %get3A_165 : vector<1x16xf32> to vector<16xf32>
        %get3A_167 = arith.index_cast %scan3A_94 : i32 to index
        %get3A_168 = arith.constant 80 : index
        %get3A_169 = tpu.vector_load %arg17[%get3A_167, %get3A_168] {strides = array<i32>} : memref<128x128xf32, #tpu.memory_space<vmem>>, vector<1x16xf32>,
        %get3A_170 = vector.shape_cast %get3A_169 : vector<1x16xf32> to vector<16xf32>
        %add3A_171 = arith.addf %get3A_166, %get3A_170 : vector<16xf32>
        %swap3A_172 = arith.index_cast %scan3A_94 : i32 to index
        %swap3A_173 = arith.constant 80 : index
        %swap3A_174 = tpu.vector_load %arg16[%swap3A_172, %swap3A_173] {strides = array<i32>} : memref<128x128xf32, #tpu.memory_space<vmem>>, vector<1x16xf32>,
        %swap3A_175 = vector.shape_cast %swap3A_174 : vector<1x16xf32> to vector<16xf32>
        %swap3A_176 = vector.shape_cast %add3A_171 : vector<16xf32> to vector<1x16xf32>
        tpu.vector_store %arg16[%swap3A_172, %swap3A_173], %swap3A_176 {strides = array<i32>} : memref<128x128xf32, #tpu.memory_space<vmem>>, vector<1x16xf32>,
        %get3A_177 = arith.index_cast %scan3A_94 : i32 to index
        %get3A_178 = arith.constant 96 : index
        %get3A_179 = tpu.vector_load %arg16[%get3A_177, %get3A_178] {strides = array<i32>} : memref<128x128xf32, #tpu.memory_space<vmem>>, vector<1x16xf32>,
        %get3A_180 = vector.shape_cast %get3A_179 : vector<1x16xf32> to vector<16xf32>
        %get3A_181 = arith.index_cast %scan3A_94 : i32 to index
        %get3A_182 = arith.constant 96 : index
        %get3A_183 = tpu.vector_load %arg17[%get3A_181, %get3A_182] {strides = array<i32>} : memref<128x128xf32, #tpu.memory_space<vmem>>, vector<1x16xf32>,
        %get3A_184 = vector.shape_cast %get3A_183 : vector<1x16xf32> to vector<16xf32>
        %add3A_185 = arith.addf %get3A_180, %get3A_184 : vector<16xf32>
        %swap3A_186 = arith.index_cast %scan3A_94 : i32 to index
        %swap3A_187 = arith.constant 96 : index
        %swap3A_188 = tpu.vector_load %arg16[%swap3A_186, %swap3A_187] {strides = array<i32>} : memref<128x128xf32, #tpu.memory_space<vmem>>, vector<1x16xf32>,
        %swap3A_189 = vector.shape_cast %swap3A_188 : vector<1x16xf32> to vector<16xf32>
        %swap3A_190 = vector.shape_cast %add3A_185 : vector<16xf32> to vector<1x16xf32>
        tpu.vector_store %arg16[%swap3A_186, %swap3A_187], %swap3A_190 {strides = array<i32>} : memref<128x128xf32, #tpu.memory_space<vmem>>, vector<1x16xf32>,
        %get3A_191 = arith.index_cast %scan3A_94 : i32 to index
        %get3A_192 = arith.constant 112 : index
        %get3A_193 = tpu.vector_load %arg16[%get3A_191, %get3A_192] {strides = array<i32>} : memref<128x128xf32, #tpu.memory_space<vmem>>, vector<1x16xf32>,
        %get3A_194 = vector.shape_cast %get3A_193 : vector<1x16xf32> to vector<16xf32>
        %get3A_195 = arith.index_cast %scan3A_94 : i32 to index
        %get3A_196 = arith.constant 112 : index
        %get3A_197 = tpu.vector_load %arg17[%get3A_195, %get3A_196] {strides = array<i32>} : memref<128x128xf32, #tpu.memory_space<vmem>>, vector<1x16xf32>,
        %get3A_198 = vector.shape_cast %get3A_197 : vector<1x16xf32> to vector<16xf32>
        %add3A_199 = arith.addf %get3A_194, %get3A_198 : vector<16xf32>
        %swap3A_200 = arith.index_cast %scan3A_94 : i32 to index
        %swap3A_201 = arith.constant 112 : index
        %swap3A_202 = tpu.vector_load %arg16[%swap3A_200, %swap3A_201] {strides = array<i32>} : memref<128x128xf32, #tpu.memory_space<vmem>>, vector<1x16xf32>,
        %swap3A_203 = vector.shape_cast %swap3A_202 : vector<1x16xf32> to vector<16xf32>
        %swap3A_204 = vector.shape_cast %add3A_199 : vector<16xf32> to vector<1x16xf32>
        tpu.vector_store %arg16[%swap3A_200, %swap3A_201], %swap3A_204 {strides = array<i32>} : memref<128x128xf32, #tpu.memory_space<vmem>>, vector<1x16xf32>,
      }
      %scan3A_75 = arith.constant 128 : i32
      "tpu.region"() ({
        %run_scoped3A = tpu.sem_alloc : memref<!tpu.dma_semaphore, #tpu.memory_space<semaphore_mem>>
        %dma_start3A_94 = arith.constant 0 : i32
        %dma_start3A_95 = tpu.memref_slice %arg10[%mul3A_35, %dma_start3A_94] : memref<32768x128xf32, #tpu.memory_space<hbm>> -> memref<128x128xf32, #tpu.memory_space<hbm>>
        %dma_start3A_96 = arith.constant 0 : i32
        %dma_start3A_97 = tpu.memref_slice %arg10[%mul3A_35, %dma_start3A_96] : memref<32768x128xf32, #tpu.memory_space<hbm>> -> memref<128x128xf32, #tpu.memory_space<hbm>>
        tpu.enqueue_dma source(%arg16 : memref<128x128xf32, #tpu.memory_space<vmem>>) target(%dma_start3A_97 : memref<128x128xf32, #tpu.memory_space<hbm>>) target_semaphore(%run_scoped3A : memref<!tpu.dma_semaphore, #tpu.memory_space<semaphore_mem>>)
        %dma_wait3A_98 = arith.constant 0 : i32
        %dma_wait3A_99 = tpu.memref_slice %arg10[%mul3A_35, %dma_wait3A_98] : memref<32768x128xf32, #tpu.memory_space<hbm>> -> memref<128x128xf32, #tpu.memory_space<hbm>>
        %dma_wait3A_100 = arith.constant 0 : i32
        %dma_wait3A_101 = tpu.memref_slice %arg10[%mul3A_35, %dma_wait3A_100] : memref<32768x128xf32, #tpu.memory_space<hbm>> -> memref<128x128xf32, #tpu.memory_space<hbm>>
        tpu.wait_dma2 semaphore(%run_scoped3A : memref<!tpu.dma_semaphore, #tpu.memory_space<semaphore_mem>>) src(%arg16 : memref<128x128xf32, #tpu.memory_space<vmem>>) dst(%dma_wait3A_101 : memref<128x128xf32, #tpu.memory_space<hbm>>)
        tpu.yield
      }) : () -> ()
      %dma_wait3A_76 = arith.constant 0 : i32
      %dma_wait3A_77 = tpu.memref_slice %arg14[%scan3A_32, %dma_wait3A_76] : memref<8x128xi32, #tpu.memory_space<vmem>> -> memref<1x128xi32, #tpu.memory_space<vmem>>
      %dma_wait3A_78 = tpu.memref_squeeze %dma_wait3A_77 : memref<1x128xi32, #tpu.memory_space<vmem>> -> memref<128xi32, #tpu.memory_space<vmem>>
      %dma_wait3A_79 = arith.constant 0 : i32
      %dma_wait3A_80 = arith.constant 0 : i32
      %dma_wait3A_81 = tpu.memref_slice %arg4[%dma_wait3A_79, %dma_wait3A_80] : memref<16384x128xf32, #tpu.memory_space<hbm>> -> memref<16384x128xf32, #tpu.memory_space<hbm>>
      tpu.wait_indirect_dma semaphore(%arg22 : memref<!tpu.dma_semaphore, #tpu.memory_space<semaphore_mem>>) src(%dma_wait3A_81 : memref<16384x128xf32, #tpu.memory_space<hbm>>) dst(%arg18 : memref<128x128xf32, #tpu.memory_space<vmem>>)
      %dma_wait3A_82 = arith.constant 0 : i32
      %dma_wait3A_83 = tpu.memref_slice %arg15[%scan3A_32, %dma_wait3A_82] : memref<8x128xi32, #tpu.memory_space<vmem>> -> memref<1x128xi32, #tpu.memory_space<vmem>>
      %dma_wait3A_84 = tpu.memref_squeeze %dma_wait3A_83 : memref<1x128xi32, #tpu.memory_space<vmem>> -> memref<128xi32, #tpu.memory_space<vmem>>
      %dma_wait3A_85 = arith.constant 0 : i32
      %dma_wait3A_86 = arith.constant 0 : i32
      %dma_wait3A_87 = tpu.memref_slice %arg5[%dma_wait3A_85, %dma_wait3A_86] : memref<16384x128xf32, #tpu.memory_space<hbm>> -> memref<16384x128xf32, #tpu.memory_space<hbm>>
      tpu.wait_indirect_dma semaphore(%arg23 : memref<!tpu.dma_semaphore, #tpu.memory_space<semaphore_mem>>) src(%dma_wait3A_87 : memref<16384x128xf32, #tpu.memory_space<hbm>>) dst(%arg19 : memref<128x128xf32, #tpu.memory_space<vmem>>)
      %scan3A_88 = arith.constant 0 : i32
      %scan3A_89 = arith.constant 0 : i32
      %scan3A_90 = arith.constant 128 : i32
      %scan3A_91 = arith.addi %scan3A_89, %scan3A_90 : i32
      %scan3A_92 = arith.constant 1 : i32
      scf.for %scan3A_94 = %scan3A_89 to %scan3A_91 step %scan3A_92  : i32 {
        %get3A = arith.index_cast %scan3A_94 : i32 to index
        %get3A_95 = arith.constant 0 : index
        %get3A_96 = tpu.vector_load %arg18[%get3A, %get3A_95] {strides = array<i32>} : memref<128x128xf32, #tpu.memory_space<vmem>>, vector<1x16xf32>,
        %get3A_97 = vector.shape_cast %get3A_96 : vector<1x16xf32> to vector<16xf32>
        %get3A_98 = arith.index_cast %scan3A_94 : i32 to index
        %get3A_99 = arith.constant 0 : index
        %get3A_100 = tpu.vector_load %arg19[%get3A_98, %get3A_99] {strides = array<i32>} : memref<128x128xf32, #tpu.memory_space<vmem>>, vector<1x16xf32>,
        %get3A_101 = vector.shape_cast %get3A_100 : vector<1x16xf32> to vector<16xf32>
        %add3A_102 = arith.addf %get3A_97, %get3A_101 : vector<16xf32>
        %swap3A = arith.index_cast %scan3A_94 : i32 to index
        %swap3A_103 = arith.constant 0 : index
        %swap3A_104 = tpu.vector_load %arg18[%swap3A, %swap3A_103] {strides = array<i32>} : memref<128x128xf32, #tpu.memory_space<vmem>>, vector<1x16xf32>,
        %swap3A_105 = vector.shape_cast %swap3A_104 : vector<1x16xf32> to vector<16xf32>
        %swap3A_106 = vector.shape_cast %add3A_102 : vector<16xf32> to vector<1x16xf32>
        tpu.vector_store %arg18[%swap3A, %swap3A_103], %swap3A_106 {strides = array<i32>} : memref<128x128xf32, #tpu.memory_space<vmem>>, vector<1x16xf32>,
        %get3A_107 = arith.index_cast %scan3A_94 : i32 to index
        %get3A_108 = arith.constant 16 : index
        %get3A_109 = tpu.vector_load %arg18[%get3A_107, %get3A_108] {strides = array<i32>} : memref<128x128xf32, #tpu.memory_space<vmem>>, vector<1x16xf32>,
        %get3A_110 = vector.shape_cast %get3A_109 : vector<1x16xf32> to vector<16xf32>
        %get3A_111 = arith.index_cast %scan3A_94 : i32 to index
        %get3A_112 = arith.constant 16 : index
        %get3A_113 = tpu.vector_load %arg19[%get3A_111, %get3A_112] {strides = array<i32>} : memref<128x128xf32, #tpu.memory_space<vmem>>, vector<1x16xf32>,
        %get3A_114 = vector.shape_cast %get3A_113 : vector<1x16xf32> to vector<16xf32>
        %add3A_115 = arith.addf %get3A_110, %get3A_114 : vector<16xf32>
        %swap3A_116 = arith.index_cast %scan3A_94 : i32 to index
        %swap3A_117 = arith.constant 16 : index
        %swap3A_118 = tpu.vector_load %arg18[%swap3A_116, %swap3A_117] {strides = array<i32>} : memref<128x128xf32, #tpu.memory_space<vmem>>, vector<1x16xf32>,
        %swap3A_119 = vector.shape_cast %swap3A_118 : vector<1x16xf32> to vector<16xf32>
        %swap3A_120 = vector.shape_cast %add3A_115 : vector<16xf32> to vector<1x16xf32>
        tpu.vector_store %arg18[%swap3A_116, %swap3A_117], %swap3A_120 {strides = array<i32>} : memref<128x128xf32, #tpu.memory_space<vmem>>, vector<1x16xf32>,
        %get3A_121 = arith.index_cast %scan3A_94 : i32 to index
        %get3A_122 = arith.constant 32 : index
        %get3A_123 = tpu.vector_load %arg18[%get3A_121, %get3A_122] {strides = array<i32>} : memref<128x128xf32, #tpu.memory_space<vmem>>, vector<1x16xf32>,
        %get3A_124 = vector.shape_cast %get3A_123 : vector<1x16xf32> to vector<16xf32>
        %get3A_125 = arith.index_cast %scan3A_94 : i32 to index
        %get3A_126 = arith.constant 32 : index
        %get3A_127 = tpu.vector_load %arg19[%get3A_125, %get3A_126] {strides = array<i32>} : memref<128x128xf32, #tpu.memory_space<vmem>>, vector<1x16xf32>,
        %get3A_128 = vector.shape_cast %get3A_127 : vector<1x16xf32> to vector<16xf32>
        %add3A_129 = arith.addf %get3A_124, %get3A_128 : vector<16xf32>
        %swap3A_130 = arith.index_cast %scan3A_94 : i32 to index
        %swap3A_131 = arith.constant 32 : index
        %swap3A_132 = tpu.vector_load %arg18[%swap3A_130, %swap3A_131] {strides = array<i32>} : memref<128x128xf32, #tpu.memory_space<vmem>>, vector<1x16xf32>,
        %swap3A_133 = vector.shape_cast %swap3A_132 : vector<1x16xf32> to vector<16xf32>
        %swap3A_134 = vector.shape_cast %add3A_129 : vector<16xf32> to vector<1x16xf32>
        tpu.vector_store %arg18[%swap3A_130, %swap3A_131], %swap3A_134 {strides = array<i32>} : memref<128x128xf32, #tpu.memory_space<vmem>>, vector<1x16xf32>,
        %get3A_135 = arith.index_cast %scan3A_94 : i32 to index
        %get3A_136 = arith.constant 48 : index
        %get3A_137 = tpu.vector_load %arg18[%get3A_135, %get3A_136] {strides = array<i32>} : memref<128x128xf32, #tpu.memory_space<vmem>>, vector<1x16xf32>,
        %get3A_138 = vector.shape_cast %get3A_137 : vector<1x16xf32> to vector<16xf32>
        %get3A_139 = arith.index_cast %scan3A_94 : i32 to index
        %get3A_140 = arith.constant 48 : index
        %get3A_141 = tpu.vector_load %arg19[%get3A_139, %get3A_140] {strides = array<i32>} : memref<128x128xf32, #tpu.memory_space<vmem>>, vector<1x16xf32>,
        %get3A_142 = vector.shape_cast %get3A_141 : vector<1x16xf32> to vector<16xf32>
        %add3A_143 = arith.addf %get3A_138, %get3A_142 : vector<16xf32>
        %swap3A_144 = arith.index_cast %scan3A_94 : i32 to index
        %swap3A_145 = arith.constant 48 : index
        %swap3A_146 = tpu.vector_load %arg18[%swap3A_144, %swap3A_145] {strides = array<i32>} : memref<128x128xf32, #tpu.memory_space<vmem>>, vector<1x16xf32>,
        %swap3A_147 = vector.shape_cast %swap3A_146 : vector<1x16xf32> to vector<16xf32>
        %swap3A_148 = vector.shape_cast %add3A_143 : vector<16xf32> to vector<1x16xf32>
        tpu.vector_store %arg18[%swap3A_144, %swap3A_145], %swap3A_148 {strides = array<i32>} : memref<128x128xf32, #tpu.memory_space<vmem>>, vector<1x16xf32>,
        %get3A_149 = arith.index_cast %scan3A_94 : i32 to index
        %get3A_150 = arith.constant 64 : index
        %get3A_151 = tpu.vector_load %arg18[%get3A_149, %get3A_150] {strides = array<i32>} : memref<128x128xf32, #tpu.memory_space<vmem>>, vector<1x16xf32>,
        %get3A_152 = vector.shape_cast %get3A_151 : vector<1x16xf32> to vector<16xf32>
        %get3A_153 = arith.index_cast %scan3A_94 : i32 to index
        %get3A_154 = arith.constant 64 : index
        %get3A_155 = tpu.vector_load %arg19[%get3A_153, %get3A_154] {strides = array<i32>} : memref<128x128xf32, #tpu.memory_space<vmem>>, vector<1x16xf32>,
        %get3A_156 = vector.shape_cast %get3A_155 : vector<1x16xf32> to vector<16xf32>
        %add3A_157 = arith.addf %get3A_152, %get3A_156 : vector<16xf32>
        %swap3A_158 = arith.index_cast %scan3A_94 : i32 to index
        %swap3A_159 = arith.constant 64 : index
        %swap3A_160 = tpu.vector_load %arg18[%swap3A_158, %swap3A_159] {strides = array<i32>} : memref<128x128xf32, #tpu.memory_space<vmem>>, vector<1x16xf32>,
        %swap3A_161 = vector.shape_cast %swap3A_160 : vector<1x16xf32> to vector<16xf32>
        %swap3A_162 = vector.shape_cast %add3A_157 : vector<16xf32> to vector<1x16xf32>
        tpu.vector_store %arg18[%swap3A_158, %swap3A_159], %swap3A_162 {strides = array<i32>} : memref<128x128xf32, #tpu.memory_space<vmem>>, vector<1x16xf32>,
        %get3A_163 = arith.index_cast %scan3A_94 : i32 to index
        %get3A_164 = arith.constant 80 : index
        %get3A_165 = tpu.vector_load %arg18[%get3A_163, %get3A_164] {strides = array<i32>} : memref<128x128xf32, #tpu.memory_space<vmem>>, vector<1x16xf32>,
        %get3A_166 = vector.shape_cast %get3A_165 : vector<1x16xf32> to vector<16xf32>
        %get3A_167 = arith.index_cast %scan3A_94 : i32 to index
        %get3A_168 = arith.constant 80 : index
        %get3A_169 = tpu.vector_load %arg19[%get3A_167, %get3A_168] {strides = array<i32>} : memref<128x128xf32, #tpu.memory_space<vmem>>, vector<1x16xf32>,
        %get3A_170 = vector.shape_cast %get3A_169 : vector<1x16xf32> to vector<16xf32>
        %add3A_171 = arith.addf %get3A_166, %get3A_170 : vector<16xf32>
        %swap3A_172 = arith.index_cast %scan3A_94 : i32 to index
        %swap3A_173 = arith.constant 80 : index
        %swap3A_174 = tpu.vector_load %arg18[%swap3A_172, %swap3A_173] {strides = array<i32>} : memref<128x128xf32, #tpu.memory_space<vmem>>, vector<1x16xf32>,
        %swap3A_175 = vector.shape_cast %swap3A_174 : vector<1x16xf32> to vector<16xf32>
        %swap3A_176 = vector.shape_cast %add3A_171 : vector<16xf32> to vector<1x16xf32>
        tpu.vector_store %arg18[%swap3A_172, %swap3A_173], %swap3A_176 {strides = array<i32>} : memref<128x128xf32, #tpu.memory_space<vmem>>, vector<1x16xf32>,
        %get3A_177 = arith.index_cast %scan3A_94 : i32 to index
        %get3A_178 = arith.constant 96 : index
        %get3A_179 = tpu.vector_load %arg18[%get3A_177, %get3A_178] {strides = array<i32>} : memref<128x128xf32, #tpu.memory_space<vmem>>, vector<1x16xf32>,
        %get3A_180 = vector.shape_cast %get3A_179 : vector<1x16xf32> to vector<16xf32>
        %get3A_181 = arith.index_cast %scan3A_94 : i32 to index
        %get3A_182 = arith.constant 96 : index
        %get3A_183 = tpu.vector_load %arg19[%get3A_181, %get3A_182] {strides = array<i32>} : memref<128x128xf32, #tpu.memory_space<vmem>>, vector<1x16xf32>,
        %get3A_184 = vector.shape_cast %get3A_183 : vector<1x16xf32> to vector<16xf32>
        %add3A_185 = arith.addf %get3A_180, %get3A_184 : vector<16xf32>
        %swap3A_186 = arith.index_cast %scan3A_94 : i32 to index
        %swap3A_187 = arith.constant 96 : index
        %swap3A_188 = tpu.vector_load %arg18[%swap3A_186, %swap3A_187] {strides = array<i32>} : memref<128x128xf32, #tpu.memory_space<vmem>>, vector<1x16xf32>,
        %swap3A_189 = vector.shape_cast %swap3A_188 : vector<1x16xf32> to vector<16xf32>
        %swap3A_190 = vector.shape_cast %add3A_185 : vector<16xf32> to vector<1x16xf32>
        tpu.vector_store %arg18[%swap3A_186, %swap3A_187], %swap3A_190 {strides = array<i32>} : memref<128x128xf32, #tpu.memory_space<vmem>>, vector<1x16xf32>,
        %get3A_191 = arith.index_cast %scan3A_94 : i32 to index
        %get3A_192 = arith.constant 112 : index
        %get3A_193 = tpu.vector_load %arg18[%get3A_191, %get3A_192] {strides = array<i32>} : memref<128x128xf32, #tpu.memory_space<vmem>>, vector<1x16xf32>,
        %get3A_194 = vector.shape_cast %get3A_193 : vector<1x16xf32> to vector<16xf32>
        %get3A_195 = arith.index_cast %scan3A_94 : i32 to index
        %get3A_196 = arith.constant 112 : index
        %get3A_197 = tpu.vector_load %arg19[%get3A_195, %get3A_196] {strides = array<i32>} : memref<128x128xf32, #tpu.memory_space<vmem>>, vector<1x16xf32>,
        %get3A_198 = vector.shape_cast %get3A_197 : vector<1x16xf32> to vector<16xf32>
        %add3A_199 = arith.addf %get3A_194, %get3A_198 : vector<16xf32>
        %swap3A_200 = arith.index_cast %scan3A_94 : i32 to index
        %swap3A_201 = arith.constant 112 : index
        %swap3A_202 = tpu.vector_load %arg18[%swap3A_200, %swap3A_201] {strides = array<i32>} : memref<128x128xf32, #tpu.memory_space<vmem>>, vector<1x16xf32>,
        %swap3A_203 = vector.shape_cast %swap3A_202 : vector<1x16xf32> to vector<16xf32>
        %swap3A_204 = vector.shape_cast %add3A_199 : vector<16xf32> to vector<1x16xf32>
        tpu.vector_store %arg18[%swap3A_200, %swap3A_201], %swap3A_204 {strides = array<i32>} : memref<128x128xf32, #tpu.memory_space<vmem>>, vector<1x16xf32>,
      }
      %scan3A_93 = arith.constant 128 : i32
      "tpu.region"() ({
        %run_scoped3A = tpu.sem_alloc : memref<!tpu.dma_semaphore, #tpu.memory_space<semaphore_mem>>
        %dma_start3A_94 = arith.constant 0 : i32
        %dma_start3A_95 = tpu.memref_slice %arg11[%mul3A_35, %dma_start3A_94] : memref<32768x128xf32, #tpu.memory_space<hbm>> -> memref<128x128xf32, #tpu.memory_space<hbm>>
        %dma_start3A_96 = arith.constant 0 : i32
        %dma_start3A_97 = tpu.memref_slice %arg11[%mul3A_35, %dma_start3A_96] : memref<32768x128xf32, #tpu.memory_space<hbm>> -> memref<128x128xf32, #tpu.memory_space<hbm>>
        tpu.enqueue_dma source(%arg18 : memref<128x128xf32, #tpu.memory_space<vmem>>) target(%dma_start3A_97 : memref<128x128xf32, #tpu.memory_space<hbm>>) target_semaphore(%run_scoped3A : memref<!tpu.dma_semaphore, #tpu.memory_space<semaphore_mem>>)
        %dma_wait3A_98 = arith.constant 0 : i32
        %dma_wait3A_99 = tpu.memref_slice %arg11[%mul3A_35, %dma_wait3A_98] : memref<32768x128xf32, #tpu.memory_space<hbm>> -> memref<128x128xf32, #tpu.memory_space<hbm>>
        %dma_wait3A_100 = arith.constant 0 : i32
        %dma_wait3A_101 = tpu.memref_slice %arg11[%mul3A_35, %dma_wait3A_100] : memref<32768x128xf32, #tpu.memory_space<hbm>> -> memref<128x128xf32, #tpu.memory_space<hbm>>
        tpu.wait_dma2 semaphore(%run_scoped3A : memref<!tpu.dma_semaphore, #tpu.memory_space<semaphore_mem>>) src(%arg18 : memref<128x128xf32, #tpu.memory_space<vmem>>) dst(%dma_wait3A_101 : memref<128x128xf32, #tpu.memory_space<hbm>>)
        tpu.yield
      }) : () -> ()
    }
    %scan3A_31 = arith.constant 8 : i32
    return
  }
}

module attributes {stable_mosaic.version = 14 : i64} {
  func.func @_tab_body(%arg0: i32, %arg1: memref<1x1024x128xf32, #tpu.memory_space<vmem>>, %arg2: memref<256x128xf32, #tpu.memory_space<vmem>>, %arg3: memref<1x1024x64xf32, #tpu.memory_space<vmem>>, %arg4: memref<1x1024x128xf32, #tpu.memory_space<vmem>>, %arg5: memref<1x1024x128xf32, #tpu.memory_space<vmem>>, %arg6: memref<1x1024x128xf32, #tpu.memory_space<vmem>>, %arg7: memref<1x1024x128xf32, #tpu.memory_space<vmem>>) attributes {dimension_semantics = [#tpu.dimension_semantics<arbitrary>], iteration_bounds = array<i64: 16>, scalar_prefetch = 0 : i64, scratch_operands = 0 : i64, tpu.core_type = #tpu.core_type<tc>, window_params = [{transform_indices = @transform_0, window_bounds = array<i64: 1, 1024, 128>}, {pipeline_mode = #tpu.pipeline_mode<synchronous>, transform_indices = @transform_1, window_bounds = array<i64: 256, 128>}, {transform_indices = @transform_2, window_bounds = array<i64: 1, 1024, 64>}, {transform_indices = @transform_3, window_bounds = array<i64: 1, 1024, 128>}, {transform_indices = @transform_4, window_bounds = array<i64: 1, 1024, 128>}, {transform_indices = @transform_5, window_bounds = array<i64: 1, 1024, 128>}, {transform_indices = @transform_6, window_bounds = array<i64: 1, 1024, 128>}]} {
    %get3A = arith.constant 0 : index
    %get3A_0 = arith.constant 0 : index
    %get3A_1 = arith.constant 0 : index
    %get3A_2 = vector.load %arg1[%get3A, %get3A_0, %get3A_1] : memref<1x1024x128xf32, #tpu.memory_space<vmem>>, vector<1x1024x128xf32>
    %get3A_3 = vector.shape_cast %get3A_2 : vector<1x1024x128xf32> to vector<1024x128xf32>
    %get3A_4 = arith.constant 0 : index
    %get3A_5 = arith.constant 0 : index
    %get3A_6 = vector.load %arg2[%get3A_4, %get3A_5] : memref<256x128xf32, #tpu.memory_space<vmem>>, vector<256x128xf32>
    %slice3A = vector.extract_strided_slice %get3A_6 {offsets = [0, 0], sizes = [128, 128], strides = [1, 1]} : vector<256x128xf32> to vector<128x128xf32>
    %dot_general3A = arith.constant dense<0.000000e+00> : vector<1024x128xf32>
    %dot_general3A_7 = tpu.matmul %get3A_3, %slice3A, %dot_general3A {dimension_numbers = #tpu.dot_dimension_numbers<[1], [0], [0], [1], [0, 0, 1, 1], [], []>, precision = #tpu.contract_precision<fp32>, transpose_lhs_hint = false} : vector<1024x128xf32>, vector<128x128xf32>, vector<1024x128xf32> -> vector<1024x128xf32>
    %swap3A = arith.constant 0 : index
    %swap3A_8 = arith.constant 0 : index
    %swap3A_9 = arith.constant 0 : index
    %swap3A_10 = vector.load %arg4[%swap3A, %swap3A_8, %swap3A_9] : memref<1x1024x128xf32, #tpu.memory_space<vmem>>, vector<1x1024x128xf32>
    %swap3A_11 = vector.shape_cast %swap3A_10 : vector<1x1024x128xf32> to vector<1024x128xf32>
    %swap3A_12 = vector.shape_cast %dot_general3A_7 : vector<1024x128xf32> to vector<1x1024x128xf32>
    tpu.vector_store %arg4[%swap3A, %swap3A_8, %swap3A_9], %swap3A_12 {strides = array<i32>} : memref<1x1024x128xf32, #tpu.memory_space<vmem>>, vector<1x1024x128xf32>,
    %slice3A_13 = vector.extract_strided_slice %get3A_6 {offsets = [128, 0], sizes = [128, 128], strides = [1, 1]} : vector<256x128xf32> to vector<128x128xf32>
    %dot_general3A_14 = arith.constant dense<0.000000e+00> : vector<1024x128xf32>
    %dot_general3A_15 = tpu.matmul %get3A_3, %slice3A_13, %dot_general3A_14 {dimension_numbers = #tpu.dot_dimension_numbers<[1], [0], [0], [1], [0, 0, 1, 1], [], []>, precision = #tpu.contract_precision<fp32>, transpose_lhs_hint = false} : vector<1024x128xf32>, vector<128x128xf32>, vector<1024x128xf32> -> vector<1024x128xf32>
    %swap3A_16 = arith.constant 0 : index
    %swap3A_17 = arith.constant 0 : index
    %swap3A_18 = arith.constant 0 : index
    %swap3A_19 = vector.load %arg5[%swap3A_16, %swap3A_17, %swap3A_18] : memref<1x1024x128xf32, #tpu.memory_space<vmem>>, vector<1x1024x128xf32>
    %swap3A_20 = vector.shape_cast %swap3A_19 : vector<1x1024x128xf32> to vector<1024x128xf32>
    %swap3A_21 = vector.shape_cast %dot_general3A_15 : vector<1024x128xf32> to vector<1x1024x128xf32>
    tpu.vector_store %arg5[%swap3A_16, %swap3A_17, %swap3A_18], %swap3A_21 {strides = array<i32>} : memref<1x1024x128xf32, #tpu.memory_space<vmem>>, vector<1x1024x128xf32>,
    %get3A_22 = arith.constant 0 : index
    %get3A_23 = arith.constant 0 : index
    %get3A_24 = arith.constant 0 : index
    %get3A_25 = vector.load %arg3[%get3A_22, %get3A_23, %get3A_24] : memref<1x1024x64xf32, #tpu.memory_space<vmem>>, vector<1x1024x64xf32>
    %get3A_26 = vector.shape_cast %get3A_25 : vector<1x1024x64xf32> to vector<1024x64xf32>
    %broadcast_in_dim3A = arith.constant 0.000000e+00 : f32
    %broadcast_in_dim3A_27 = vector.broadcast %broadcast_in_dim3A : f32 to vector<1024x64xf32>
    %concatenate3A = tpu.concatenate %get3A_26, %broadcast_in_dim3A_27 in 1 : vector<1024x64xf32>, vector<1024x64xf32> -> vector<1024x128xf32>
    %swap3A_28 = arith.constant 0 : index
    %swap3A_29 = arith.constant 0 : index
    %swap3A_30 = arith.constant 0 : index
    %swap3A_31 = vector.load %arg6[%swap3A_28, %swap3A_29, %swap3A_30] : memref<1x1024x128xf32, #tpu.memory_space<vmem>>, vector<1x1024x128xf32>
    %swap3A_32 = vector.shape_cast %swap3A_31 : vector<1x1024x128xf32> to vector<1024x128xf32>
    %swap3A_33 = vector.shape_cast %concatenate3A : vector<1024x128xf32> to vector<1x1024x128xf32>
    tpu.vector_store %arg6[%swap3A_28, %swap3A_29, %swap3A_30], %swap3A_33 {strides = array<i32>} : memref<1x1024x128xf32, #tpu.memory_space<vmem>>, vector<1x1024x128xf32>,
    %concatenate3A_34 = tpu.concatenate %broadcast_in_dim3A_27, %get3A_26 in 1 : vector<1024x64xf32>, vector<1024x64xf32> -> vector<1024x128xf32>
    %swap3A_35 = arith.constant 0 : index
    %swap3A_36 = arith.constant 0 : index
    %swap3A_37 = arith.constant 0 : index
    %swap3A_38 = vector.load %arg7[%swap3A_35, %swap3A_36, %swap3A_37] : memref<1x1024x128xf32, #tpu.memory_space<vmem>>, vector<1x1024x128xf32>
    %swap3A_39 = vector.shape_cast %swap3A_38 : vector<1x1024x128xf32> to vector<1024x128xf32>
    %swap3A_40 = vector.shape_cast %concatenate3A_34 : vector<1024x128xf32> to vector<1x1024x128xf32>
    tpu.vector_store %arg7[%swap3A_35, %swap3A_36, %swap3A_37], %swap3A_40 {strides = array<i32>} : memref<1x1024x128xf32, #tpu.memory_space<vmem>>, vector<1x1024x128xf32>,
    return
  }
  func.func @transform_0(%arg0: i32) -> (i32, i32, i32) {
    %c0_i32 = arith.constant 0 : i32
    %c0_i32_0 = arith.constant 0 : i32
    %c0_i32_1 = arith.constant 0 : i32
    return %arg0, %c0_i32, %c0_i32_0 : i32, i32, i32
  }
  func.func @transform_1(%arg0: i32) -> (i32, i32) {
    %c0_i32 = arith.constant 0 : i32
    %c0_i32_0 = arith.constant 0 : i32
    %c0_i32_1 = arith.constant 0 : i32
    return %c0_i32, %c0_i32_0 : i32, i32
  }
  func.func @transform_2(%arg0: i32) -> (i32, i32, i32) {
    %c0_i32 = arith.constant 0 : i32
    %c0_i32_0 = arith.constant 0 : i32
    %c0_i32_1 = arith.constant 0 : i32
    return %arg0, %c0_i32, %c0_i32_0 : i32, i32, i32
  }
  func.func @transform_3(%arg0: i32) -> (i32, i32, i32) {
    %c0_i32 = arith.constant 0 : i32
    %c0_i32_0 = arith.constant 0 : i32
    %c0_i32_1 = arith.constant 0 : i32
    return %arg0, %c0_i32, %c0_i32_0 : i32, i32, i32
  }
  func.func @transform_4(%arg0: i32) -> (i32, i32, i32) {
    %c0_i32 = arith.constant 0 : i32
    %c0_i32_0 = arith.constant 0 : i32
    %c0_i32_1 = arith.constant 0 : i32
    return %arg0, %c0_i32, %c0_i32_0 : i32, i32, i32
  }
  func.func @transform_5(%arg0: i32) -> (i32, i32, i32) {
    %c0_i32 = arith.constant 0 : i32
    %c0_i32_0 = arith.constant 0 : i32
    %c0_i32_1 = arith.constant 0 : i32
    return %arg0, %c0_i32, %c0_i32_0 : i32, i32, i32
  }
  func.func @transform_6(%arg0: i32) -> (i32, i32, i32) {
    %c0_i32 = arith.constant 0 : i32
    %c0_i32_0 = arith.constant 0 : i32
    %c0_i32_1 = arith.constant 0 : i32
    return %arg0, %c0_i32, %c0_i32_0 : i32, i32, i32
  }
}

module attributes {stable_mosaic.version = 14 : i64} {
  func.func @_prep_body(%arg0: memref<8x32xf32, #tpu.memory_space<vmem>>, %arg1: memref<128xf32, #tpu.memory_space<vmem>>, %arg2: memref<32xf32, #tpu.memory_space<vmem>>, %arg3: memref<32xf32, #tpu.memory_space<vmem>>, %arg4: memref<32xf32, #tpu.memory_space<vmem>>, %arg5: memref<3x352xf32, #tpu.memory_space<vmem>>, %arg6: memref<352x12xf32, #tpu.memory_space<vmem>>, %arg7: memref<64x512xf32, #tpu.memory_space<vmem>>, %arg8: memref<64x512xf32, #tpu.memory_space<vmem>>, %arg9: memref<64x2xf32, #tpu.memory_space<vmem>>) attributes {dimension_semantics = [], scalar_prefetch = 0 : i64, scratch_operands = 0 : i64, tpu.core_type = #tpu.core_type<tc>} {
    %get3A = arith.constant 0 : index
    %get3A_0 = arith.constant 0 : index
    %get3A_1 = vector.load %arg5[%get3A, %get3A_0] : memref<3x352xf32, #tpu.memory_space<vmem>>, vector<3x352xf32>
    %transpose3A = tpu.transpose %get3A_1, [1, 0] : vector<3x352xf32> -> vector<352x3xf32>
    %get3A_2 = arith.constant 0 : index
    %get3A_3 = arith.constant 0 : index
    %get3A_4 = vector.load %arg0[%get3A_2, %get3A_3] : memref<8x32xf32, #tpu.memory_space<vmem>>, vector<8x32xf32>
    %transpose3A_5 = tpu.transpose %get3A_4, [1, 0] : vector<8x32xf32> -> vector<32x8xf32>
    %broadcast_in_dim3A = arith.constant 0.000000e+00 : f32
    %broadcast_in_dim3A_6 = vector.broadcast %broadcast_in_dim3A : f32 to vector<128x8xf32>
    %broadcast_in_dim3A_7 = arith.constant 0.000000e+00 : f32
    %broadcast_in_dim3A_8 = vector.broadcast %broadcast_in_dim3A_7 : f32 to vector<192x8xf32>
    %concatenate3A = tpu.concatenate %broadcast_in_dim3A_6, %transpose3A_5, %broadcast_in_dim3A_8 in 0 : vector<128x8xf32>, vector<32x8xf32>, vector<192x8xf32> -> vector<352x8xf32>
    %get3A_9 = arith.constant 0 : index
    %get3A_10 = vector.load %arg1[%get3A_9] : memref<128xf32, #tpu.memory_space<vmem>>, vector<128xf32>
    %get3A_11 = arith.constant 0 : index
    %get3A_12 = vector.load %arg2[%get3A_11] : memref<32xf32, #tpu.memory_space<vmem>>, vector<32xf32>
    %broadcast_in_dim3A_13 = arith.constant 0.000000e+00 : f32
    %broadcast_in_dim3A_14 = vector.broadcast %broadcast_in_dim3A_13 : f32 to vector<192xf32>
    %concatenate3A_15 = tpu.concatenate %get3A_10, %get3A_12, %broadcast_in_dim3A_14 in 0 : vector<128xf32>, vector<32xf32>, vector<192xf32> -> vector<352xf32>
    %reshape3A = vector.shape_cast %concatenate3A_15 : vector<352xf32> to vector<352x1xf32>
    %concatenate3A_16 = tpu.concatenate %transpose3A, %concatenate3A, %reshape3A in 1 : vector<352x3xf32>, vector<352x8xf32>, vector<352x1xf32> -> vector<352x12xf32>
    %swap3A = arith.constant 0 : index
    %swap3A_17 = arith.constant 0 : index
    %swap3A_18 = vector.load %arg6[%swap3A, %swap3A_17] : memref<352x12xf32, #tpu.memory_space<vmem>>, vector<352x12xf32>
    tpu.vector_store %arg6[%swap3A, %swap3A_17], %concatenate3A_16 {strides = array<i32>} : memref<352x12xf32, #tpu.memory_space<vmem>>, vector<352x12xf32>,
    %get3A_19 = arith.constant 0 : index
    %get3A_20 = vector.load %arg3[%get3A_19] : memref<32xf32, #tpu.memory_space<vmem>>, vector<32xf32>
    %get3A_21 = arith.constant 0 : index
    %get3A_22 = vector.load %arg3[%get3A_21] : memref<32xf32, #tpu.memory_space<vmem>>, vector<32xf32>
    %concatenate3A_23 = tpu.concatenate %get3A_20, %get3A_22 in 0 : vector<32xf32>, vector<32xf32> -> vector<64xf32>
    %reshape3A_24 = vector.shape_cast %concatenate3A_23 : vector<64xf32> to vector<64x1xf32>
    %mul3A = arith.constant 0.159154937 : f32
    %mul3A_25 = vector.broadcast %mul3A : f32 to vector<64x1xf32>
    %mul3A_26 = arith.mulf %reshape3A_24, %mul3A_25 : vector<64x1xf32>
    %get3A_27 = arith.constant 0 : index
    %get3A_28 = vector.load %arg4[%get3A_27] : memref<32xf32, #tpu.memory_space<vmem>>, vector<32xf32>
    %get3A_29 = arith.constant 0 : index
    %get3A_30 = vector.load %arg4[%get3A_29] : memref<32xf32, #tpu.memory_space<vmem>>, vector<32xf32>
    %concatenate3A_31 = tpu.concatenate %get3A_28, %get3A_30 in 0 : vector<32xf32>, vector<32xf32> -> vector<64xf32>
    %reshape3A_32 = vector.shape_cast %concatenate3A_31 : vector<64xf32> to vector<64x1xf32>
    %mul3A_33 = arith.constant 0.159154937 : f32
    %mul3A_34 = vector.broadcast %mul3A_33 : f32 to vector<64x1xf32>
    %mul3A_35 = arith.mulf %reshape3A_32, %mul3A_34 : vector<64x1xf32>
    %broadcast_in_dim3A_36 = vector.shape_cast %mul3A_26 : vector<64x1xf32> to vector<64x1xf32>
    %broadcast_in_dim3A_37 = vector.broadcast %broadcast_in_dim3A_36 : vector<64x1xf32> to vector<64x512xf32>
    %swap3A_38 = arith.constant 0 : index
    %swap3A_39 = arith.constant 0 : index
    %swap3A_40 = vector.load %arg7[%swap3A_38, %swap3A_39] : memref<64x512xf32, #tpu.memory_space<vmem>>, vector<64x512xf32>
    tpu.vector_store %arg7[%swap3A_38, %swap3A_39], %broadcast_in_dim3A_37 {strides = array<i32>} : memref<64x512xf32, #tpu.memory_space<vmem>>, vector<64x512xf32>,
    %broadcast_in_dim3A_41 = vector.shape_cast %mul3A_35 : vector<64x1xf32> to vector<64x1xf32>
    %broadcast_in_dim3A_42 = vector.broadcast %broadcast_in_dim3A_41 : vector<64x1xf32> to vector<64x512xf32>
    %swap3A_43 = arith.constant 0 : index
    %swap3A_44 = arith.constant 0 : index
    %swap3A_45 = vector.load %arg8[%swap3A_43, %swap3A_44] : memref<64x512xf32, #tpu.memory_space<vmem>>, vector<64x512xf32>
    tpu.vector_store %arg8[%swap3A_43, %swap3A_44], %broadcast_in_dim3A_42 {strides = array<i32>} : memref<64x512xf32, #tpu.memory_space<vmem>>, vector<64x512xf32>,
    %iota3A = tpu.iota {dimensions = array<i32: 1>} : vector<64x2xi32>
    %iota3A_46 = tpu.iota {dimensions = array<i32: 0>} : vector<64x2xi32>
    %lt3A = arith.constant 32 : i32
    %lt3A_47 = vector.broadcast %lt3A : i32 to vector<64x2xi32>
    %lt3A_48 = arith.cmpi slt, %iota3A_46, %lt3A_47 : vector<64x2xi32>
    %eq3A = arith.constant 0 : i32
    %eq3A_49 = vector.broadcast %eq3A : i32 to vector<64x2xi32>
    %eq3A_50 = arith.cmpi eq, %iota3A, %eq3A_49 : vector<64x2xi32>
    %eq3A_51 = arith.xori %lt3A_48, %eq3A_50 : vector<64x2xi1>
    %eq3A_52 = arith.constant dense<true> : vector<64x2xi1>
    %eq3A_53 = arith.xori %eq3A_51, %eq3A_52 : vector<64x2xi1>
    %jit3A = arith.constant 1.000000e+00 : f32
    %jit3A_54 = arith.constant 0.000000e+00 : f32
    %broadcast_in_dim3A_55 = vector.broadcast %jit3A : f32 to vector<64x2xf32>
    %broadcast_in_dim3A_56 = vector.broadcast %jit3A_54 : f32 to vector<64x2xf32>
    %select_n3A = arith.select %eq3A_53, %broadcast_in_dim3A_55, %broadcast_in_dim3A_56 : vector<64x2xi1>, vector<64x2xf32>
    %swap3A_57 = arith.constant 0 : index
    %swap3A_58 = arith.constant 0 : index
    %swap3A_59 = vector.load %arg9[%swap3A_57, %swap3A_58] : memref<64x2xf32, #tpu.memory_space<vmem>>, vector<64x2xf32>
    tpu.vector_store %arg9[%swap3A_57, %swap3A_58], %select_n3A {strides = array<i32>} : memref<64x2xf32, #tpu.memory_space<vmem>>, vector<64x2xf32>,
    return
  }
}

module attributes {stable_mosaic.version = 14 : i64} {
  func.func @_fin_body0(%arg0: i32, %arg1: memref<1x512x128xf32, #tpu.memory_space<vmem>>, %arg2: memref<1x512x128xf32, #tpu.memory_space<vmem>>, %arg3: memref<1x2x512xf32, #tpu.memory_space<vmem>>, %arg4: memref<1x1x512xi32, #tpu.memory_space<vmem>>, %arg5: memref<1x8x512xf32, #tpu.memory_space<vmem>>, %arg6: memref<352x12xf32, #tpu.memory_space<vmem>>, %arg7: memref<64x512xf32, #tpu.memory_space<vmem>>, %arg8: memref<64x512xf32, #tpu.memory_space<vmem>>, %arg9: memref<64x2xf32, #tpu.memory_space<vmem>>, %arg10: memref<1x352x512xf32, #tpu.memory_space<vmem>>) attributes {dimension_semantics = [#tpu.dimension_semantics<parallel>], iteration_bounds = array<i64: 64>, scalar_prefetch = 0 : i64, scratch_operands = 0 : i64, tpu.core_type = #tpu.core_type<tc>, window_params = [{transform_indices = @transform_0, window_bounds = array<i64: 1, 512, 128>}, {transform_indices = @transform_1, window_bounds = array<i64: 1, 512, 128>}, {transform_indices = @transform_2, window_bounds = array<i64: 1, 2, 512>}, {transform_indices = @transform_3, window_bounds = array<i64: 1, 1, 512>}, {transform_indices = @transform_4, window_bounds = array<i64: 1, 8, 512>}, {pipeline_mode = #tpu.pipeline_mode<synchronous>, transform_indices = @transform_5, window_bounds = array<i64: 352, 12>}, {pipeline_mode = #tpu.pipeline_mode<synchronous>, transform_indices = @transform_6, window_bounds = array<i64: 64, 512>}, {pipeline_mode = #tpu.pipeline_mode<synchronous>, transform_indices = @transform_7, window_bounds = array<i64: 64, 512>}, {pipeline_mode = #tpu.pipeline_mode<synchronous>, transform_indices = @transform_8, window_bounds = array<i64: 64, 2>}, {transform_indices = @transform_9, window_bounds = array<i64: 1, 352, 512>}]} {
    %get3A = arith.constant 0 : index
    %get3A_0 = arith.constant 0 : index
    %get3A_1 = arith.constant 0 : index
    %get3A_2 = vector.load %arg4[%get3A, %get3A_0, %get3A_1] : memref<1x1x512xi32, #tpu.memory_space<vmem>>, vector<1x1x512xi32>
    %get3A_3 = vector.shape_cast %get3A_2 : vector<1x1x512xi32> to vector<1x512xi32>
    %iota3A = tpu.iota {dimensions = array<i32: 0>} : vector<3x1xi32>
    %eq3A = vector.broadcast %get3A_3 : vector<1x512xi32> to vector<3x512xi32>
    %eq3A_4 = vector.broadcast %iota3A : vector<3x1xi32> to vector<3x512xi32>
    %eq3A_5 = arith.cmpi eq, %eq3A, %eq3A_4 : vector<3x512xi32>
    %convert_element_type3A = arith.extui %eq3A_5 : vector<3x512xi1> to vector<3x512xi32>
    %convert_element_type3A_6 = arith.sitofp %convert_element_type3A : vector<3x512xi32> to vector<3x512xf32>
    %broadcast_in_dim3A = arith.constant 1.000000e+00 : f32
    %broadcast_in_dim3A_7 = vector.broadcast %broadcast_in_dim3A : f32 to vector<1x512xf32>
    %get3A_8 = arith.constant 0 : index
    %get3A_9 = arith.constant 0 : index
    %get3A_10 = arith.constant 0 : index
    %get3A_11 = vector.load %arg5[%get3A_8, %get3A_9, %get3A_10] : memref<1x8x512xf32, #tpu.memory_space<vmem>>, vector<1x8x512xf32>
    %get3A_12 = vector.shape_cast %get3A_11 : vector<1x8x512xf32> to vector<8x512xf32>
    %concatenate3A = tpu.concatenate %convert_element_type3A_6, %get3A_12, %broadcast_in_dim3A_7 in 0 : vector<3x512xf32>, vector<8x512xf32>, vector<1x512xf32> -> vector<12x512xf32>
    %get3A_13 = arith.constant 0 : index
    %get3A_14 = arith.constant 0 : index
    %get3A_15 = vector.load %arg6[%get3A_13, %get3A_14] : memref<352x12xf32, #tpu.memory_space<vmem>>, vector<352x12xf32>
    %dot_general3A = arith.constant dense<0.000000e+00> : vector<352x512xf32>
    %dot_general3A_16 = tpu.matmul %get3A_15, %concatenate3A, %dot_general3A {dimension_numbers = #tpu.dot_dimension_numbers<[1], [0], [0], [1], [0, 0, 1, 1], [], []>, transpose_lhs_hint = false} : vector<352x12xf32>, vector<12x512xf32>, vector<352x512xf32> -> vector<352x512xf32>
    %get3A_17 = arith.constant 0 : index
    %get3A_18 = arith.constant 0 : index
    %get3A_19 = arith.constant 0 : index
    %get3A_20 = vector.load %arg3[%get3A_17, %get3A_18, %get3A_19] : memref<1x2x512xf32, #tpu.memory_space<vmem>>, vector<1x2x512xf32>
    %get3A_21 = vector.shape_cast %get3A_20 : vector<1x2x512xf32> to vector<2x512xf32>
    %reduce_max3A = vector.shape_cast %get3A_21 : vector<2x512xf32> to vector<1x2x512xf32>
    %reduce_max3A_22 = arith.constant dense<0xFF800000> : vector<1xf32>
    %reduce_max3A_23 = vector.multi_reduction <maximumf>, %reduce_max3A, %reduce_max3A_22 [1, 2] : vector<1x2x512xf32> to vector<1xf32>
    %reduce_max3A_24 = vector.shape_cast %reduce_max3A_23 : vector<1xf32> to vector<1x1x1xf32>
    %reduce_max3A_25 = vector.extract %reduce_max3A_24[0, 0, 0] : f32 from vector<1x1x1xf32>
    %get3A_26 = arith.constant 0 : index
    %get3A_27 = arith.constant 0 : index
    %get3A_28 = vector.load %arg9[%get3A_26, %get3A_27] : memref<64x2xf32, #tpu.memory_space<vmem>>, vector<64x2xf32>
    %dot_general3A_29 = arith.constant dense<0.000000e+00> : vector<64x512xf32>
    %dot_general3A_30 = tpu.matmul %get3A_28, %get3A_21, %dot_general3A_29 {dimension_numbers = #tpu.dot_dimension_numbers<[1], [0], [0], [1], [0, 0, 1, 1], [], []>, precision = #tpu.contract_precision<fp32>, transpose_lhs_hint = false} : vector<64x2xf32>, vector<2x512xf32>, vector<64x512xf32> -> vector<64x512xf32>
    %sub3A = vector.broadcast %reduce_max3A_25 : f32 to vector<64x512xf32>
    %sub3A_31 = arith.subf %sub3A, %dot_general3A_30 : vector<64x512xf32>
    %get3A_32 = arith.constant 0 : index
    %get3A_33 = arith.constant 0 : index
    %get3A_34 = vector.load %arg7[%get3A_32, %get3A_33] : memref<64x512xf32, #tpu.memory_space<vmem>>, vector<64x512xf32>
    %mul3A = arith.mulf %sub3A_31, %get3A_34 : vector<64x512xf32>
    %get3A_35 = arith.constant 0 : index
    %get3A_36 = arith.constant 0 : index
    %get3A_37 = vector.load %arg8[%get3A_35, %get3A_36] : memref<64x512xf32, #tpu.memory_space<vmem>>, vector<64x512xf32>
    %add3A = arith.addf %mul3A, %get3A_37 : vector<64x512xf32>
    %round3A = math.roundeven %add3A : vector<64x512xf32>
    %sub3A_38 = arith.subf %add3A, %round3A : vector<64x512xf32>
    %mul3A_39 = arith.mulf %sub3A_38, %sub3A_38 : vector<64x512xf32>
    %mul3A_40 = arith.constant -1.71439075 : f32
    %mul3A_41 = vector.broadcast %mul3A_40 : f32 to vector<64x512xf32>
    %mul3A_42 = arith.mulf %mul3A_41, %mul3A_39 : vector<64x512xf32>
    %add3A_43 = arith.constant 7.90353632 : f32
    %add3A_44 = vector.broadcast %add3A_43 : f32 to vector<64x512xf32>
    %add3A_45 = arith.addf %mul3A_42, %add3A_44 : vector<64x512xf32>
    %mul3A_46 = arith.mulf %add3A_45, %mul3A_39 : vector<64x512xf32>
    %add3A_47 = arith.constant -26.4262562 : f32
    %add3A_48 = vector.broadcast %add3A_47 : f32 to vector<64x512xf32>
    %add3A_49 = arith.addf %mul3A_46, %add3A_48 : vector<64x512xf32>
    %mul3A_50 = arith.mulf %add3A_49, %mul3A_39 : vector<64x512xf32>
    %add3A_51 = arith.constant 60.2446404 : f32
    %add3A_52 = vector.broadcast %add3A_51 : f32 to vector<64x512xf32>
    %add3A_53 = arith.addf %mul3A_50, %add3A_52 : vector<64x512xf32>
    %mul3A_54 = arith.mulf %add3A_53, %mul3A_39 : vector<64x512xf32>
    %add3A_55 = arith.constant -85.4568176 : f32
    %add3A_56 = vector.broadcast %add3A_55 : f32 to vector<64x512xf32>
    %add3A_57 = arith.addf %mul3A_54, %add3A_56 : vector<64x512xf32>
    %mul3A_58 = arith.mulf %add3A_57, %mul3A_39 : vector<64x512xf32>
    %add3A_59 = arith.constant 64.9393921 : f32
    %add3A_60 = vector.broadcast %add3A_59 : f32 to vector<64x512xf32>
    %add3A_61 = arith.addf %mul3A_58, %add3A_60 : vector<64x512xf32>
    %mul3A_62 = arith.mulf %add3A_61, %mul3A_39 : vector<64x512xf32>
    %add3A_63 = arith.constant -19.7392082 : f32
    %add3A_64 = vector.broadcast %add3A_63 : f32 to vector<64x512xf32>
    %add3A_65 = arith.addf %mul3A_62, %add3A_64 : vector<64x512xf32>
    %mul3A_66 = arith.mulf %add3A_65, %mul3A_39 : vector<64x512xf32>
    %add3A_67 = arith.constant 1.000000e+00 : f32
    %add3A_68 = vector.broadcast %add3A_67 : f32 to vector<64x512xf32>
    %add3A_69 = arith.addf %mul3A_66, %add3A_68 : vector<64x512xf32>
    %get3A_70 = arith.constant 0 : index
    %get3A_71 = arith.constant 0 : index
    %get3A_72 = arith.constant 0 : index
    %get3A_73 = vector.load %arg1[%get3A_70, %get3A_71, %get3A_72] : memref<1x512x128xf32, #tpu.memory_space<vmem>>, vector<1x512x128xf32>
    %get3A_74 = vector.shape_cast %get3A_73 : vector<1x512x128xf32> to vector<512x128xf32>
    %transpose3A = tpu.transpose %get3A_74, [1, 0] : vector<512x128xf32> -> vector<128x512xf32>
    %get3A_75 = arith.constant 0 : index
    %get3A_76 = arith.constant 0 : index
    %get3A_77 = arith.constant 0 : index
    %get3A_78 = vector.load %arg2[%get3A_75, %get3A_76, %get3A_77] : memref<1x512x128xf32, #tpu.memory_space<vmem>>, vector<1x512x128xf32>
    %get3A_79 = vector.shape_cast %get3A_78 : vector<1x512x128xf32> to vector<512x128xf32>
    %transpose3A_80 = tpu.transpose %get3A_79, [1, 0] : vector<512x128xf32> -> vector<128x512xf32>
    %slice3A = vector.extract_strided_slice %dot_general3A_16 {offsets = [0, 0], sizes = [128, 512], strides = [1, 1]} : vector<352x512xf32> to vector<128x512xf32>
    %add3A_81 = arith.addf %slice3A, %transpose3A : vector<128x512xf32>
    %swap3A = arith.constant 0 : index
    %swap3A_82 = arith.constant 0 : index
    %swap3A_83 = arith.constant 0 : index
    %swap3A_84 = vector.load %arg10[%swap3A, %swap3A_82, %swap3A_83] : memref<1x352x512xf32, #tpu.memory_space<vmem>>, vector<1x128x512xf32>
    %swap3A_85 = vector.shape_cast %swap3A_84 : vector<1x128x512xf32> to vector<128x512xf32>
    %swap3A_86 = vector.shape_cast %add3A_81 : vector<128x512xf32> to vector<1x128x512xf32>
    tpu.vector_store %arg10[%swap3A, %swap3A_82, %swap3A_83], %swap3A_86 {strides = array<i32>} : memref<1x352x512xf32, #tpu.memory_space<vmem>>, vector<1x128x512xf32>,
    %slice3A_87 = vector.extract_strided_slice %dot_general3A_16 {offsets = [128, 0], sizes = [32, 512], strides = [1, 1]} : vector<352x512xf32> to vector<32x512xf32>
    %swap3A_88 = arith.constant 0 : index
    %swap3A_89 = arith.constant 128 : index
    %swap3A_90 = arith.constant 0 : index
    %swap3A_91 = vector.load %arg10[%swap3A_88, %swap3A_89, %swap3A_90] : memref<1x352x512xf32, #tpu.memory_space<vmem>>, vector<1x32x512xf32>
    %swap3A_92 = vector.shape_cast %swap3A_91 : vector<1x32x512xf32> to vector<32x512xf32>
    %swap3A_93 = vector.shape_cast %slice3A_87 : vector<32x512xf32> to vector<1x32x512xf32>
    tpu.vector_store %arg10[%swap3A_88, %swap3A_89, %swap3A_90], %swap3A_93 {strides = array<i32>} : memref<1x352x512xf32, #tpu.memory_space<vmem>>, vector<1x32x512xf32>,
    %slice3A_94 = vector.extract_strided_slice %dot_general3A_16 {offsets = [160, 0], sizes = [64, 512], strides = [1, 1]} : vector<352x512xf32> to vector<64x512xf32>
    %add3A_95 = arith.addf %slice3A_94, %add3A_69 : vector<64x512xf32>
    %swap3A_96 = arith.constant 0 : index
    %swap3A_97 = arith.constant 160 : index
    %swap3A_98 = arith.constant 0 : index
    %swap3A_99 = vector.load %arg10[%swap3A_96, %swap3A_97, %swap3A_98] : memref<1x352x512xf32, #tpu.memory_space<vmem>>, vector<1x64x512xf32>
    %swap3A_100 = vector.shape_cast %swap3A_99 : vector<1x64x512xf32> to vector<64x512xf32>
    %swap3A_101 = vector.shape_cast %add3A_95 : vector<64x512xf32> to vector<1x64x512xf32>
    tpu.vector_store %arg10[%swap3A_96, %swap3A_97, %swap3A_98], %swap3A_101 {strides = array<i32>} : memref<1x352x512xf32, #tpu.memory_space<vmem>>, vector<1x64x512xf32>,
    %slice3A_102 = vector.extract_strided_slice %dot_general3A_16 {offsets = [224, 0], sizes = [128, 512], strides = [1, 1]} : vector<352x512xf32> to vector<128x512xf32>
    %add3A_103 = arith.addf %slice3A_102, %transpose3A_80 : vector<128x512xf32>
    %swap3A_104 = arith.constant 0 : index
    %swap3A_105 = arith.constant 224 : index
    %swap3A_106 = arith.constant 0 : index
    %swap3A_107 = vector.load %arg10[%swap3A_104, %swap3A_105, %swap3A_106] : memref<1x352x512xf32, #tpu.memory_space<vmem>>, vector<1x128x512xf32>
    %swap3A_108 = vector.shape_cast %swap3A_107 : vector<1x128x512xf32> to vector<128x512xf32>
    %swap3A_109 = vector.shape_cast %add3A_103 : vector<128x512xf32> to vector<1x128x512xf32>
    tpu.vector_store %arg10[%swap3A_104, %swap3A_105, %swap3A_106], %swap3A_109 {strides = array<i32>} : memref<1x352x512xf32, #tpu.memory_space<vmem>>, vector<1x128x512xf32>,
    return
  }
  func.func @transform_0(%arg0: i32) -> (i32, i32, i32) {
    %c0_i32 = arith.constant 0 : i32
    %c0_i32_0 = arith.constant 0 : i32
    %c0_i32_1 = arith.constant 0 : i32
    return %arg0, %c0_i32, %c0_i32_0 : i32, i32, i32
  }
  func.func @transform_1(%arg0: i32) -> (i32, i32, i32) {
    %c0_i32 = arith.constant 0 : i32
    %c0_i32_0 = arith.constant 0 : i32
    %c0_i32_1 = arith.constant 0 : i32
    return %arg0, %c0_i32, %c0_i32_0 : i32, i32, i32
  }
  func.func @transform_2(%arg0: i32) -> (i32, i32, i32) {
    %add3A = arith.constant 0 : i32
    %add3A_0 = arith.addi %arg0, %add3A : i32
    %c0_i32 = arith.constant 0 : i32
    %c0_i32_1 = arith.constant 0 : i32
    %c0_i32_2 = arith.constant 0 : i32
    return %add3A_0, %c0_i32, %c0_i32_1 : i32, i32, i32
  }
  func.func @transform_3(%arg0: i32) -> (i32, i32, i32) {
    %add3A = arith.constant 0 : i32
    %add3A_0 = arith.addi %arg0, %add3A : i32
    %c0_i32 = arith.constant 0 : i32
    %c0_i32_1 = arith.constant 0 : i32
    %c0_i32_2 = arith.constant 0 : i32
    return %add3A_0, %c0_i32, %c0_i32_1 : i32, i32, i32
  }
  func.func @transform_4(%arg0: i32) -> (i32, i32, i32) {
    %add3A = arith.constant 0 : i32
    %add3A_0 = arith.addi %arg0, %add3A : i32
    %c0_i32 = arith.constant 0 : i32
    %c0_i32_1 = arith.constant 0 : i32
    %c0_i32_2 = arith.constant 0 : i32
    return %add3A_0, %c0_i32, %c0_i32_1 : i32, i32, i32
  }
  func.func @transform_5(%arg0: i32) -> (i32, i32) {
    %c0_i32 = arith.constant 0 : i32
    %c0_i32_0 = arith.constant 0 : i32
    %c0_i32_1 = arith.constant 0 : i32
    return %c0_i32, %c0_i32_0 : i32, i32
  }
  func.func @transform_6(%arg0: i32) -> (i32, i32) {
    %c0_i32 = arith.constant 0 : i32
    %c0_i32_0 = arith.constant 0 : i32
    %c0_i32_1 = arith.constant 0 : i32
    return %c0_i32, %c0_i32_0 : i32, i32
  }
  func.func @transform_7(%arg0: i32) -> (i32, i32) {
    %c0_i32 = arith.constant 0 : i32
    %c0_i32_0 = arith.constant 0 : i32
    %c0_i32_1 = arith.constant 0 : i32
    return %c0_i32, %c0_i32_0 : i32, i32
  }
  func.func @transform_8(%arg0: i32) -> (i32, i32) {
    %c0_i32 = arith.constant 0 : i32
    %c0_i32_0 = arith.constant 0 : i32
    %c0_i32_1 = arith.constant 0 : i32
    return %c0_i32, %c0_i32_0 : i32, i32
  }
  func.func @transform_9(%arg0: i32) -> (i32, i32, i32) {
    %add3A = arith.constant 0 : i32
    %add3A_0 = arith.addi %arg0, %add3A : i32
    %c0_i32 = arith.constant 0 : i32
    %c0_i32_1 = arith.constant 0 : i32
    %c0_i32_2 = arith.constant 0 : i32
    return %add3A_0, %c0_i32, %c0_i32_1 : i32, i32, i32
  }
}

module attributes {stable_mosaic.version = 14 : i64} {
  func.func @_fin_body1(%arg0: i32, %arg1: memref<1x512x128xf32, #tpu.memory_space<vmem>>, %arg2: memref<1x512x128xf32, #tpu.memory_space<vmem>>, %arg3: memref<1x2x512xf32, #tpu.memory_space<vmem>>, %arg4: memref<1x1x512xi32, #tpu.memory_space<vmem>>, %arg5: memref<1x8x512xf32, #tpu.memory_space<vmem>>, %arg6: memref<352x12xf32, #tpu.memory_space<vmem>>, %arg7: memref<64x512xf32, #tpu.memory_space<vmem>>, %arg8: memref<64x512xf32, #tpu.memory_space<vmem>>, %arg9: memref<64x2xf32, #tpu.memory_space<vmem>>, %arg10: memref<256x352x512xf32, #tpu.memory_space<any>>, %arg11: memref<1x352x512xf32, #tpu.memory_space<vmem>>) attributes {dimension_semantics = [#tpu.dimension_semantics<parallel>], iteration_bounds = array<i64: 64>, scalar_prefetch = 0 : i64, scratch_operands = 0 : i64, tpu.core_type = #tpu.core_type<tc>, window_params = [{transform_indices = @transform_0, window_bounds = array<i64: 1, 512, 128>}, {transform_indices = @transform_1, window_bounds = array<i64: 1, 512, 128>}, {transform_indices = @transform_2, window_bounds = array<i64: 1, 2, 512>}, {transform_indices = @transform_3, window_bounds = array<i64: 1, 1, 512>}, {transform_indices = @transform_4, window_bounds = array<i64: 1, 8, 512>}, {pipeline_mode = #tpu.pipeline_mode<synchronous>, transform_indices = @transform_5, window_bounds = array<i64: 352, 12>}, {pipeline_mode = #tpu.pipeline_mode<synchronous>, transform_indices = @transform_6, window_bounds = array<i64: 64, 512>}, {pipeline_mode = #tpu.pipeline_mode<synchronous>, transform_indices = @transform_7, window_bounds = array<i64: 64, 512>}, {pipeline_mode = #tpu.pipeline_mode<synchronous>, transform_indices = @transform_8, window_bounds = array<i64: 64, 2>}, {}, {transform_indices = @transform_10, window_bounds = array<i64: 1, 352, 512>}]} {
    %get3A = arith.constant 0 : index
    %get3A_0 = arith.constant 0 : index
    %get3A_1 = arith.constant 0 : index
    %get3A_2 = vector.load %arg4[%get3A, %get3A_0, %get3A_1] : memref<1x1x512xi32, #tpu.memory_space<vmem>>, vector<1x1x512xi32>
    %get3A_3 = vector.shape_cast %get3A_2 : vector<1x1x512xi32> to vector<1x512xi32>
    %iota3A = tpu.iota {dimensions = array<i32: 0>} : vector<3x1xi32>
    %eq3A = vector.broadcast %get3A_3 : vector<1x512xi32> to vector<3x512xi32>
    %eq3A_4 = vector.broadcast %iota3A : vector<3x1xi32> to vector<3x512xi32>
    %eq3A_5 = arith.cmpi eq, %eq3A, %eq3A_4 : vector<3x512xi32>
    %convert_element_type3A = arith.extui %eq3A_5 : vector<3x512xi1> to vector<3x512xi32>
    %convert_element_type3A_6 = arith.sitofp %convert_element_type3A : vector<3x512xi32> to vector<3x512xf32>
    %broadcast_in_dim3A = arith.constant 1.000000e+00 : f32
    %broadcast_in_dim3A_7 = vector.broadcast %broadcast_in_dim3A : f32 to vector<1x512xf32>
    %get3A_8 = arith.constant 0 : index
    %get3A_9 = arith.constant 0 : index
    %get3A_10 = arith.constant 0 : index
    %get3A_11 = vector.load %arg5[%get3A_8, %get3A_9, %get3A_10] : memref<1x8x512xf32, #tpu.memory_space<vmem>>, vector<1x8x512xf32>
    %get3A_12 = vector.shape_cast %get3A_11 : vector<1x8x512xf32> to vector<8x512xf32>
    %concatenate3A = tpu.concatenate %convert_element_type3A_6, %get3A_12, %broadcast_in_dim3A_7 in 0 : vector<3x512xf32>, vector<8x512xf32>, vector<1x512xf32> -> vector<12x512xf32>
    %get3A_13 = arith.constant 0 : index
    %get3A_14 = arith.constant 0 : index
    %get3A_15 = vector.load %arg6[%get3A_13, %get3A_14] : memref<352x12xf32, #tpu.memory_space<vmem>>, vector<352x12xf32>
    %dot_general3A = arith.constant dense<0.000000e+00> : vector<352x512xf32>
    %dot_general3A_16 = tpu.matmul %get3A_15, %concatenate3A, %dot_general3A {dimension_numbers = #tpu.dot_dimension_numbers<[1], [0], [0], [1], [0, 0, 1, 1], [], []>, transpose_lhs_hint = false} : vector<352x12xf32>, vector<12x512xf32>, vector<352x512xf32> -> vector<352x512xf32>
    %get3A_17 = arith.constant 0 : index
    %get3A_18 = arith.constant 0 : index
    %get3A_19 = arith.constant 0 : index
    %get3A_20 = vector.load %arg3[%get3A_17, %get3A_18, %get3A_19] : memref<1x2x512xf32, #tpu.memory_space<vmem>>, vector<1x2x512xf32>
    %get3A_21 = vector.shape_cast %get3A_20 : vector<1x2x512xf32> to vector<2x512xf32>
    %reduce_max3A = vector.shape_cast %get3A_21 : vector<2x512xf32> to vector<1x2x512xf32>
    %reduce_max3A_22 = arith.constant dense<0xFF800000> : vector<1xf32>
    %reduce_max3A_23 = vector.multi_reduction <maximumf>, %reduce_max3A, %reduce_max3A_22 [1, 2] : vector<1x2x512xf32> to vector<1xf32>
    %reduce_max3A_24 = vector.shape_cast %reduce_max3A_23 : vector<1xf32> to vector<1x1x1xf32>
    %reduce_max3A_25 = vector.extract %reduce_max3A_24[0, 0, 0] : f32 from vector<1x1x1xf32>
    %get3A_26 = arith.constant 0 : index
    %get3A_27 = arith.constant 0 : index
    %get3A_28 = vector.load %arg9[%get3A_26, %get3A_27] : memref<64x2xf32, #tpu.memory_space<vmem>>, vector<64x2xf32>
    %dot_general3A_29 = arith.constant dense<0.000000e+00> : vector<64x512xf32>
    %dot_general3A_30 = tpu.matmul %get3A_28, %get3A_21, %dot_general3A_29 {dimension_numbers = #tpu.dot_dimension_numbers<[1], [0], [0], [1], [0, 0, 1, 1], [], []>, precision = #tpu.contract_precision<fp32>, transpose_lhs_hint = false} : vector<64x2xf32>, vector<2x512xf32>, vector<64x512xf32> -> vector<64x512xf32>
    %sub3A = vector.broadcast %reduce_max3A_25 : f32 to vector<64x512xf32>
    %sub3A_31 = arith.subf %sub3A, %dot_general3A_30 : vector<64x512xf32>
    %get3A_32 = arith.constant 0 : index
    %get3A_33 = arith.constant 0 : index
    %get3A_34 = vector.load %arg7[%get3A_32, %get3A_33] : memref<64x512xf32, #tpu.memory_space<vmem>>, vector<64x512xf32>
    %mul3A = arith.mulf %sub3A_31, %get3A_34 : vector<64x512xf32>
    %get3A_35 = arith.constant 0 : index
    %get3A_36 = arith.constant 0 : index
    %get3A_37 = vector.load %arg8[%get3A_35, %get3A_36] : memref<64x512xf32, #tpu.memory_space<vmem>>, vector<64x512xf32>
    %add3A = arith.addf %mul3A, %get3A_37 : vector<64x512xf32>
    %round3A = math.roundeven %add3A : vector<64x512xf32>
    %sub3A_38 = arith.subf %add3A, %round3A : vector<64x512xf32>
    %mul3A_39 = arith.mulf %sub3A_38, %sub3A_38 : vector<64x512xf32>
    %mul3A_40 = arith.constant -1.71439075 : f32
    %mul3A_41 = vector.broadcast %mul3A_40 : f32 to vector<64x512xf32>
    %mul3A_42 = arith.mulf %mul3A_41, %mul3A_39 : vector<64x512xf32>
    %add3A_43 = arith.constant 7.90353632 : f32
    %add3A_44 = vector.broadcast %add3A_43 : f32 to vector<64x512xf32>
    %add3A_45 = arith.addf %mul3A_42, %add3A_44 : vector<64x512xf32>
    %mul3A_46 = arith.mulf %add3A_45, %mul3A_39 : vector<64x512xf32>
    %add3A_47 = arith.constant -26.4262562 : f32
    %add3A_48 = vector.broadcast %add3A_47 : f32 to vector<64x512xf32>
    %add3A_49 = arith.addf %mul3A_46, %add3A_48 : vector<64x512xf32>
    %mul3A_50 = arith.mulf %add3A_49, %mul3A_39 : vector<64x512xf32>
    %add3A_51 = arith.constant 60.2446404 : f32
    %add3A_52 = vector.broadcast %add3A_51 : f32 to vector<64x512xf32>
    %add3A_53 = arith.addf %mul3A_50, %add3A_52 : vector<64x512xf32>
    %mul3A_54 = arith.mulf %add3A_53, %mul3A_39 : vector<64x512xf32>
    %add3A_55 = arith.constant -85.4568176 : f32
    %add3A_56 = vector.broadcast %add3A_55 : f32 to vector<64x512xf32>
    %add3A_57 = arith.addf %mul3A_54, %add3A_56 : vector<64x512xf32>
    %mul3A_58 = arith.mulf %add3A_57, %mul3A_39 : vector<64x512xf32>
    %add3A_59 = arith.constant 64.9393921 : f32
    %add3A_60 = vector.broadcast %add3A_59 : f32 to vector<64x512xf32>
    %add3A_61 = arith.addf %mul3A_58, %add3A_60 : vector<64x512xf32>
    %mul3A_62 = arith.mulf %add3A_61, %mul3A_39 : vector<64x512xf32>
    %add3A_63 = arith.constant -19.7392082 : f32
    %add3A_64 = vector.broadcast %add3A_63 : f32 to vector<64x512xf32>
    %add3A_65 = arith.addf %mul3A_62, %add3A_64 : vector<64x512xf32>
    %mul3A_66 = arith.mulf %add3A_65, %mul3A_39 : vector<64x512xf32>
    %add3A_67 = arith.constant 1.000000e+00 : f32
    %add3A_68 = vector.broadcast %add3A_67 : f32 to vector<64x512xf32>
    %add3A_69 = arith.addf %mul3A_66, %add3A_68 : vector<64x512xf32>
    %get3A_70 = arith.constant 0 : index
    %get3A_71 = arith.constant 0 : index
    %get3A_72 = arith.constant 0 : index
    %get3A_73 = vector.load %arg1[%get3A_70, %get3A_71, %get3A_72] : memref<1x512x128xf32, #tpu.memory_space<vmem>>, vector<1x512x128xf32>
    %get3A_74 = vector.shape_cast %get3A_73 : vector<1x512x128xf32> to vector<512x128xf32>
    %transpose3A = tpu.transpose %get3A_74, [1, 0] : vector<512x128xf32> -> vector<128x512xf32>
    %get3A_75 = arith.constant 0 : index
    %get3A_76 = arith.constant 0 : index
    %get3A_77 = arith.constant 0 : index
    %get3A_78 = vector.load %arg2[%get3A_75, %get3A_76, %get3A_77] : memref<1x512x128xf32, #tpu.memory_space<vmem>>, vector<1x512x128xf32>
    %get3A_79 = vector.shape_cast %get3A_78 : vector<1x512x128xf32> to vector<512x128xf32>
    %transpose3A_80 = tpu.transpose %get3A_79, [1, 0] : vector<512x128xf32> -> vector<128x512xf32>
    %slice3A = vector.extract_strided_slice %dot_general3A_16 {offsets = [0, 0], sizes = [128, 512], strides = [1, 1]} : vector<352x512xf32> to vector<128x512xf32>
    %add3A_81 = arith.addf %slice3A, %transpose3A : vector<128x512xf32>
    %swap3A = arith.constant 0 : index
    %swap3A_82 = arith.constant 0 : index
    %swap3A_83 = arith.constant 0 : index
    %swap3A_84 = vector.load %arg11[%swap3A, %swap3A_82, %swap3A_83] : memref<1x352x512xf32, #tpu.memory_space<vmem>>, vector<1x128x512xf32>
    %swap3A_85 = vector.shape_cast %swap3A_84 : vector<1x128x512xf32> to vector<128x512xf32>
    %swap3A_86 = vector.shape_cast %add3A_81 : vector<128x512xf32> to vector<1x128x512xf32>
    tpu.vector_store %arg11[%swap3A, %swap3A_82, %swap3A_83], %swap3A_86 {strides = array<i32>} : memref<1x352x512xf32, #tpu.memory_space<vmem>>, vector<1x128x512xf32>,
    %slice3A_87 = vector.extract_strided_slice %dot_general3A_16 {offsets = [128, 0], sizes = [32, 512], strides = [1, 1]} : vector<352x512xf32> to vector<32x512xf32>
    %swap3A_88 = arith.constant 0 : index
    %swap3A_89 = arith.constant 128 : index
    %swap3A_90 = arith.constant 0 : index
    %swap3A_91 = vector.load %arg11[%swap3A_88, %swap3A_89, %swap3A_90] : memref<1x352x512xf32, #tpu.memory_space<vmem>>, vector<1x32x512xf32>
    %swap3A_92 = vector.shape_cast %swap3A_91 : vector<1x32x512xf32> to vector<32x512xf32>
    %swap3A_93 = vector.shape_cast %slice3A_87 : vector<32x512xf32> to vector<1x32x512xf32>
    tpu.vector_store %arg11[%swap3A_88, %swap3A_89, %swap3A_90], %swap3A_93 {strides = array<i32>} : memref<1x352x512xf32, #tpu.memory_space<vmem>>, vector<1x32x512xf32>,
    %slice3A_94 = vector.extract_strided_slice %dot_general3A_16 {offsets = [160, 0], sizes = [64, 512], strides = [1, 1]} : vector<352x512xf32> to vector<64x512xf32>
    %add3A_95 = arith.addf %slice3A_94, %add3A_69 : vector<64x512xf32>
    %swap3A_96 = arith.constant 0 : index
    %swap3A_97 = arith.constant 160 : index
    %swap3A_98 = arith.constant 0 : index
    %swap3A_99 = vector.load %arg11[%swap3A_96, %swap3A_97, %swap3A_98] : memref<1x352x512xf32, #tpu.memory_space<vmem>>, vector<1x64x512xf32>
    %swap3A_100 = vector.shape_cast %swap3A_99 : vector<1x64x512xf32> to vector<64x512xf32>
    %swap3A_101 = vector.shape_cast %add3A_95 : vector<64x512xf32> to vector<1x64x512xf32>
    tpu.vector_store %arg11[%swap3A_96, %swap3A_97, %swap3A_98], %swap3A_101 {strides = array<i32>} : memref<1x352x512xf32, #tpu.memory_space<vmem>>, vector<1x64x512xf32>,
    %slice3A_102 = vector.extract_strided_slice %dot_general3A_16 {offsets = [224, 0], sizes = [128, 512], strides = [1, 1]} : vector<352x512xf32> to vector<128x512xf32>
    %add3A_103 = arith.addf %slice3A_102, %transpose3A_80 : vector<128x512xf32>
    %swap3A_104 = arith.constant 0 : index
    %swap3A_105 = arith.constant 224 : index
    %swap3A_106 = arith.constant 0 : index
    %swap3A_107 = vector.load %arg11[%swap3A_104, %swap3A_105, %swap3A_106] : memref<1x352x512xf32, #tpu.memory_space<vmem>>, vector<1x128x512xf32>
    %swap3A_108 = vector.shape_cast %swap3A_107 : vector<1x128x512xf32> to vector<128x512xf32>
    %swap3A_109 = vector.shape_cast %add3A_103 : vector<128x512xf32> to vector<1x128x512xf32>
    tpu.vector_store %arg11[%swap3A_104, %swap3A_105, %swap3A_106], %swap3A_109 {strides = array<i32>} : memref<1x352x512xf32, #tpu.memory_space<vmem>>, vector<1x128x512xf32>,
    return
  }
  func.func @transform_0(%arg0: i32) -> (i32, i32, i32) {
    %c0_i32 = arith.constant 0 : i32
    %c0_i32_0 = arith.constant 0 : i32
    %c0_i32_1 = arith.constant 0 : i32
    return %arg0, %c0_i32, %c0_i32_0 : i32, i32, i32
  }
  func.func @transform_1(%arg0: i32) -> (i32, i32, i32) {
    %c0_i32 = arith.constant 0 : i32
    %c0_i32_0 = arith.constant 0 : i32
    %c0_i32_1 = arith.constant 0 : i32
    return %arg0, %c0_i32, %c0_i32_0 : i32, i32, i32
  }
  func.func @transform_2(%arg0: i32) -> (i32, i32, i32) {
    %add3A = arith.constant 64 : i32
    %add3A_0 = arith.addi %arg0, %add3A : i32
    %c0_i32 = arith.constant 0 : i32
    %c0_i32_1 = arith.constant 0 : i32
    %c0_i32_2 = arith.constant 0 : i32
    return %add3A_0, %c0_i32, %c0_i32_1 : i32, i32, i32
  }
  func.func @transform_3(%arg0: i32) -> (i32, i32, i32) {
    %add3A = arith.constant 64 : i32
    %add3A_0 = arith.addi %arg0, %add3A : i32
    %c0_i32 = arith.constant 0 : i32
    %c0_i32_1 = arith.constant 0 : i32
    %c0_i32_2 = arith.constant 0 : i32
    return %add3A_0, %c0_i32, %c0_i32_1 : i32, i32, i32
  }
  func.func @transform_4(%arg0: i32) -> (i32, i32, i32) {
    %add3A = arith.constant 64 : i32
    %add3A_0 = arith.addi %arg0, %add3A : i32
    %c0_i32 = arith.constant 0 : i32
    %c0_i32_1 = arith.constant 0 : i32
    %c0_i32_2 = arith.constant 0 : i32
    return %add3A_0, %c0_i32, %c0_i32_1 : i32, i32, i32
  }
  func.func @transform_5(%arg0: i32) -> (i32, i32) {
    %c0_i32 = arith.constant 0 : i32
    %c0_i32_0 = arith.constant 0 : i32
    %c0_i32_1 = arith.constant 0 : i32
    return %c0_i32, %c0_i32_0 : i32, i32
  }
  func.func @transform_6(%arg0: i32) -> (i32, i32) {
    %c0_i32 = arith.constant 0 : i32
    %c0_i32_0 = arith.constant 0 : i32
    %c0_i32_1 = arith.constant 0 : i32
    return %c0_i32, %c0_i32_0 : i32, i32
  }
  func.func @transform_7(%arg0: i32) -> (i32, i32) {
    %c0_i32 = arith.constant 0 : i32
    %c0_i32_0 = arith.constant 0 : i32
    %c0_i32_1 = arith.constant 0 : i32
    return %c0_i32, %c0_i32_0 : i32, i32
  }
  func.func @transform_8(%arg0: i32) -> (i32, i32) {
    %c0_i32 = arith.constant 0 : i32
    %c0_i32_0 = arith.constant 0 : i32
    %c0_i32_1 = arith.constant 0 : i32
    return %c0_i32, %c0_i32_0 : i32, i32
  }
  func.func @transform_10(%arg0: i32) -> (i32, i32, i32) {
    %add3A = arith.constant 64 : i32
    %add3A_0 = arith.addi %arg0, %add3A : i32
    %c0_i32 = arith.constant 0 : i32
    %c0_i32_1 = arith.constant 0 : i32
    %c0_i32_2 = arith.constant 0 : i32
    return %add3A_0, %c0_i32, %c0_i32_1 : i32, i32, i32
  }
}

module attributes {stable_mosaic.version = 14 : i64} {
  func.func @_fin_body1(%arg0: i32, %arg1: memref<1x512x128xf32, #tpu.memory_space<vmem>>, %arg2: memref<1x512x128xf32, #tpu.memory_space<vmem>>, %arg3: memref<1x2x512xf32, #tpu.memory_space<vmem>>, %arg4: memref<1x1x512xi32, #tpu.memory_space<vmem>>, %arg5: memref<1x8x512xf32, #tpu.memory_space<vmem>>, %arg6: memref<352x12xf32, #tpu.memory_space<vmem>>, %arg7: memref<64x512xf32, #tpu.memory_space<vmem>>, %arg8: memref<64x512xf32, #tpu.memory_space<vmem>>, %arg9: memref<64x2xf32, #tpu.memory_space<vmem>>, %arg10: memref<256x352x512xf32, #tpu.memory_space<any>>, %arg11: memref<1x352x512xf32, #tpu.memory_space<vmem>>) attributes {dimension_semantics = [#tpu.dimension_semantics<parallel>], iteration_bounds = array<i64: 64>, scalar_prefetch = 0 : i64, scratch_operands = 0 : i64, tpu.core_type = #tpu.core_type<tc>, window_params = [{transform_indices = @transform_0, window_bounds = array<i64: 1, 512, 128>}, {transform_indices = @transform_1, window_bounds = array<i64: 1, 512, 128>}, {transform_indices = @transform_2, window_bounds = array<i64: 1, 2, 512>}, {transform_indices = @transform_3, window_bounds = array<i64: 1, 1, 512>}, {transform_indices = @transform_4, window_bounds = array<i64: 1, 8, 512>}, {pipeline_mode = #tpu.pipeline_mode<synchronous>, transform_indices = @transform_5, window_bounds = array<i64: 352, 12>}, {pipeline_mode = #tpu.pipeline_mode<synchronous>, transform_indices = @transform_6, window_bounds = array<i64: 64, 512>}, {pipeline_mode = #tpu.pipeline_mode<synchronous>, transform_indices = @transform_7, window_bounds = array<i64: 64, 512>}, {pipeline_mode = #tpu.pipeline_mode<synchronous>, transform_indices = @transform_8, window_bounds = array<i64: 64, 2>}, {}, {transform_indices = @transform_10, window_bounds = array<i64: 1, 352, 512>}]} {
    %get3A = arith.constant 0 : index
    %get3A_0 = arith.constant 0 : index
    %get3A_1 = arith.constant 0 : index
    %get3A_2 = vector.load %arg4[%get3A, %get3A_0, %get3A_1] : memref<1x1x512xi32, #tpu.memory_space<vmem>>, vector<1x1x512xi32>
    %get3A_3 = vector.shape_cast %get3A_2 : vector<1x1x512xi32> to vector<1x512xi32>
    %iota3A = tpu.iota {dimensions = array<i32: 0>} : vector<3x1xi32>
    %eq3A = vector.broadcast %get3A_3 : vector<1x512xi32> to vector<3x512xi32>
    %eq3A_4 = vector.broadcast %iota3A : vector<3x1xi32> to vector<3x512xi32>
    %eq3A_5 = arith.cmpi eq, %eq3A, %eq3A_4 : vector<3x512xi32>
    %convert_element_type3A = arith.extui %eq3A_5 : vector<3x512xi1> to vector<3x512xi32>
    %convert_element_type3A_6 = arith.sitofp %convert_element_type3A : vector<3x512xi32> to vector<3x512xf32>
    %broadcast_in_dim3A = arith.constant 1.000000e+00 : f32
    %broadcast_in_dim3A_7 = vector.broadcast %broadcast_in_dim3A : f32 to vector<1x512xf32>
    %get3A_8 = arith.constant 0 : index
    %get3A_9 = arith.constant 0 : index
    %get3A_10 = arith.constant 0 : index
    %get3A_11 = vector.load %arg5[%get3A_8, %get3A_9, %get3A_10] : memref<1x8x512xf32, #tpu.memory_space<vmem>>, vector<1x8x512xf32>
    %get3A_12 = vector.shape_cast %get3A_11 : vector<1x8x512xf32> to vector<8x512xf32>
    %concatenate3A = tpu.concatenate %convert_element_type3A_6, %get3A_12, %broadcast_in_dim3A_7 in 0 : vector<3x512xf32>, vector<8x512xf32>, vector<1x512xf32> -> vector<12x512xf32>
    %get3A_13 = arith.constant 0 : index
    %get3A_14 = arith.constant 0 : index
    %get3A_15 = vector.load %arg6[%get3A_13, %get3A_14] : memref<352x12xf32, #tpu.memory_space<vmem>>, vector<352x12xf32>
    %dot_general3A = arith.constant dense<0.000000e+00> : vector<352x512xf32>
    %dot_general3A_16 = tpu.matmul %get3A_15, %concatenate3A, %dot_general3A {dimension_numbers = #tpu.dot_dimension_numbers<[1], [0], [0], [1], [0, 0, 1, 1], [], []>, transpose_lhs_hint = false} : vector<352x12xf32>, vector<12x512xf32>, vector<352x512xf32> -> vector<352x512xf32>
    %get3A_17 = arith.constant 0 : index
    %get3A_18 = arith.constant 0 : index
    %get3A_19 = arith.constant 0 : index
    %get3A_20 = vector.load %arg3[%get3A_17, %get3A_18, %get3A_19] : memref<1x2x512xf32, #tpu.memory_space<vmem>>, vector<1x2x512xf32>
    %get3A_21 = vector.shape_cast %get3A_20 : vector<1x2x512xf32> to vector<2x512xf32>
    %reduce_max3A = vector.shape_cast %get3A_21 : vector<2x512xf32> to vector<1x2x512xf32>
    %reduce_max3A_22 = arith.constant dense<0xFF800000> : vector<1xf32>
    %reduce_max3A_23 = vector.multi_reduction <maximumf>, %reduce_max3A, %reduce_max3A_22 [1, 2] : vector<1x2x512xf32> to vector<1xf32>
    %reduce_max3A_24 = vector.shape_cast %reduce_max3A_23 : vector<1xf32> to vector<1x1x1xf32>
    %reduce_max3A_25 = vector.extract %reduce_max3A_24[0, 0, 0] : f32 from vector<1x1x1xf32>
    %get3A_26 = arith.constant 0 : index
    %get3A_27 = arith.constant 0 : index
    %get3A_28 = vector.load %arg9[%get3A_26, %get3A_27] : memref<64x2xf32, #tpu.memory_space<vmem>>, vector<64x2xf32>
    %dot_general3A_29 = arith.constant dense<0.000000e+00> : vector<64x512xf32>
    %dot_general3A_30 = tpu.matmul %get3A_28, %get3A_21, %dot_general3A_29 {dimension_numbers = #tpu.dot_dimension_numbers<[1], [0], [0], [1], [0, 0, 1, 1], [], []>, precision = #tpu.contract_precision<fp32>, transpose_lhs_hint = false} : vector<64x2xf32>, vector<2x512xf32>, vector<64x512xf32> -> vector<64x512xf32>
    %sub3A = vector.broadcast %reduce_max3A_25 : f32 to vector<64x512xf32>
    %sub3A_31 = arith.subf %sub3A, %dot_general3A_30 : vector<64x512xf32>
    %get3A_32 = arith.constant 0 : index
    %get3A_33 = arith.constant 0 : index
    %get3A_34 = vector.load %arg7[%get3A_32, %get3A_33] : memref<64x512xf32, #tpu.memory_space<vmem>>, vector<64x512xf32>
    %mul3A = arith.mulf %sub3A_31, %get3A_34 : vector<64x512xf32>
    %get3A_35 = arith.constant 0 : index
    %get3A_36 = arith.constant 0 : index
    %get3A_37 = vector.load %arg8[%get3A_35, %get3A_36] : memref<64x512xf32, #tpu.memory_space<vmem>>, vector<64x512xf32>
    %add3A = arith.addf %mul3A, %get3A_37 : vector<64x512xf32>
    %round3A = math.roundeven %add3A : vector<64x512xf32>
    %sub3A_38 = arith.subf %add3A, %round3A : vector<64x512xf32>
    %mul3A_39 = arith.mulf %sub3A_38, %sub3A_38 : vector<64x512xf32>
    %mul3A_40 = arith.constant -1.71439075 : f32
    %mul3A_41 = vector.broadcast %mul3A_40 : f32 to vector<64x512xf32>
    %mul3A_42 = arith.mulf %mul3A_41, %mul3A_39 : vector<64x512xf32>
    %add3A_43 = arith.constant 7.90353632 : f32
    %add3A_44 = vector.broadcast %add3A_43 : f32 to vector<64x512xf32>
    %add3A_45 = arith.addf %mul3A_42, %add3A_44 : vector<64x512xf32>
    %mul3A_46 = arith.mulf %add3A_45, %mul3A_39 : vector<64x512xf32>
    %add3A_47 = arith.constant -26.4262562 : f32
    %add3A_48 = vector.broadcast %add3A_47 : f32 to vector<64x512xf32>
    %add3A_49 = arith.addf %mul3A_46, %add3A_48 : vector<64x512xf32>
    %mul3A_50 = arith.mulf %add3A_49, %mul3A_39 : vector<64x512xf32>
    %add3A_51 = arith.constant 60.2446404 : f32
    %add3A_52 = vector.broadcast %add3A_51 : f32 to vector<64x512xf32>
    %add3A_53 = arith.addf %mul3A_50, %add3A_52 : vector<64x512xf32>
    %mul3A_54 = arith.mulf %add3A_53, %mul3A_39 : vector<64x512xf32>
    %add3A_55 = arith.constant -85.4568176 : f32
    %add3A_56 = vector.broadcast %add3A_55 : f32 to vector<64x512xf32>
    %add3A_57 = arith.addf %mul3A_54, %add3A_56 : vector<64x512xf32>
    %mul3A_58 = arith.mulf %add3A_57, %mul3A_39 : vector<64x512xf32>
    %add3A_59 = arith.constant 64.9393921 : f32
    %add3A_60 = vector.broadcast %add3A_59 : f32 to vector<64x512xf32>
    %add3A_61 = arith.addf %mul3A_58, %add3A_60 : vector<64x512xf32>
    %mul3A_62 = arith.mulf %add3A_61, %mul3A_39 : vector<64x512xf32>
    %add3A_63 = arith.constant -19.7392082 : f32
    %add3A_64 = vector.broadcast %add3A_63 : f32 to vector<64x512xf32>
    %add3A_65 = arith.addf %mul3A_62, %add3A_64 : vector<64x512xf32>
    %mul3A_66 = arith.mulf %add3A_65, %mul3A_39 : vector<64x512xf32>
    %add3A_67 = arith.constant 1.000000e+00 : f32
    %add3A_68 = vector.broadcast %add3A_67 : f32 to vector<64x512xf32>
    %add3A_69 = arith.addf %mul3A_66, %add3A_68 : vector<64x512xf32>
    %get3A_70 = arith.constant 0 : index
    %get3A_71 = arith.constant 0 : index
    %get3A_72 = arith.constant 0 : index
    %get3A_73 = vector.load %arg1[%get3A_70, %get3A_71, %get3A_72] : memref<1x512x128xf32, #tpu.memory_space<vmem>>, vector<1x512x128xf32>
    %get3A_74 = vector.shape_cast %get3A_73 : vector<1x512x128xf32> to vector<512x128xf32>
    %transpose3A = tpu.transpose %get3A_74, [1, 0] : vector<512x128xf32> -> vector<128x512xf32>
    %get3A_75 = arith.constant 0 : index
    %get3A_76 = arith.constant 0 : index
    %get3A_77 = arith.constant 0 : index
    %get3A_78 = vector.load %arg2[%get3A_75, %get3A_76, %get3A_77] : memref<1x512x128xf32, #tpu.memory_space<vmem>>, vector<1x512x128xf32>
    %get3A_79 = vector.shape_cast %get3A_78 : vector<1x512x128xf32> to vector<512x128xf32>
    %transpose3A_80 = tpu.transpose %get3A_79, [1, 0] : vector<512x128xf32> -> vector<128x512xf32>
    %slice3A = vector.extract_strided_slice %dot_general3A_16 {offsets = [0, 0], sizes = [128, 512], strides = [1, 1]} : vector<352x512xf32> to vector<128x512xf32>
    %add3A_81 = arith.addf %slice3A, %transpose3A : vector<128x512xf32>
    %swap3A = arith.constant 0 : index
    %swap3A_82 = arith.constant 0 : index
    %swap3A_83 = arith.constant 0 : index
    %swap3A_84 = vector.load %arg11[%swap3A, %swap3A_82, %swap3A_83] : memref<1x352x512xf32, #tpu.memory_space<vmem>>, vector<1x128x512xf32>
    %swap3A_85 = vector.shape_cast %swap3A_84 : vector<1x128x512xf32> to vector<128x512xf32>
    %swap3A_86 = vector.shape_cast %add3A_81 : vector<128x512xf32> to vector<1x128x512xf32>
    tpu.vector_store %arg11[%swap3A, %swap3A_82, %swap3A_83], %swap3A_86 {strides = array<i32>} : memref<1x352x512xf32, #tpu.memory_space<vmem>>, vector<1x128x512xf32>,
    %slice3A_87 = vector.extract_strided_slice %dot_general3A_16 {offsets = [128, 0], sizes = [32, 512], strides = [1, 1]} : vector<352x512xf32> to vector<32x512xf32>
    %swap3A_88 = arith.constant 0 : index
    %swap3A_89 = arith.constant 128 : index
    %swap3A_90 = arith.constant 0 : index
    %swap3A_91 = vector.load %arg11[%swap3A_88, %swap3A_89, %swap3A_90] : memref<1x352x512xf32, #tpu.memory_space<vmem>>, vector<1x32x512xf32>
    %swap3A_92 = vector.shape_cast %swap3A_91 : vector<1x32x512xf32> to vector<32x512xf32>
    %swap3A_93 = vector.shape_cast %slice3A_87 : vector<32x512xf32> to vector<1x32x512xf32>
    tpu.vector_store %arg11[%swap3A_88, %swap3A_89, %swap3A_90], %swap3A_93 {strides = array<i32>} : memref<1x352x512xf32, #tpu.memory_space<vmem>>, vector<1x32x512xf32>,
    %slice3A_94 = vector.extract_strided_slice %dot_general3A_16 {offsets = [160, 0], sizes = [64, 512], strides = [1, 1]} : vector<352x512xf32> to vector<64x512xf32>
    %add3A_95 = arith.addf %slice3A_94, %add3A_69 : vector<64x512xf32>
    %swap3A_96 = arith.constant 0 : index
    %swap3A_97 = arith.constant 160 : index
    %swap3A_98 = arith.constant 0 : index
    %swap3A_99 = vector.load %arg11[%swap3A_96, %swap3A_97, %swap3A_98] : memref<1x352x512xf32, #tpu.memory_space<vmem>>, vector<1x64x512xf32>
    %swap3A_100 = vector.shape_cast %swap3A_99 : vector<1x64x512xf32> to vector<64x512xf32>
    %swap3A_101 = vector.shape_cast %add3A_95 : vector<64x512xf32> to vector<1x64x512xf32>
    tpu.vector_store %arg11[%swap3A_96, %swap3A_97, %swap3A_98], %swap3A_101 {strides = array<i32>} : memref<1x352x512xf32, #tpu.memory_space<vmem>>, vector<1x64x512xf32>,
    %slice3A_102 = vector.extract_strided_slice %dot_general3A_16 {offsets = [224, 0], sizes = [128, 512], strides = [1, 1]} : vector<352x512xf32> to vector<128x512xf32>
    %add3A_103 = arith.addf %slice3A_102, %transpose3A_80 : vector<128x512xf32>
    %swap3A_104 = arith.constant 0 : index
    %swap3A_105 = arith.constant 224 : index
    %swap3A_106 = arith.constant 0 : index
    %swap3A_107 = vector.load %arg11[%swap3A_104, %swap3A_105, %swap3A_106] : memref<1x352x512xf32, #tpu.memory_space<vmem>>, vector<1x128x512xf32>
    %swap3A_108 = vector.shape_cast %swap3A_107 : vector<1x128x512xf32> to vector<128x512xf32>
    %swap3A_109 = vector.shape_cast %add3A_103 : vector<128x512xf32> to vector<1x128x512xf32>
    tpu.vector_store %arg11[%swap3A_104, %swap3A_105, %swap3A_106], %swap3A_109 {strides = array<i32>} : memref<1x352x512xf32, #tpu.memory_space<vmem>>, vector<1x128x512xf32>,
    return
  }
  func.func @transform_0(%arg0: i32) -> (i32, i32, i32) {
    %c0_i32 = arith.constant 0 : i32
    %c0_i32_0 = arith.constant 0 : i32
    %c0_i32_1 = arith.constant 0 : i32
    return %arg0, %c0_i32, %c0_i32_0 : i32, i32, i32
  }
  func.func @transform_1(%arg0: i32) -> (i32, i32, i32) {
    %c0_i32 = arith.constant 0 : i32
    %c0_i32_0 = arith.constant 0 : i32
    %c0_i32_1 = arith.constant 0 : i32
    return %arg0, %c0_i32, %c0_i32_0 : i32, i32, i32
  }
  func.func @transform_2(%arg0: i32) -> (i32, i32, i32) {
    %add3A = arith.constant 128 : i32
    %add3A_0 = arith.addi %arg0, %add3A : i32
    %c0_i32 = arith.constant 0 : i32
    %c0_i32_1 = arith.constant 0 : i32
    %c0_i32_2 = arith.constant 0 : i32
    return %add3A_0, %c0_i32, %c0_i32_1 : i32, i32, i32
  }
  func.func @transform_3(%arg0: i32) -> (i32, i32, i32) {
    %add3A = arith.constant 128 : i32
    %add3A_0 = arith.addi %arg0, %add3A : i32
    %c0_i32 = arith.constant 0 : i32
    %c0_i32_1 = arith.constant 0 : i32
    %c0_i32_2 = arith.constant 0 : i32
    return %add3A_0, %c0_i32, %c0_i32_1 : i32, i32, i32
  }
  func.func @transform_4(%arg0: i32) -> (i32, i32, i32) {
    %add3A = arith.constant 128 : i32
    %add3A_0 = arith.addi %arg0, %add3A : i32
    %c0_i32 = arith.constant 0 : i32
    %c0_i32_1 = arith.constant 0 : i32
    %c0_i32_2 = arith.constant 0 : i32
    return %add3A_0, %c0_i32, %c0_i32_1 : i32, i32, i32
  }
  func.func @transform_5(%arg0: i32) -> (i32, i32) {
    %c0_i32 = arith.constant 0 : i32
    %c0_i32_0 = arith.constant 0 : i32
    %c0_i32_1 = arith.constant 0 : i32
    return %c0_i32, %c0_i32_0 : i32, i32
  }
  func.func @transform_6(%arg0: i32) -> (i32, i32) {
    %c0_i32 = arith.constant 0 : i32
    %c0_i32_0 = arith.constant 0 : i32
    %c0_i32_1 = arith.constant 0 : i32
    return %c0_i32, %c0_i32_0 : i32, i32
  }
  func.func @transform_7(%arg0: i32) -> (i32, i32) {
    %c0_i32 = arith.constant 0 : i32
    %c0_i32_0 = arith.constant 0 : i32
    %c0_i32_1 = arith.constant 0 : i32
    return %c0_i32, %c0_i32_0 : i32, i32
  }
  func.func @transform_8(%arg0: i32) -> (i32, i32) {
    %c0_i32 = arith.constant 0 : i32
    %c0_i32_0 = arith.constant 0 : i32
    %c0_i32_1 = arith.constant 0 : i32
    return %c0_i32, %c0_i32_0 : i32, i32
  }
  func.func @transform_10(%arg0: i32) -> (i32, i32, i32) {
    %add3A = arith.constant 128 : i32
    %add3A_0 = arith.addi %arg0, %add3A : i32
    %c0_i32 = arith.constant 0 : i32
    %c0_i32_1 = arith.constant 0 : i32
    %c0_i32_2 = arith.constant 0 : i32
    return %add3A_0, %c0_i32, %c0_i32_1 : i32, i32, i32
  }
}

module attributes {stable_mosaic.version = 14 : i64} {
  func.func @_fin_body1(%arg0: i32, %arg1: memref<1x512x128xf32, #tpu.memory_space<vmem>>, %arg2: memref<1x512x128xf32, #tpu.memory_space<vmem>>, %arg3: memref<1x2x512xf32, #tpu.memory_space<vmem>>, %arg4: memref<1x1x512xi32, #tpu.memory_space<vmem>>, %arg5: memref<1x8x512xf32, #tpu.memory_space<vmem>>, %arg6: memref<352x12xf32, #tpu.memory_space<vmem>>, %arg7: memref<64x512xf32, #tpu.memory_space<vmem>>, %arg8: memref<64x512xf32, #tpu.memory_space<vmem>>, %arg9: memref<64x2xf32, #tpu.memory_space<vmem>>, %arg10: memref<256x352x512xf32, #tpu.memory_space<any>>, %arg11: memref<1x352x512xf32, #tpu.memory_space<vmem>>) attributes {dimension_semantics = [#tpu.dimension_semantics<parallel>], iteration_bounds = array<i64: 64>, scalar_prefetch = 0 : i64, scratch_operands = 0 : i64, tpu.core_type = #tpu.core_type<tc>, window_params = [{transform_indices = @transform_0, window_bounds = array<i64: 1, 512, 128>}, {transform_indices = @transform_1, window_bounds = array<i64: 1, 512, 128>}, {transform_indices = @transform_2, window_bounds = array<i64: 1, 2, 512>}, {transform_indices = @transform_3, window_bounds = array<i64: 1, 1, 512>}, {transform_indices = @transform_4, window_bounds = array<i64: 1, 8, 512>}, {pipeline_mode = #tpu.pipeline_mode<synchronous>, transform_indices = @transform_5, window_bounds = array<i64: 352, 12>}, {pipeline_mode = #tpu.pipeline_mode<synchronous>, transform_indices = @transform_6, window_bounds = array<i64: 64, 512>}, {pipeline_mode = #tpu.pipeline_mode<synchronous>, transform_indices = @transform_7, window_bounds = array<i64: 64, 512>}, {pipeline_mode = #tpu.pipeline_mode<synchronous>, transform_indices = @transform_8, window_bounds = array<i64: 64, 2>}, {}, {transform_indices = @transform_10, window_bounds = array<i64: 1, 352, 512>}]} {
    %get3A = arith.constant 0 : index
    %get3A_0 = arith.constant 0 : index
    %get3A_1 = arith.constant 0 : index
    %get3A_2 = vector.load %arg4[%get3A, %get3A_0, %get3A_1] : memref<1x1x512xi32, #tpu.memory_space<vmem>>, vector<1x1x512xi32>
    %get3A_3 = vector.shape_cast %get3A_2 : vector<1x1x512xi32> to vector<1x512xi32>
    %iota3A = tpu.iota {dimensions = array<i32: 0>} : vector<3x1xi32>
    %eq3A = vector.broadcast %get3A_3 : vector<1x512xi32> to vector<3x512xi32>
    %eq3A_4 = vector.broadcast %iota3A : vector<3x1xi32> to vector<3x512xi32>
    %eq3A_5 = arith.cmpi eq, %eq3A, %eq3A_4 : vector<3x512xi32>
    %convert_element_type3A = arith.extui %eq3A_5 : vector<3x512xi1> to vector<3x512xi32>
    %convert_element_type3A_6 = arith.sitofp %convert_element_type3A : vector<3x512xi32> to vector<3x512xf32>
    %broadcast_in_dim3A = arith.constant 1.000000e+00 : f32
    %broadcast_in_dim3A_7 = vector.broadcast %broadcast_in_dim3A : f32 to vector<1x512xf32>
    %get3A_8 = arith.constant 0 : index
    %get3A_9 = arith.constant 0 : index
    %get3A_10 = arith.constant 0 : index
    %get3A_11 = vector.load %arg5[%get3A_8, %get3A_9, %get3A_10] : memref<1x8x512xf32, #tpu.memory_space<vmem>>, vector<1x8x512xf32>
    %get3A_12 = vector.shape_cast %get3A_11 : vector<1x8x512xf32> to vector<8x512xf32>
    %concatenate3A = tpu.concatenate %convert_element_type3A_6, %get3A_12, %broadcast_in_dim3A_7 in 0 : vector<3x512xf32>, vector<8x512xf32>, vector<1x512xf32> -> vector<12x512xf32>
    %get3A_13 = arith.constant 0 : index
    %get3A_14 = arith.constant 0 : index
    %get3A_15 = vector.load %arg6[%get3A_13, %get3A_14] : memref<352x12xf32, #tpu.memory_space<vmem>>, vector<352x12xf32>
    %dot_general3A = arith.constant dense<0.000000e+00> : vector<352x512xf32>
    %dot_general3A_16 = tpu.matmul %get3A_15, %concatenate3A, %dot_general3A {dimension_numbers = #tpu.dot_dimension_numbers<[1], [0], [0], [1], [0, 0, 1, 1], [], []>, transpose_lhs_hint = false} : vector<352x12xf32>, vector<12x512xf32>, vector<352x512xf32> -> vector<352x512xf32>
    %get3A_17 = arith.constant 0 : index
    %get3A_18 = arith.constant 0 : index
    %get3A_19 = arith.constant 0 : index
    %get3A_20 = vector.load %arg3[%get3A_17, %get3A_18, %get3A_19] : memref<1x2x512xf32, #tpu.memory_space<vmem>>, vector<1x2x512xf32>
    %get3A_21 = vector.shape_cast %get3A_20 : vector<1x2x512xf32> to vector<2x512xf32>
    %reduce_max3A = vector.shape_cast %get3A_21 : vector<2x512xf32> to vector<1x2x512xf32>
    %reduce_max3A_22 = arith.constant dense<0xFF800000> : vector<1xf32>
    %reduce_max3A_23 = vector.multi_reduction <maximumf>, %reduce_max3A, %reduce_max3A_22 [1, 2] : vector<1x2x512xf32> to vector<1xf32>
    %reduce_max3A_24 = vector.shape_cast %reduce_max3A_23 : vector<1xf32> to vector<1x1x1xf32>
    %reduce_max3A_25 = vector.extract %reduce_max3A_24[0, 0, 0] : f32 from vector<1x1x1xf32>
    %get3A_26 = arith.constant 0 : index
    %get3A_27 = arith.constant 0 : index
    %get3A_28 = vector.load %arg9[%get3A_26, %get3A_27] : memref<64x2xf32, #tpu.memory_space<vmem>>, vector<64x2xf32>
    %dot_general3A_29 = arith.constant dense<0.000000e+00> : vector<64x512xf32>
    %dot_general3A_30 = tpu.matmul %get3A_28, %get3A_21, %dot_general3A_29 {dimension_numbers = #tpu.dot_dimension_numbers<[1], [0], [0], [1], [0, 0, 1, 1], [], []>, precision = #tpu.contract_precision<fp32>, transpose_lhs_hint = false} : vector<64x2xf32>, vector<2x512xf32>, vector<64x512xf32> -> vector<64x512xf32>
    %sub3A = vector.broadcast %reduce_max3A_25 : f32 to vector<64x512xf32>
    %sub3A_31 = arith.subf %sub3A, %dot_general3A_30 : vector<64x512xf32>
    %get3A_32 = arith.constant 0 : index
    %get3A_33 = arith.constant 0 : index
    %get3A_34 = vector.load %arg7[%get3A_32, %get3A_33] : memref<64x512xf32, #tpu.memory_space<vmem>>, vector<64x512xf32>
    %mul3A = arith.mulf %sub3A_31, %get3A_34 : vector<64x512xf32>
    %get3A_35 = arith.constant 0 : index
    %get3A_36 = arith.constant 0 : index
    %get3A_37 = vector.load %arg8[%get3A_35, %get3A_36] : memref<64x512xf32, #tpu.memory_space<vmem>>, vector<64x512xf32>
    %add3A = arith.addf %mul3A, %get3A_37 : vector<64x512xf32>
    %round3A = math.roundeven %add3A : vector<64x512xf32>
    %sub3A_38 = arith.subf %add3A, %round3A : vector<64x512xf32>
    %mul3A_39 = arith.mulf %sub3A_38, %sub3A_38 : vector<64x512xf32>
    %mul3A_40 = arith.constant -1.71439075 : f32
    %mul3A_41 = vector.broadcast %mul3A_40 : f32 to vector<64x512xf32>
    %mul3A_42 = arith.mulf %mul3A_41, %mul3A_39 : vector<64x512xf32>
    %add3A_43 = arith.constant 7.90353632 : f32
    %add3A_44 = vector.broadcast %add3A_43 : f32 to vector<64x512xf32>
    %add3A_45 = arith.addf %mul3A_42, %add3A_44 : vector<64x512xf32>
    %mul3A_46 = arith.mulf %add3A_45, %mul3A_39 : vector<64x512xf32>
    %add3A_47 = arith.constant -26.4262562 : f32
    %add3A_48 = vector.broadcast %add3A_47 : f32 to vector<64x512xf32>
    %add3A_49 = arith.addf %mul3A_46, %add3A_48 : vector<64x512xf32>
    %mul3A_50 = arith.mulf %add3A_49, %mul3A_39 : vector<64x512xf32>
    %add3A_51 = arith.constant 60.2446404 : f32
    %add3A_52 = vector.broadcast %add3A_51 : f32 to vector<64x512xf32>
    %add3A_53 = arith.addf %mul3A_50, %add3A_52 : vector<64x512xf32>
    %mul3A_54 = arith.mulf %add3A_53, %mul3A_39 : vector<64x512xf32>
    %add3A_55 = arith.constant -85.4568176 : f32
    %add3A_56 = vector.broadcast %add3A_55 : f32 to vector<64x512xf32>
    %add3A_57 = arith.addf %mul3A_54, %add3A_56 : vector<64x512xf32>
    %mul3A_58 = arith.mulf %add3A_57, %mul3A_39 : vector<64x512xf32>
    %add3A_59 = arith.constant 64.9393921 : f32
    %add3A_60 = vector.broadcast %add3A_59 : f32 to vector<64x512xf32>
    %add3A_61 = arith.addf %mul3A_58, %add3A_60 : vector<64x512xf32>
    %mul3A_62 = arith.mulf %add3A_61, %mul3A_39 : vector<64x512xf32>
    %add3A_63 = arith.constant -19.7392082 : f32
    %add3A_64 = vector.broadcast %add3A_63 : f32 to vector<64x512xf32>
    %add3A_65 = arith.addf %mul3A_62, %add3A_64 : vector<64x512xf32>
    %mul3A_66 = arith.mulf %add3A_65, %mul3A_39 : vector<64x512xf32>
    %add3A_67 = arith.constant 1.000000e+00 : f32
    %add3A_68 = vector.broadcast %add3A_67 : f32 to vector<64x512xf32>
    %add3A_69 = arith.addf %mul3A_66, %add3A_68 : vector<64x512xf32>
    %get3A_70 = arith.constant 0 : index
    %get3A_71 = arith.constant 0 : index
    %get3A_72 = arith.constant 0 : index
    %get3A_73 = vector.load %arg1[%get3A_70, %get3A_71, %get3A_72] : memref<1x512x128xf32, #tpu.memory_space<vmem>>, vector<1x512x128xf32>
    %get3A_74 = vector.shape_cast %get3A_73 : vector<1x512x128xf32> to vector<512x128xf32>
    %transpose3A = tpu.transpose %get3A_74, [1, 0] : vector<512x128xf32> -> vector<128x512xf32>
    %get3A_75 = arith.constant 0 : index
    %get3A_76 = arith.constant 0 : index
    %get3A_77 = arith.constant 0 : index
    %get3A_78 = vector.load %arg2[%get3A_75, %get3A_76, %get3A_77] : memref<1x512x128xf32, #tpu.memory_space<vmem>>, vector<1x512x128xf32>
    %get3A_79 = vector.shape_cast %get3A_78 : vector<1x512x128xf32> to vector<512x128xf32>
    %transpose3A_80 = tpu.transpose %get3A_79, [1, 0] : vector<512x128xf32> -> vector<128x512xf32>
    %slice3A = vector.extract_strided_slice %dot_general3A_16 {offsets = [0, 0], sizes = [128, 512], strides = [1, 1]} : vector<352x512xf32> to vector<128x512xf32>
    %add3A_81 = arith.addf %slice3A, %transpose3A : vector<128x512xf32>
    %swap3A = arith.constant 0 : index
    %swap3A_82 = arith.constant 0 : index
    %swap3A_83 = arith.constant 0 : index
    %swap3A_84 = vector.load %arg11[%swap3A, %swap3A_82, %swap3A_83] : memref<1x352x512xf32, #tpu.memory_space<vmem>>, vector<1x128x512xf32>
    %swap3A_85 = vector.shape_cast %swap3A_84 : vector<1x128x512xf32> to vector<128x512xf32>
    %swap3A_86 = vector.shape_cast %add3A_81 : vector<128x512xf32> to vector<1x128x512xf32>
    tpu.vector_store %arg11[%swap3A, %swap3A_82, %swap3A_83], %swap3A_86 {strides = array<i32>} : memref<1x352x512xf32, #tpu.memory_space<vmem>>, vector<1x128x512xf32>,
    %slice3A_87 = vector.extract_strided_slice %dot_general3A_16 {offsets = [128, 0], sizes = [32, 512], strides = [1, 1]} : vector<352x512xf32> to vector<32x512xf32>
    %swap3A_88 = arith.constant 0 : index
    %swap3A_89 = arith.constant 128 : index
    %swap3A_90 = arith.constant 0 : index
    %swap3A_91 = vector.load %arg11[%swap3A_88, %swap3A_89, %swap3A_90] : memref<1x352x512xf32, #tpu.memory_space<vmem>>, vector<1x32x512xf32>
    %swap3A_92 = vector.shape_cast %swap3A_91 : vector<1x32x512xf32> to vector<32x512xf32>
    %swap3A_93 = vector.shape_cast %slice3A_87 : vector<32x512xf32> to vector<1x32x512xf32>
    tpu.vector_store %arg11[%swap3A_88, %swap3A_89, %swap3A_90], %swap3A_93 {strides = array<i32>} : memref<1x352x512xf32, #tpu.memory_space<vmem>>, vector<1x32x512xf32>,
    %slice3A_94 = vector.extract_strided_slice %dot_general3A_16 {offsets = [160, 0], sizes = [64, 512], strides = [1, 1]} : vector<352x512xf32> to vector<64x512xf32>
    %add3A_95 = arith.addf %slice3A_94, %add3A_69 : vector<64x512xf32>
    %swap3A_96 = arith.constant 0 : index
    %swap3A_97 = arith.constant 160 : index
    %swap3A_98 = arith.constant 0 : index
    %swap3A_99 = vector.load %arg11[%swap3A_96, %swap3A_97, %swap3A_98] : memref<1x352x512xf32, #tpu.memory_space<vmem>>, vector<1x64x512xf32>
    %swap3A_100 = vector.shape_cast %swap3A_99 : vector<1x64x512xf32> to vector<64x512xf32>
    %swap3A_101 = vector.shape_cast %add3A_95 : vector<64x512xf32> to vector<1x64x512xf32>
    tpu.vector_store %arg11[%swap3A_96, %swap3A_97, %swap3A_98], %swap3A_101 {strides = array<i32>} : memref<1x352x512xf32, #tpu.memory_space<vmem>>, vector<1x64x512xf32>,
    %slice3A_102 = vector.extract_strided_slice %dot_general3A_16 {offsets = [224, 0], sizes = [128, 512], strides = [1, 1]} : vector<352x512xf32> to vector<128x512xf32>
    %add3A_103 = arith.addf %slice3A_102, %transpose3A_80 : vector<128x512xf32>
    %swap3A_104 = arith.constant 0 : index
    %swap3A_105 = arith.constant 224 : index
    %swap3A_106 = arith.constant 0 : index
    %swap3A_107 = vector.load %arg11[%swap3A_104, %swap3A_105, %swap3A_106] : memref<1x352x512xf32, #tpu.memory_space<vmem>>, vector<1x128x512xf32>
    %swap3A_108 = vector.shape_cast %swap3A_107 : vector<1x128x512xf32> to vector<128x512xf32>
    %swap3A_109 = vector.shape_cast %add3A_103 : vector<128x512xf32> to vector<1x128x512xf32>
    tpu.vector_store %arg11[%swap3A_104, %swap3A_105, %swap3A_106], %swap3A_109 {strides = array<i32>} : memref<1x352x512xf32, #tpu.memory_space<vmem>>, vector<1x128x512xf32>,
    return
  }
  func.func @transform_0(%arg0: i32) -> (i32, i32, i32) {
    %c0_i32 = arith.constant 0 : i32
    %c0_i32_0 = arith.constant 0 : i32
    %c0_i32_1 = arith.constant 0 : i32
    return %arg0, %c0_i32, %c0_i32_0 : i32, i32, i32
  }
  func.func @transform_1(%arg0: i32) -> (i32, i32, i32) {
    %c0_i32 = arith.constant 0 : i32
    %c0_i32_0 = arith.constant 0 : i32
    %c0_i32_1 = arith.constant 0 : i32
    return %arg0, %c0_i32, %c0_i32_0 : i32, i32, i32
  }
  func.func @transform_2(%arg0: i32) -> (i32, i32, i32) {
    %add3A = arith.constant 192 : i32
    %add3A_0 = arith.addi %arg0, %add3A : i32
    %c0_i32 = arith.constant 0 : i32
    %c0_i32_1 = arith.constant 0 : i32
    %c0_i32_2 = arith.constant 0 : i32
    return %add3A_0, %c0_i32, %c0_i32_1 : i32, i32, i32
  }
  func.func @transform_3(%arg0: i32) -> (i32, i32, i32) {
    %add3A = arith.constant 192 : i32
    %add3A_0 = arith.addi %arg0, %add3A : i32
    %c0_i32 = arith.constant 0 : i32
    %c0_i32_1 = arith.constant 0 : i32
    %c0_i32_2 = arith.constant 0 : i32
    return %add3A_0, %c0_i32, %c0_i32_1 : i32, i32, i32
  }
  func.func @transform_4(%arg0: i32) -> (i32, i32, i32) {
    %add3A = arith.constant 192 : i32
    %add3A_0 = arith.addi %arg0, %add3A : i32
    %c0_i32 = arith.constant 0 : i32
    %c0_i32_1 = arith.constant 0 : i32
    %c0_i32_2 = arith.constant 0 : i32
    return %add3A_0, %c0_i32, %c0_i32_1 : i32, i32, i32
  }
  func.func @transform_5(%arg0: i32) -> (i32, i32) {
    %c0_i32 = arith.constant 0 : i32
    %c0_i32_0 = arith.constant 0 : i32
    %c0_i32_1 = arith.constant 0 : i32
    return %c0_i32, %c0_i32_0 : i32, i32
  }
  func.func @transform_6(%arg0: i32) -> (i32, i32) {
    %c0_i32 = arith.constant 0 : i32
    %c0_i32_0 = arith.constant 0 : i32
    %c0_i32_1 = arith.constant 0 : i32
    return %c0_i32, %c0_i32_0 : i32, i32
  }
  func.func @transform_7(%arg0: i32) -> (i32, i32) {
    %c0_i32 = arith.constant 0 : i32
    %c0_i32_0 = arith.constant 0 : i32
    %c0_i32_1 = arith.constant 0 : i32
    return %c0_i32, %c0_i32_0 : i32, i32
  }
  func.func @transform_8(%arg0: i32) -> (i32, i32) {
    %c0_i32 = arith.constant 0 : i32
    %c0_i32_0 = arith.constant 0 : i32
    %c0_i32_1 = arith.constant 0 : i32
    return %c0_i32, %c0_i32_0 : i32, i32
  }
  func.func @transform_10(%arg0: i32) -> (i32, i32, i32) {
    %add3A = arith.constant 192 : i32
    %add3A_0 = arith.addi %arg0, %add3A : i32
    %c0_i32 = arith.constant 0 : i32
    %c0_i32_1 = arith.constant 0 : i32
    %c0_i32_2 = arith.constant 0 : i32
    return %add3A_0, %c0_i32, %c0_i32_1 : i32, i32, i32
  }
}

</mosaic_0001>

<sc_bundles>
// kernel: kernel.12.cloned.1.call-start
scs
__scs_entry_jumppad:
0x0: {  	(pc) =	sbr.rel $0x88, $3  }
0x1: {  	(tag) =	ssettag $0x0;
	lr =	simm.s32 $0x1  }
0x2: {  	[smem:$0x3F93] =	sst lr;
	_ =	strace $0xD0000000  }
0x3: {  	_ = 	snop  }
0x4: {  	_ = 	snop  }
0x5: {  	_ = 	snop  }
0x6: {  	_ = 	snop  }
0x7: {  	_ = 	snop  }
__scs_overlays_trampoline_lowered:
0x8: {  	[smem:$0x3FA2] =	sst s0  }
0x9: {  	[smem:$0x3FA3] =	sst s1  }
0xa: {  	[smem:$0x3FA4] =	sst s2  }
0xb: {  	[smem:$0x3FA5] =	sst s3  }
0xc: {  	[smem:$0x3FA6] =	sst s4  }
0xd: {  	[smem:$0x3FA7] =	sst s5  }
0xe: {  	[smem:$0x3FA8] =	sst s6  }
0xf: {  	[smem:$0x3FA9] =	sst s7  }
0x10: {  	[smem:$0x3FAA] =	sst s8  }
0x11: {  	[smem:$0x3FAB] =	sst s9;
	s0 =	simm.s32 @!p0 $0x0  }
0x12: {  	s1 =	sld [smem:$0x3F91];
	s0 =	simm.s32 @p0 $0x1  }
0x13: {  	[smem:$0x3FAC] =	sst s0;
	s0 =	simm.s32 @!p1 $0x0  }
0x14: {  	s2 =	sld [smem:$0x3F90];
	s0 =	simm.s32 @p1 $0x1  }
0x15: {  	[smem:$0x3FAD] =	sst s0;
	s0 =	simm.s32 @!p2 $0x0  }
0x16: {  	s3 =	sld [smem:$0x3FDB];
	s0 =	simm.s32 @p2 $0x1  }
0x17: {  	s4 =	simm.s32 $0x1BF5;
	[smem:$0x3FAF] =	sst s0  }
0x18: {  	s0 =	sld [smem:$0x3F92];
	_ =	swait.ge [sflag:s4], $0x0  }
0x19: {  	s7 =	sld [smem:$0x3F93]  }
0x1a: {  	s8 =	sadd.s32 $0xFFFFE003, lr  }
0x1b: {  	s9 =	sadd.s32 $0xFFFFFEF7, lr;
	s5 =	simm.s32 $0xFFFFFFFF;
	p2 =	slt.u32 s8, $0xFFFFF086  }
0x1c: {  	p1 =	slt.u32 s9, $0xF7A;
	s5 =	simm.s32 @!p2 $0x0  }
0x1d: {  	s5 =	simm.s32 @p1 $0x1;
	p0 =	seq.s32 s7, s2  }
0x1e: {  	s7 =	smul.u32 @!p0 $0xF7A, s2;
	p2 =	seq.s32 @!p0 s5, $0x0  }
0x1f: {  	s9 =	smul.u32 $0xF7A, s1;
	s8 =	simm.s32 @!p0 $0x1BF5;
	p2 =	por !p2, p0  }
0x20: {  	[sflag:s8] =	ssyncset.s32 @!p0 $0xFFFFF086;
	s6 =	sadd.s32 @!p0 s3, s7;
	s7 =	simm.s32 @!p0 $0x108  }
0x21: {  	s3 =	sadd.s32 s3, s9;
	s6 =	sadd.s32 @!p0 $0x88, s6;
	s7 =	simm.s32 @p2 $0x1082  }
0x22: {  	[simem:s7], [sflag:s8] =	dma.local @!p0 [hbm:s6], $0xF7A  }
0x23: {  	s9 =	sor.u32 $0xD0000000, s2;
	s6 =	simm.s32 $0x108;
	_ =	swait.ge @!p0 [sflag:s8], $0x0  }
0x24: {  	s3 =	sadd.s32 $0x88, s3;
	s6 =	simm.s32 @!p1 $0x1082;
	[sflag:s4] =	ssyncset.s32 $0xFFFFF086  }
0x25: {  	[simem:s6], [sflag:s4] =	dma.local [hbm:s3], $0xF7A  }
0x26: {  	[smem:$0x3F93] =	sst s1;
	(tag) =	ssettag s2;
	_ =	strace s9  }
0x27: {  	s1 =	sld [smem:$0x3FA3]  }
0x28: {  	s2 =	sld [smem:$0x3FA4]  }
0x29: {  	s4 =	sld [smem:$0x3FA6]  }
0x2a: {  	p0 =	seq.s32 s5, $0x0;
	s5 =	sld [smem:$0x3FA7]  }
0x2b: {  	s6 =	sld [smem:$0x3FA8]  }
0x2c: {  	s7 =	sld [smem:$0x3FA9]  }
0x2d: {  	s3 =	simm.s32 $0x108;
	s8 =	sld [smem:$0x3FAA]  }
0x2e: {  	s3 =	simm.s32 @!p0 $0x1082;
	s9 =	sld [smem:$0x3FAB]  }
0x2f: {  	lr =	sadd.s32 s0, s3;
	s0 =	sld [smem:$0x3FA2]  }
0x30: {  	s3 =	sld [smem:$0x3FA5]  }
0x31: {  	[smem:$0x3FAE] =	sst s10  }
0x32: {  	s10 =	sld [smem:$0x3FAC];
	_ =	sdelay $0x3  }
0x33: {  	p0 =	seq.s32 s10, $0x1;
	s10 =	sld [smem:$0x3FAE];
	_ =	sdelay $0x3  }
0x34: {  	[smem:$0x3FAE] =	sst s10  }
0x35: {  	s10 =	sld [smem:$0x3FAD];
	_ =	sdelay $0x3  }
0x36: {  	p1 =	seq.s32 s10, $0x1;
	s10 =	sld [smem:$0x3FAE];
	_ =	sdelay $0x3  }
0x37: {  	[smem:$0x3FAE] =	sst s10  }
0x38: {  	s10 =	sld [smem:$0x3FAF]  }
0x39: {  	_ = 	snop;
	(pc) =	sbr.ind lr, $3  }
0x3a: {  	_ = 	snop  }
0x3b: {  	_ = 	snop  }
0x3c: {  	p2 =	seq.s32 s10, $0x1;
	s10 =	sld [smem:$0x3FAE]  }
0x3d: {  	_ =	shalt  }
0x3e: {  	_ =	shalt  }
0x3f: {  	_ =	shalt  }
0x40: {  	_ =	shalt  }
0x41: {  	_ =	shalt  }
0x42: {  	_ =	shalt  }
0x43: {  	_ =	shalt  }
0x44: {  	_ =	shalt  }
0x45: {  	_ =	shalt  }
0x46: {  	_ =	shalt  }
0x47: {  	_ =	shalt  }
0x48: {  	_ =	shalt  }
0x49: {  	_ =	shalt  }
0x4a: {  	_ =	shalt  }
0x4b: {  	_ =	shalt  }
0x4c: {  	_ =	shalt  }
0x4d: {  	_ =	shalt  }
0x4e: {  	_ =	shalt  }
0x4f: {  	_ =	shalt  }
0x50: {  	_ =	shalt  }
0x51: {  	_ =	shalt  }
0x52: {  	_ =	shalt  }
0x53: {  	_ =	shalt  }
0x54: {  	_ =	shalt  }
0x55: {  	_ =	shalt  }
0x56: {  	_ =	shalt  }
0x57: {  	_ =	shalt  }
0x58: {  	_ =	shalt  }
0x59: {  	_ =	shalt  }
0x5a: {  	_ =	shalt  }
0x5b: {  	_ =	shalt  }
0x5c: {  	_ =	shalt  }
0x5d: {  	_ =	shalt  }
0x5e: {  	_ =	shalt  }
0x5f: {  	_ =	shalt  }
0x60: {  	_ =	shalt  }
0x61: {  	_ =	shalt  }
0x62: {  	_ =	shalt  }
0x63: {  	_ =	shalt  }
0x64: {  	_ =	shalt  }
0x65: {  	_ =	shalt  }
0x66: {  	_ =	shalt  }
0x67: {  	_ =	shalt  }
0x68: {  	_ =	shalt  }
0x69: {  	_ =	shalt  }
0x6a: {  	_ =	shalt  }
0x6b: {  	_ =	shalt  }
0x6c: {  	_ =	shalt  }
0x6d: {  	_ =	shalt  }
0x6e: {  	_ =	shalt  }
0x6f: {  	_ =	shalt  }
0x70: {  	_ =	shalt  }
0x71: {  	_ =	shalt  }
0x72: {  	_ =	shalt  }
0x73: {  	_ =	shalt  }
0x74: {  	_ =	shalt  }
0x75: {  	_ =	shalt  }
0x76: {  	_ =	shalt  }
0x77: {  	_ =	shalt  }
0x78: {  	_ =	shalt  }
0x79: {  	_ =	shalt  }
0x7a: {  	_ =	shalt  }
0x7b: {  	_ =	shalt  }
0x7c: {  	_ =	shalt  }
0x7d: {  	_ =	shalt  }
0x7e: {  	_ =	shalt  }
0x7f: {  	_ =	shalt  }
0x80: {  	_ =	shalt  }
0x81: {  	_ =	shalt  }
0x82: {  	_ =	shalt  }
0x83: {  	_ =	shalt  }
0x84: {  	_ =	shalt  }
0x85: {  	_ =	shalt  }
0x86: {  	_ =	shalt  }
0x87: {  	_ =	shalt  }
.Lfunc_end0:
.L_simem_size_0:
called_computation_lowered:
.L_overlay_start_0:
0x88: {  	s2 =	sld [smem:$0x3FD9]  }
0x89: {  	s3 =	sld [smem:$0x3FFE];
	_ =	sdelay $0x1  }
0x8a: {  	s1 =	srdreg.scid  }
0x8b: {  	s0 =	sand.u32 $0x1, s1  }
0x8c: {  	s16 =	sshll.u32 s0, $0xA;
	s2 =	sadd.s32 s3, s2  }
0x8d: {  	s2 =	sadd.s32 s2, s16  }
0x8e: {  	[smem:$0x3FBA] =	sst s2  }
0x8f: {  	_ = 	snop  }
0x90: {  	(tm) =	ssettm $0x1  }
0x91: {  	s17 =	sld [smem:$0x3FFB];
	_ =	sdelay $0x3  }
0x92: {  	_ =	strace s17  }
0x93: {  	s2 =	sld [smem:$0x3FFC];
	_ =	sdelay $0x3  }
0x94: {  	_ =	strace s2  }
0x95: {  	s2 =	sld [smem:$0x3FFD];
	_ =	sdelay $0x3  }
0x96: {  	_ =	strace s2  }
0x97: {  	_ =	strace $0x8FFFFFFF  }
0x98: {  	s18 =	sld [smem:$0x3FDB];
	_ =	sdelay $0x1  }
0x99: {  	s19 =	simm.s32 $_scs_section_size  }
0x9a: {  	s4 =	simm.s32 $_size__tile_overlayer_lowered;
	s5 =	simm.s32 $_tile_overlayer_lowered  }
0x9b: {  	s22 =	simm.s32 $0x1BFF;
	s21 =	sshll.u32 s5, $0x1;
	s2 =	sadd.s32 s19, s18  }
0x9c: {  	s6 =	simm.s32 $0x0;
	s20 =	sshll.u32 s4, $0x1;
	s4 =	sadd.s32 s21, s2  }
0x9d: {  	[timem:s6], [sflag:s22] =	dma.local [hbm:s4], s20  }
0x9e: {  	_ =	swait.ge [sflag:s22], s20  }
0x9f: {  	s3 =	ssub.s32 $0x0, s20;
	[sflag:s22] =	ssyncset.done $0x0  }
0xa0: {  	[sflag:s22] =	ssyncadd.s32 s3;
	_ =	sdelay $0x1  }
0xa1: {  	s23 =	simm.s32 $0x1B8B  }
0xa2: {  	_ =	swait.ge [sflag:s23], $0x1  }
0xa3: {  	[sflag:s23] =	ssyncset.done $0x0  }
0xa4: {  	s25 =	simm.s32 $0x1B8E;
	s24 =	sld [smem:$0x3FFE];
	[sflag:s23] =	ssyncadd.s32 $0xFFFFFFFF  }
0xa5: {  	s26 =	simm.s32 $execute0_lowered;
	[smem:$0x3FD2] =	sst s25  }
0xa6: {  	s4 =	sshll.u32 s26, $0x1;
	_ =	strace $0x80000046;
	[dreg:$0x1] =	wrdreg $0xFFFFFFFF  }
0xa7: {  	s28 =	simm.s32 $_size_execute0_lowered;
	s2 =	sadd.s32 s2, s4;
	[dreg:$0x0] =	wrdreg $0x0  }
0xa8: {  	s4 =	sshll.u32 s28, $0x1;
	[dreg:$0x2] =	wrdreg s2  }
0xa9: {  	[dreg:$0x3] =	wrdreg s4  }
0xaa: {  	[dreg:$0x4] =	wrdreg $0xC0  }
0xab: {  	_ =	task [dreg:s6], $0x5FFFF  }
0xac: {  	[dreg:$0x1] =	wrdreg $0xFFFFFFFF  }
0xad: {  	[dreg:$0x0] =	wrdreg $0x60  }
0xae: {  	[dreg:$0x2] =	wrdreg s24  }
0xaf: {  	[dreg:$0x3] =	wrdreg $0x9  }
0xb0: {  	_ =	task.clear_ibuf [dreg:s6], $0x4FFFF;
	_ =	strace $0x90000046  }
0xb1: {  	s29 =	simm.s32 $0x9;
	_ =	strace $0x80000048  }
0xb2: {  	_ =	swait.ge [sflag:s29], $0x1  }
0xb3: {  	[sflag:s29] =	ssyncadd.s32 $0xFFFFFFFF  }
0xb4: {  	_ =	strace $0x90000048  }
0xb5: {  	_ =	sfence  }
0xb6: {  	s30 =	sld [smem:$0x0];
	_ =	sdelay $0x2  }
0xb7: {  	s31 =	sshll.u32 s1, $0xD;
	s1 =	sshrl.u32 s1, $0x2  }
0xb8: {  	s3 =	sand.u32 $0x4000, s31;
	s1 =	sadd.s32 s1, s30  }
0xb9: {  	s0 =	sor.u32 s3, s0;
	s1 =	sshll.u32 s1, $0x11  }
0xba: {  	s0 =	sor.u32 s1, s0  }
0xbb: {  	s0 =	sadd.s32 $0x8F2B, s0  }
0xbc: {  	[sflag:s0] =	ssyncadd.remote.s32 $0x1  }
0xbd: {  	_ =	sfence.sel $0xFFFF  }
0xbe: {  	[dreg:$0x0] =	wrdreg $0xFFFFFFFF;
	(pc) =	sbr.abs _section_cstart, $3  }
0xbf: {  	[dreg:$0x1] =	wrdreg $0xFFFFFFFF  }
0xc0: {  	_ =	task.clear_ibuf [dreg:s6], $0x2FFFF;
	_ =	strace $0x9FFFFFFF  }
0xc1: {  	(tm) =	ssettm $0x7FFFFFFF  }
tec
execute0_lowered:
.L_overlay_start_1:
0x0: {  	(tag) =	ssettag $0x1  }
0x1: {  	s0 =	rddreg [dreg:$0x0]  }
0x2: {  	s2 =	simm.s32 $0x0;
	s1 =	srdreg.scid;
	s15 =	stileid.u32  }
0x3: {  	s16 =	simm.s32 $0x5;
	s20 =	simm.s32 $0x1;
	s21 =	simm.s32 $0x80  }
0x4: {  	s22 =	simm.s32 $0x1000;
	s23 =	simm.s32 $0x5000;
	s24 =	simm.s32 $0x9000  }
0x5: {  	s28 =	simm.s32 $0x3;
	s29 =	simm.s32 $0x4;
	s30 =	simm.s32 $0x0  }
0x6: {  	[smem:$0x7FF] =	sst s2;
	s1 =	sand.u32 $0x1, s1;
	s5 =	sshll.u32 s15, $0x4  }
0x7: {  	s3 =	sadd.s32 $0x94000, s0;
	s4 =	sadd.s32 $0xD4000, s0;
	s7 =	sadd.s32 $0x54000, s0  }
0x8: {  	s9 =	sadd.s32 $0x194000, s0;
	s14 =	sshll.u32 s15, $0x8;
	s31 =	sshll.u32 s15, $0xD  }
0x9: {  	_ =	strace $0x80000047;
	s6 =	sshll.u32 s1, $0x3;
	s10 =	ssub.s32 $0x2, s1  }
0xa: {  	s17 =	sand.u32 $0xC00, s14;
	s1 =	sshll.u32 s1, $0xC;
	s5 =	sor.u32 s6, s5  }
0xb: {  	s6 =	sadd.s32 $0x14000, s0;
	s11 =	sshrl.u32 s10, $0x1;
	s8 =	sshll.u32 s5, $0x4  }
0xc: {  	s15 =	sor.u32 s1, s31;
	s25 =	ssub.s32 s10, s11;
	s13 =	sadd.s32 s8, s0  }
0xd: {  	s8 =	sadd.s32 $0x114000, s0;
	s14 =	smax.u32 s25, $0x1;
	s25 =	simm.s32 $0xD000  }
0xe: {  	s26 =	sadd.s32 $0x8000, s13;
	s11 =	sadd.s32 $0x4000, s13;
	s12 =	sadd.s32 $0x10000, s13  }
0xf: {  	v0 =	vmov s17;
	s13 =	sadd.s32 $0xC000, s13;
	[dreg:$0x2] =	wrdreg s26;
	s26 =	simm.s32 $0x2  }
.LBB2_1:
0x10: {  	s0 =	rddreg [dreg:$0x2]  }
0x11: {  	[tilespmem:s2], [sflag:$0x5] =	stream.linear.gather [hbm4b:s0+s2], $0x400, $0x38;
	[tilespmem:$0x11000] =	vst v63  }
0x12: {  	_ =	swait.ge [sflag:s16], $0x400  }
0x13: {  	[sflag:s16] =	ssyncset.done $0x0  }
0x14: {  	s1 =	simm.s32 $0x400;
	[sflag:s16] =	ssyncadd.s32 $0xFFFFFC00  }
0x15: {  	[tilespmem:s1], [sflag:$0x5] =	stream.linear.gather [hbm4b:s11+s2], $0x400, $0x38;
	[tilespmem:$0x11000] =	vst v63  }
0x16: {  	_ =	swait.ge [sflag:s16], $0x400  }
0x17: {  	[sflag:s16] =	ssyncset.done $0x0  }
0x18: {  	s10 =	simm.s32 $0x800;
	[sflag:s16] =	ssyncadd.s32 $0xFFFFFC00  }
0x19: {  	[tilespmem:s10], [sflag:$0x5] =	stream.linear.gather [hbm4b:s12+s2], $0x400, $0x38;
	[tilespmem:$0x11000] =	vst v63  }
0x1a: {  	_ =	swait.ge [sflag:s16], $0x400  }
0x1b: {  	[sflag:s16] =	ssyncset.done $0x0  }
0x1c: {  	s17 =	simm.s32 $0xC00;
	[sflag:s16] =	ssyncadd.s32 $0xFFFFFC00  }
0x1d: {  	[tilespmem:s17], [sflag:$0x5] =	stream.linear.gather [hbm4b:s13+s2], $0x400, $0x38;
	[tilespmem:$0x11000] =	vst v63  }
0x1e: {  	_ =	swait.ge [sflag:s16], $0x400  }
0x1f: {  	[sflag:s16] =	ssyncset.done $0x0  }
0x20: {  	s31 =	simm.s32 $0x0;
	[sflag:s16] =	ssyncadd.s32 $0xFFFFFC00  }
0x21: {  	s18 =	sadd.s32 $0x0, s15;
	s1 =	sand.u32 $0x3, s2;
	v1 =	vld [tilespmem:s31+$0x0]  }
0x22: {  	p0 =	seq.s32 s18, $0x0;
	p1 =	sne.s32 s1, $0x0;
	v2 =	vld [tilespmem:s31+$0x400]  }
0x23: {  	p0 =	por !p0, !p1;
	v3 =	vld [tilespmem:s31+$0x800]  }
0x24: {  	s19 =	sadd.s32 $0x0, s5;
	s1 =	simm.s32 $0x1;
	p0 =	por !p0, !p0;
	v4 =	vld [tilespmem:s31+$0xC00]  }
0x25: {  	s0 =	sshrl.u32 s19, $0x2;
	s1 =	simm.s32 @!p0 $0x0;
	v5 =	vld [tilespmem:s31+$0x10]  }
0x26: {  	s0 =	ssub.s32 s0, s1;
	v6 =	vld [tilespmem:s31+$0x410];
	v1 =	vadd.s32 v0, v1  }
0x27: {  	s0 =	sshll.u32 s0, $0x6;
	[tilespmem:s31+$0x0] =	vst v1;
	v1 =	vadd.s32 v0, v2;
	v2 =	vld [tilespmem:s31+$0x810]  }
0x28: {  	[tilespmem:s31+$0x400] =	vst v1;
	v1 =	vadd.s32 s0, v3;
	v3 =	vld [tilespmem:s31+$0xC10]  }
0x29: {  	[tilespmem:s31+$0x800] =	vst v1;
	v1 =	vadd.s32 s0, v4;
	v4 =	vld [tilespmem:s31+$0x20]  }
0x2a: {  	[tilespmem:s31+$0xC00] =	vst v1;
	v1 =	vadd.s32 v0, v5;
	v5 =	vld [tilespmem:s31+$0x420]  }
0x2b: {  	[tilespmem:s31+$0x10] =	vst v1;
	v1 =	vadd.s32 v0, v6;
	v6 =	vld [tilespmem:s31+$0x820]  }
0x2c: {  	[tilespmem:s31+$0x410] =	vst v1;
	v1 =	vadd.s32 s0, v2;
	v2 =	vld [tilespmem:s31+$0xC20]  }
0x2d: {  	[tilespmem:s31+$0x810] =	vst v1;
	v1 =	vadd.s32 s0, v3;
	v3 =	vld [tilespmem:s31+$0x30]  }
0x2e: {  	[tilespmem:s31+$0xC10] =	vst v1;
	v1 =	vadd.s32 v0, v4;
	v4 =	vld [tilespmem:s31+$0x430]  }
0x2f: {  	[tilespmem:s31+$0x20] =	vst v1;
	v1 =	vadd.s32 v0, v5;
	v5 =	vld [tilespmem:s31+$0x830]  }
0x30: {  	[tilespmem:s31+$0x420] =	vst v1;
	v1 =	vadd.s32 s0, v6;
	v6 =	vld [tilespmem:s31+$0xC30]  }
0x31: {  	[tilespmem:s31+$0x820] =	vst v1;
	v1 =	vadd.s32 s0, v2;
	v2 =	vld [tilespmem:s31+$0x40]  }
0x32: {  	[tilespmem:s31+$0xC20] =	vst v1;
	v1 =	vadd.s32 v0, v3;
	v3 =	vld [tilespmem:s31+$0x440]  }
0x33: {  	[tilespmem:s31+$0x30] =	vst v1;
	v1 =	vadd.s32 v0, v4;
	v4 =	vld [tilespmem:s31+$0x840]  }
0x34: {  	[tilespmem:s31+$0x430] =	vst v1;
	v1 =	vadd.s32 s0, v5;
	v5 =	vld [tilespmem:s31+$0xC40]  }
0x35: {  	[tilespmem:s31+$0x830] =	vst v1;
	v1 =	vadd.s32 s0, v6;
	v6 =	vld [tilespmem:s31+$0x50]  }
0x36: {  	[tilespmem:s31+$0xC30] =	vst v1;
	v1 =	vadd.s32 v0, v2;
	v2 =	vld [tilespmem:s31+$0x450]  }
0x37: {  	[tilespmem:s31+$0x40] =	vst v1;
	v1 =	vadd.s32 v0, v3;
	v3 =	vld [tilespmem:s31+$0x850]  }
0x38: {  	v7 =	vld [tilespmem:s31+$0xC50];
	[tilespmem:s31+$0x440] =	vst v1;
	v1 =	vadd.s32 s0, v4  }
0x39: {  	v8 =	vld [tilespmem:s31+$0x60];
	[tilespmem:s31+$0x840] =	vst v1;
	v1 =	vadd.s32 s0, v5  }
0x3a: {  	v5 =	vld [tilespmem:s31+$0x460];
	[tilespmem:s31+$0xC40] =	vst v1;
	v1 =	vadd.s32 v0, v6  }
0x3b: {  	v4 =	vld [tilespmem:s31+$0x860];
	[tilespmem:s31+$0x50] =	vst v1;
	v1 =	vadd.s32 v0, v2  }
0x3c: {  	[tilespmem:s31+$0x450] =	vst v1;
	v1 =	vadd.s32 s0, v3;
	v3 =	vld [tilespmem:s31+$0xC60]  }
0x3d: {  	v2 =	vadd.s32 s0, v7;
	[tilespmem:s31+$0x850] =	vst v1;
	v1 =	vld [tilespmem:s31+$0x70]  }
0x3e: {  	s1 =	simm.s32 $0x200;
	s17 =	simm.s32 $0x0;
	v6 =	vadd.s32 v0, v8;
	[tilespmem:s31+$0xC50] =	vst v2;
	v2 =	vld [tilespmem:s31+$0x470]  }
.LBB2_2:
0x3f: {  	p0 =	sne.s32 s1, $0xE00;
	[tilespmem:s31+$0x60] =	vst v6;
	v5 =	vadd.s32 v0, v5;
	v6 =	vld [tilespmem:s31+$0x870]  }
0x40: {  	s18 =	sshra.s32 s1, $0x2;
	s17 =	sadd.s32 $0x1, s17;
	[tilespmem:s31+$0x460] =	vst v5;
	v4 =	vadd.s32 s0, v4;
	v5 =	vld [tilespmem:s31+$0xC70]  }
0x41: {  	s19 =	sadd.s32 s1, s15;
	s10 =	sand.u32 $0x3, s17;
	v7 =	vld [tilespmem:s18+$0x0];
	[tilespmem:s31+$0x860] =	vst v4;
	v3 =	vadd.s32 s0, v3  }
0x42: {  	p1 =	seq.s32 s19, $0x0;
	p2 =	sne.s32 s10, $0x0;
	v4 =	vld [tilespmem:s18+$0x400];
	[tilespmem:s31+$0xC60] =	vst v3;
	v1 =	vadd.s32 v0, v1  }
0x43: {  	p1 =	por !p1, !p2;
	v3 =	vld [tilespmem:s18+$0x800];
	[tilespmem:s31+$0x70] =	vst v1;
	v1 =	vadd.s32 v0, v2  }
0x44: {  	s19 =	simm.s32 $0x1;
	s10 =	sadd.s32 s17, s5;
	p1 =	por !p1, !p1;
	v2 =	vld [tilespmem:s18+$0xC00];
	[tilespmem:s31+$0x470] =	vst v1;
	v1 =	vadd.s32 s0, v6  }
0x45: {  	s10 =	sshrl.u32 s10, $0x2;
	s19 =	simm.s32 @!p1 $0x0;
	v6 =	vld [tilespmem:s18+$0x10];
	[tilespmem:s31+$0x870] =	vst v1;
	v1 =	vadd.s32 s0, v5  }
0x46: {  	s0 =	ssub.s32 s10, s19;
	v5 =	vadd.s32 v0, v7;
	v7 =	vld [tilespmem:s18+$0x410];
	[tilespmem:s31+$0xC70] =	vst v1;
	s31 =	smov.u32 s18  }
0x47: {  	s0 =	sshll.u32 s0, $0x6;
	[tilespmem:s31+$0x0] =	vst v5;
	v1 =	vadd.s32 v0, v4;
	v4 =	vld [tilespmem:s31+$0x810]  }
0x48: {  	[tilespmem:s31+$0x400] =	vst v1;
	v1 =	vadd.s32 s0, v3;
	v3 =	vld [tilespmem:s31+$0xC10]  }
0x49: {  	[tilespmem:s31+$0x800] =	vst v1;
	v1 =	vadd.s32 s0, v2;
	v2 =	vld [tilespmem:s31+$0x20]  }
0x4a: {  	[tilespmem:s31+$0xC00] =	vst v1;
	v1 =	vadd.s32 v0, v6;
	v5 =	vld [tilespmem:s31+$0x420]  }
0x4b: {  	[tilespmem:s31+$0x10] =	vst v1;
	v1 =	vadd.s32 v0, v7;
	v6 =	vld [tilespmem:s31+$0x820]  }
0x4c: {  	[tilespmem:s31+$0x410] =	vst v1;
	v1 =	vadd.s32 s0, v4;
	v4 =	vld [tilespmem:s31+$0xC20]  }
0x4d: {  	[tilespmem:s31+$0x810] =	vst v1;
	v1 =	vadd.s32 s0, v3;
	v3 =	vld [tilespmem:s31+$0x30]  }
0x4e: {  	[tilespmem:s31+$0xC10] =	vst v1;
	v1 =	vadd.s32 v0, v2;
	v2 =	vld [tilespmem:s31+$0x430]  }
0x4f: {  	[tilespmem:s31+$0x20] =	vst v1;
	v1 =	vadd.s32 v0, v5;
	v5 =	vld [tilespmem:s31+$0x830]  }
0x50: {  	[tilespmem:s31+$0x420] =	vst v1;
	v1 =	vadd.s32 s0, v6;
	v6 =	vld [tilespmem:s31+$0xC30]  }
0x51: {  	[tilespmem:s31+$0x820] =	vst v1;
	v1 =	vadd.s32 s0, v4;
	v4 =	vld [tilespmem:s31+$0x40]  }
0x52: {  	[tilespmem:s31+$0xC20] =	vst v1;
	v1 =	vadd.s32 v0, v3;
	v3 =	vld [tilespmem:s31+$0x440]  }
0x53: {  	[tilespmem:s31+$0x30] =	vst v1;
	v1 =	vadd.s32 v0, v2;
	v2 =	vld [tilespmem:s31+$0x840]  }
0x54: {  	[tilespmem:s31+$0x430] =	vst v1;
	v1 =	vadd.s32 s0, v5;
	v5 =	vld [tilespmem:s31+$0xC40]  }
0x55: {  	[tilespmem:s31+$0x830] =	vst v1;
	v1 =	vadd.s32 s0, v6;
	v6 =	vld [tilespmem:s31+$0x50]  }
0x56: {  	[tilespmem:s31+$0xC30] =	vst v1;
	v1 =	vadd.s32 v0, v4;
	v4 =	vld [tilespmem:s31+$0x450]  }
0x57: {  	[tilespmem:s31+$0x40] =	vst v1;
	v1 =	vadd.s32 v0, v3;
	v3 =	vld [tilespmem:s31+$0x850]  }
0x58: {  	[tilespmem:s31+$0x440] =	vst v1;
	v1 =	vadd.s32 s0, v2;
	v2 =	vld [tilespmem:s31+$0xC50]  }
0x59: {  	[tilespmem:s31+$0x840] =	vst v1;
	v1 =	vadd.s32 s0, v5;
	v7 =	vld [tilespmem:s31+$0x60]  }
.Ltmp0:
0x5a: {  	[tilespmem:s31+$0xC40] =	vst v1;
	v1 =	vadd.s32 v0, v6;
	v5 =	vld [tilespmem:s31+$0x460];
	(pc) =	sbr.rel @p0 .LBB2_2-.Ltmp0, $4  }
0x5b: {  	[tilespmem:s31+$0x50] =	vst v1;
	v1 =	vadd.s32 v0, v4;
	v4 =	vld [tilespmem:s31+$0x860]  }
0x5c: {  	[tilespmem:s31+$0x450] =	vst v1;
	v1 =	vadd.s32 s0, v3;
	v3 =	vld [tilespmem:s31+$0xC60]  }
0x5d: {  	[tilespmem:s31+$0x850] =	vst v1;
	v2 =	vadd.s32 s0, v2;
	v1 =	vld [tilespmem:s31+$0x70]  }
0x5e: {  	s1 =	sadd.s32 $0x200, s1;
	[tilespmem:s31+$0xC50] =	vst v2;
	v6 =	vadd.s32 v0, v7;
	v2 =	vld [tilespmem:s31+$0x470]  }
0x5f: {  	[tilespmem:s31+$0x60] =	vst v6;
	v5 =	vadd.s32 v0, v5;
	v62 =	vld [tilespmem:s31+$0x870]  }
0x60: {  	v63 =	vld [tilespmem:s31+$0xC70];
	[tilespmem:s31+$0x460] =	vst v5;
	v4 =	vadd.s32 s0, v4  }
0x61: {  	[tilespmem:s31+$0x860] =	vst v4;
	v3 =	vadd.s32 s0, v3  }
0x62: {  	[tilespmem:s31+$0xC60] =	vst v3;
	v1 =	vadd.s32 v0, v1  }
0x63: {  	[tilespmem:s31+$0x70] =	vst v1;
	v1 =	vadd.s32 v0, v2  }
0x64: {  	[tilespmem:s31+$0x470] =	vst v1;
	v1 =	vadd.s32 s0, v62  }
0x65: {  	[tilespmem:s31+$0x870] =	vst v1;
	v1 =	vadd.s32 s0, v63  }
0x66: {  	s0 =	simm.s32 $0x0;
	[tilespmem:s31+$0xC70] =	vst v1  }
.LBB2_4:
0x67: {  	s1 =	sshll.u32 s0, $0x7  }
0x68: {  	[tilespmem:s22], [sflag:$0x1] =	stream.indirect.gather [hbm4b:s3+s21], $0x80, s1, s21, $0xb8;
	[tilespmem:$0x11000] =	vst v63  }
0x69: {  	s10 =	sadd.s32 $0x400, s1  }
0x6a: {  	[tilespmem:s23], [sflag:$0x2] =	stream.indirect.gather [hbm4b:s4+s21], $0x80, s10, s21, $0xb8;
	[tilespmem:$0x11000] =	vst v63  }
0x6b: {  	s31 =	sadd.s32 $0x800, s1  }
0x6c: {  	[tilespmem:s24], [sflag:$0x3] =	stream.indirect.gather [hbm4b:s6+s21], $0x80, s31, s21, $0xb8;
	[tilespmem:$0x11000] =	vst v63  }
0x6d: {  	s1 =	sadd.s32 $0xC00, s1  }
0x6e: {  	[tilespmem:s25], [sflag:$0x4] =	stream.indirect.gather [hbm4b:s7+s21], $0x80, s1, s21, $0xb8;
	[tilespmem:$0x11000] =	vst v63  }
0x6f: {  	_ =	swait.ge [sflag:s20], $0x4000  }
0x70: {  	[sflag:s20] =	ssyncset.done $0x0  }
0x71: {  	[sflag:s20] =	ssyncadd.s32 $0xFFFFC000  }
0x72: {  	_ =	swait.ge [sflag:s26], $0x4000  }
0x73: {  	[sflag:s26] =	ssyncset.done $0x0  }
0x74: {  	s17 =	simm.s32 $0x0;
	[sflag:s26] =	ssyncadd.s32 $0xFFFFC000  }
0x75: {  	v8 =	vld [tilespmem:s17+$0x5000]  }
0x76: {  	v12 =	vld [tilespmem:s17+$0x5010]  }
0x77: {  	v6 =	vld [tilespmem:s17+$0x5020]  }
0x78: {  	v5 =	vld [tilespmem:s17+$0x5030]  }
0x79: {  	v4 =	vld [tilespmem:s17+$0x5040]  }
0x7a: {  	v3 =	vld [tilespmem:s17+$0x5050]  }
0x7b: {  	v2 =	vld [tilespmem:s17+$0x5060]  }
0x7c: {  	v1 =	vld [tilespmem:s17+$0x5070]  }
0x7d: {  	v13 =	vld [tilespmem:s17+$0x1000]  }
0x7e: {  	v14 =	vld [tilespmem:s17+$0x1010]  }
0x7f: {  	v11 =	vld [tilespmem:s17+$0x1020]  }
0x80: {  	v10 =	vld [tilespmem:s17+$0x1030]  }
0x81: {  	v9 =	vld [tilespmem:s17+$0x1040]  }
0x82: {  	v7 =	vld [tilespmem:s17+$0x1050];
	v13 =	vadd.f32 v8, v13  }
0x83: {  	s1 =	simm.s32 $0x200;
	v12 =	vadd.f32 v12, v14;
	v8 =	vld [tilespmem:s17+$0x1060]  }
.LBB2_5:
0x84: {  	s10 =	sshra.s32 s1, $0x2;
	p0 =	sne.s32 s1, $0xFE00;
	[tilespmem:s17+$0x1000] =	vst v13;
	v6 =	vadd.f32 v6, v11;
	v11 =	vld [tilespmem:s17+$0x1070]  }
0x85: {  	v13 =	vld [tilespmem:s10+$0x5000];
	[tilespmem:s17+$0x1010] =	vst v12;
	v5 =	vadd.f32 v5, v10  }
0x86: {  	v12 =	vld [tilespmem:s10+$0x5010];
	[tilespmem:s17+$0x1020] =	vst v6;
	v4 =	vadd.f32 v4, v9  }
0x87: {  	v6 =	vld [tilespmem:s10+$0x5020];
	[tilespmem:s17+$0x1030] =	vst v5;
	v3 =	vadd.f32 v3, v7  }
0x88: {  	v5 =	vld [tilespmem:s10+$0x5030];
	[tilespmem:s17+$0x1040] =	vst v4;
	v2 =	vadd.f32 v2, v8  }
0x89: {  	v4 =	vld [tilespmem:s10+$0x5040];
	[tilespmem:s17+$0x1050] =	vst v3;
	v1 =	vadd.f32 v1, v11  }
0x8a: {  	v3 =	vld [tilespmem:s10+$0x5050];
	[tilespmem:s17+$0x1060] =	vst v2  }
0x8b: {  	v2 =	vld [tilespmem:s10+$0x5060];
	[tilespmem:s17+$0x1070] =	vst v1;
	s17 =	smov.u32 s10  }
0x8c: {  	v1 =	vld [tilespmem:s17+$0x5070]  }
0x8d: {  	v7 =	vld [tilespmem:s17+$0x1000]  }
0x8e: {  	v8 =	vld [tilespmem:s17+$0x1010]  }
.Ltmp1:
0x8f: {  	v11 =	vld [tilespmem:s17+$0x1020];
	(pc) =	sbr.rel @p0 .LBB2_5-.Ltmp1, $4  }
0x90: {  	v10 =	vld [tilespmem:s17+$0x1030]  }
0x91: {  	v9 =	vld [tilespmem:s17+$0x1040]  }
0x92: {  	v13 =	vadd.f32 v13, v7;
	v7 =	vld [tilespmem:s17+$0x1050]  }
0x93: {  	s1 =	sadd.s32 $0x200, s1;
	v12 =	vadd.f32 v12, v8;
	v8 =	vld [tilespmem:s17+$0x1060]  }
0x94: {  	[tilespmem:s17+$0x1000] =	vst v13;
	v6 =	vadd.f32 v6, v11;
	v11 =	vld [tilespmem:s17+$0x1070]  }
0x95: {  	[tilespmem:s17+$0x1010] =	vst v12;
	v5 =	vadd.f32 v5, v10  }
0x96: {  	[tilespmem:s17+$0x1020] =	vst v6;
	v4 =	vadd.f32 v4, v9  }
0x97: {  	[tilespmem:s17+$0x1030] =	vst v5;
	v3 =	vadd.f32 v3, v7  }
0x98: {  	[tilespmem:s17+$0x1040] =	vst v4;
	v2 =	vadd.f32 v2, v8  }
0x99: {  	s1 =	sor.u32 s5, s0;
	[tilespmem:s17+$0x1050] =	vst v3;
	v1 =	vadd.f32 v1, v11  }
0x9a: {  	s1 =	sshll.u32 s1, $0xB;
	[tilespmem:s17+$0x1060] =	vst v2  }
0x9b: {  	s19 =	simm.s32 $0x0;
	s10 =	sadd.s32 s8, s1;
	[tilespmem:s17+$0x1070] =	vst v1  }
0x9c: {  	[hbm4b:s10+s19] =	stream.linear.scatter [tilespmem:s22], [sflag:$0x5], $0x4000, $0x38;
	[tilespmem:$0x11000] =	vst v63  }
0x9d: {  	_ =	swait.ge [sflag:s16], $0x4000  }
0x9e: {  	[sflag:s16] =	ssyncset.done $0x0  }
0x9f: {  	[sflag:s16] =	ssyncadd.s32 $0xFFFFC000  }
0xa0: {  	_ =	swait.ge [sflag:s28], $0x4000  }
0xa1: {  	[sflag:s28] =	ssyncset.done $0x0  }
0xa2: {  	[sflag:s28] =	ssyncadd.s32 $0xFFFFC000  }
0xa3: {  	_ =	swait.ge [sflag:s29], $0x4000  }
0xa4: {  	[sflag:s29] =	ssyncset.done $0x0  }
0xa5: {  	s17 =	simm.s32 $0x0;
	[sflag:s29] =	ssyncadd.s32 $0xFFFFC000  }
0xa6: {  	v8 =	vld [tilespmem:s17+$0xD000]  }
0xa7: {  	v12 =	vld [tilespmem:s17+$0xD010]  }
0xa8: {  	v6 =	vld [tilespmem:s17+$0xD020]  }
0xa9: {  	v5 =	vld [tilespmem:s17+$0xD030]  }
0xaa: {  	v4 =	vld [tilespmem:s17+$0xD040]  }
0xab: {  	v3 =	vld [tilespmem:s17+$0xD050]  }
0xac: {  	v2 =	vld [tilespmem:s17+$0xD060]  }
0xad: {  	v1 =	vld [tilespmem:s17+$0xD070]  }
0xae: {  	v13 =	vld [tilespmem:s17+$0x9000]  }
0xaf: {  	v14 =	vld [tilespmem:s17+$0x9010]  }
0xb0: {  	v11 =	vld [tilespmem:s17+$0x9020]  }
0xb1: {  	v10 =	vld [tilespmem:s17+$0x9030]  }
0xb2: {  	v9 =	vld [tilespmem:s17+$0x9040]  }
0xb3: {  	v7 =	vld [tilespmem:s17+$0x9050];
	v13 =	vadd.f32 v8, v13  }
0xb4: {  	s31 =	simm.s32 $0x200;
	v12 =	vadd.f32 v12, v14;
	v8 =	vld [tilespmem:s17+$0x9060]  }
.LBB2_7:
0xb5: {  	s10 =	sshra.s32 s31, $0x2;
	p0 =	sne.s32 s31, $0xFE00;
	[tilespmem:s17+$0x9000] =	vst v13;
	v6 =	vadd.f32 v6, v11;
	v11 =	vld [tilespmem:s17+$0x9070]  }
0xb6: {  	v13 =	vld [tilespmem:s10+$0xD000];
	[tilespmem:s17+$0x9010] =	vst v12;
	v5 =	vadd.f32 v5, v10  }
0xb7: {  	v12 =	vld [tilespmem:s10+$0xD010];
	[tilespmem:s17+$0x9020] =	vst v6;
	v4 =	vadd.f32 v4, v9  }
0xb8: {  	v6 =	vld [tilespmem:s10+$0xD020];
	[tilespmem:s17+$0x9030] =	vst v5;
	v3 =	vadd.f32 v3, v7  }
0xb9: {  	v5 =	vld [tilespmem:s10+$0xD030];
	[tilespmem:s17+$0x9040] =	vst v4;
	v2 =	vadd.f32 v2, v8  }
0xba: {  	v4 =	vld [tilespmem:s10+$0xD040];
	[tilespmem:s17+$0x9050] =	vst v3;
	v1 =	vadd.f32 v1, v11  }
0xbb: {  	v3 =	vld [tilespmem:s10+$0xD050];
	[tilespmem:s17+$0x9060] =	vst v2  }
0xbc: {  	v2 =	vld [tilespmem:s10+$0xD060];
	[tilespmem:s17+$0x9070] =	vst v1;
	s17 =	smov.u32 s10  }
0xbd: {  	v1 =	vld [tilespmem:s17+$0xD070]  }
0xbe: {  	v7 =	vld [tilespmem:s17+$0x9000]  }
0xbf: {  	v8 =	vld [tilespmem:s17+$0x9010]  }
.Ltmp2:
0xc0: {  	v11 =	vld [tilespmem:s17+$0x9020];
	(pc) =	sbr.rel @p0 .LBB2_7-.Ltmp2, $4  }
0xc1: {  	v10 =	vld [tilespmem:s17+$0x9030]  }
0xc2: {  	v9 =	vld [tilespmem:s17+$0x9040]  }
0xc3: {  	v13 =	vadd.f32 v13, v7;
	v7 =	vld [tilespmem:s17+$0x9050]  }
0xc4: {  	s31 =	sadd.s32 $0x200, s31;
	v12 =	vadd.f32 v12, v8;
	v8 =	vld [tilespmem:s17+$0x9060]  }
0xc5: {  	[tilespmem:s17+$0x9000] =	vst v13;
	v6 =	vadd.f32 v6, v11;
	v63 =	vld [tilespmem:s17+$0x9070]  }
0xc6: {  	[tilespmem:s17+$0x9010] =	vst v12;
	v5 =	vadd.f32 v5, v10  }
0xc7: {  	[tilespmem:s17+$0x9020] =	vst v6;
	v4 =	vadd.f32 v4, v9  }
0xc8: {  	[tilespmem:s17+$0x9030] =	vst v5;
	v3 =	vadd.f32 v3, v7  }
0xc9: {  	[tilespmem:s17+$0x9040] =	vst v4;
	v2 =	vadd.f32 v2, v8  }
0xca: {  	s0 =	sadd.s32 $0x1, s0;
	[tilespmem:s17+$0x9050] =	vst v3;
	v1 =	vadd.f32 v1, v63  }
0xcb: {  	p0 =	sne.s32 s0, $0x8;
	[tilespmem:s17+$0x9060] =	vst v2  }
.Ltmp3:
0xcc: {  	s1 =	sadd.s32 s9, s1;
	[tilespmem:s17+$0x9070] =	vst v1;
	(pc) =	sbr.rel @p0 .LBB2_4-.Ltmp3, $4  }
0xcd: {  	[hbm4b:s1+s2] =	stream.linear.scatter [tilespmem:s24], [sflag:$0x5], $0x4000, $0x38;
	[tilespmem:$0x11000] =	vst v63  }
0xce: {  	_ =	swait.ge [sflag:s16], $0x4000  }
0xcf: {  	[sflag:s16] =	ssyncset.done $0x0  }
0xd0: {  	[sflag:s16] =	ssyncadd.s32 $0xFFFFC000  }
0xd1: {  	s30 =	sadd.s32 $0x1, s30  }
0xd2: {  	p0 =	sne.s32 s30, s14  }
.Ltmp4:
0xd3: {  	_ = 	snop;
	(pc) =	sbr.rel @p0 .LBB2_1-.Ltmp4, $1  }
0xd4: {  	_ =	sdelay $0x3  }
0xd5: {  	_ =	sfence.sel $0x180000  }
0xd6: {  	[bflag:$0x0] =	sbarrier.arrive $0xFFFF  }
0xd7: {  	_ =	strace $0x90000047  }
0xd8: {  	s0 =	stileid.u32;
	[bflag:$0x2] =	sbarrier.arrive $0xFFFF  }
0xd9: {  	p0 =	sne.s32 s0, $0x0;
	s0 =	rddreg [dreg:$0x1]  }
0xda: {  	s0 =	sadd.s32 @!p0 $0x100000, s0  }
0xdb: {  	[sflag:s0] =	ssyncadd.tile.s32 @!p0 $0x1;
	_ =	shalt  }
.Lfunc_end2:
_tile_overlayer_lowered:
.L_overlay_start_2:
0xdc: {  	(tag) =	ssettag $0x2  }
0xdd: {  	s0 =	rddreg [dreg:$0x0];
	s2 =	stileid.u32  }
0xde: {  	s1 =	rddreg [dreg:$0x1];
	p0 =	sne.s32 s2, $0x0  }
0xdf: {  	s3 =	rddreg [dreg:$0x2];
	[bflag:$0x3] =	sbarrier.arrive $0xFFFF;
	s2 =	simm.s32 @!p0 $0x1C05  }
0xe0: {  	[timem:s3], [sflag:s2] =	dma.local @!p0 [hbm:s0], s1  }
0xe1: {  	s0 =	simm.s32 @!p0 $0x5  }
0xe2: {  	_ =	swait.ge @!p0 [sflag:s0], s1  }
0xe3: {  	s1 =	ssub.s32 @!p0 $0x0, s1;
	[sflag:s0] =	ssyncset.done @!p0 $0x0  }
0xe4: {  	[sflag:s0] =	ssyncadd.s32 @!p0 s1  }
0xe5: {  	[bflag:$0x3] =	sbarrier.arrive $0xFFFF  }
0xe6: {  	_ =	shalt  }

// kernel: kernel.15.cloned.1.call-start
scs
__scs_entry_jumppad:
0x0: {  	(pc) =	sbr.rel $0x88, $3  }
0x1: {  	(tag) =	ssettag $0x0;
	lr =	simm.s32 $0x1  }
0x2: {  	[smem:$0x3F93] =	sst lr;
	_ =	strace $0xD0000000  }
0x3: {  	_ = 	snop  }
0x4: {  	_ = 	snop  }
0x5: {  	_ = 	snop  }
0x6: {  	_ = 	snop  }
0x7: {  	_ = 	snop  }
__scs_overlays_trampoline_lowered:
0x8: {  	[smem:$0x3FA2] =	sst s0  }
0x9: {  	[smem:$0x3FA3] =	sst s1  }
0xa: {  	[smem:$0x3FA4] =	sst s2  }
0xb: {  	[smem:$0x3FA5] =	sst s3  }
0xc: {  	[smem:$0x3FA6] =	sst s4  }
0xd: {  	[smem:$0x3FA7] =	sst s5  }
0xe: {  	[smem:$0x3FA8] =	sst s6  }
0xf: {  	[smem:$0x3FA9] =	sst s7  }
0x10: {  	[smem:$0x3FAA] =	sst s8  }
0x11: {  	[smem:$0x3FAB] =	sst s9;
	s0 =	simm.s32 @!p0 $0x0  }
0x12: {  	s1 =	sld [smem:$0x3F91];
	s0 =	simm.s32 @p0 $0x1  }
0x13: {  	[smem:$0x3FAC] =	sst s0;
	s0 =	simm.s32 @!p1 $0x0  }
0x14: {  	s2 =	sld [smem:$0x3F90];
	s0 =	simm.s32 @p1 $0x1  }
0x15: {  	[smem:$0x3FAD] =	sst s0;
	s0 =	simm.s32 @!p2 $0x0  }
0x16: {  	s3 =	sld [smem:$0x3FDB];
	s0 =	simm.s32 @p2 $0x1  }
0x17: {  	s4 =	simm.s32 $0x1BF5;
	[smem:$0x3FAF] =	sst s0  }
0x18: {  	s0 =	sld [smem:$0x3F92];
	_ =	swait.ge [sflag:s4], $0x0  }
0x19: {  	s7 =	sld [smem:$0x3F93]  }
0x1a: {  	s8 =	sadd.s32 $0xFFFFE003, lr  }
0x1b: {  	s9 =	sadd.s32 $0xFFFFFEF7, lr;
	s5 =	simm.s32 $0xFFFFFFFF;
	p2 =	slt.u32 s8, $0xFFFFF086  }
0x1c: {  	p1 =	slt.u32 s9, $0xF7A;
	s5 =	simm.s32 @!p2 $0x0  }
0x1d: {  	s5 =	simm.s32 @p1 $0x1;
	p0 =	seq.s32 s7, s2  }
0x1e: {  	s7 =	smul.u32 @!p0 $0xF7A, s2;
	p2 =	seq.s32 @!p0 s5, $0x0  }
0x1f: {  	s9 =	smul.u32 $0xF7A, s1;
	s8 =	simm.s32 @!p0 $0x1BF5;
	p2 =	por !p2, p0  }
0x20: {  	[sflag:s8] =	ssyncset.s32 @!p0 $0xFFFFF086;
	s6 =	sadd.s32 @!p0 s3, s7;
	s7 =	simm.s32 @!p0 $0x108  }
0x21: {  	s3 =	sadd.s32 s3, s9;
	s6 =	sadd.s32 @!p0 $0x88, s6;
	s7 =	simm.s32 @p2 $0x1082  }
0x22: {  	[simem:s7], [sflag:s8] =	dma.local @!p0 [hbm:s6], $0xF7A  }
0x23: {  	s9 =	sor.u32 $0xD0000000, s2;
	s6 =	simm.s32 $0x108;
	_ =	swait.ge @!p0 [sflag:s8], $0x0  }
0x24: {  	s3 =	sadd.s32 $0x88, s3;
	s6 =	simm.s32 @!p1 $0x1082;
	[sflag:s4] =	ssyncset.s32 $0xFFFFF086  }
0x25: {  	[simem:s6], [sflag:s4] =	dma.local [hbm:s3], $0xF7A  }
0x26: {  	[smem:$0x3F93] =	sst s1;
	(tag) =	ssettag s2;
	_ =	strace s9  }
0x27: {  	s1 =	sld [smem:$0x3FA3]  }
0x28: {  	s2 =	sld [smem:$0x3FA4]  }
0x29: {  	s4 =	sld [smem:$0x3FA6]  }
0x2a: {  	p0 =	seq.s32 s5, $0x0;
	s5 =	sld [smem:$0x3FA7]  }
0x2b: {  	s6 =	sld [smem:$0x3FA8]  }
0x2c: {  	s7 =	sld [smem:$0x3FA9]  }
0x2d: {  	s3 =	simm.s32 $0x108;
	s8 =	sld [smem:$0x3FAA]  }
0x2e: {  	s3 =	simm.s32 @!p0 $0x1082;
	s9 =	sld [smem:$0x3FAB]  }
0x2f: {  	lr =	sadd.s32 s0, s3;
	s0 =	sld [smem:$0x3FA2]  }
0x30: {  	s3 =	sld [smem:$0x3FA5]  }
0x31: {  	[smem:$0x3FAE] =	sst s10  }
0x32: {  	s10 =	sld [smem:$0x3FAC];
	_ =	sdelay $0x3  }
0x33: {  	p0 =	seq.s32 s10, $0x1;
	s10 =	sld [smem:$0x3FAE];
	_ =	sdelay $0x3  }
0x34: {  	[smem:$0x3FAE] =	sst s10  }
0x35: {  	s10 =	sld [smem:$0x3FAD];
	_ =	sdelay $0x3  }
0x36: {  	p1 =	seq.s32 s10, $0x1;
	s10 =	sld [smem:$0x3FAE];
	_ =	sdelay $0x3  }
0x37: {  	[smem:$0x3FAE] =	sst s10  }
0x38: {  	s10 =	sld [smem:$0x3FAF]  }
0x39: {  	_ = 	snop;
	(pc) =	sbr.ind lr, $3  }
0x3a: {  	_ = 	snop  }
0x3b: {  	_ = 	snop  }
0x3c: {  	p2 =	seq.s32 s10, $0x1;
	s10 =	sld [smem:$0x3FAE]  }
0x3d: {  	_ =	shalt  }
0x3e: {  	_ =	shalt  }
0x3f: {  	_ =	shalt  }
0x40: {  	_ =	shalt  }
0x41: {  	_ =	shalt  }
0x42: {  	_ =	shalt  }
0x43: {  	_ =	shalt  }
0x44: {  	_ =	shalt  }
0x45: {  	_ =	shalt  }
0x46: {  	_ =	shalt  }
0x47: {  	_ =	shalt  }
0x48: {  	_ =	shalt  }
0x49: {  	_ =	shalt  }
0x4a: {  	_ =	shalt  }
0x4b: {  	_ =	shalt  }
0x4c: {  	_ =	shalt  }
0x4d: {  	_ =	shalt  }
0x4e: {  	_ =	shalt  }
0x4f: {  	_ =	shalt  }
0x50: {  	_ =	shalt  }
0x51: {  	_ =	shalt  }
0x52: {  	_ =	shalt  }
0x53: {  	_ =	shalt  }
0x54: {  	_ =	shalt  }
0x55: {  	_ =	shalt  }
0x56: {  	_ =	shalt  }
0x57: {  	_ =	shalt  }
0x58: {  	_ =	shalt  }
0x59: {  	_ =	shalt  }
0x5a: {  	_ =	shalt  }
0x5b: {  	_ =	shalt  }
0x5c: {  	_ =	shalt  }
0x5d: {  	_ =	shalt  }
0x5e: {  	_ =	shalt  }
0x5f: {  	_ =	shalt  }
0x60: {  	_ =	shalt  }
0x61: {  	_ =	shalt  }
0x62: {  	_ =	shalt  }
0x63: {  	_ =	shalt  }
0x64: {  	_ =	shalt  }
0x65: {  	_ =	shalt  }
0x66: {  	_ =	shalt  }
0x67: {  	_ =	shalt  }
0x68: {  	_ =	shalt  }
0x69: {  	_ =	shalt  }
0x6a: {  	_ =	shalt  }
0x6b: {  	_ =	shalt  }
0x6c: {  	_ =	shalt  }
0x6d: {  	_ =	shalt  }
0x6e: {  	_ =	shalt  }
0x6f: {  	_ =	shalt  }
0x70: {  	_ =	shalt  }
0x71: {  	_ =	shalt  }
0x72: {  	_ =	shalt  }
0x73: {  	_ =	shalt  }
0x74: {  	_ =	shalt  }
0x75: {  	_ =	shalt  }
0x76: {  	_ =	shalt  }
0x77: {  	_ =	shalt  }
0x78: {  	_ =	shalt  }
0x79: {  	_ =	shalt  }
0x7a: {  	_ =	shalt  }
0x7b: {  	_ =	shalt  }
0x7c: {  	_ =	shalt  }
0x7d: {  	_ =	shalt  }
0x7e: {  	_ =	shalt  }
0x7f: {  	_ =	shalt  }
0x80: {  	_ =	shalt  }
0x81: {  	_ =	shalt  }
0x82: {  	_ =	shalt  }
0x83: {  	_ =	shalt  }
0x84: {  	_ =	shalt  }
0x85: {  	_ =	shalt  }
0x86: {  	_ =	shalt  }
0x87: {  	_ =	shalt  }
.Lfunc_end0:
.L_simem_size_0:
called_computation.1_lowered:
.L_overlay_start_0:
0x88: {  	s2 =	sld [smem:$0x3FD9]  }
0x89: {  	s3 =	sld [smem:$0x3FFE];
	_ =	sdelay $0x1  }
0x8a: {  	s1 =	srdreg.scid  }
0x8b: {  	s0 =	sand.u32 $0x1, s1  }
0x8c: {  	s17 =	sshll.u32 s0, $0xA;
	s2 =	sadd.s32 s3, s2  }
0x8d: {  	s2 =	sadd.s32 s2, s17  }
0x8e: {  	[smem:$0x3FBA] =	sst s2  }
0x8f: {  	_ = 	snop  }
0x90: {  	(tm) =	ssettm $0x1  }
0x91: {  	s18 =	sld [smem:$0x3FFB];
	_ =	sdelay $0x3  }
0x92: {  	_ =	strace s18  }
0x93: {  	s2 =	sld [smem:$0x3FFC];
	_ =	sdelay $0x3  }
0x94: {  	_ =	strace s2  }
0x95: {  	s2 =	sld [smem:$0x3FFD];
	_ =	sdelay $0x3  }
0x96: {  	_ =	strace s2  }
0x97: {  	_ =	strace $0x8FFFFFFF  }
0x98: {  	s19 =	sld [smem:$0x3FDB];
	_ =	sdelay $0x1  }
0x99: {  	s20 =	simm.s32 $_scs_section_size  }
0x9a: {  	s4 =	simm.s32 $_size__tile_overlayer_lowered;
	s5 =	simm.s32 $_tile_overlayer_lowered  }
0x9b: {  	s6 =	simm.s32 $0x1BFF;
	s21 =	sshll.u32 s5, $0x1;
	s3 =	sadd.s32 s20, s19  }
0x9c: {  	s22 =	simm.s32 $0x0;
	s4 =	sshll.u32 s4, $0x1;
	s5 =	sadd.s32 s21, s3  }
0x9d: {  	[timem:s22], [sflag:s6] =	dma.local [hbm:s5], s4  }
0x9e: {  	_ =	swait.ge [sflag:s6], s4  }
0x9f: {  	s4 =	ssub.s32 $0x0, s4;
	[sflag:s6] =	ssyncset.done $0x0  }
0xa0: {  	[sflag:s6] =	ssyncadd.s32 s4;
	_ =	sdelay $0x1  }
0xa1: {  	s23 =	simm.s32 $0x1B8B  }
0xa2: {  	_ =	swait.ge [sflag:s23], $0x1  }
0xa3: {  	[sflag:s23] =	ssyncset.done $0x0  }
0xa4: {  	[sflag:s23] =	ssyncadd.s32 $0xFFFFFFFF  }
0xa5: {  	s4 =	sld [smem:$0x0]  }
0xa6: {  	s5 =	sand.u32 $0xFFFFFFFE, s1  }
0xa7: {  	p0 =	sne.s32 s1, s5  }
0xa8: {  	s5 =	sshll.u32 @p0 s5, $0xE  }
0xa9: {  	s5 =	sadd.s32 @p0 $0x11B8D, s5;
	s6 =	sshll.u32 @p0 s4, $0x11  }
0xaa: {  	s5 =	sor.u32 @p0 s6, s5  }
0xab: {  	[sflag:s5] =	ssyncadd.remote.s32 @p0 $0x1;
	_ =	sdelay $0x1  }
0xac: {  	s5 =	simm.s32 @p0 $0x1B8D  }
0xad: {  	_ =	swait.eq @p0 [sflag:s5], $0x1  }
0xae: {  	[sflag:s5] =	ssyncadd.s32 @p0 $0xFFFFFFFF  }
0xaf: {  	s6 =	sshll.u32 @!p0 s1, $0xE  }
0xb0: {  	s6 =	sor.u32 @!p0 $0x4000, s6;
	s5 =	simm.s32 @!p0 $0x1B8D  }
0xb1: {  	s4 =	sshll.u32 @!p0 s4, $0x11;
	s6 =	sadd.s32 @!p0 $0x11B8D, s6;
	_ =	swait.eq @!p0 [sflag:s5], $0x1  }
0xb2: {  	s4 =	sor.u32 @!p0 s4, s6;
	[sflag:s5] =	ssyncadd.s32 @!p0 $0xFFFFFFFF  }
0xb3: {  	s25 =	simm.s32 $0x1B8E;
	s24 =	sld [smem:$0x3FFE];
	[sflag:s4] =	ssyncadd.remote.s32 @!p0 $0x1  }
0xb4: {  	s26 =	simm.s32 $execute0_lowered;
	[smem:$0x3FD2] =	sst s25  }
0xb5: {  	s5 =	sshll.u32 s26, $0x1;
	_ =	strace $0x80000049;
	[dreg:$0x1] =	wrdreg $0xFFFFFFFF  }
0xb6: {  	s28 =	simm.s32 $_size_execute0_lowered;
	s3 =	sadd.s32 s3, s5;
	[dreg:$0x0] =	wrdreg $0x0  }
0xb7: {  	s5 =	sshll.u32 s28, $0x1;
	[dreg:$0x2] =	wrdreg s3  }
0xb8: {  	[dreg:$0x3] =	wrdreg s5  }
0xb9: {  	[dreg:$0x4] =	wrdreg $0xC0  }
0xba: {  	_ =	task [dreg:s22], $0x5FFFF  }
0xbb: {  	[dreg:$0x1] =	wrdreg $0xFFFFFFFF  }
0xbc: {  	[dreg:$0x0] =	wrdreg $0x60  }
0xbd: {  	[dreg:$0x2] =	wrdreg s24  }
0xbe: {  	[dreg:$0x3] =	wrdreg $0xA  }
0xbf: {  	_ =	task.clear_ibuf [dreg:s22], $0x4FFFF;
	_ =	strace $0x90000049  }
0xc0: {  	s29 =	simm.s32 $0xA;
	_ =	strace $0x8000004B  }
0xc1: {  	_ =	swait.ge [sflag:s29], $0x1  }
0xc2: {  	[sflag:s29] =	ssyncadd.s32 $0xFFFFFFFF  }
0xc3: {  	_ =	strace $0x9000004B  }
0xc4: {  	_ =	sfence  }
0xc5: {  	s30 =	sld [smem:$0x0];
	_ =	sdelay $0x2  }
0xc6: {  	s31 =	sshll.u32 s1, $0xD;
	s1 =	sshrl.u32 s1, $0x2  }
0xc7: {  	s4 =	sand.u32 $0x4000, s31;
	s1 =	sadd.s32 s1, s30  }
0xc8: {  	s0 =	sor.u32 s4, s0;
	s1 =	sshll.u32 s1, $0x11  }
0xc9: {  	s0 =	sor.u32 s1, s0  }
0xca: {  	s0 =	sadd.s32 $0x8F2B, s0  }
0xcb: {  	[sflag:s0] =	ssyncadd.remote.s32 $0x1  }
0xcc: {  	_ =	sfence.sel $0xFFFF  }
0xcd: {  	[dreg:$0x0] =	wrdreg $0xFFFFFFFF;
	(pc) =	sbr.abs _section_cstart, $3  }
0xce: {  	[dreg:$0x1] =	wrdreg $0xFFFFFFFF  }
0xcf: {  	_ =	task.clear_ibuf [dreg:s22], $0x2FFFF;
	_ =	strace $0x9FFFFFFF  }
0xd0: {  	(tm) =	ssettm $0x7FFFFFFF  }
0xd1: {  	_ =	shalt  }
tec
execute0_lowered:
.L_overlay_start_1:
0x0: {  	(tag) =	ssettag $0x1  }
0x1: {  	s0 =	rddreg [dreg:$0x0]  }
0x2: {  	s1 =	srdreg.scid;
	s3 =	stileid.u32;
	s2 =	simm.s32 $0x0  }
0x3: {  	s16 =	simm.s32 $0x5;
	s19 =	simm.s32 $0xC00;
	s20 =	simm.s32 $0x80  }
0x4: {  	s21 =	simm.s32 $0x1000;
	s22 =	simm.s32 $0x5000;
	s23 =	simm.s32 $0x9000  }
0x5: {  	s24 =	simm.s32 $0xD000;
	s25 =	simm.s32 $0x1;
	s28 =	simm.s32 $0x3  }
0x6: {  	s29 =	simm.s32 $0x4;
	s30 =	simm.s32 $0x0;
	s1 =	sand.u32 $0x1, s1  }
0x7: {  	s3 =	sshll.u32 s3, $0x4;
	[smem:$0x7FF] =	sst s2;
	s5 =	sadd.s32 $0xD4000, s0  }
0x8: {  	s6 =	sadd.s32 $0x14000, s0;
	s8 =	sadd.s32 $0x54000, s0;
	s4 =	sshll.u32 s1, $0x3  }
0x9: {  	s9 =	sadd.s32 $0x214000, s0;
	s10 =	sadd.s32 $0x294000, s0;
	s3 =	sor.u32 s4, s3  }
0xa: {  	_ =	strace $0x8000004A;
	s1 =	ssub.s32 $0x2, s1;
	s7 =	sshll.u32 s3, $0x4  }
0xb: {  	s4 =	sadd.s32 $0x94000, s0;
	s26 =	sshrl.u32 s1, $0x1;
	s17 =	sor.u32 $0x1000, s7  }
0xc: {  	s7 =	sadd.s32 s17, s0;
	s0 =	ssub.s32 s1, s26;
	s31 =	sand.u32 $0x1C00, s17  }
0xd: {  	s26 =	simm.s32 $0x2;
	s11 =	sadd.s32 $0x8000, s7;
	s12 =	sadd.s32 $0x4000, s7  }
0xe: {  	s13 =	sadd.s32 $0x10000, s7;
	s14 =	sadd.s32 $0xC000, s7;
	s15 =	smax.u32 s0, $0x1;
	v0 =	vmov s31  }
.LBB2_1:
0xf: {  	[tilespmem:s2], [sflag:$0x5] =	stream.linear.gather [hbm4b:s11+s2], $0x400, $0x38;
	[tilespmem:$0x11000] =	vst v63  }
0x10: {  	_ =	swait.ge [sflag:s16], $0x400  }
0x11: {  	[sflag:s16] =	ssyncset.done $0x0  }
0x12: {  	s0 =	simm.s32 $0x400;
	[sflag:s16] =	ssyncadd.s32 $0xFFFFFC00  }
0x13: {  	[tilespmem:s0], [sflag:$0x5] =	stream.linear.gather [hbm4b:s12+s2], $0x400, $0x38;
	[tilespmem:$0x11000] =	vst v63  }
0x14: {  	_ =	swait.ge [sflag:s16], $0x400  }
0x15: {  	[sflag:s16] =	ssyncset.done $0x0  }
0x16: {  	s18 =	simm.s32 $0x800;
	[sflag:s16] =	ssyncadd.s32 $0xFFFFFC00  }
0x17: {  	[tilespmem:s18], [sflag:$0x5] =	stream.linear.gather [hbm4b:s13+s2], $0x400, $0x38;
	[tilespmem:$0x11000] =	vst v63  }
0x18: {  	_ =	swait.ge [sflag:s16], $0x400  }
0x19: {  	[sflag:s16] =	ssyncset.done $0x0  }
0x1a: {  	[sflag:s16] =	ssyncadd.s32 $0xFFFFFC00  }
0x1b: {  	[tilespmem:s19], [sflag:$0x5] =	stream.linear.gather [hbm4b:s14+s2], $0x400, $0x38;
	[tilespmem:$0x11000] =	vst v63  }
0x1c: {  	_ =	swait.ge [sflag:s16], $0x400  }
0x1d: {  	[sflag:s16] =	ssyncset.done $0x0  }
0x1e: {  	s31 =	simm.s32 $0x0;
	[sflag:s16] =	ssyncadd.s32 $0xFFFFFC00  }
0x1f: {  	v1 =	vld [tilespmem:s31+$0x0]  }
0x20: {  	v2 =	vld [tilespmem:s31+$0x400]  }
0x21: {  	v3 =	vld [tilespmem:s31+$0x800]  }
0x22: {  	v4 =	vld [tilespmem:s31+$0xC00]  }
0x23: {  	v5 =	vld [tilespmem:s31+$0x10]  }
0x24: {  	v6 =	vld [tilespmem:s31+$0x410];
	v1 =	vadd.s32 v0, v1  }
0x25: {  	s0 =	sand.u32 $0x7FFFFFC0, s17;
	[tilespmem:s31+$0x0] =	vst v1;
	v1 =	vadd.s32 v0, v2;
	v2 =	vld [tilespmem:s31+$0x810]  }
0x26: {  	[tilespmem:s31+$0x400] =	vst v1;
	v1 =	vadd.s32 s0, v3;
	v3 =	vld [tilespmem:s31+$0xC10]  }
0x27: {  	[tilespmem:s31+$0x800] =	vst v1;
	v1 =	vadd.s32 s0, v4;
	v4 =	vld [tilespmem:s31+$0x20]  }
0x28: {  	[tilespmem:s31+$0xC00] =	vst v1;
	v1 =	vadd.s32 v0, v5;
	v5 =	vld [tilespmem:s31+$0x420]  }
0x29: {  	[tilespmem:s31+$0x10] =	vst v1;
	v1 =	vadd.s32 v0, v6;
	v6 =	vld [tilespmem:s31+$0x820]  }
0x2a: {  	[tilespmem:s31+$0x410] =	vst v1;
	v1 =	vadd.s32 s0, v2;
	v2 =	vld [tilespmem:s31+$0xC20]  }
0x2b: {  	[tilespmem:s31+$0x810] =	vst v1;
	v1 =	vadd.s32 s0, v3;
	v3 =	vld [tilespmem:s31+$0x30]  }
0x2c: {  	[tilespmem:s31+$0xC10] =	vst v1;
	v1 =	vadd.s32 v0, v4;
	v4 =	vld [tilespmem:s31+$0x430]  }
0x2d: {  	[tilespmem:s31+$0x20] =	vst v1;
	v1 =	vadd.s32 v0, v5;
	v5 =	vld [tilespmem:s31+$0x830]  }
0x2e: {  	[tilespmem:s31+$0x420] =	vst v1;
	v1 =	vadd.s32 s0, v6;
	v6 =	vld [tilespmem:s31+$0xC30]  }
0x2f: {  	[tilespmem:s31+$0x820] =	vst v1;
	v1 =	vadd.s32 s0, v2;
	v2 =	vld [tilespmem:s31+$0x40]  }
0x30: {  	[tilespmem:s31+$0xC20] =	vst v1;
	v1 =	vadd.s32 v0, v3;
	v3 =	vld [tilespmem:s31+$0x440]  }
0x31: {  	[tilespmem:s31+$0x30] =	vst v1;
	v1 =	vadd.s32 v0, v4;
	v4 =	vld [tilespmem:s31+$0x840]  }
0x32: {  	[tilespmem:s31+$0x430] =	vst v1;
	v1 =	vadd.s32 s0, v5;
	v5 =	vld [tilespmem:s31+$0xC40]  }
0x33: {  	[tilespmem:s31+$0x830] =	vst v1;
	v1 =	vadd.s32 s0, v6;
	v6 =	vld [tilespmem:s31+$0x50]  }
0x34: {  	[tilespmem:s31+$0xC30] =	vst v1;
	v1 =	vadd.s32 v0, v2;
	v2 =	vld [tilespmem:s31+$0x450]  }
0x35: {  	[tilespmem:s31+$0x40] =	vst v1;
	v1 =	vadd.s32 v0, v3;
	v3 =	vld [tilespmem:s31+$0x850]  }
0x36: {  	[tilespmem:s31+$0x440] =	vst v1;
	v1 =	vadd.s32 s0, v4;
	v4 =	vld [tilespmem:s31+$0xC50]  }
0x37: {  	[tilespmem:s31+$0x840] =	vst v1;
	v1 =	vadd.s32 s0, v5;
	v5 =	vld [tilespmem:s31+$0x60]  }
0x38: {  	[tilespmem:s31+$0xC40] =	vst v1;
	v1 =	vadd.s32 v0, v6;
	v6 =	vld [tilespmem:s31+$0x460]  }
0x39: {  	[tilespmem:s31+$0x50] =	vst v1;
	v1 =	vadd.s32 v0, v2;
	v2 =	vld [tilespmem:s31+$0x860]  }
0x3a: {  	[tilespmem:s31+$0x450] =	vst v1;
	v3 =	vadd.s32 s0, v3;
	v1 =	vld [tilespmem:s31+$0xC60]  }
0x3b: {  	[tilespmem:s31+$0x850] =	vst v3;
	v4 =	vadd.s32 s0, v4;
	v3 =	vld [tilespmem:s31+$0x70]  }
0x3c: {  	[tilespmem:s31+$0xC50] =	vst v4;
	v5 =	vadd.s32 v0, v5;
	v4 =	vld [tilespmem:s31+$0x470]  }
0x3d: {  	s1 =	simm.s32 $0x200;
	s7 =	smov.u32 s17;
	[tilespmem:s31+$0x60] =	vst v5;
	v6 =	vadd.s32 v0, v6;
	v5 =	vld [tilespmem:s31+$0x870]  }
.LBB2_2:
0x3e: {  	s18 =	sshra.s32 s1, $0x2;
	p0 =	sne.s32 s1, $0xE00;
	[tilespmem:s31+$0x460] =	vst v6;
	v2 =	vadd.s32 s0, v2;
	v6 =	vld [tilespmem:s31+$0xC70]  }
0x3f: {  	v7 =	vld [tilespmem:s18+$0x0];
	[tilespmem:s31+$0x860] =	vst v2;
	v1 =	vadd.s32 s0, v1  }
0x40: {  	v2 =	vld [tilespmem:s18+$0x400];
	[tilespmem:s31+$0xC60] =	vst v1;
	v1 =	vadd.s32 v0, v3  }
0x41: {  	v3 =	vld [tilespmem:s18+$0x800];
	[tilespmem:s31+$0x70] =	vst v1;
	v1 =	vadd.s32 v0, v4  }
0x42: {  	v4 =	vld [tilespmem:s18+$0xC00];
	[tilespmem:s31+$0x470] =	vst v1;
	v1 =	vadd.s32 s0, v5  }
0x43: {  	v5 =	vld [tilespmem:s18+$0x10];
	[tilespmem:s31+$0x870] =	vst v1;
	v1 =	vadd.s32 s0, v6  }
0x44: {  	s7 =	sadd.s32 $0x10, s7;
	v6 =	vadd.s32 v0, v7;
	v7 =	vld [tilespmem:s18+$0x410];
	[tilespmem:s31+$0xC70] =	vst v1;
	s31 =	smov.u32 s18  }
0x45: {  	s0 =	sand.u32 $0x7FFFFFC0, s7;
	[tilespmem:s31+$0x0] =	vst v6;
	v1 =	vadd.s32 v0, v2;
	v2 =	vld [tilespmem:s31+$0x810]  }
0x46: {  	[tilespmem:s31+$0x400] =	vst v1;
	v1 =	vadd.s32 s0, v3;
	v3 =	vld [tilespmem:s31+$0xC10]  }
0x47: {  	[tilespmem:s31+$0x800] =	vst v1;
	v1 =	vadd.s32 s0, v4;
	v4 =	vld [tilespmem:s31+$0x20]  }
0x48: {  	[tilespmem:s31+$0xC00] =	vst v1;
	v1 =	vadd.s32 v0, v5;
	v5 =	vld [tilespmem:s31+$0x420]  }
0x49: {  	[tilespmem:s31+$0x10] =	vst v1;
	v1 =	vadd.s32 v0, v7;
	v6 =	vld [tilespmem:s31+$0x820]  }
0x4a: {  	[tilespmem:s31+$0x410] =	vst v1;
	v1 =	vadd.s32 s0, v2;
	v2 =	vld [tilespmem:s31+$0xC20]  }
0x4b: {  	[tilespmem:s31+$0x810] =	vst v1;
	v1 =	vadd.s32 s0, v3;
	v3 =	vld [tilespmem:s31+$0x30]  }
0x4c: {  	[tilespmem:s31+$0xC10] =	vst v1;
	v1 =	vadd.s32 v0, v4;
	v4 =	vld [tilespmem:s31+$0x430]  }
0x4d: {  	[tilespmem:s31+$0x20] =	vst v1;
	v1 =	vadd.s32 v0, v5;
	v5 =	vld [tilespmem:s31+$0x830]  }
0x4e: {  	[tilespmem:s31+$0x420] =	vst v1;
	v1 =	vadd.s32 s0, v6;
	v6 =	vld [tilespmem:s31+$0xC30]  }
0x4f: {  	[tilespmem:s31+$0x820] =	vst v1;
	v1 =	vadd.s32 s0, v2;
	v2 =	vld [tilespmem:s31+$0x40]  }
0x50: {  	[tilespmem:s31+$0xC20] =	vst v1;
	v1 =	vadd.s32 v0, v3;
	v3 =	vld [tilespmem:s31+$0x440]  }
0x51: {  	[tilespmem:s31+$0x30] =	vst v1;
	v1 =	vadd.s32 v0, v4;
	v4 =	vld [tilespmem:s31+$0x840]  }
0x52: {  	[tilespmem:s31+$0x430] =	vst v1;
	v1 =	vadd.s32 s0, v5;
	v5 =	vld [tilespmem:s31+$0xC40]  }
0x53: {  	[tilespmem:s31+$0x830] =	vst v1;
	v1 =	vadd.s32 s0, v6;
	v6 =	vld [tilespmem:s31+$0x50]  }
0x54: {  	[tilespmem:s31+$0xC30] =	vst v1;
	v1 =	vadd.s32 v0, v2;
	v2 =	vld [tilespmem:s31+$0x450]  }
0x55: {  	[tilespmem:s31+$0x40] =	vst v1;
	v1 =	vadd.s32 v0, v3;
	v3 =	vld [tilespmem:s31+$0x850]  }
0x56: {  	[tilespmem:s31+$0x440] =	vst v1;
	v1 =	vadd.s32 s0, v4;
	v4 =	vld [tilespmem:s31+$0xC50]  }
0x57: {  	[tilespmem:s31+$0x840] =	vst v1;
	v1 =	vadd.s32 s0, v5;
	v5 =	vld [tilespmem:s31+$0x60]  }
0x58: {  	[tilespmem:s31+$0xC40] =	vst v1;
	v1 =	vadd.s32 v0, v6;
	v6 =	vld [tilespmem:s31+$0x460]  }
.Ltmp0:
0x59: {  	[tilespmem:s31+$0x50] =	vst v1;
	v1 =	vadd.s32 v0, v2;
	v2 =	vld [tilespmem:s31+$0x860];
	(pc) =	sbr.rel @p0 .LBB2_2-.Ltmp0, $4  }
0x5a: {  	[tilespmem:s31+$0x450] =	vst v1;
	v3 =	vadd.s32 s0, v3;
	v1 =	vld [tilespmem:s31+$0xC60]  }
0x5b: {  	[tilespmem:s31+$0x850] =	vst v3;
	v4 =	vadd.s32 s0, v4;
	v3 =	vld [tilespmem:s31+$0x70]  }
0x5c: {  	[tilespmem:s31+$0xC50] =	vst v4;
	v5 =	vadd.s32 v0, v5;
	v4 =	vld [tilespmem:s31+$0x470]  }
0x5d: {  	s1 =	sadd.s32 $0x200, s1;
	[tilespmem:s31+$0x60] =	vst v5;
	v6 =	vadd.s32 v0, v6;
	v5 =	vld [tilespmem:s31+$0x870]  }
0x5e: {  	[tilespmem:s31+$0x460] =	vst v6;
	v2 =	vadd.s32 s0, v2;
	v63 =	vld [tilespmem:s31+$0xC70]  }
0x5f: {  	[tilespmem:s31+$0x860] =	vst v2;
	v1 =	vadd.s32 s0, v1  }
0x60: {  	[tilespmem:s31+$0xC60] =	vst v1;
	v1 =	vadd.s32 v0, v3  }
0x61: {  	[tilespmem:s31+$0x70] =	vst v1;
	v1 =	vadd.s32 v0, v4  }
0x62: {  	[tilespmem:s31+$0x470] =	vst v1;
	v1 =	vadd.s32 s0, v5  }
0x63: {  	[tilespmem:s31+$0x870] =	vst v1;
	v1 =	vadd.s32 s0, v63  }
0x64: {  	[tilespmem:s31+$0xC70] =	vst v1;
	s31 =	simm.s32 $0x0  }
.LBB2_4:
0x65: {  	s0 =	sshll.u32 s31, $0x7  }
0x66: {  	[tilespmem:s21], [sflag:$0x1] =	stream.indirect.gather [hbm4b:s4+s20], $0x80, s0, s20, $0xb8;
	[tilespmem:$0x11000] =	vst v63  }
0x67: {  	s1 =	sadd.s32 $0x400, s0  }
0x68: {  	[tilespmem:s22], [sflag:$0x2] =	stream.indirect.gather [hbm4b:s5+s20], $0x80, s1, s20, $0xb8;
	[tilespmem:$0x11000] =	vst v63  }
0x69: {  	s18 =	sadd.s32 $0x800, s0  }
0x6a: {  	[tilespmem:s23], [sflag:$0x3] =	stream.indirect.gather [hbm4b:s6+s20], $0x80, s18, s20, $0xb8;
	[tilespmem:$0x11000] =	vst v63  }
0x6b: {  	s0 =	sadd.s32 $0xC00, s0  }
0x6c: {  	[tilespmem:s24], [sflag:$0x4] =	stream.indirect.gather [hbm4b:s8+s20], $0x80, s0, s20, $0xb8;
	[tilespmem:$0x11000] =	vst v63  }
0x6d: {  	_ =	swait.ge [sflag:s25], $0x4000  }
0x6e: {  	[sflag:s25] =	ssyncset.done $0x0  }
0x6f: {  	[sflag:s25] =	ssyncadd.s32 $0xFFFFC000  }
0x70: {  	_ =	swait.ge [sflag:s26], $0x4000  }
0x71: {  	[sflag:s26] =	ssyncset.done $0x0  }
0x72: {  	s1 =	simm.s32 $0x0;
	[sflag:s26] =	ssyncadd.s32 $0xFFFFC000  }
0x73: {  	v8 =	vld [tilespmem:s1+$0x5000]  }
0x74: {  	v12 =	vld [tilespmem:s1+$0x5010]  }
0x75: {  	v6 =	vld [tilespmem:s1+$0x5020]  }
0x76: {  	v5 =	vld [tilespmem:s1+$0x5030]  }
0x77: {  	v4 =	vld [tilespmem:s1+$0x5040]  }
0x78: {  	v3 =	vld [tilespmem:s1+$0x5050]  }
0x79: {  	v2 =	vld [tilespmem:s1+$0x5060]  }
0x7a: {  	v1 =	vld [tilespmem:s1+$0x5070]  }
0x7b: {  	v13 =	vld [tilespmem:s1+$0x1000]  }
0x7c: {  	v14 =	vld [tilespmem:s1+$0x1010]  }
0x7d: {  	v11 =	vld [tilespmem:s1+$0x1020]  }
0x7e: {  	v10 =	vld [tilespmem:s1+$0x1030]  }
0x7f: {  	v9 =	vld [tilespmem:s1+$0x1040]  }
0x80: {  	v7 =	vld [tilespmem:s1+$0x1050];
	v13 =	vadd.f32 v8, v13  }
0x81: {  	s0 =	simm.s32 $0x200;
	v12 =	vadd.f32 v12, v14;
	v8 =	vld [tilespmem:s1+$0x1060]  }
.LBB2_5:
0x82: {  	s7 =	sshra.s32 s0, $0x2;
	p0 =	sne.s32 s0, $0xFE00;
	[tilespmem:s1+$0x1000] =	vst v13;
	v6 =	vadd.f32 v6, v11;
	v11 =	vld [tilespmem:s1+$0x1070]  }
0x83: {  	v13 =	vld [tilespmem:s7+$0x5000];
	[tilespmem:s1+$0x1010] =	vst v12;
	v5 =	vadd.f32 v5, v10  }
0x84: {  	v12 =	vld [tilespmem:s7+$0x5010];
	[tilespmem:s1+$0x1020] =	vst v6;
	v4 =	vadd.f32 v4, v9  }
0x85: {  	v6 =	vld [tilespmem:s7+$0x5020];
	[tilespmem:s1+$0x1030] =	vst v5;
	v3 =	vadd.f32 v3, v7  }
0x86: {  	v5 =	vld [tilespmem:s7+$0x5030];
	[tilespmem:s1+$0x1040] =	vst v4;
	v2 =	vadd.f32 v2, v8  }
0x87: {  	v4 =	vld [tilespmem:s7+$0x5040];
	[tilespmem:s1+$0x1050] =	vst v3;
	v1 =	vadd.f32 v1, v11  }
0x88: {  	v3 =	vld [tilespmem:s7+$0x5050];
	[tilespmem:s1+$0x1060] =	vst v2  }
0x89: {  	v2 =	vld [tilespmem:s7+$0x5060];
	[tilespmem:s1+$0x1070] =	vst v1;
	s1 =	smov.u32 s7  }
0x8a: {  	v1 =	vld [tilespmem:s1+$0x5070]  }
0x8b: {  	v7 =	vld [tilespmem:s1+$0x1000]  }
0x8c: {  	v8 =	vld [tilespmem:s1+$0x1010]  }
.Ltmp1:
0x8d: {  	v11 =	vld [tilespmem:s1+$0x1020];
	(pc) =	sbr.rel @p0 .LBB2_5-.Ltmp1, $4  }
0x8e: {  	v10 =	vld [tilespmem:s1+$0x1030]  }
0x8f: {  	v9 =	vld [tilespmem:s1+$0x1040]  }
0x90: {  	v13 =	vadd.f32 v13, v7;
	v7 =	vld [tilespmem:s1+$0x1050]  }
0x91: {  	s0 =	sadd.s32 $0x200, s0;
	v12 =	vadd.f32 v12, v8;
	v8 =	vld [tilespmem:s1+$0x1060]  }
0x92: {  	[tilespmem:s1+$0x1000] =	vst v13;
	v6 =	vadd.f32 v6, v11;
	v11 =	vld [tilespmem:s1+$0x1070]  }
0x93: {  	[tilespmem:s1+$0x1010] =	vst v12;
	v5 =	vadd.f32 v5, v10  }
0x94: {  	[tilespmem:s1+$0x1020] =	vst v6;
	v4 =	vadd.f32 v4, v9  }
0x95: {  	[tilespmem:s1+$0x1030] =	vst v5;
	v3 =	vadd.f32 v3, v7  }
0x96: {  	[tilespmem:s1+$0x1040] =	vst v4;
	v2 =	vadd.f32 v2, v8  }
0x97: {  	s0 =	sor.u32 s3, s31;
	[tilespmem:s1+$0x1050] =	vst v3;
	v1 =	vadd.f32 v1, v11  }
0x98: {  	s0 =	sshll.u32 s0, $0xB;
	[tilespmem:s1+$0x1060] =	vst v2  }
0x99: {  	s7 =	simm.s32 $0x0;
	s18 =	sadd.s32 s9, s0;
	[tilespmem:s1+$0x1070] =	vst v1  }
0x9a: {  	[hbm4b:s18+s7] =	stream.linear.scatter [tilespmem:s21], [sflag:$0x5], $0x4000, $0x38;
	[tilespmem:$0x11000] =	vst v63  }
0x9b: {  	_ =	swait.ge [sflag:s16], $0x4000  }
0x9c: {  	[sflag:s16] =	ssyncset.done $0x0  }
0x9d: {  	[sflag:s16] =	ssyncadd.s32 $0xFFFFC000  }
0x9e: {  	_ =	swait.ge [sflag:s28], $0x4000  }
0x9f: {  	[sflag:s28] =	ssyncset.done $0x0  }
0xa0: {  	[sflag:s28] =	ssyncadd.s32 $0xFFFFC000  }
0xa1: {  	_ =	swait.ge [sflag:s29], $0x4000  }
0xa2: {  	[sflag:s29] =	ssyncset.done $0x0  }
0xa3: {  	s1 =	simm.s32 $0x0;
	[sflag:s29] =	ssyncadd.s32 $0xFFFFC000  }
0xa4: {  	v8 =	vld [tilespmem:s1+$0xD000]  }
0xa5: {  	v12 =	vld [tilespmem:s1+$0xD010]  }
0xa6: {  	v6 =	vld [tilespmem:s1+$0xD020]  }
0xa7: {  	v5 =	vld [tilespmem:s1+$0xD030]  }
0xa8: {  	v4 =	vld [tilespmem:s1+$0xD040]  }
0xa9: {  	v3 =	vld [tilespmem:s1+$0xD050]  }
0xaa: {  	v2 =	vld [tilespmem:s1+$0xD060]  }
0xab: {  	v1 =	vld [tilespmem:s1+$0xD070]  }
0xac: {  	v13 =	vld [tilespmem:s1+$0x9000]  }
0xad: {  	v14 =	vld [tilespmem:s1+$0x9010]  }
0xae: {  	v11 =	vld [tilespmem:s1+$0x9020]  }
0xaf: {  	v10 =	vld [tilespmem:s1+$0x9030]  }
0xb0: {  	v9 =	vld [tilespmem:s1+$0x9040]  }
0xb1: {  	v7 =	vld [tilespmem:s1+$0x9050];
	v13 =	vadd.f32 v8, v13  }
0xb2: {  	s7 =	simm.s32 $0x200;
	v12 =	vadd.f32 v12, v14;
	v8 =	vld [tilespmem:s1+$0x9060]  }
.LBB2_7:
0xb3: {  	s18 =	sshra.s32 s7, $0x2;
	p0 =	sne.s32 s7, $0xFE00;
	[tilespmem:s1+$0x9000] =	vst v13;
	v6 =	vadd.f32 v6, v11;
	v11 =	vld [tilespmem:s1+$0x9070]  }
0xb4: {  	v13 =	vld [tilespmem:s18+$0xD000];
	[tilespmem:s1+$0x9010] =	vst v12;
	v5 =	vadd.f32 v5, v10  }
0xb5: {  	v12 =	vld [tilespmem:s18+$0xD010];
	[tilespmem:s1+$0x9020] =	vst v6;
	v4 =	vadd.f32 v4, v9  }
0xb6: {  	v6 =	vld [tilespmem:s18+$0xD020];
	[tilespmem:s1+$0x9030] =	vst v5;
	v3 =	vadd.f32 v3, v7  }
0xb7: {  	v5 =	vld [tilespmem:s18+$0xD030];
	[tilespmem:s1+$0x9040] =	vst v4;
	v2 =	vadd.f32 v2, v8  }
0xb8: {  	v4 =	vld [tilespmem:s18+$0xD040];
	[tilespmem:s1+$0x9050] =	vst v3;
	v1 =	vadd.f32 v1, v11  }
0xb9: {  	v3 =	vld [tilespmem:s18+$0xD050];
	[tilespmem:s1+$0x9060] =	vst v2  }
0xba: {  	v2 =	vld [tilespmem:s18+$0xD060];
	[tilespmem:s1+$0x9070] =	vst v1;
	s1 =	smov.u32 s18  }
0xbb: {  	v1 =	vld [tilespmem:s1+$0xD070]  }
0xbc: {  	v7 =	vld [tilespmem:s1+$0x9000]  }
0xbd: {  	v8 =	vld [tilespmem:s1+$0x9010]  }
.Ltmp2:
0xbe: {  	v11 =	vld [tilespmem:s1+$0x9020];
	(pc) =	sbr.rel @p0 .LBB2_7-.Ltmp2, $4  }
0xbf: {  	v10 =	vld [tilespmem:s1+$0x9030]  }
0xc0: {  	v9 =	vld [tilespmem:s1+$0x9040]  }
0xc1: {  	v13 =	vadd.f32 v13, v7;
	v7 =	vld [tilespmem:s1+$0x9050]  }
0xc2: {  	s7 =	sadd.s32 $0x200, s7;
	v12 =	vadd.f32 v12, v8;
	v8 =	vld [tilespmem:s1+$0x9060]  }
0xc3: {  	[tilespmem:s1+$0x9000] =	vst v13;
	v6 =	vadd.f32 v6, v11;
	v63 =	vld [tilespmem:s1+$0x9070]  }
0xc4: {  	[tilespmem:s1+$0x9010] =	vst v12;
	v5 =	vadd.f32 v5, v10  }
0xc5: {  	[tilespmem:s1+$0x9020] =	vst v6;
	v4 =	vadd.f32 v4, v9  }
0xc6: {  	[tilespmem:s1+$0x9030] =	vst v5;
	v3 =	vadd.f32 v3, v7  }
0xc7: {  	[tilespmem:s1+$0x9040] =	vst v4;
	v2 =	vadd.f32 v2, v8  }
0xc8: {  	s31 =	sadd.s32 $0x1, s31;
	[tilespmem:s1+$0x9050] =	vst v3;
	v1 =	vadd.f32 v1, v63  }
0xc9: {  	p0 =	sne.s32 s31, $0x8;
	[tilespmem:s1+$0x9060] =	vst v2  }
.Ltmp3:
0xca: {  	s0 =	sadd.s32 s10, s0;
	[tilespmem:s1+$0x9070] =	vst v1;
	(pc) =	sbr.rel @p0 .LBB2_4-.Ltmp3, $4  }
0xcb: {  	[hbm4b:s0+s2] =	stream.linear.scatter [tilespmem:s23], [sflag:$0x5], $0x4000, $0x38;
	[tilespmem:$0x11000] =	vst v63  }
0xcc: {  	_ =	swait.ge [sflag:s16], $0x4000  }
0xcd: {  	[sflag:s16] =	ssyncset.done $0x0  }
0xce: {  	[sflag:s16] =	ssyncadd.s32 $0xFFFFC000  }
0xcf: {  	s30 =	sadd.s32 $0x1, s30  }
0xd0: {  	p0 =	sne.s32 s30, s15  }
.Ltmp4:
0xd1: {  	_ = 	snop;
	(pc) =	sbr.rel @p0 .LBB2_1-.Ltmp4, $1  }
0xd2: {  	_ =	sdelay $0x3  }
0xd3: {  	_ =	sfence.sel $0x180000  }
0xd4: {  	[bflag:$0x0] =	sbarrier.arrive $0xFFFF  }
0xd5: {  	_ =	strace $0x9000004A  }
0xd6: {  	s0 =	stileid.u32;
	[bflag:$0x2] =	sbarrier.arrive $0xFFFF  }
0xd7: {  	p0 =	sne.s32 s0, $0x0;
	s0 =	rddreg [dreg:$0x1]  }
0xd8: {  	s0 =	sadd.s32 @!p0 $0x100000, s0  }
0xd9: {  	[sflag:s0] =	ssyncadd.tile.s32 @!p0 $0x1;
	_ =	shalt  }
.Lfunc_end2:
_tile_overlayer_lowered:
.L_overlay_start_2:
0xda: {  	(tag) =	ssettag $0x2  }
0xdb: {  	s0 =	rddreg [dreg:$0x0];
	s2 =	stileid.u32  }
0xdc: {  	s1 =	rddreg [dreg:$0x1];
	p0 =	sne.s32 s2, $0x0  }
0xdd: {  	s3 =	rddreg [dreg:$0x2];
	[bflag:$0x3] =	sbarrier.arrive $0xFFFF;
	s2 =	simm.s32 @!p0 $0x1C05  }
0xde: {  	[timem:s3], [sflag:s2] =	dma.local @!p0 [hbm:s0], s1  }
0xdf: {  	s0 =	simm.s32 @!p0 $0x5  }
0xe0: {  	_ =	swait.ge @!p0 [sflag:s0], s1  }
0xe1: {  	s1 =	ssub.s32 @!p0 $0x0, s1;
	[sflag:s0] =	ssyncset.done @!p0 $0x0  }
0xe2: {  	[sflag:s0] =	ssyncadd.s32 @!p0 s1  }
0xe3: {  	[bflag:$0x3] =	sbarrier.arrive $0xFFFF  }
0xe4: {  	_ =	shalt  }

// kernel: kernel.18.cloned.1.call-start
scs
__scs_entry_jumppad:
0x0: {  	(pc) =	sbr.rel $0x88, $3  }
0x1: {  	(tag) =	ssettag $0x0;
	lr =	simm.s32 $0x1  }
0x2: {  	[smem:$0x3F93] =	sst lr;
	_ =	strace $0xD0000000  }
0x3: {  	_ = 	snop  }
0x4: {  	_ = 	snop  }
0x5: {  	_ = 	snop  }
0x6: {  	_ = 	snop  }
0x7: {  	_ = 	snop  }
__scs_overlays_trampoline_lowered:
0x8: {  	[smem:$0x3FA2] =	sst s0  }
0x9: {  	[smem:$0x3FA3] =	sst s1  }
0xa: {  	[smem:$0x3FA4] =	sst s2  }
0xb: {  	[smem:$0x3FA5] =	sst s3  }
0xc: {  	[smem:$0x3FA6] =	sst s4  }
0xd: {  	[smem:$0x3FA7] =	sst s5  }
0xe: {  	[smem:$0x3FA8] =	sst s6  }
0xf: {  	[smem:$0x3FA9] =	sst s7  }
0x10: {  	[smem:$0x3FAA] =	sst s8  }
0x11: {  	[smem:$0x3FAB] =	sst s9;
	s0 =	simm.s32 @!p0 $0x0  }
0x12: {  	s1 =	sld [smem:$0x3F91];
	s0 =	simm.s32 @p0 $0x1  }
0x13: {  	[smem:$0x3FAC] =	sst s0;
	s0 =	simm.s32 @!p1 $0x0  }
0x14: {  	s2 =	sld [smem:$0x3F90];
	s0 =	simm.s32 @p1 $0x1  }
0x15: {  	[smem:$0x3FAD] =	sst s0;
	s0 =	simm.s32 @!p2 $0x0  }
0x16: {  	s3 =	sld [smem:$0x3FDB];
	s0 =	simm.s32 @p2 $0x1  }
0x17: {  	s4 =	simm.s32 $0x1BF5;
	[smem:$0x3FAF] =	sst s0  }
0x18: {  	s0 =	sld [smem:$0x3F92];
	_ =	swait.ge [sflag:s4], $0x0  }
0x19: {  	s7 =	sld [smem:$0x3F93]  }
0x1a: {  	s8 =	sadd.s32 $0xFFFFE003, lr  }
0x1b: {  	s9 =	sadd.s32 $0xFFFFFEF7, lr;
	s5 =	simm.s32 $0xFFFFFFFF;
	p2 =	slt.u32 s8, $0xFFFFF086  }
0x1c: {  	p1 =	slt.u32 s9, $0xF7A;
	s5 =	simm.s32 @!p2 $0x0  }
0x1d: {  	s5 =	simm.s32 @p1 $0x1;
	p0 =	seq.s32 s7, s2  }
0x1e: {  	s7 =	smul.u32 @!p0 $0xF7A, s2;
	p2 =	seq.s32 @!p0 s5, $0x0  }
0x1f: {  	s9 =	smul.u32 $0xF7A, s1;
	s8 =	simm.s32 @!p0 $0x1BF5;
	p2 =	por !p2, p0  }
0x20: {  	[sflag:s8] =	ssyncset.s32 @!p0 $0xFFFFF086;
	s6 =	sadd.s32 @!p0 s3, s7;
	s7 =	simm.s32 @!p0 $0x108  }
0x21: {  	s3 =	sadd.s32 s3, s9;
	s6 =	sadd.s32 @!p0 $0x88, s6;
	s7 =	simm.s32 @p2 $0x1082  }
0x22: {  	[simem:s7], [sflag:s8] =	dma.local @!p0 [hbm:s6], $0xF7A  }
0x23: {  	s9 =	sor.u32 $0xD0000000, s2;
	s6 =	simm.s32 $0x108;
	_ =	swait.ge @!p0 [sflag:s8], $0x0  }
0x24: {  	s3 =	sadd.s32 $0x88, s3;
	s6 =	simm.s32 @!p1 $0x1082;
	[sflag:s4] =	ssyncset.s32 $0xFFFFF086  }
0x25: {  	[simem:s6], [sflag:s4] =	dma.local [hbm:s3], $0xF7A  }
0x26: {  	[smem:$0x3F93] =	sst s1;
	(tag) =	ssettag s2;
	_ =	strace s9  }
0x27: {  	s1 =	sld [smem:$0x3FA3]  }
0x28: {  	s2 =	sld [smem:$0x3FA4]  }
0x29: {  	s4 =	sld [smem:$0x3FA6]  }
0x2a: {  	p0 =	seq.s32 s5, $0x0;
	s5 =	sld [smem:$0x3FA7]  }
0x2b: {  	s6 =	sld [smem:$0x3FA8]  }
0x2c: {  	s7 =	sld [smem:$0x3FA9]  }
0x2d: {  	s3 =	simm.s32 $0x108;
	s8 =	sld [smem:$0x3FAA]  }
0x2e: {  	s3 =	simm.s32 @!p0 $0x1082;
	s9 =	sld [smem:$0x3FAB]  }
0x2f: {  	lr =	sadd.s32 s0, s3;
	s0 =	sld [smem:$0x3FA2]  }
0x30: {  	s3 =	sld [smem:$0x3FA5]  }
0x31: {  	[smem:$0x3FAE] =	sst s10  }
0x32: {  	s10 =	sld [smem:$0x3FAC];
	_ =	sdelay $0x3  }
0x33: {  	p0 =	seq.s32 s10, $0x1;
	s10 =	sld [smem:$0x3FAE];
	_ =	sdelay $0x3  }
0x34: {  	[smem:$0x3FAE] =	sst s10  }
0x35: {  	s10 =	sld [smem:$0x3FAD];
	_ =	sdelay $0x3  }
0x36: {  	p1 =	seq.s32 s10, $0x1;
	s10 =	sld [smem:$0x3FAE];
	_ =	sdelay $0x3  }
0x37: {  	[smem:$0x3FAE] =	sst s10  }
0x38: {  	s10 =	sld [smem:$0x3FAF]  }
0x39: {  	_ = 	snop;
	(pc) =	sbr.ind lr, $3  }
0x3a: {  	_ = 	snop  }
0x3b: {  	_ = 	snop  }
0x3c: {  	p2 =	seq.s32 s10, $0x1;
	s10 =	sld [smem:$0x3FAE]  }
0x3d: {  	_ =	shalt  }
0x3e: {  	_ =	shalt  }
0x3f: {  	_ =	shalt  }
0x40: {  	_ =	shalt  }
0x41: {  	_ =	shalt  }
0x42: {  	_ =	shalt  }
0x43: {  	_ =	shalt  }
0x44: {  	_ =	shalt  }
0x45: {  	_ =	shalt  }
0x46: {  	_ =	shalt  }
0x47: {  	_ =	shalt  }
0x48: {  	_ =	shalt  }
0x49: {  	_ =	shalt  }
0x4a: {  	_ =	shalt  }
0x4b: {  	_ =	shalt  }
0x4c: {  	_ =	shalt  }
0x4d: {  	_ =	shalt  }
0x4e: {  	_ =	shalt  }
0x4f: {  	_ =	shalt  }
0x50: {  	_ =	shalt  }
0x51: {  	_ =	shalt  }
0x52: {  	_ =	shalt  }
0x53: {  	_ =	shalt  }
0x54: {  	_ =	shalt  }
0x55: {  	_ =	shalt  }
0x56: {  	_ =	shalt  }
0x57: {  	_ =	shalt  }
0x58: {  	_ =	shalt  }
0x59: {  	_ =	shalt  }
0x5a: {  	_ =	shalt  }
0x5b: {  	_ =	shalt  }
0x5c: {  	_ =	shalt  }
0x5d: {  	_ =	shalt  }
0x5e: {  	_ =	shalt  }
0x5f: {  	_ =	shalt  }
0x60: {  	_ =	shalt  }
0x61: {  	_ =	shalt  }
0x62: {  	_ =	shalt  }
0x63: {  	_ =	shalt  }
0x64: {  	_ =	shalt  }
0x65: {  	_ =	shalt  }
0x66: {  	_ =	shalt  }
0x67: {  	_ =	shalt  }
0x68: {  	_ =	shalt  }
0x69: {  	_ =	shalt  }
0x6a: {  	_ =	shalt  }
0x6b: {  	_ =	shalt  }
0x6c: {  	_ =	shalt  }
0x6d: {  	_ =	shalt  }
0x6e: {  	_ =	shalt  }
0x6f: {  	_ =	shalt  }
0x70: {  	_ =	shalt  }
0x71: {  	_ =	shalt  }
0x72: {  	_ =	shalt  }
0x73: {  	_ =	shalt  }
0x74: {  	_ =	shalt  }
0x75: {  	_ =	shalt  }
0x76: {  	_ =	shalt  }
0x77: {  	_ =	shalt  }
0x78: {  	_ =	shalt  }
0x79: {  	_ =	shalt  }
0x7a: {  	_ =	shalt  }
0x7b: {  	_ =	shalt  }
0x7c: {  	_ =	shalt  }
0x7d: {  	_ =	shalt  }
0x7e: {  	_ =	shalt  }
0x7f: {  	_ =	shalt  }
0x80: {  	_ =	shalt  }
0x81: {  	_ =	shalt  }
0x82: {  	_ =	shalt  }
0x83: {  	_ =	shalt  }
0x84: {  	_ =	shalt  }
0x85: {  	_ =	shalt  }
0x86: {  	_ =	shalt  }
0x87: {  	_ =	shalt  }
.Lfunc_end0:
.L_simem_size_0:
called_computation.2_lowered:
.L_overlay_start_0:
0x88: {  	s2 =	sld [smem:$0x3FD9]  }
0x89: {  	s3 =	sld [smem:$0x3FFE];
	_ =	sdelay $0x1  }
0x8a: {  	s1 =	srdreg.scid  }
0x8b: {  	s0 =	sand.u32 $0x1, s1  }
0x8c: {  	s17 =	sshll.u32 s0, $0xA;
	s2 =	sadd.s32 s3, s2  }
0x8d: {  	s2 =	sadd.s32 s2, s17  }
0x8e: {  	[smem:$0x3FBA] =	sst s2  }
0x8f: {  	_ = 	snop  }
0x90: {  	(tm) =	ssettm $0x1  }
0x91: {  	s18 =	sld [smem:$0x3FFB];
	_ =	sdelay $0x3  }
0x92: {  	_ =	strace s18  }
0x93: {  	s2 =	sld [smem:$0x3FFC];
	_ =	sdelay $0x3  }
0x94: {  	_ =	strace s2  }
0x95: {  	s2 =	sld [smem:$0x3FFD];
	_ =	sdelay $0x3  }
0x96: {  	_ =	strace s2  }
0x97: {  	_ =	strace $0x8FFFFFFF  }
0x98: {  	s19 =	sld [smem:$0x3FDB];
	_ =	sdelay $0x1  }
0x99: {  	s20 =	simm.s32 $_scs_section_size  }
0x9a: {  	s4 =	simm.s32 $_size__tile_overlayer_lowered;
	s5 =	simm.s32 $_tile_overlayer_lowered  }
0x9b: {  	s6 =	simm.s32 $0x1BFF;
	s21 =	sshll.u32 s5, $0x1;
	s3 =	sadd.s32 s20, s19  }
0x9c: {  	s22 =	simm.s32 $0x0;
	s4 =	sshll.u32 s4, $0x1;
	s5 =	sadd.s32 s21, s3  }
0x9d: {  	[timem:s22], [sflag:s6] =	dma.local [hbm:s5], s4  }
0x9e: {  	_ =	swait.ge [sflag:s6], s4  }
0x9f: {  	s4 =	ssub.s32 $0x0, s4;
	[sflag:s6] =	ssyncset.done $0x0  }
0xa0: {  	[sflag:s6] =	ssyncadd.s32 s4;
	_ =	sdelay $0x1  }
0xa1: {  	s23 =	simm.s32 $0x1B8B  }
0xa2: {  	_ =	swait.ge [sflag:s23], $0x1  }
0xa3: {  	[sflag:s23] =	ssyncset.done $0x0  }
0xa4: {  	[sflag:s23] =	ssyncadd.s32 $0xFFFFFFFF  }
0xa5: {  	s4 =	sld [smem:$0x0]  }
0xa6: {  	s5 =	sand.u32 $0xFFFFFFFE, s1  }
0xa7: {  	p0 =	sne.s32 s1, s5  }
0xa8: {  	s5 =	sshll.u32 @p0 s5, $0xE  }
0xa9: {  	s5 =	sadd.s32 @p0 $0x11B8D, s5;
	s6 =	sshll.u32 @p0 s4, $0x11  }
0xaa: {  	s5 =	sor.u32 @p0 s6, s5  }
0xab: {  	[sflag:s5] =	ssyncadd.remote.s32 @p0 $0x1;
	_ =	sdelay $0x1  }
0xac: {  	s5 =	simm.s32 @p0 $0x1B8D  }
0xad: {  	_ =	swait.eq @p0 [sflag:s5], $0x1  }
0xae: {  	[sflag:s5] =	ssyncadd.s32 @p0 $0xFFFFFFFF  }
0xaf: {  	s6 =	sshll.u32 @!p0 s1, $0xE  }
0xb0: {  	s6 =	sor.u32 @!p0 $0x4000, s6;
	s5 =	simm.s32 @!p0 $0x1B8D  }
0xb1: {  	s4 =	sshll.u32 @!p0 s4, $0x11;
	s6 =	sadd.s32 @!p0 $0x11B8D, s6;
	_ =	swait.eq @!p0 [sflag:s5], $0x1  }
0xb2: {  	s4 =	sor.u32 @!p0 s4, s6;
	[sflag:s5] =	ssyncadd.s32 @!p0 $0xFFFFFFFF  }
0xb3: {  	s25 =	simm.s32 $0x1B8E;
	s24 =	sld [smem:$0x3FFE];
	[sflag:s4] =	ssyncadd.remote.s32 @!p0 $0x1  }
0xb4: {  	s26 =	simm.s32 $execute0_lowered;
	[smem:$0x3FD2] =	sst s25  }
0xb5: {  	s5 =	sshll.u32 s26, $0x1;
	_ =	strace $0x8000004C;
	[dreg:$0x1] =	wrdreg $0xFFFFFFFF  }
0xb6: {  	s28 =	simm.s32 $_size_execute0_lowered;
	s3 =	sadd.s32 s3, s5;
	[dreg:$0x0] =	wrdreg $0x0  }
0xb7: {  	s5 =	sshll.u32 s28, $0x1;
	[dreg:$0x2] =	wrdreg s3  }
0xb8: {  	[dreg:$0x3] =	wrdreg s5  }
0xb9: {  	[dreg:$0x4] =	wrdreg $0xC0  }
0xba: {  	_ =	task [dreg:s22], $0x5FFFF  }
0xbb: {  	[dreg:$0x1] =	wrdreg $0xFFFFFFFF  }
0xbc: {  	[dreg:$0x0] =	wrdreg $0x60  }
0xbd: {  	[dreg:$0x2] =	wrdreg s24  }
0xbe: {  	[dreg:$0x3] =	wrdreg $0xB  }
0xbf: {  	_ =	task.clear_ibuf [dreg:s22], $0x4FFFF;
	_ =	strace $0x9000004C  }
0xc0: {  	s29 =	simm.s32 $0xB;
	_ =	strace $0x8000004E  }
0xc1: {  	_ =	swait.ge [sflag:s29], $0x1  }
0xc2: {  	[sflag:s29] =	ssyncadd.s32 $0xFFFFFFFF  }
0xc3: {  	_ =	strace $0x9000004E  }
0xc4: {  	_ =	sfence  }
0xc5: {  	s30 =	sld [smem:$0x0];
	_ =	sdelay $0x2  }
0xc6: {  	s31 =	sshll.u32 s1, $0xD;
	s1 =	sshrl.u32 s1, $0x2  }
0xc7: {  	s4 =	sand.u32 $0x4000, s31;
	s1 =	sadd.s32 s1, s30  }
0xc8: {  	s0 =	sor.u32 s4, s0;
	s1 =	sshll.u32 s1, $0x11  }
0xc9: {  	s0 =	sor.u32 s1, s0  }
0xca: {  	s0 =	sadd.s32 $0x8F2B, s0  }
0xcb: {  	[sflag:s0] =	ssyncadd.remote.s32 $0x1  }
0xcc: {  	_ =	sfence.sel $0xFFFF  }
0xcd: {  	[dreg:$0x0] =	wrdreg $0xFFFFFFFF;
	(pc) =	sbr.abs _section_cstart, $3  }
0xce: {  	[dreg:$0x1] =	wrdreg $0xFFFFFFFF  }
0xcf: {  	_ =	task.clear_ibuf [dreg:s22], $0x2FFFF;
	_ =	strace $0x9FFFFFFF  }
0xd0: {  	(tm) =	ssettm $0x7FFFFFFF  }
0xd1: {  	_ =	shalt  }
tec
execute0_lowered:
.L_overlay_start_1:
0x0: {  	(tag) =	ssettag $0x1  }
0x1: {  	s0 =	rddreg [dreg:$0x0]  }
0x2: {  	s1 =	srdreg.scid;
	s3 =	stileid.u32;
	s2 =	simm.s32 $0x0  }
0x3: {  	s16 =	simm.s32 $0x5;
	s19 =	simm.s32 $0xC00;
	s20 =	simm.s32 $0x80  }
0x4: {  	s21 =	simm.s32 $0x1000;
	s22 =	simm.s32 $0x5000;
	s23 =	simm.s32 $0x9000  }
0x5: {  	s24 =	simm.s32 $0xD000;
	s25 =	simm.s32 $0x1;
	s28 =	simm.s32 $0x3  }
0x6: {  	s29 =	simm.s32 $0x4;
	s30 =	simm.s32 $0x0;
	s1 =	sand.u32 $0x1, s1  }
0x7: {  	s3 =	sshll.u32 s3, $0x4;
	[smem:$0x7FF] =	sst s2;
	s5 =	sadd.s32 $0xD4000, s0  }
0x8: {  	s6 =	sadd.s32 $0x14000, s0;
	s8 =	sadd.s32 $0x54000, s0;
	s4 =	sshll.u32 s1, $0x3  }
0x9: {  	s9 =	sadd.s32 $0x314000, s0;
	s10 =	sadd.s32 $0x394000, s0;
	s3 =	sor.u32 s4, s3  }
0xa: {  	_ =	strace $0x8000004D;
	s1 =	ssub.s32 $0x2, s1;
	s7 =	sshll.u32 s3, $0x4  }
0xb: {  	s4 =	sadd.s32 $0x94000, s0;
	s26 =	sshrl.u32 s1, $0x1;
	s17 =	sor.u32 $0x2000, s7  }
0xc: {  	s7 =	sadd.s32 s17, s0;
	s0 =	ssub.s32 s1, s26;
	s31 =	sand.u32 $0x2C00, s17  }
0xd: {  	s26 =	simm.s32 $0x2;
	s11 =	sadd.s32 $0x8000, s7;
	s12 =	sadd.s32 $0x4000, s7  }
0xe: {  	s13 =	sadd.s32 $0x10000, s7;
	s14 =	sadd.s32 $0xC000, s7;
	s15 =	smax.u32 s0, $0x1;
	v0 =	vmov s31  }
.LBB2_1:
0xf: {  	[tilespmem:s2], [sflag:$0x5] =	stream.linear.gather [hbm4b:s11+s2], $0x400, $0x38;
	[tilespmem:$0x11000] =	vst v63  }
0x10: {  	_ =	swait.ge [sflag:s16], $0x400  }
0x11: {  	[sflag:s16] =	ssyncset.done $0x0  }
0x12: {  	s0 =	simm.s32 $0x400;
	[sflag:s16] =	ssyncadd.s32 $0xFFFFFC00  }
0x13: {  	[tilespmem:s0], [sflag:$0x5] =	stream.linear.gather [hbm4b:s12+s2], $0x400, $0x38;
	[tilespmem:$0x11000] =	vst v63  }
0x14: {  	_ =	swait.ge [sflag:s16], $0x400  }
0x15: {  	[sflag:s16] =	ssyncset.done $0x0  }
0x16: {  	s18 =	simm.s32 $0x800;
	[sflag:s16] =	ssyncadd.s32 $0xFFFFFC00  }
0x17: {  	[tilespmem:s18], [sflag:$0x5] =	stream.linear.gather [hbm4b:s13+s2], $0x400, $0x38;
	[tilespmem:$0x11000] =	vst v63  }
0x18: {  	_ =	swait.ge [sflag:s16], $0x400  }
0x19: {  	[sflag:s16] =	ssyncset.done $0x0  }
0x1a: {  	[sflag:s16] =	ssyncadd.s32 $0xFFFFFC00  }
0x1b: {  	[tilespmem:s19], [sflag:$0x5] =	stream.linear.gather [hbm4b:s14+s2], $0x400, $0x38;
	[tilespmem:$0x11000] =	vst v63  }
0x1c: {  	_ =	swait.ge [sflag:s16], $0x400  }
0x1d: {  	[sflag:s16] =	ssyncset.done $0x0  }
0x1e: {  	s31 =	simm.s32 $0x0;
	[sflag:s16] =	ssyncadd.s32 $0xFFFFFC00  }
0x1f: {  	v1 =	vld [tilespmem:s31+$0x0]  }
0x20: {  	v2 =	vld [tilespmem:s31+$0x400]  }
0x21: {  	v3 =	vld [tilespmem:s31+$0x800]  }
0x22: {  	v4 =	vld [tilespmem:s31+$0xC00]  }
0x23: {  	v5 =	vld [tilespmem:s31+$0x10]  }
0x24: {  	v6 =	vld [tilespmem:s31+$0x410];
	v1 =	vadd.s32 v0, v1  }
0x25: {  	s0 =	sand.u32 $0x7FFFFFC0, s17;
	[tilespmem:s31+$0x0] =	vst v1;
	v1 =	vadd.s32 v0, v2;
	v2 =	vld [tilespmem:s31+$0x810]  }
0x26: {  	[tilespmem:s31+$0x400] =	vst v1;
	v1 =	vadd.s32 s0, v3;
	v3 =	vld [tilespmem:s31+$0xC10]  }
0x27: {  	[tilespmem:s31+$0x800] =	vst v1;
	v1 =	vadd.s32 s0, v4;
	v4 =	vld [tilespmem:s31+$0x20]  }
0x28: {  	[tilespmem:s31+$0xC00] =	vst v1;
	v1 =	vadd.s32 v0, v5;
	v5 =	vld [tilespmem:s31+$0x420]  }
0x29: {  	[tilespmem:s31+$0x10] =	vst v1;
	v1 =	vadd.s32 v0, v6;
	v6 =	vld [tilespmem:s31+$0x820]  }
0x2a: {  	[tilespmem:s31+$0x410] =	vst v1;
	v1 =	vadd.s32 s0, v2;
	v2 =	vld [tilespmem:s31+$0xC20]  }
0x2b: {  	[tilespmem:s31+$0x810] =	vst v1;
	v1 =	vadd.s32 s0, v3;
	v3 =	vld [tilespmem:s31+$0x30]  }
0x2c: {  	[tilespmem:s31+$0xC10] =	vst v1;
	v1 =	vadd.s32 v0, v4;
	v4 =	vld [tilespmem:s31+$0x430]  }
0x2d: {  	[tilespmem:s31+$0x20] =	vst v1;
	v1 =	vadd.s32 v0, v5;
	v5 =	vld [tilespmem:s31+$0x830]  }
0x2e: {  	[tilespmem:s31+$0x420] =	vst v1;
	v1 =	vadd.s32 s0, v6;
	v6 =	vld [tilespmem:s31+$0xC30]  }
0x2f: {  	[tilespmem:s31+$0x820] =	vst v1;
	v1 =	vadd.s32 s0, v2;
	v2 =	vld [tilespmem:s31+$0x40]  }
0x30: {  	[tilespmem:s31+$0xC20] =	vst v1;
	v1 =	vadd.s32 v0, v3;
	v3 =	vld [tilespmem:s31+$0x440]  }
0x31: {  	[tilespmem:s31+$0x30] =	vst v1;
	v1 =	vadd.s32 v0, v4;
	v4 =	vld [tilespmem:s31+$0x840]  }
0x32: {  	[tilespmem:s31+$0x430] =	vst v1;
	v1 =	vadd.s32 s0, v5;
	v5 =	vld [tilespmem:s31+$0xC40]  }
0x33: {  	[tilespmem:s31+$0x830] =	vst v1;
	v1 =	vadd.s32 s0, v6;
	v6 =	vld [tilespmem:s31+$0x50]  }
0x34: {  	[tilespmem:s31+$0xC30] =	vst v1;
	v1 =	vadd.s32 v0, v2;
	v2 =	vld [tilespmem:s31+$0x450]  }
0x35: {  	[tilespmem:s31+$0x40] =	vst v1;
	v1 =	vadd.s32 v0, v3;
	v3 =	vld [tilespmem:s31+$0x850]  }
0x36: {  	[tilespmem:s31+$0x440] =	vst v1;
	v1 =	vadd.s32 s0, v4;
	v4 =	vld [tilespmem:s31+$0xC50]  }
0x37: {  	[tilespmem:s31+$0x840] =	vst v1;
	v1 =	vadd.s32 s0, v5;
	v5 =	vld [tilespmem:s31+$0x60]  }
0x38: {  	[tilespmem:s31+$0xC40] =	vst v1;
	v1 =	vadd.s32 v0, v6;
	v6 =	vld [tilespmem:s31+$0x460]  }
0x39: {  	[tilespmem:s31+$0x50] =	vst v1;
	v1 =	vadd.s32 v0, v2;
	v2 =	vld [tilespmem:s31+$0x860]  }
0x3a: {  	[tilespmem:s31+$0x450] =	vst v1;
	v3 =	vadd.s32 s0, v3;
	v1 =	vld [tilespmem:s31+$0xC60]  }
0x3b: {  	[tilespmem:s31+$0x850] =	vst v3;
	v4 =	vadd.s32 s0, v4;
	v3 =	vld [tilespmem:s31+$0x70]  }
0x3c: {  	[tilespmem:s31+$0xC50] =	vst v4;
	v5 =	vadd.s32 v0, v5;
	v4 =	vld [tilespmem:s31+$0x470]  }
0x3d: {  	s1 =	simm.s32 $0x200;
	s7 =	smov.u32 s17;
	[tilespmem:s31+$0x60] =	vst v5;
	v6 =	vadd.s32 v0, v6;
	v5 =	vld [tilespmem:s31+$0x870]  }
.LBB2_2:
0x3e: {  	s18 =	sshra.s32 s1, $0x2;
	p0 =	sne.s32 s1, $0xE00;
	[tilespmem:s31+$0x460] =	vst v6;
	v2 =	vadd.s32 s0, v2;
	v6 =	vld [tilespmem:s31+$0xC70]  }
0x3f: {  	v7 =	vld [tilespmem:s18+$0x0];
	[tilespmem:s31+$0x860] =	vst v2;
	v1 =	vadd.s32 s0, v1  }
0x40: {  	v2 =	vld [tilespmem:s18+$0x400];
	[tilespmem:s31+$0xC60] =	vst v1;
	v1 =	vadd.s32 v0, v3  }
0x41: {  	v3 =	vld [tilespmem:s18+$0x800];
	[tilespmem:s31+$0x70] =	vst v1;
	v1 =	vadd.s32 v0, v4  }
0x42: {  	v4 =	vld [tilespmem:s18+$0xC00];
	[tilespmem:s31+$0x470] =	vst v1;
	v1 =	vadd.s32 s0, v5  }
0x43: {  	v5 =	vld [tilespmem:s18+$0x10];
	[tilespmem:s31+$0x870] =	vst v1;
	v1 =	vadd.s32 s0, v6  }
0x44: {  	s7 =	sadd.s32 $0x10, s7;
	v6 =	vadd.s32 v0, v7;
	v7 =	vld [tilespmem:s18+$0x410];
	[tilespmem:s31+$0xC70] =	vst v1;
	s31 =	smov.u32 s18  }
0x45: {  	s0 =	sand.u32 $0x7FFFFFC0, s7;
	[tilespmem:s31+$0x0] =	vst v6;
	v1 =	vadd.s32 v0, v2;
	v2 =	vld [tilespmem:s31+$0x810]  }
0x46: {  	[tilespmem:s31+$0x400] =	vst v1;
	v1 =	vadd.s32 s0, v3;
	v3 =	vld [tilespmem:s31+$0xC10]  }
0x47: {  	[tilespmem:s31+$0x800] =	vst v1;
	v1 =	vadd.s32 s0, v4;
	v4 =	vld [tilespmem:s31+$0x20]  }
0x48: {  	[tilespmem:s31+$0xC00] =	vst v1;
	v1 =	vadd.s32 v0, v5;
	v5 =	vld [tilespmem:s31+$0x420]  }
0x49: {  	[tilespmem:s31+$0x10] =	vst v1;
	v1 =	vadd.s32 v0, v7;
	v6 =	vld [tilespmem:s31+$0x820]  }
0x4a: {  	[tilespmem:s31+$0x410] =	vst v1;
	v1 =	vadd.s32 s0, v2;
	v2 =	vld [tilespmem:s31+$0xC20]  }
0x4b: {  	[tilespmem:s31+$0x810] =	vst v1;
	v1 =	vadd.s32 s0, v3;
	v3 =	vld [tilespmem:s31+$0x30]  }
0x4c: {  	[tilespmem:s31+$0xC10] =	vst v1;
	v1 =	vadd.s32 v0, v4;
	v4 =	vld [tilespmem:s31+$0x430]  }
0x4d: {  	[tilespmem:s31+$0x20] =	vst v1;
	v1 =	vadd.s32 v0, v5;
	v5 =	vld [tilespmem:s31+$0x830]  }
0x4e: {  	[tilespmem:s31+$0x420] =	vst v1;
	v1 =	vadd.s32 s0, v6;
	v6 =	vld [tilespmem:s31+$0xC30]  }
0x4f: {  	[tilespmem:s31+$0x820] =	vst v1;
	v1 =	vadd.s32 s0, v2;
	v2 =	vld [tilespmem:s31+$0x40]  }
0x50: {  	[tilespmem:s31+$0xC20] =	vst v1;
	v1 =	vadd.s32 v0, v3;
	v3 =	vld [tilespmem:s31+$0x440]  }
0x51: {  	[tilespmem:s31+$0x30] =	vst v1;
	v1 =	vadd.s32 v0, v4;
	v4 =	vld [tilespmem:s31+$0x840]  }
0x52: {  	[tilespmem:s31+$0x430] =	vst v1;
	v1 =	vadd.s32 s0, v5;
	v5 =	vld [tilespmem:s31+$0xC40]  }
0x53: {  	[tilespmem:s31+$0x830] =	vst v1;
	v1 =	vadd.s32 s0, v6;
	v6 =	vld [tilespmem:s31+$0x50]  }
0x54: {  	[tilespmem:s31+$0xC30] =	vst v1;
	v1 =	vadd.s32 v0, v2;
	v2 =	vld [tilespmem:s31+$0x450]  }
0x55: {  	[tilespmem:s31+$0x40] =	vst v1;
	v1 =	vadd.s32 v0, v3;
	v3 =	vld [tilespmem:s31+$0x850]  }
0x56: {  	[tilespmem:s31+$0x440] =	vst v1;
	v1 =	vadd.s32 s0, v4;
	v4 =	vld [tilespmem:s31+$0xC50]  }
0x57: {  	[tilespmem:s31+$0x840] =	vst v1;
	v1 =	vadd.s32 s0, v5;
	v5 =	vld [tilespmem:s31+$0x60]  }
0x58: {  	[tilespmem:s31+$0xC40] =	vst v1;
	v1 =	vadd.s32 v0, v6;
	v6 =	vld [tilespmem:s31+$0x460]  }
.Ltmp0:
0x59: {  	[tilespmem:s31+$0x50] =	vst v1;
	v1 =	vadd.s32 v0, v2;
	v2 =	vld [tilespmem:s31+$0x860];
	(pc) =	sbr.rel @p0 .LBB2_2-.Ltmp0, $4  }
0x5a: {  	[tilespmem:s31+$0x450] =	vst v1;
	v3 =	vadd.s32 s0, v3;
	v1 =	vld [tilespmem:s31+$0xC60]  }
0x5b: {  	[tilespmem:s31+$0x850] =	vst v3;
	v4 =	vadd.s32 s0, v4;
	v3 =	vld [tilespmem:s31+$0x70]  }
0x5c: {  	[tilespmem:s31+$0xC50] =	vst v4;
	v5 =	vadd.s32 v0, v5;
	v4 =	vld [tilespmem:s31+$0x470]  }
0x5d: {  	s1 =	sadd.s32 $0x200, s1;
	[tilespmem:s31+$0x60] =	vst v5;
	v6 =	vadd.s32 v0, v6;
	v5 =	vld [tilespmem:s31+$0x870]  }
0x5e: {  	[tilespmem:s31+$0x460] =	vst v6;
	v2 =	vadd.s32 s0, v2;
	v63 =	vld [tilespmem:s31+$0xC70]  }
0x5f: {  	[tilespmem:s31+$0x860] =	vst v2;
	v1 =	vadd.s32 s0, v1  }
0x60: {  	[tilespmem:s31+$0xC60] =	vst v1;
	v1 =	vadd.s32 v0, v3  }
0x61: {  	[tilespmem:s31+$0x70] =	vst v1;
	v1 =	vadd.s32 v0, v4  }
0x62: {  	[tilespmem:s31+$0x470] =	vst v1;
	v1 =	vadd.s32 s0, v5  }
0x63: {  	[tilespmem:s31+$0x870] =	vst v1;
	v1 =	vadd.s32 s0, v63  }
0x64: {  	[tilespmem:s31+$0xC70] =	vst v1;
	s31 =	simm.s32 $0x0  }
.LBB2_4:
0x65: {  	s0 =	sshll.u32 s31, $0x7  }
0x66: {  	[tilespmem:s21], [sflag:$0x1] =	stream.indirect.gather [hbm4b:s4+s20], $0x80, s0, s20, $0xb8;
	[tilespmem:$0x11000] =	vst v63  }
0x67: {  	s1 =	sadd.s32 $0x400, s0  }
0x68: {  	[tilespmem:s22], [sflag:$0x2] =	stream.indirect.gather [hbm4b:s5+s20], $0x80, s1, s20, $0xb8;
	[tilespmem:$0x11000] =	vst v63  }
0x69: {  	s18 =	sadd.s32 $0x800, s0  }
0x6a: {  	[tilespmem:s23], [sflag:$0x3] =	stream.indirect.gather [hbm4b:s6+s20], $0x80, s18, s20, $0xb8;
	[tilespmem:$0x11000] =	vst v63  }
0x6b: {  	s0 =	sadd.s32 $0xC00, s0  }
0x6c: {  	[tilespmem:s24], [sflag:$0x4] =	stream.indirect.gather [hbm4b:s8+s20], $0x80, s0, s20, $0xb8;
	[tilespmem:$0x11000] =	vst v63  }
0x6d: {  	_ =	swait.ge [sflag:s25], $0x4000  }
0x6e: {  	[sflag:s25] =	ssyncset.done $0x0  }
0x6f: {  	[sflag:s25] =	ssyncadd.s32 $0xFFFFC000  }
0x70: {  	_ =	swait.ge [sflag:s26], $0x4000  }
0x71: {  	[sflag:s26] =	ssyncset.done $0x0  }
0x72: {  	s1 =	simm.s32 $0x0;
	[sflag:s26] =	ssyncadd.s32 $0xFFFFC000  }
0x73: {  	v8 =	vld [tilespmem:s1+$0x5000]  }
0x74: {  	v12 =	vld [tilespmem:s1+$0x5010]  }
0x75: {  	v6 =	vld [tilespmem:s1+$0x5020]  }
0x76: {  	v5 =	vld [tilespmem:s1+$0x5030]  }
0x77: {  	v4 =	vld [tilespmem:s1+$0x5040]  }
0x78: {  	v3 =	vld [tilespmem:s1+$0x5050]  }
0x79: {  	v2 =	vld [tilespmem:s1+$0x5060]  }
0x7a: {  	v1 =	vld [tilespmem:s1+$0x5070]  }
0x7b: {  	v13 =	vld [tilespmem:s1+$0x1000]  }
0x7c: {  	v14 =	vld [tilespmem:s1+$0x1010]  }
0x7d: {  	v11 =	vld [tilespmem:s1+$0x1020]  }
0x7e: {  	v10 =	vld [tilespmem:s1+$0x1030]  }
0x7f: {  	v9 =	vld [tilespmem:s1+$0x1040]  }
0x80: {  	v7 =	vld [tilespmem:s1+$0x1050];
	v13 =	vadd.f32 v8, v13  }
0x81: {  	s0 =	simm.s32 $0x200;
	v12 =	vadd.f32 v12, v14;
	v8 =	vld [tilespmem:s1+$0x1060]  }
.LBB2_5:
0x82: {  	s7 =	sshra.s32 s0, $0x2;
	p0 =	sne.s32 s0, $0xFE00;
	[tilespmem:s1+$0x1000] =	vst v13;
	v6 =	vadd.f32 v6, v11;
	v11 =	vld [tilespmem:s1+$0x1070]  }
0x83: {  	v13 =	vld [tilespmem:s7+$0x5000];
	[tilespmem:s1+$0x1010] =	vst v12;
	v5 =	vadd.f32 v5, v10  }
0x84: {  	v12 =	vld [tilespmem:s7+$0x5010];
	[tilespmem:s1+$0x1020] =	vst v6;
	v4 =	vadd.f32 v4, v9  }
0x85: {  	v6 =	vld [tilespmem:s7+$0x5020];
	[tilespmem:s1+$0x1030] =	vst v5;
	v3 =	vadd.f32 v3, v7  }
0x86: {  	v5 =	vld [tilespmem:s7+$0x5030];
	[tilespmem:s1+$0x1040] =	vst v4;
	v2 =	vadd.f32 v2, v8  }
0x87: {  	v4 =	vld [tilespmem:s7+$0x5040];
	[tilespmem:s1+$0x1050] =	vst v3;
	v1 =	vadd.f32 v1, v11  }
0x88: {  	v3 =	vld [tilespmem:s7+$0x5050];
	[tilespmem:s1+$0x1060] =	vst v2  }
0x89: {  	v2 =	vld [tilespmem:s7+$0x5060];
	[tilespmem:s1+$0x1070] =	vst v1;
	s1 =	smov.u32 s7  }
0x8a: {  	v1 =	vld [tilespmem:s1+$0x5070]  }
0x8b: {  	v7 =	vld [tilespmem:s1+$0x1000]  }
0x8c: {  	v8 =	vld [tilespmem:s1+$0x1010]  }
.Ltmp1:
0x8d: {  	v11 =	vld [tilespmem:s1+$0x1020];
	(pc) =	sbr.rel @p0 .LBB2_5-.Ltmp1, $4  }
0x8e: {  	v10 =	vld [tilespmem:s1+$0x1030]  }
0x8f: {  	v9 =	vld [tilespmem:s1+$0x1040]  }
0x90: {  	v13 =	vadd.f32 v13, v7;
	v7 =	vld [tilespmem:s1+$0x1050]  }
0x91: {  	s0 =	sadd.s32 $0x200, s0;
	v12 =	vadd.f32 v12, v8;
	v8 =	vld [tilespmem:s1+$0x1060]  }
0x92: {  	[tilespmem:s1+$0x1000] =	vst v13;
	v6 =	vadd.f32 v6, v11;
	v11 =	vld [tilespmem:s1+$0x1070]  }
0x93: {  	[tilespmem:s1+$0x1010] =	vst v12;
	v5 =	vadd.f32 v5, v10  }
0x94: {  	[tilespmem:s1+$0x1020] =	vst v6;
	v4 =	vadd.f32 v4, v9  }
0x95: {  	[tilespmem:s1+$0x1030] =	vst v5;
	v3 =	vadd.f32 v3, v7  }
0x96: {  	[tilespmem:s1+$0x1040] =	vst v4;
	v2 =	vadd.f32 v2, v8  }
0x97: {  	s0 =	sor.u32 s3, s31;
	[tilespmem:s1+$0x1050] =	vst v3;
	v1 =	vadd.f32 v1, v11  }
0x98: {  	s0 =	sshll.u32 s0, $0xB;
	[tilespmem:s1+$0x1060] =	vst v2  }
0x99: {  	s7 =	simm.s32 $0x0;
	s18 =	sadd.s32 s9, s0;
	[tilespmem:s1+$0x1070] =	vst v1  }
0x9a: {  	[hbm4b:s18+s7] =	stream.linear.scatter [tilespmem:s21], [sflag:$0x5], $0x4000, $0x38;
	[tilespmem:$0x11000] =	vst v63  }
0x9b: {  	_ =	swait.ge [sflag:s16], $0x4000  }
0x9c: {  	[sflag:s16] =	ssyncset.done $0x0  }
0x9d: {  	[sflag:s16] =	ssyncadd.s32 $0xFFFFC000  }
0x9e: {  	_ =	swait.ge [sflag:s28], $0x4000  }
0x9f: {  	[sflag:s28] =	ssyncset.done $0x0  }
0xa0: {  	[sflag:s28] =	ssyncadd.s32 $0xFFFFC000  }
0xa1: {  	_ =	swait.ge [sflag:s29], $0x4000  }
0xa2: {  	[sflag:s29] =	ssyncset.done $0x0  }
0xa3: {  	s1 =	simm.s32 $0x0;
	[sflag:s29] =	ssyncadd.s32 $0xFFFFC000  }
0xa4: {  	v8 =	vld [tilespmem:s1+$0xD000]  }
0xa5: {  	v12 =	vld [tilespmem:s1+$0xD010]  }
0xa6: {  	v6 =	vld [tilespmem:s1+$0xD020]  }
0xa7: {  	v5 =	vld [tilespmem:s1+$0xD030]  }
0xa8: {  	v4 =	vld [tilespmem:s1+$0xD040]  }
0xa9: {  	v3 =	vld [tilespmem:s1+$0xD050]  }
0xaa: {  	v2 =	vld [tilespmem:s1+$0xD060]  }
0xab: {  	v1 =	vld [tilespmem:s1+$0xD070]  }
0xac: {  	v13 =	vld [tilespmem:s1+$0x9000]  }
0xad: {  	v14 =	vld [tilespmem:s1+$0x9010]  }
0xae: {  	v11 =	vld [tilespmem:s1+$0x9020]  }
0xaf: {  	v10 =	vld [tilespmem:s1+$0x9030]  }
0xb0: {  	v9 =	vld [tilespmem:s1+$0x9040]  }
0xb1: {  	v7 =	vld [tilespmem:s1+$0x9050];
	v13 =	vadd.f32 v8, v13  }
0xb2: {  	s7 =	simm.s32 $0x200;
	v12 =	vadd.f32 v12, v14;
	v8 =	vld [tilespmem:s1+$0x9060]  }
.LBB2_7:
0xb3: {  	s18 =	sshra.s32 s7, $0x2;
	p0 =	sne.s32 s7, $0xFE00;
	[tilespmem:s1+$0x9000] =	vst v13;
	v6 =	vadd.f32 v6, v11;
	v11 =	vld [tilespmem:s1+$0x9070]  }
0xb4: {  	v13 =	vld [tilespmem:s18+$0xD000];
	[tilespmem:s1+$0x9010] =	vst v12;
	v5 =	vadd.f32 v5, v10  }
0xb5: {  	v12 =	vld [tilespmem:s18+$0xD010];
	[tilespmem:s1+$0x9020] =	vst v6;
	v4 =	vadd.f32 v4, v9  }
0xb6: {  	v6 =	vld [tilespmem:s18+$0xD020];
	[tilespmem:s1+$0x9030] =	vst v5;
	v3 =	vadd.f32 v3, v7  }
0xb7: {  	v5 =	vld [tilespmem:s18+$0xD030];
	[tilespmem:s1+$0x9040] =	vst v4;
	v2 =	vadd.f32 v2, v8  }
0xb8: {  	v4 =	vld [tilespmem:s18+$0xD040];
	[tilespmem:s1+$0x9050] =	vst v3;
	v1 =	vadd.f32 v1, v11  }
0xb9: {  	v3 =	vld [tilespmem:s18+$0xD050];
	[tilespmem:s1+$0x9060] =	vst v2  }
0xba: {  	v2 =	vld [tilespmem:s18+$0xD060];
	[tilespmem:s1+$0x9070] =	vst v1;
	s1 =	smov.u32 s18  }
0xbb: {  	v1 =	vld [tilespmem:s1+$0xD070]  }
0xbc: {  	v7 =	vld [tilespmem:s1+$0x9000]  }
0xbd: {  	v8 =	vld [tilespmem:s1+$0x9010]  }
.Ltmp2:
0xbe: {  	v11 =	vld [tilespmem:s1+$0x9020];
	(pc) =	sbr.rel @p0 .LBB2_7-.Ltmp2, $4  }
0xbf: {  	v10 =	vld [tilespmem:s1+$0x9030]  }
0xc0: {  	v9 =	vld [tilespmem:s1+$0x9040]  }
0xc1: {  	v13 =	vadd.f32 v13, v7;
	v7 =	vld [tilespmem:s1+$0x9050]  }
0xc2: {  	s7 =	sadd.s32 $0x200, s7;
	v12 =	vadd.f32 v12, v8;
	v8 =	vld [tilespmem:s1+$0x9060]  }
0xc3: {  	[tilespmem:s1+$0x9000] =	vst v13;
	v6 =	vadd.f32 v6, v11;
	v63 =	vld [tilespmem:s1+$0x9070]  }
0xc4: {  	[tilespmem:s1+$0x9010] =	vst v12;
	v5 =	vadd.f32 v5, v10  }
0xc5: {  	[tilespmem:s1+$0x9020] =	vst v6;
	v4 =	vadd.f32 v4, v9  }
0xc6: {  	[tilespmem:s1+$0x9030] =	vst v5;
	v3 =	vadd.f32 v3, v7  }
0xc7: {  	[tilespmem:s1+$0x9040] =	vst v4;
	v2 =	vadd.f32 v2, v8  }
0xc8: {  	s31 =	sadd.s32 $0x1, s31;
	[tilespmem:s1+$0x9050] =	vst v3;
	v1 =	vadd.f32 v1, v63  }
0xc9: {  	p0 =	sne.s32 s31, $0x8;
	[tilespmem:s1+$0x9060] =	vst v2  }
.Ltmp3:
0xca: {  	s0 =	sadd.s32 s10, s0;
	[tilespmem:s1+$0x9070] =	vst v1;
	(pc) =	sbr.rel @p0 .LBB2_4-.Ltmp3, $4  }
0xcb: {  	[hbm4b:s0+s2] =	stream.linear.scatter [tilespmem:s23], [sflag:$0x5], $0x4000, $0x38;
	[tilespmem:$0x11000] =	vst v63  }
0xcc: {  	_ =	swait.ge [sflag:s16], $0x4000  }
0xcd: {  	[sflag:s16] =	ssyncset.done $0x0  }
0xce: {  	[sflag:s16] =	ssyncadd.s32 $0xFFFFC000  }
0xcf: {  	s30 =	sadd.s32 $0x1, s30  }
0xd0: {  	p0 =	sne.s32 s30, s15  }
.Ltmp4:
0xd1: {  	_ = 	snop;
	(pc) =	sbr.rel @p0 .LBB2_1-.Ltmp4, $1  }
0xd2: {  	_ =	sdelay $0x3  }
0xd3: {  	_ =	sfence.sel $0x180000  }
0xd4: {  	[bflag:$0x0] =	sbarrier.arrive $0xFFFF  }
0xd5: {  	_ =	strace $0x9000004D  }
0xd6: {  	s0 =	stileid.u32;
	[bflag:$0x2] =	sbarrier.arrive $0xFFFF  }
0xd7: {  	p0 =	sne.s32 s0, $0x0;
	s0 =	rddreg [dreg:$0x1]  }
0xd8: {  	s0 =	sadd.s32 @!p0 $0x100000, s0  }
0xd9: {  	[sflag:s0] =	ssyncadd.tile.s32 @!p0 $0x1;
	_ =	shalt  }
.Lfunc_end2:
_tile_overlayer_lowered:
.L_overlay_start_2:
0xda: {  	(tag) =	ssettag $0x2  }
0xdb: {  	s0 =	rddreg [dreg:$0x0];
	s2 =	stileid.u32  }
0xdc: {  	s1 =	rddreg [dreg:$0x1];
	p0 =	sne.s32 s2, $0x0  }
0xdd: {  	s3 =	rddreg [dreg:$0x2];
	[bflag:$0x3] =	sbarrier.arrive $0xFFFF;
	s2 =	simm.s32 @!p0 $0x1C05  }
0xde: {  	[timem:s3], [sflag:s2] =	dma.local @!p0 [hbm:s0], s1  }
0xdf: {  	s0 =	simm.s32 @!p0 $0x5  }
0xe0: {  	_ =	swait.ge @!p0 [sflag:s0], s1  }
0xe1: {  	s1 =	ssub.s32 @!p0 $0x0, s1;
	[sflag:s0] =	ssyncset.done @!p0 $0x0  }
0xe2: {  	[sflag:s0] =	ssyncadd.s32 @!p0 s1  }
0xe3: {  	[bflag:$0x3] =	sbarrier.arrive $0xFFFF  }
0xe4: {  	_ =	shalt  }

// kernel: kernel.21.cloned.1.call-start
scs
__scs_entry_jumppad:
0x0: {  	(pc) =	sbr.rel $0x88, $3  }
0x1: {  	(tag) =	ssettag $0x0;
	lr =	simm.s32 $0x1  }
0x2: {  	[smem:$0x3F93] =	sst lr;
	_ =	strace $0xD0000000  }
0x3: {  	_ = 	snop  }
0x4: {  	_ = 	snop  }
0x5: {  	_ = 	snop  }
0x6: {  	_ = 	snop  }
0x7: {  	_ = 	snop  }
__scs_overlays_trampoline_lowered:
0x8: {  	[smem:$0x3FA2] =	sst s0  }
0x9: {  	[smem:$0x3FA3] =	sst s1  }
0xa: {  	[smem:$0x3FA4] =	sst s2  }
0xb: {  	[smem:$0x3FA5] =	sst s3  }
0xc: {  	[smem:$0x3FA6] =	sst s4  }
0xd: {  	[smem:$0x3FA7] =	sst s5  }
0xe: {  	[smem:$0x3FA8] =	sst s6  }
0xf: {  	[smem:$0x3FA9] =	sst s7  }
0x10: {  	[smem:$0x3FAA] =	sst s8  }
0x11: {  	[smem:$0x3FAB] =	sst s9;
	s0 =	simm.s32 @!p0 $0x0  }
0x12: {  	s1 =	sld [smem:$0x3F91];
	s0 =	simm.s32 @p0 $0x1  }
0x13: {  	[smem:$0x3FAC] =	sst s0;
	s0 =	simm.s32 @!p1 $0x0  }
0x14: {  	s2 =	sld [smem:$0x3F90];
	s0 =	simm.s32 @p1 $0x1  }
0x15: {  	[smem:$0x3FAD] =	sst s0;
	s0 =	simm.s32 @!p2 $0x0  }
0x16: {  	s3 =	sld [smem:$0x3FDB];
	s0 =	simm.s32 @p2 $0x1  }
0x17: {  	s4 =	simm.s32 $0x1BF5;
	[smem:$0x3FAF] =	sst s0  }
0x18: {  	s0 =	sld [smem:$0x3F92];
	_ =	swait.ge [sflag:s4], $0x0  }
0x19: {  	s7 =	sld [smem:$0x3F93]  }
0x1a: {  	s8 =	sadd.s32 $0xFFFFE003, lr  }
0x1b: {  	s9 =	sadd.s32 $0xFFFFFEF7, lr;
	s5 =	simm.s32 $0xFFFFFFFF;
	p2 =	slt.u32 s8, $0xFFFFF086  }
0x1c: {  	p1 =	slt.u32 s9, $0xF7A;
	s5 =	simm.s32 @!p2 $0x0  }
0x1d: {  	s5 =	simm.s32 @p1 $0x1;
	p0 =	seq.s32 s7, s2  }
0x1e: {  	s7 =	smul.u32 @!p0 $0xF7A, s2;
	p2 =	seq.s32 @!p0 s5, $0x0  }
0x1f: {  	s9 =	smul.u32 $0xF7A, s1;
	s8 =	simm.s32 @!p0 $0x1BF5;
	p2 =	por !p2, p0  }
0x20: {  	[sflag:s8] =	ssyncset.s32 @!p0 $0xFFFFF086;
	s6 =	sadd.s32 @!p0 s3, s7;
	s7 =	simm.s32 @!p0 $0x108  }
0x21: {  	s3 =	sadd.s32 s3, s9;
	s6 =	sadd.s32 @!p0 $0x88, s6;
	s7 =	simm.s32 @p2 $0x1082  }
0x22: {  	[simem:s7], [sflag:s8] =	dma.local @!p0 [hbm:s6], $0xF7A  }
0x23: {  	s9 =	sor.u32 $0xD0000000, s2;
	s6 =	simm.s32 $0x108;
	_ =	swait.ge @!p0 [sflag:s8], $0x0  }
0x24: {  	s3 =	sadd.s32 $0x88, s3;
	s6 =	simm.s32 @!p1 $0x1082;
	[sflag:s4] =	ssyncset.s32 $0xFFFFF086  }
0x25: {  	[simem:s6], [sflag:s4] =	dma.local [hbm:s3], $0xF7A  }
0x26: {  	[smem:$0x3F93] =	sst s1;
	(tag) =	ssettag s2;
	_ =	strace s9  }
0x27: {  	s1 =	sld [smem:$0x3FA3]  }
0x28: {  	s2 =	sld [smem:$0x3FA4]  }
0x29: {  	s4 =	sld [smem:$0x3FA6]  }
0x2a: {  	p0 =	seq.s32 s5, $0x0;
	s5 =	sld [smem:$0x3FA7]  }
0x2b: {  	s6 =	sld [smem:$0x3FA8]  }
0x2c: {  	s7 =	sld [smem:$0x3FA9]  }
0x2d: {  	s3 =	simm.s32 $0x108;
	s8 =	sld [smem:$0x3FAA]  }
0x2e: {  	s3 =	simm.s32 @!p0 $0x1082;
	s9 =	sld [smem:$0x3FAB]  }
0x2f: {  	lr =	sadd.s32 s0, s3;
	s0 =	sld [smem:$0x3FA2]  }
0x30: {  	s3 =	sld [smem:$0x3FA5]  }
0x31: {  	[smem:$0x3FAE] =	sst s10  }
0x32: {  	s10 =	sld [smem:$0x3FAC];
	_ =	sdelay $0x3  }
0x33: {  	p0 =	seq.s32 s10, $0x1;
	s10 =	sld [smem:$0x3FAE];
	_ =	sdelay $0x3  }
0x34: {  	[smem:$0x3FAE] =	sst s10  }
0x35: {  	s10 =	sld [smem:$0x3FAD];
	_ =	sdelay $0x3  }
0x36: {  	p1 =	seq.s32 s10, $0x1;
	s10 =	sld [smem:$0x3FAE];
	_ =	sdelay $0x3  }
0x37: {  	[smem:$0x3FAE] =	sst s10  }
0x38: {  	s10 =	sld [smem:$0x3FAF]  }
0x39: {  	_ = 	snop;
	(pc) =	sbr.ind lr, $3  }
0x3a: {  	_ = 	snop  }
0x3b: {  	_ = 	snop  }
0x3c: {  	p2 =	seq.s32 s10, $0x1;
	s10 =	sld [smem:$0x3FAE]  }
0x3d: {  	_ =	shalt  }
0x3e: {  	_ =	shalt  }
0x3f: {  	_ =	shalt  }
0x40: {  	_ =	shalt  }
0x41: {  	_ =	shalt  }
0x42: {  	_ =	shalt  }
0x43: {  	_ =	shalt  }
0x44: {  	_ =	shalt  }
0x45: {  	_ =	shalt  }
0x46: {  	_ =	shalt  }
0x47: {  	_ =	shalt  }
0x48: {  	_ =	shalt  }
0x49: {  	_ =	shalt  }
0x4a: {  	_ =	shalt  }
0x4b: {  	_ =	shalt  }
0x4c: {  	_ =	shalt  }
0x4d: {  	_ =	shalt  }
0x4e: {  	_ =	shalt  }
0x4f: {  	_ =	shalt  }
0x50: {  	_ =	shalt  }
0x51: {  	_ =	shalt  }
0x52: {  	_ =	shalt  }
0x53: {  	_ =	shalt  }
0x54: {  	_ =	shalt  }
0x55: {  	_ =	shalt  }
0x56: {  	_ =	shalt  }
0x57: {  	_ =	shalt  }
0x58: {  	_ =	shalt  }
0x59: {  	_ =	shalt  }
0x5a: {  	_ =	shalt  }
0x5b: {  	_ =	shalt  }
0x5c: {  	_ =	shalt  }
0x5d: {  	_ =	shalt  }
0x5e: {  	_ =	shalt  }
0x5f: {  	_ =	shalt  }
0x60: {  	_ =	shalt  }
0x61: {  	_ =	shalt  }
0x62: {  	_ =	shalt  }
0x63: {  	_ =	shalt  }
0x64: {  	_ =	shalt  }
0x65: {  	_ =	shalt  }
0x66: {  	_ =	shalt  }
0x67: {  	_ =	shalt  }
0x68: {  	_ =	shalt  }
0x69: {  	_ =	shalt  }
0x6a: {  	_ =	shalt  }
0x6b: {  	_ =	shalt  }
0x6c: {  	_ =	shalt  }
0x6d: {  	_ =	shalt  }
0x6e: {  	_ =	shalt  }
0x6f: {  	_ =	shalt  }
0x70: {  	_ =	shalt  }
0x71: {  	_ =	shalt  }
0x72: {  	_ =	shalt  }
0x73: {  	_ =	shalt  }
0x74: {  	_ =	shalt  }
0x75: {  	_ =	shalt  }
0x76: {  	_ =	shalt  }
0x77: {  	_ =	shalt  }
0x78: {  	_ =	shalt  }
0x79: {  	_ =	shalt  }
0x7a: {  	_ =	shalt  }
0x7b: {  	_ =	shalt  }
0x7c: {  	_ =	shalt  }
0x7d: {  	_ =	shalt  }
0x7e: {  	_ =	shalt  }
0x7f: {  	_ =	shalt  }
0x80: {  	_ =	shalt  }
0x81: {  	_ =	shalt  }
0x82: {  	_ =	shalt  }
0x83: {  	_ =	shalt  }
0x84: {  	_ =	shalt  }
0x85: {  	_ =	shalt  }
0x86: {  	_ =	shalt  }
0x87: {  	_ =	shalt  }
.Lfunc_end0:
.L_simem_size_0:
called_computation.3_lowered:
.L_overlay_start_0:
0x88: {  	s2 =	sld [smem:$0x3FD9]  }
0x89: {  	s3 =	sld [smem:$0x3FFE];
	_ =	sdelay $0x1  }
0x8a: {  	s1 =	srdreg.scid  }
0x8b: {  	s0 =	sand.u32 $0x1, s1  }
0x8c: {  	s17 =	sshll.u32 s0, $0xA;
	s2 =	sadd.s32 s3, s2  }
0x8d: {  	s2 =	sadd.s32 s2, s17  }
0x8e: {  	[smem:$0x3FBA] =	sst s2  }
0x8f: {  	_ = 	snop  }
0x90: {  	(tm) =	ssettm $0x1  }
0x91: {  	s18 =	sld [smem:$0x3FFB];
	_ =	sdelay $0x3  }
0x92: {  	_ =	strace s18  }
0x93: {  	s2 =	sld [smem:$0x3FFC];
	_ =	sdelay $0x3  }
0x94: {  	_ =	strace s2  }
0x95: {  	s2 =	sld [smem:$0x3FFD];
	_ =	sdelay $0x3  }
0x96: {  	_ =	strace s2  }
0x97: {  	_ =	strace $0x8FFFFFFF  }
0x98: {  	s19 =	sld [smem:$0x3FDB];
	_ =	sdelay $0x1  }
0x99: {  	s20 =	simm.s32 $_scs_section_size  }
0x9a: {  	s4 =	simm.s32 $_size__tile_overlayer_lowered;
	s5 =	simm.s32 $_tile_overlayer_lowered  }
0x9b: {  	s6 =	simm.s32 $0x1BFF;
	s21 =	sshll.u32 s5, $0x1;
	s3 =	sadd.s32 s20, s19  }
0x9c: {  	s22 =	simm.s32 $0x0;
	s4 =	sshll.u32 s4, $0x1;
	s5 =	sadd.s32 s21, s3  }
0x9d: {  	[timem:s22], [sflag:s6] =	dma.local [hbm:s5], s4  }
0x9e: {  	_ =	swait.ge [sflag:s6], s4  }
0x9f: {  	s4 =	ssub.s32 $0x0, s4;
	[sflag:s6] =	ssyncset.done $0x0  }
0xa0: {  	[sflag:s6] =	ssyncadd.s32 s4;
	_ =	sdelay $0x1  }
0xa1: {  	s23 =	simm.s32 $0x1B8B  }
0xa2: {  	_ =	swait.ge [sflag:s23], $0x1  }
0xa3: {  	[sflag:s23] =	ssyncset.done $0x0  }
0xa4: {  	[sflag:s23] =	ssyncadd.s32 $0xFFFFFFFF  }
0xa5: {  	s4 =	sld [smem:$0x0]  }
0xa6: {  	s5 =	sand.u32 $0xFFFFFFFE, s1  }
0xa7: {  	p0 =	sne.s32 s1, s5  }
0xa8: {  	s5 =	sshll.u32 @p0 s5, $0xE  }
0xa9: {  	s5 =	sadd.s32 @p0 $0x11B8D, s5;
	s6 =	sshll.u32 @p0 s4, $0x11  }
0xaa: {  	s5 =	sor.u32 @p0 s6, s5  }
0xab: {  	[sflag:s5] =	ssyncadd.remote.s32 @p0 $0x1;
	_ =	sdelay $0x1  }
0xac: {  	s5 =	simm.s32 @p0 $0x1B8D  }
0xad: {  	_ =	swait.eq @p0 [sflag:s5], $0x1  }
0xae: {  	[sflag:s5] =	ssyncadd.s32 @p0 $0xFFFFFFFF  }
0xaf: {  	s6 =	sshll.u32 @!p0 s1, $0xE  }
0xb0: {  	s6 =	sor.u32 @!p0 $0x4000, s6;
	s5 =	simm.s32 @!p0 $0x1B8D  }
0xb1: {  	s4 =	sshll.u32 @!p0 s4, $0x11;
	s6 =	sadd.s32 @!p0 $0x11B8D, s6;
	_ =	swait.eq @!p0 [sflag:s5], $0x1  }
0xb2: {  	s4 =	sor.u32 @!p0 s4, s6;
	[sflag:s5] =	ssyncadd.s32 @!p0 $0xFFFFFFFF  }
0xb3: {  	s25 =	simm.s32 $0x1B8E;
	s24 =	sld [smem:$0x3FFE];
	[sflag:s4] =	ssyncadd.remote.s32 @!p0 $0x1  }
0xb4: {  	s26 =	simm.s32 $execute0_lowered;
	[smem:$0x3FD2] =	sst s25  }
0xb5: {  	s5 =	sshll.u32 s26, $0x1;
	_ =	strace $0x8000004F;
	[dreg:$0x1] =	wrdreg $0xFFFFFFFF  }
0xb6: {  	s28 =	simm.s32 $_size_execute0_lowered;
	s3 =	sadd.s32 s3, s5;
	[dreg:$0x0] =	wrdreg $0x0  }
0xb7: {  	s5 =	sshll.u32 s28, $0x1;
	[dreg:$0x2] =	wrdreg s3  }
0xb8: {  	[dreg:$0x3] =	wrdreg s5  }
0xb9: {  	[dreg:$0x4] =	wrdreg $0xC0  }
0xba: {  	_ =	task [dreg:s22], $0x5FFFF  }
0xbb: {  	[dreg:$0x1] =	wrdreg $0xFFFFFFFF  }
0xbc: {  	[dreg:$0x0] =	wrdreg $0x60  }
0xbd: {  	[dreg:$0x2] =	wrdreg s24  }
0xbe: {  	[dreg:$0x3] =	wrdreg $0xC  }
0xbf: {  	_ =	task.clear_ibuf [dreg:s22], $0x4FFFF;
	_ =	strace $0x9000004F  }
0xc0: {  	s29 =	simm.s32 $0xC;
	_ =	strace $0x80000051  }
0xc1: {  	_ =	swait.ge [sflag:s29], $0x1  }
0xc2: {  	[sflag:s29] =	ssyncadd.s32 $0xFFFFFFFF  }
0xc3: {  	_ =	strace $0x90000051  }
0xc4: {  	_ =	sfence  }
0xc5: {  	s30 =	sld [smem:$0x0];
	_ =	sdelay $0x2  }
0xc6: {  	s31 =	sshll.u32 s1, $0xD;
	s1 =	sshrl.u32 s1, $0x2  }
0xc7: {  	s4 =	sand.u32 $0x4000, s31;
	s1 =	sadd.s32 s1, s30  }
0xc8: {  	s0 =	sor.u32 s4, s0;
	s1 =	sshll.u32 s1, $0x11  }
0xc9: {  	s0 =	sor.u32 s1, s0  }
0xca: {  	s0 =	sadd.s32 $0x8F2B, s0  }
0xcb: {  	[sflag:s0] =	ssyncadd.remote.s32 $0x1  }
0xcc: {  	_ =	sfence.sel $0xFFFF  }
0xcd: {  	[dreg:$0x0] =	wrdreg $0xFFFFFFFF;
	(pc) =	sbr.abs _section_cstart, $3  }
0xce: {  	[dreg:$0x1] =	wrdreg $0xFFFFFFFF  }
0xcf: {  	_ =	task.clear_ibuf [dreg:s22], $0x2FFFF;
	_ =	strace $0x9FFFFFFF  }
0xd0: {  	(tm) =	ssettm $0x7FFFFFFF  }
0xd1: {  	_ =	shalt  }
tec
execute0_lowered:
.L_overlay_start_1:
0x0: {  	(tag) =	ssettag $0x1  }
0x1: {  	s0 =	rddreg [dreg:$0x0]  }
0x2: {  	s1 =	srdreg.scid;
	s3 =	stileid.u32;
	s2 =	simm.s32 $0x0  }
0x3: {  	s16 =	simm.s32 $0x5;
	s19 =	simm.s32 $0xC00;
	s20 =	simm.s32 $0x80  }
0x4: {  	s21 =	simm.s32 $0x1000;
	s22 =	simm.s32 $0x5000;
	s23 =	simm.s32 $0x9000  }
0x5: {  	s24 =	simm.s32 $0xD000;
	s25 =	simm.s32 $0x1;
	s28 =	simm.s32 $0x3  }
0x6: {  	s29 =	simm.s32 $0x4;
	s30 =	simm.s32 $0x0;
	s1 =	sand.u32 $0x1, s1  }
0x7: {  	s3 =	sshll.u32 s3, $0x4;
	[smem:$0x7FF] =	sst s2;
	s5 =	sadd.s32 $0xD4000, s0  }
0x8: {  	s6 =	sadd.s32 $0x14000, s0;
	s8 =	sadd.s32 $0x54000, s0;
	s4 =	sshll.u32 s1, $0x3  }
0x9: {  	s9 =	sadd.s32 $0x414000, s0;
	s10 =	sadd.s32 $0x494000, s0;
	s3 =	sor.u32 s4, s3  }
0xa: {  	_ =	strace $0x80000050;
	s1 =	ssub.s32 $0x2, s1;
	s7 =	sshll.u32 s3, $0x4  }
0xb: {  	s4 =	sadd.s32 $0x94000, s0;
	s26 =	sshrl.u32 s1, $0x1;
	s17 =	sor.u32 $0x3000, s7  }
0xc: {  	s7 =	sadd.s32 s17, s0;
	s0 =	ssub.s32 s1, s26;
	s31 =	sand.u32 $0x3C00, s17  }
0xd: {  	s26 =	simm.s32 $0x2;
	s11 =	sadd.s32 $0x8000, s7;
	s12 =	sadd.s32 $0x4000, s7  }
0xe: {  	s13 =	sadd.s32 $0x10000, s7;
	s14 =	sadd.s32 $0xC000, s7;
	s15 =	smax.u32 s0, $0x1;
	v0 =	vmov s31  }
.LBB2_1:
0xf: {  	[tilespmem:s2], [sflag:$0x5] =	stream.linear.gather [hbm4b:s11+s2], $0x400, $0x38;
	[tilespmem:$0x11000] =	vst v63  }
0x10: {  	_ =	swait.ge [sflag:s16], $0x400  }
0x11: {  	[sflag:s16] =	ssyncset.done $0x0  }
0x12: {  	s0 =	simm.s32 $0x400;
	[sflag:s16] =	ssyncadd.s32 $0xFFFFFC00  }
0x13: {  	[tilespmem:s0], [sflag:$0x5] =	stream.linear.gather [hbm4b:s12+s2], $0x400, $0x38;
	[tilespmem:$0x11000] =	vst v63  }
0x14: {  	_ =	swait.ge [sflag:s16], $0x400  }
0x15: {  	[sflag:s16] =	ssyncset.done $0x0  }
0x16: {  	s18 =	simm.s32 $0x800;
	[sflag:s16] =	ssyncadd.s32 $0xFFFFFC00  }
0x17: {  	[tilespmem:s18], [sflag:$0x5] =	stream.linear.gather [hbm4b:s13+s2], $0x400, $0x38;
	[tilespmem:$0x11000] =	vst v63  }
0x18: {  	_ =	swait.ge [sflag:s16], $0x400  }
0x19: {  	[sflag:s16] =	ssyncset.done $0x0  }
0x1a: {  	[sflag:s16] =	ssyncadd.s32 $0xFFFFFC00  }
0x1b: {  	[tilespmem:s19], [sflag:$0x5] =	stream.linear.gather [hbm4b:s14+s2], $0x400, $0x38;
	[tilespmem:$0x11000] =	vst v63  }
0x1c: {  	_ =	swait.ge [sflag:s16], $0x400  }
0x1d: {  	[sflag:s16] =	ssyncset.done $0x0  }
0x1e: {  	s31 =	simm.s32 $0x0;
	[sflag:s16] =	ssyncadd.s32 $0xFFFFFC00  }
0x1f: {  	v1 =	vld [tilespmem:s31+$0x0]  }
0x20: {  	v2 =	vld [tilespmem:s31+$0x400]  }
0x21: {  	v3 =	vld [tilespmem:s31+$0x800]  }
0x22: {  	v4 =	vld [tilespmem:s31+$0xC00]  }
0x23: {  	v5 =	vld [tilespmem:s31+$0x10]  }
0x24: {  	v6 =	vld [tilespmem:s31+$0x410];
	v1 =	vadd.s32 v0, v1  }
0x25: {  	s0 =	sand.u32 $0x7FFFFFC0, s17;
	[tilespmem:s31+$0x0] =	vst v1;
	v1 =	vadd.s32 v0, v2;
	v2 =	vld [tilespmem:s31+$0x810]  }
0x26: {  	[tilespmem:s31+$0x400] =	vst v1;
	v1 =	vadd.s32 s0, v3;
	v3 =	vld [tilespmem:s31+$0xC10]  }
0x27: {  	[tilespmem:s31+$0x800] =	vst v1;
	v1 =	vadd.s32 s0, v4;
	v4 =	vld [tilespmem:s31+$0x20]  }
0x28: {  	[tilespmem:s31+$0xC00] =	vst v1;
	v1 =	vadd.s32 v0, v5;
	v5 =	vld [tilespmem:s31+$0x420]  }
0x29: {  	[tilespmem:s31+$0x10] =	vst v1;
	v1 =	vadd.s32 v0, v6;
	v6 =	vld [tilespmem:s31+$0x820]  }
0x2a: {  	[tilespmem:s31+$0x410] =	vst v1;
	v1 =	vadd.s32 s0, v2;
	v2 =	vld [tilespmem:s31+$0xC20]  }
0x2b: {  	[tilespmem:s31+$0x810] =	vst v1;
	v1 =	vadd.s32 s0, v3;
	v3 =	vld [tilespmem:s31+$0x30]  }
0x2c: {  	[tilespmem:s31+$0xC10] =	vst v1;
	v1 =	vadd.s32 v0, v4;
	v4 =	vld [tilespmem:s31+$0x430]  }
0x2d: {  	[tilespmem:s31+$0x20] =	vst v1;
	v1 =	vadd.s32 v0, v5;
	v5 =	vld [tilespmem:s31+$0x830]  }
0x2e: {  	[tilespmem:s31+$0x420] =	vst v1;
	v1 =	vadd.s32 s0, v6;
	v6 =	vld [tilespmem:s31+$0xC30]  }
0x2f: {  	[tilespmem:s31+$0x820] =	vst v1;
	v1 =	vadd.s32 s0, v2;
	v2 =	vld [tilespmem:s31+$0x40]  }
0x30: {  	[tilespmem:s31+$0xC20] =	vst v1;
	v1 =	vadd.s32 v0, v3;
	v3 =	vld [tilespmem:s31+$0x440]  }
0x31: {  	[tilespmem:s31+$0x30] =	vst v1;
	v1 =	vadd.s32 v0, v4;
	v4 =	vld [tilespmem:s31+$0x840]  }
0x32: {  	[tilespmem:s31+$0x430] =	vst v1;
	v1 =	vadd.s32 s0, v5;
	v5 =	vld [tilespmem:s31+$0xC40]  }
0x33: {  	[tilespmem:s31+$0x830] =	vst v1;
	v1 =	vadd.s32 s0, v6;
	v6 =	vld [tilespmem:s31+$0x50]  }
0x34: {  	[tilespmem:s31+$0xC30] =	vst v1;
	v1 =	vadd.s32 v0, v2;
	v2 =	vld [tilespmem:s31+$0x450]  }
0x35: {  	[tilespmem:s31+$0x40] =	vst v1;
	v1 =	vadd.s32 v0, v3;
	v3 =	vld [tilespmem:s31+$0x850]  }
0x36: {  	[tilespmem:s31+$0x440] =	vst v1;
	v1 =	vadd.s32 s0, v4;
	v4 =	vld [tilespmem:s31+$0xC50]  }
0x37: {  	[tilespmem:s31+$0x840] =	vst v1;
	v1 =	vadd.s32 s0, v5;
	v5 =	vld [tilespmem:s31+$0x60]  }
0x38: {  	[tilespmem:s31+$0xC40] =	vst v1;
	v1 =	vadd.s32 v0, v6;
	v6 =	vld [tilespmem:s31+$0x460]  }
0x39: {  	[tilespmem:s31+$0x50] =	vst v1;
	v1 =	vadd.s32 v0, v2;
	v2 =	vld [tilespmem:s31+$0x860]  }
0x3a: {  	[tilespmem:s31+$0x450] =	vst v1;
	v3 =	vadd.s32 s0, v3;
	v1 =	vld [tilespmem:s31+$0xC60]  }
0x3b: {  	[tilespmem:s31+$0x850] =	vst v3;
	v4 =	vadd.s32 s0, v4;
	v3 =	vld [tilespmem:s31+$0x70]  }
0x3c: {  	[tilespmem:s31+$0xC50] =	vst v4;
	v5 =	vadd.s32 v0, v5;
	v4 =	vld [tilespmem:s31+$0x470]  }
0x3d: {  	s1 =	simm.s32 $0x200;
	s7 =	smov.u32 s17;
	[tilespmem:s31+$0x60] =	vst v5;
	v6 =	vadd.s32 v0, v6;
	v5 =	vld [tilespmem:s31+$0x870]  }
.LBB2_2:
0x3e: {  	s18 =	sshra.s32 s1, $0x2;
	p0 =	sne.s32 s1, $0xE00;
	[tilespmem:s31+$0x460] =	vst v6;
	v2 =	vadd.s32 s0, v2;
	v6 =	vld [tilespmem:s31+$0xC70]  }
0x3f: {  	v7 =	vld [tilespmem:s18+$0x0];
	[tilespmem:s31+$0x860] =	vst v2;
	v1 =	vadd.s32 s0, v1  }
0x40: {  	v2 =	vld [tilespmem:s18+$0x400];
	[tilespmem:s31+$0xC60] =	vst v1;
	v1 =	vadd.s32 v0, v3  }
0x41: {  	v3 =	vld [tilespmem:s18+$0x800];
	[tilespmem:s31+$0x70] =	vst v1;
	v1 =	vadd.s32 v0, v4  }
0x42: {  	v4 =	vld [tilespmem:s18+$0xC00];
	[tilespmem:s31+$0x470] =	vst v1;
	v1 =	vadd.s32 s0, v5  }
0x43: {  	v5 =	vld [tilespmem:s18+$0x10];
	[tilespmem:s31+$0x870] =	vst v1;
	v1 =	vadd.s32 s0, v6  }
0x44: {  	s7 =	sadd.s32 $0x10, s7;
	v6 =	vadd.s32 v0, v7;
	v7 =	vld [tilespmem:s18+$0x410];
	[tilespmem:s31+$0xC70] =	vst v1;
	s31 =	smov.u32 s18  }
0x45: {  	s0 =	sand.u32 $0x7FFFFFC0, s7;
	[tilespmem:s31+$0x0] =	vst v6;
	v1 =	vadd.s32 v0, v2;
	v2 =	vld [tilespmem:s31+$0x810]  }
0x46: {  	[tilespmem:s31+$0x400] =	vst v1;
	v1 =	vadd.s32 s0, v3;
	v3 =	vld [tilespmem:s31+$0xC10]  }
0x47: {  	[tilespmem:s31+$0x800] =	vst v1;
	v1 =	vadd.s32 s0, v4;
	v4 =	vld [tilespmem:s31+$0x20]  }
0x48: {  	[tilespmem:s31+$0xC00] =	vst v1;
	v1 =	vadd.s32 v0, v5;
	v5 =	vld [tilespmem:s31+$0x420]  }
0x49: {  	[tilespmem:s31+$0x10] =	vst v1;
	v1 =	vadd.s32 v0, v7;
	v6 =	vld [tilespmem:s31+$0x820]  }
0x4a: {  	[tilespmem:s31+$0x410] =	vst v1;
	v1 =	vadd.s32 s0, v2;
	v2 =	vld [tilespmem:s31+$0xC20]  }
0x4b: {  	[tilespmem:s31+$0x810] =	vst v1;
	v1 =	vadd.s32 s0, v3;
	v3 =	vld [tilespmem:s31+$0x30]  }
0x4c: {  	[tilespmem:s31+$0xC10] =	vst v1;
	v1 =	vadd.s32 v0, v4;
	v4 =	vld [tilespmem:s31+$0x430]  }
0x4d: {  	[tilespmem:s31+$0x20] =	vst v1;
	v1 =	vadd.s32 v0, v5;
	v5 =	vld [tilespmem:s31+$0x830]  }
0x4e: {  	[tilespmem:s31+$0x420] =	vst v1;
	v1 =	vadd.s32 s0, v6;
	v6 =	vld [tilespmem:s31+$0xC30]  }
0x4f: {  	[tilespmem:s31+$0x820] =	vst v1;
	v1 =	vadd.s32 s0, v2;
	v2 =	vld [tilespmem:s31+$0x40]  }
0x50: {  	[tilespmem:s31+$0xC20] =	vst v1;
	v1 =	vadd.s32 v0, v3;
	v3 =	vld [tilespmem:s31+$0x440]  }
0x51: {  	[tilespmem:s31+$0x30] =	vst v1;
	v1 =	vadd.s32 v0, v4;
	v4 =	vld [tilespmem:s31+$0x840]  }
0x52: {  	[tilespmem:s31+$0x430] =	vst v1;
	v1 =	vadd.s32 s0, v5;
	v5 =	vld [tilespmem:s31+$0xC40]  }
0x53: {  	[tilespmem:s31+$0x830] =	vst v1;
	v1 =	vadd.s32 s0, v6;
	v6 =	vld [tilespmem:s31+$0x50]  }
0x54: {  	[tilespmem:s31+$0xC30] =	vst v1;
	v1 =	vadd.s32 v0, v2;
	v2 =	vld [tilespmem:s31+$0x450]  }
0x55: {  	[tilespmem:s31+$0x40] =	vst v1;
	v1 =	vadd.s32 v0, v3;
	v3 =	vld [tilespmem:s31+$0x850]  }
0x56: {  	[tilespmem:s31+$0x440] =	vst v1;
	v1 =	vadd.s32 s0, v4;
	v4 =	vld [tilespmem:s31+$0xC50]  }
0x57: {  	[tilespmem:s31+$0x840] =	vst v1;
	v1 =	vadd.s32 s0, v5;
	v5 =	vld [tilespmem:s31+$0x60]  }
0x58: {  	[tilespmem:s31+$0xC40] =	vst v1;
	v1 =	vadd.s32 v0, v6;
	v6 =	vld [tilespmem:s31+$0x460]  }
.Ltmp0:
0x59: {  	[tilespmem:s31+$0x50] =	vst v1;
	v1 =	vadd.s32 v0, v2;
	v2 =	vld [tilespmem:s31+$0x860];
	(pc) =	sbr.rel @p0 .LBB2_2-.Ltmp0, $4  }
0x5a: {  	[tilespmem:s31+$0x450] =	vst v1;
	v3 =	vadd.s32 s0, v3;
	v1 =	vld [tilespmem:s31+$0xC60]  }
0x5b: {  	[tilespmem:s31+$0x850] =	vst v3;
	v4 =	vadd.s32 s0, v4;
	v3 =	vld [tilespmem:s31+$0x70]  }
0x5c: {  	[tilespmem:s31+$0xC50] =	vst v4;
	v5 =	vadd.s32 v0, v5;
	v4 =	vld [tilespmem:s31+$0x470]  }
0x5d: {  	s1 =	sadd.s32 $0x200, s1;
	[tilespmem:s31+$0x60] =	vst v5;
	v6 =	vadd.s32 v0, v6;
	v5 =	vld [tilespmem:s31+$0x870]  }
0x5e: {  	[tilespmem:s31+$0x460] =	vst v6;
	v2 =	vadd.s32 s0, v2;
	v63 =	vld [tilespmem:s31+$0xC70]  }
0x5f: {  	[tilespmem:s31+$0x860] =	vst v2;
	v1 =	vadd.s32 s0, v1  }
0x60: {  	[tilespmem:s31+$0xC60] =	vst v1;
	v1 =	vadd.s32 v0, v3  }
0x61: {  	[tilespmem:s31+$0x70] =	vst v1;
	v1 =	vadd.s32 v0, v4  }
0x62: {  	[tilespmem:s31+$0x470] =	vst v1;
	v1 =	vadd.s32 s0, v5  }
0x63: {  	[tilespmem:s31+$0x870] =	vst v1;
	v1 =	vadd.s32 s0, v63  }
0x64: {  	[tilespmem:s31+$0xC70] =	vst v1;
	s31 =	simm.s32 $0x0  }
.LBB2_4:
0x65: {  	s0 =	sshll.u32 s31, $0x7  }
0x66: {  	[tilespmem:s21], [sflag:$0x1] =	stream.indirect.gather [hbm4b:s4+s20], $0x80, s0, s20, $0xb8;
	[tilespmem:$0x11000] =	vst v63  }
0x67: {  	s1 =	sadd.s32 $0x400, s0  }
0x68: {  	[tilespmem:s22], [sflag:$0x2] =	stream.indirect.gather [hbm4b:s5+s20], $0x80, s1, s20, $0xb8;
	[tilespmem:$0x11000] =	vst v63  }
0x69: {  	s18 =	sadd.s32 $0x800, s0  }
0x6a: {  	[tilespmem:s23], [sflag:$0x3] =	stream.indirect.gather [hbm4b:s6+s20], $0x80, s18, s20, $0xb8;
	[tilespmem:$0x11000] =	vst v63  }
0x6b: {  	s0 =	sadd.s32 $0xC00, s0  }
0x6c: {  	[tilespmem:s24], [sflag:$0x4] =	stream.indirect.gather [hbm4b:s8+s20], $0x80, s0, s20, $0xb8;
	[tilespmem:$0x11000] =	vst v63  }
0x6d: {  	_ =	swait.ge [sflag:s25], $0x4000  }
0x6e: {  	[sflag:s25] =	ssyncset.done $0x0  }
0x6f: {  	[sflag:s25] =	ssyncadd.s32 $0xFFFFC000  }
0x70: {  	_ =	swait.ge [sflag:s26], $0x4000  }
0x71: {  	[sflag:s26] =	ssyncset.done $0x0  }
0x72: {  	s1 =	simm.s32 $0x0;
	[sflag:s26] =	ssyncadd.s32 $0xFFFFC000  }
0x73: {  	v8 =	vld [tilespmem:s1+$0x5000]  }
0x74: {  	v12 =	vld [tilespmem:s1+$0x5010]  }
0x75: {  	v6 =	vld [tilespmem:s1+$0x5020]  }
0x76: {  	v5 =	vld [tilespmem:s1+$0x5030]  }
0x77: {  	v4 =	vld [tilespmem:s1+$0x5040]  }
0x78: {  	v3 =	vld [tilespmem:s1+$0x5050]  }
0x79: {  	v2 =	vld [tilespmem:s1+$0x5060]  }
0x7a: {  	v1 =	vld [tilespmem:s1+$0x5070]  }
0x7b: {  	v13 =	vld [tilespmem:s1+$0x1000]  }
0x7c: {  	v14 =	vld [tilespmem:s1+$0x1010]  }
0x7d: {  	v11 =	vld [tilespmem:s1+$0x1020]  }
0x7e: {  	v10 =	vld [tilespmem:s1+$0x1030]  }
0x7f: {  	v9 =	vld [tilespmem:s1+$0x1040]  }
0x80: {  	v7 =	vld [tilespmem:s1+$0x1050];
	v13 =	vadd.f32 v8, v13  }
0x81: {  	s0 =	simm.s32 $0x200;
	v12 =	vadd.f32 v12, v14;
	v8 =	vld [tilespmem:s1+$0x1060]  }
.LBB2_5:
0x82: {  	s7 =	sshra.s32 s0, $0x2;
	p0 =	sne.s32 s0, $0xFE00;
	[tilespmem:s1+$0x1000] =	vst v13;
	v6 =	vadd.f32 v6, v11;
	v11 =	vld [tilespmem:s1+$0x1070]  }
0x83: {  	v13 =	vld [tilespmem:s7+$0x5000];
	[tilespmem:s1+$0x1010] =	vst v12;
	v5 =	vadd.f32 v5, v10  }
0x84: {  	v12 =	vld [tilespmem:s7+$0x5010];
	[tilespmem:s1+$0x1020] =	vst v6;
	v4 =	vadd.f32 v4, v9  }
0x85: {  	v6 =	vld [tilespmem:s7+$0x5020];
	[tilespmem:s1+$0x1030] =	vst v5;
	v3 =	vadd.f32 v3, v7  }
0x86: {  	v5 =	vld [tilespmem:s7+$0x5030];
	[tilespmem:s1+$0x1040] =	vst v4;
	v2 =	vadd.f32 v2, v8  }
0x87: {  	v4 =	vld [tilespmem:s7+$0x5040];
	[tilespmem:s1+$0x1050] =	vst v3;
	v1 =	vadd.f32 v1, v11  }
0x88: {  	v3 =	vld [tilespmem:s7+$0x5050];
	[tilespmem:s1+$0x1060] =	vst v2  }
0x89: {  	v2 =	vld [tilespmem:s7+$0x5060];
	[tilespmem:s1+$0x1070] =	vst v1;
	s1 =	smov.u32 s7  }
0x8a: {  	v1 =	vld [tilespmem:s1+$0x5070]  }
0x8b: {  	v7 =	vld [tilespmem:s1+$0x1000]  }
0x8c: {  	v8 =	vld [tilespmem:s1+$0x1010]  }
.Ltmp1:
0x8d: {  	v11 =	vld [tilespmem:s1+$0x1020];
	(pc) =	sbr.rel @p0 .LBB2_5-.Ltmp1, $4  }
0x8e: {  	v10 =	vld [tilespmem:s1+$0x1030]  }
0x8f: {  	v9 =	vld [tilespmem:s1+$0x1040]  }
0x90: {  	v13 =	vadd.f32 v13, v7;
	v7 =	vld [tilespmem:s1+$0x1050]  }
0x91: {  	s0 =	sadd.s32 $0x200, s0;
	v12 =	vadd.f32 v12, v8;
	v8 =	vld [tilespmem:s1+$0x1060]  }
0x92: {  	[tilespmem:s1+$0x1000] =	vst v13;
	v6 =	vadd.f32 v6, v11;
	v11 =	vld [tilespmem:s1+$0x1070]  }
0x93: {  	[tilespmem:s1+$0x1010] =	vst v12;
	v5 =	vadd.f32 v5, v10  }
0x94: {  	[tilespmem:s1+$0x1020] =	vst v6;
	v4 =	vadd.f32 v4, v9  }
0x95: {  	[tilespmem:s1+$0x1030] =	vst v5;
	v3 =	vadd.f32 v3, v7  }
0x96: {  	[tilespmem:s1+$0x1040] =	vst v4;
	v2 =	vadd.f32 v2, v8  }
0x97: {  	s0 =	sor.u32 s3, s31;
	[tilespmem:s1+$0x1050] =	vst v3;
	v1 =	vadd.f32 v1, v11  }
0x98: {  	s0 =	sshll.u32 s0, $0xB;
	[tilespmem:s1+$0x1060] =	vst v2  }
0x99: {  	s7 =	simm.s32 $0x0;
	s18 =	sadd.s32 s9, s0;
	[tilespmem:s1+$0x1070] =	vst v1  }
0x9a: {  	[hbm4b:s18+s7] =	stream.linear.scatter [tilespmem:s21], [sflag:$0x5], $0x4000, $0x38;
	[tilespmem:$0x11000] =	vst v63  }
0x9b: {  	_ =	swait.ge [sflag:s16], $0x4000  }
0x9c: {  	[sflag:s16] =	ssyncset.done $0x0  }
0x9d: {  	[sflag:s16] =	ssyncadd.s32 $0xFFFFC000  }
0x9e: {  	_ =	swait.ge [sflag:s28], $0x4000  }
0x9f: {  	[sflag:s28] =	ssyncset.done $0x0  }
0xa0: {  	[sflag:s28] =	ssyncadd.s32 $0xFFFFC000  }
0xa1: {  	_ =	swait.ge [sflag:s29], $0x4000  }
0xa2: {  	[sflag:s29] =	ssyncset.done $0x0  }
0xa3: {  	s1 =	simm.s32 $0x0;
	[sflag:s29] =	ssyncadd.s32 $0xFFFFC000  }
0xa4: {  	v8 =	vld [tilespmem:s1+$0xD000]  }
0xa5: {  	v12 =	vld [tilespmem:s1+$0xD010]  }
0xa6: {  	v6 =	vld [tilespmem:s1+$0xD020]  }
0xa7: {  	v5 =	vld [tilespmem:s1+$0xD030]  }
0xa8: {  	v4 =	vld [tilespmem:s1+$0xD040]  }
0xa9: {  	v3 =	vld [tilespmem:s1+$0xD050]  }
0xaa: {  	v2 =	vld [tilespmem:s1+$0xD060]  }
0xab: {  	v1 =	vld [tilespmem:s1+$0xD070]  }
0xac: {  	v13 =	vld [tilespmem:s1+$0x9000]  }
0xad: {  	v14 =	vld [tilespmem:s1+$0x9010]  }
0xae: {  	v11 =	vld [tilespmem:s1+$0x9020]  }
0xaf: {  	v10 =	vld [tilespmem:s1+$0x9030]  }
0xb0: {  	v9 =	vld [tilespmem:s1+$0x9040]  }
0xb1: {  	v7 =	vld [tilespmem:s1+$0x9050];
	v13 =	vadd.f32 v8, v13  }
0xb2: {  	s7 =	simm.s32 $0x200;
	v12 =	vadd.f32 v12, v14;
	v8 =	vld [tilespmem:s1+$0x9060]  }
.LBB2_7:
0xb3: {  	s18 =	sshra.s32 s7, $0x2;
	p0 =	sne.s32 s7, $0xFE00;
	[tilespmem:s1+$0x9000] =	vst v13;
	v6 =	vadd.f32 v6, v11;
	v11 =	vld [tilespmem:s1+$0x9070]  }
0xb4: {  	v13 =	vld [tilespmem:s18+$0xD000];
	[tilespmem:s1+$0x9010] =	vst v12;
	v5 =	vadd.f32 v5, v10  }
0xb5: {  	v12 =	vld [tilespmem:s18+$0xD010];
	[tilespmem:s1+$0x9020] =	vst v6;
	v4 =	vadd.f32 v4, v9  }
0xb6: {  	v6 =	vld [tilespmem:s18+$0xD020];
	[tilespmem:s1+$0x9030] =	vst v5;
	v3 =	vadd.f32 v3, v7  }
0xb7: {  	v5 =	vld [tilespmem:s18+$0xD030];
	[tilespmem:s1+$0x9040] =	vst v4;
	v2 =	vadd.f32 v2, v8  }
0xb8: {  	v4 =	vld [tilespmem:s18+$0xD040];
	[tilespmem:s1+$0x9050] =	vst v3;
	v1 =	vadd.f32 v1, v11  }
0xb9: {  	v3 =	vld [tilespmem:s18+$0xD050];
	[tilespmem:s1+$0x9060] =	vst v2  }
0xba: {  	v2 =	vld [tilespmem:s18+$0xD060];
	[tilespmem:s1+$0x9070] =	vst v1;
	s1 =	smov.u32 s18  }
0xbb: {  	v1 =	vld [tilespmem:s1+$0xD070]  }
0xbc: {  	v7 =	vld [tilespmem:s1+$0x9000]  }
0xbd: {  	v8 =	vld [tilespmem:s1+$0x9010]  }
.Ltmp2:
0xbe: {  	v11 =	vld [tilespmem:s1+$0x9020];
	(pc) =	sbr.rel @p0 .LBB2_7-.Ltmp2, $4  }
0xbf: {  	v10 =	vld [tilespmem:s1+$0x9030]  }
0xc0: {  	v9 =	vld [tilespmem:s1+$0x9040]  }
0xc1: {  	v13 =	vadd.f32 v13, v7;
	v7 =	vld [tilespmem:s1+$0x9050]  }
0xc2: {  	s7 =	sadd.s32 $0x200, s7;
	v12 =	vadd.f32 v12, v8;
	v8 =	vld [tilespmem:s1+$0x9060]  }
0xc3: {  	[tilespmem:s1+$0x9000] =	vst v13;
	v6 =	vadd.f32 v6, v11;
	v63 =	vld [tilespmem:s1+$0x9070]  }
0xc4: {  	[tilespmem:s1+$0x9010] =	vst v12;
	v5 =	vadd.f32 v5, v10  }
0xc5: {  	[tilespmem:s1+$0x9020] =	vst v6;
	v4 =	vadd.f32 v4, v9  }
0xc6: {  	[tilespmem:s1+$0x9030] =	vst v5;
	v3 =	vadd.f32 v3, v7  }
0xc7: {  	[tilespmem:s1+$0x9040] =	vst v4;
	v2 =	vadd.f32 v2, v8  }
0xc8: {  	s31 =	sadd.s32 $0x1, s31;
	[tilespmem:s1+$0x9050] =	vst v3;
	v1 =	vadd.f32 v1, v63  }
0xc9: {  	p0 =	sne.s32 s31, $0x8;
	[tilespmem:s1+$0x9060] =	vst v2  }
.Ltmp3:
0xca: {  	s0 =	sadd.s32 s10, s0;
	[tilespmem:s1+$0x9070] =	vst v1;
	(pc) =	sbr.rel @p0 .LBB2_4-.Ltmp3, $4  }
0xcb: {  	[hbm4b:s0+s2] =	stream.linear.scatter [tilespmem:s23], [sflag:$0x5], $0x4000, $0x38;
	[tilespmem:$0x11000] =	vst v63  }
0xcc: {  	_ =	swait.ge [sflag:s16], $0x4000  }
0xcd: {  	[sflag:s16] =	ssyncset.done $0x0  }
0xce: {  	[sflag:s16] =	ssyncadd.s32 $0xFFFFC000  }
0xcf: {  	s30 =	sadd.s32 $0x1, s30  }
0xd0: {  	p0 =	sne.s32 s30, s15  }
.Ltmp4:
0xd1: {  	_ = 	snop;
	(pc) =	sbr.rel @p0 .LBB2_1-.Ltmp4, $1  }
0xd2: {  	_ =	sdelay $0x3  }
0xd3: {  	_ =	sfence.sel $0x180000  }
0xd4: {  	[bflag:$0x0] =	sbarrier.arrive $0xFFFF  }
0xd5: {  	_ =	strace $0x90000050  }
0xd6: {  	s0 =	stileid.u32;
	[bflag:$0x2] =	sbarrier.arrive $0xFFFF  }
0xd7: {  	p0 =	sne.s32 s0, $0x0;
	s0 =	rddreg [dreg:$0x1]  }
0xd8: {  	s0 =	sadd.s32 @!p0 $0x100000, s0  }
0xd9: {  	[sflag:s0] =	ssyncadd.tile.s32 @!p0 $0x1;
	_ =	shalt  }
.Lfunc_end2:
_tile_overlayer_lowered:
.L_overlay_start_2:
0xda: {  	(tag) =	ssettag $0x2  }
0xdb: {  	s0 =	rddreg [dreg:$0x0];
	s2 =	stileid.u32  }
0xdc: {  	s1 =	rddreg [dreg:$0x1];
	p0 =	sne.s32 s2, $0x0  }
0xdd: {  	s3 =	rddreg [dreg:$0x2];
	[bflag:$0x3] =	sbarrier.arrive $0xFFFF;
	s2 =	simm.s32 @!p0 $0x1C05  }
0xde: {  	[timem:s3], [sflag:s2] =	dma.local @!p0 [hbm:s0], s1  }
0xdf: {  	s0 =	simm.s32 @!p0 $0x5  }
0xe0: {  	_ =	swait.ge @!p0 [sflag:s0], s1  }
0xe1: {  	s1 =	ssub.s32 @!p0 $0x0, s1;
	[sflag:s0] =	ssyncset.done @!p0 $0x0  }
0xe2: {  	[sflag:s0] =	ssyncadd.s32 @!p0 s1  }
0xe3: {  	[bflag:$0x3] =	sbarrier.arrive $0xFFFF  }
0xe4: {  	_ =	shalt  }

</sc_bundles>
